<compile_context>
chip_gen: v7x
topology: tpu7x:2x2x1
jax: 0.10.2.dev20260603
libtpu: 0.0.44.dev20260713+nightly
codegen_flags: <defaults>
</compile_context>

<pallas_src>
import jax
import jax.numpy as jnp
from jax import lax
from jax.experimental import pallas as pl
from jax.experimental.pallas import tpu as pltpu
from jax.experimental.pallas import tpu_sc as plsc

B = 16384
K = 50
DIM = 16
NC = 2
NS = 16
NW = NC * NS
RPW = B // NW
C = 32
NCHUNK = RPW // C
NG = C // 16
NE = 1000000
EBLK = 8192
NBLK = (NE + EBLK - 1) // EBLK
ZROWS = NBLK * (EBLK // 8)
ZVIEW = ZROWS * 8

_PARAMS = dict(
    compiler_params=pltpu.CompilerParams(
        needs_layout_passes=False, use_tc_tiling_on_sc=False),
)


def _tree_sum(xs):
    xs = list(xs)
    while len(xs) > 1:
        xs = [xs[i] + xs[i + 1] for i in range(0, len(xs) - 1, 2)] + \
             ([xs[-1]] if len(xs) % 2 else [])
    return xs[0]


def _rsqrt(q):
    i = plsc.bitcast(q, jnp.int32)
    y = plsc.bitcast(jnp.int32(0x5F3759DF) - (i >> 1), jnp.float32)
    for _ in range(3):
        y = y * (1.5 - 0.5 * q * y * y)
    return y


def _perm_ids(e):
    e = e.astype(jnp.int32)
    return ((e >> 10) << 10) | ((e & 127) << 3) | ((e >> 7) & 7)


def _relayout_body(src, dst):
    x = src[...]
    for s in range(EBLK // 1024):
        for j in range(8):
            dst[128 * s:128 * (s + 1), 16 * j:16 * (j + 1)] = \
                x[:, 1024 * s + 128 * j:1024 * s + 128 * (j + 1)].T


def _stage_wa(w_hbm, a_hbm, w_v, a_v):
    pltpu.sync_copy(w_hbm, w_v)
    pltpu.sync_copy(a_hbm, a_v)
    arow = a_v[0, :]
    wrows = [w_v[i, :] for i in range(8)]
    return arow, wrows


def _body_a(nb_hbm, tid_hbm, et_hbm, w_hbm, a_hbm, y_hbm,
            idx_v, nbr0_v, nbr1_v, tid_v, trow_v, w_v, a_v, y_v,
            sem0, sem1):
    cid = lax.axis_index("c")
    sid = lax.axis_index("s")
    wid = sid * NC + cid

    arow, wrows = _stage_wa(w_hbm, a_hbm, w_v, a_v)
    v1 = jnp.zeros((16,), jnp.float32)
    v2 = jnp.zeros((16,), jnp.float32)
    for i in range(8):
        v1 = v1 + wrows[i] * arow[i]
        v2 = v2 + wrows[i] * arow[8 + i]
    v1s = [v1[d] for d in range(16)]
    v2s = [v2[d] for d in range(16)]

    iota = lax.iota(jnp.int32, 16)
    cds = [jnp.full((16,), d, jnp.int32) for d in range(16)]

    pltpu.sync_copy(nb_hbm.at[wid], idx_v)
    pltpu.sync_copy(tid_hbm.at[wid], tid_v)
    pltpu.async_copy(et_hbm.at[tid_v], trow_v, sem0).wait()

    def fire(c, buf, sem):
        pltpu.async_copy(et_hbm.at[idx_v.at[pl.ds(c * (C * K), C * K)]],
                         buf, sem)

    def drain(buf, sem):
        pltpu.make_async_copy(et_hbm.at[pl.ds(0, C * K)], buf, sem).wait()

    fire(0, nbr0_v, sem0)

    def super_body(ss, carry):
        c0 = 2 * ss

        def make_group_body(c, nbr_v):
            def group_body(g, carry2):
                row16 = c * C + g * 16 + iota

                tcols = [plsc.load_gather(trow_v, [row16, cds[d]])
                         for d in range(16)]
                tq = _tree_sum([c2 * c2 for c2 in tcols])
                tp = _tree_sum([tcols[d] * v1s[d] for d in range(16)])
                st = tp * jnp.minimum(1.0, _rsqrt(tq))

                row50 = (g * 16 + iota) * K
                zero = jnp.zeros((16,), jnp.float32)

                @plsc.parallel_loop(0, K, unroll=2, carry=(zero, (zero,) * 16))
                def k_loop(k, kc):
                    ssum, acc = kc
                    r = row50 + k
                    cols = [plsc.load_gather(nbr_v, [r, cds[d]])
                            for d in range(16)]
                    q = _tree_sum([c2 * c2 for c2 in cols])
                    p = _tree_sum([cols[d] * v2s[d] for d in range(16)])
                    scl = jnp.minimum(1.0, _rsqrt(q))
                    e = st + p * scl
                    e = jnp.where(e >= 0.0, e, e * 0.2)
                    w = jnp.exp(e)
                    t = w * scl
                    acc = tuple(acc[d] + t * cols[d] for d in range(16))
                    return (ssum + w, acc)

                ssum, acc = k_loop

                inv = 1.0 / ssum
                for d in range(16):
                    plsc.store_scatter(y_v, [row16, cds[d]], acc[d] * inv)
                return 0
            return group_body

        fire(c0 + 1, nbr1_v, sem1)
        drain(nbr0_v, sem0)
        lax.fori_loop(0, NG, make_group_body(c0, nbr0_v), 0)

        @pl.when(ss < NCHUNK // 2 - 1)
        def _():
            fire(c0 + 2, nbr0_v, sem0)

        drain(nbr1_v, sem1)
        lax.fori_loop(0, NG, make_group_body(c0 + 1, nbr1_v), 0)
        return 0

    lax.fori_loop(0, NCHUNK // 2, super_body, 0)
    pltpu.sync_copy(y_v, y_hbm.at[pl.ds(wid * RPW, RPW)])


def _body_b(y_hbm, uid_hbm, ut_hbm, w_hbm, a_hbm, out_hbm,
            uid_v, urow_v, y_v, w_v, a_v, out_v, sem):
    cid = lax.axis_index("c")
    sid = lax.axis_index("s")
    wid = sid * NC + cid

    _, wrows = _stage_wa(w_hbm, a_hbm, w_v, a_v)
    iota = lax.iota(jnp.int32, 16)
    cds = [jnp.full((16,), d, jnp.int32) for d in range(16)]

    pltpu.sync_copy(uid_hbm.at[wid], uid_v)
    pltpu.sync_copy(y_hbm.at[pl.ds(wid * RPW, RPW)], y_v)
    pltpu.async_copy(ut_hbm.at[uid_v], urow_v, sem).wait()

    def group_body(g, carry):
        row16 = g * 16 + iota
        ucols = [plsc.load_gather(urow_v, [row16, cds[d]])
                 for d in range(16)]
        uq = _tree_sum([c2 * c2 for c2 in ucols])
        us = jnp.minimum(1.0, _rsqrt(uq))
        gs = [ucols[i] + ucols[8 + i] for i in range(8)]
        uv = jnp.zeros((16,), jnp.float32)
        for j in range(16):
            wv = gs[0] * wrows[0][j]
            for i in range(1, 8):
                wv = wv + gs[i] * wrows[i][j]
            yj = plsc.load_gather(y_v, [row16, cds[j]])
            uv = uv + yj * wv
        uv = uv * us
        logit = 1.0 / (1.0 + jnp.exp(-uv))
        out_v[pl.ds(g * 16, 16)] = logit
        return 0

    lax.fori_loop(0, RPW // 16, group_body, 0)
    pltpu.sync_copy(out_v, out_hbm.at[pl.ds(wid * RPW, RPW)])


def kernel(u, target_ids, neighbor_ids, entity_table, user_table, W, a):
    relayout = pl.pallas_call(
        _relayout_body,
        grid=(NBLK,),
        in_specs=[pl.BlockSpec((16, EBLK), lambda i: (0, i))],
        out_specs=pl.BlockSpec((EBLK // 8, 128), lambda i: (i, 0)),
        out_shape=jax.ShapeDtypeStruct((ZROWS, 128), jnp.float32),
    )
    et16 = relayout(entity_table.T).reshape(ZVIEW, DIM)
    ut16 = relayout(user_table.T).reshape(ZVIEW, DIM)

    nb2d = _perm_ids(neighbor_ids).reshape(NW, RPW * K)
    tids = _perm_ids(target_ids).reshape(NW, RPW)
    uids = _perm_ids(u).reshape(NW, RPW)
    mesh = plsc.VectorSubcoreMesh(core_axis_name="c", subcore_axis_name="s")
    fn_a = pl.kernel(
        _body_a,
        out_type=jax.ShapeDtypeStruct((B, DIM), jnp.float32),
        mesh=mesh,
        scratch_types=[
            pltpu.VMEM((RPW * K,), jnp.int32),
            pltpu.VMEM((C * K, DIM), jnp.float32),
            pltpu.VMEM((C * K, DIM), jnp.float32),
            pltpu.VMEM((RPW,), jnp.int32),
            pltpu.VMEM((RPW, DIM), jnp.float32),
            pltpu.VMEM((8, DIM), jnp.float32),
            pltpu.VMEM((1, DIM), jnp.float32),
            pltpu.VMEM((RPW, DIM), jnp.float32),
            pltpu.SemaphoreType.DMA,
            pltpu.SemaphoreType.DMA,
        ],
        **_PARAMS,
    )
    y = fn_a(nb2d, tids, et16, W, a)
    fn_b = pl.kernel(
        _body_b,
        out_type=jax.ShapeDtypeStruct((B,), jnp.float32),
        mesh=mesh,
        scratch_types=[
            pltpu.VMEM((RPW,), jnp.int32),
            pltpu.VMEM((RPW, DIM), jnp.float32),
            pltpu.VMEM((RPW, DIM), jnp.float32),
            pltpu.VMEM((8, DIM), jnp.float32),
            pltpu.VMEM((1, DIM), jnp.float32),
            pltpu.VMEM((RPW,), jnp.float32),
            pltpu.SemaphoreType.DMA,
        ],
        **_PARAMS,
    )
    return fn_b(y, uids, ut16, W, a)

# --- scband reference (transcript-rebuilt; emitter-appended) ---
"""Pipeline reference for scband-gat4-rec-13142599925974 (READ-ONLY COPY).

The authoritative reference and input builder live on the scoring server;
editing this copy changes nothing except your own understanding.
"""

import jax, jax.numpy as jnp
import numpy as np

N_USERS = 1000000
N_ENTITYS = 1000000
DIM = 16
HEADS = 2
B = 16384
K = 50


def setup_inputs(seed: int = 0) -> dict:
    key = jax.random.key(seed)
    k1, k2, k3, k4, k5, k6, k7 = jax.random.split(key, 7)
    return {
        "u": jax.random.randint(k1, (B,), 0, N_USERS, dtype=jnp.int64) if jax.config.jax_enable_x64 else jax.random.randint(k1, (B,), 0, N_USERS),
        "target_ids": jax.random.randint(k2, (B,), 0, N_ENTITYS),
        "neighbor_ids": jax.random.randint(k3, (B, K), 0, N_ENTITYS),
        "entity_table": jax.random.normal(k4, (N_ENTITYS, DIM), dtype=jnp.float32) * 0.1,
        "user_table": jax.random.normal(k5, (N_USERS, DIM), dtype=jnp.float32) * 0.1,
        "W": jax.random.normal(k6, (DIM // HEADS, DIM), dtype=jnp.float32) * (1.0 / np.sqrt(DIM)),
        "a": jax.random.normal(k7, (1, DIM), dtype=jnp.float32) * (1.0 / np.sqrt(DIM)),
    }


def _maxnorm_gather(table, idx, max_norm=1.0):
    # emulate nn.Embedding(max_norm=1): rows with norm > 1 are rescaled to norm 1 at lookup
    e = jnp.take(table, idx, axis=0)
    n = jnp.linalg.norm(e, axis=-1, keepdims=True)
    scale = jnp.minimum(1.0, max_norm / jnp.maximum(n, 1e-12))
    return e * scale


def _one_head_attention(W, a, target_embeddings, neighbor_embeddings):
    # W: [dim//heads, dim] (torch Linear weight), a: [1, dim]
    tw = target_embeddings @ W.T                      # [B, dim//heads]
    nw = neighbor_embeddings @ W.T                    # [B, K, dim//heads]
    tb = jnp.broadcast_to(tw[:, None, :], nw.shape)   # [B, K, dim//heads]
    cat = jnp.concatenate([tb, nw], axis=2)           # [B, K, dim]
    eij = jax.nn.leaky_relu(cat @ a.T, negative_slope=0.2)  # [B, K, 1]
    aij = jax.nn.softmax(eij, axis=1)
    return jnp.sum(aij * nw, axis=1)                  # [B, dim//heads]


def reference(u, target_ids, neighbor_ids, entity_table, user_table, W, a):
    # gnnForward with a single-hop graph_map: entity_embs from neighbor ids, target_embs from target ids
    entity_embs = _maxnorm_gather(entity_table, neighbor_ids)   # [B, K, dim]
    target_embs = _maxnorm_gather(entity_table, target_ids)     # [B, dim]
    embs = [_one_head_attention(W, a, target_embs, entity_embs) for _ in range(HEADS)]
    items = jnp.concatenate(embs, axis=-1)                      # [B, dim]
    users = _maxnorm_gather(user_table, u)                      # [B, dim]
    uv = jnp.sum(users * items, axis=1)                         # [B]
    logit = jax.nn.sigmoid(uv)
    return logit

if __name__ == "__main__":
    import jax
    _d = setup_inputs()
    print(jax.jit(kernel)(*tuple(_d.values())))

</pallas_src>

<mosaic_0001>
#map = affine_map<(d0, d1) -> (0, 0)>
#map1 = affine_map<(d0, d1) -> (0)>
module attributes {stable_mosaic.version = 14 : i64} {
  func.func @_body_b(%arg0: i32, %arg1: i32, %arg2: memref<16384x16xf32, #tpu.memory_space<hbm>>, %arg3: memref<32x512xi32, #tpu.memory_space<hbm>>, %arg4: memref<1007616x16xf32, #tpu.memory_space<hbm>>, %arg5: memref<8x16xf32, #tpu.memory_space<hbm>>, %arg6: memref<1x16xf32, #tpu.memory_space<hbm>>, %arg7: memref<16384xf32, #tpu.memory_space<hbm>>, %arg8: memref<512xi32, #tpu.memory_space<vmem>>, %arg9: memref<512x16xf32, #tpu.memory_space<vmem>>, %arg10: memref<512x16xf32, #tpu.memory_space<vmem>>, %arg11: memref<8x16xf32, #tpu.memory_space<vmem>>, %arg12: memref<1x16xf32, #tpu.memory_space<vmem>>, %arg13: memref<512xf32, #tpu.memory_space<vmem>>, %arg14: memref<!tpu.dma_semaphore, #tpu.memory_space<semaphore_mem>>) attributes {dimension_semantics = [#tpu.dimension_semantics<core_parallel>, #tpu.dimension_semantics<subcore_parallel>], iteration_bounds = array<i64: 2, 16>, scalar_prefetch = 0 : i64, scratch_operands = 7 : i64, tpu.core_type = #tpu.core_type<sc_vector_subcore>, window_params = [{transform_indices = #map}, {transform_indices = #map}, {transform_indices = #map}, {transform_indices = #map}, {transform_indices = #map}, {transform_indices = #map1}]} {
    %mul3A = arith.constant 2 : i32
    %mul3A_0 = arith.muli %arg1, %mul3A : i32
    %add3A = arith.addi %mul3A_0, %arg0 : i32
    "tpu.region"() ({
      %run_scoped3A = tpu.sem_alloc : memref<!tpu.dma_semaphore, #tpu.memory_space<semaphore_mem>>
      tpu.enqueue_dma source(%arg5 : memref<8x16xf32, #tpu.memory_space<hbm>>) target(%arg11 : memref<8x16xf32, #tpu.memory_space<vmem>>) target_semaphore(%run_scoped3A : memref<!tpu.dma_semaphore, #tpu.memory_space<semaphore_mem>>)
      tpu.wait_dma2 semaphore(%run_scoped3A : memref<!tpu.dma_semaphore, #tpu.memory_space<semaphore_mem>>) src(%arg5 : memref<8x16xf32, #tpu.memory_space<hbm>>) dst(%arg11 : memref<8x16xf32, #tpu.memory_space<vmem>>)
      tpu.yield
    }) : () -> ()
    "tpu.region"() ({
      %run_scoped3A = tpu.sem_alloc : memref<!tpu.dma_semaphore, #tpu.memory_space<semaphore_mem>>
      tpu.enqueue_dma source(%arg6 : memref<1x16xf32, #tpu.memory_space<hbm>>) target(%arg12 : memref<1x16xf32, #tpu.memory_space<vmem>>) target_semaphore(%run_scoped3A : memref<!tpu.dma_semaphore, #tpu.memory_space<semaphore_mem>>)
      tpu.wait_dma2 semaphore(%run_scoped3A : memref<!tpu.dma_semaphore, #tpu.memory_space<semaphore_mem>>) src(%arg6 : memref<1x16xf32, #tpu.memory_space<hbm>>) dst(%arg12 : memref<1x16xf32, #tpu.memory_space<vmem>>)
      tpu.yield
    }) : () -> ()
    %get3A = arith.constant 0 : i32
    %get3A_1 = arith.index_cast %get3A : i32 to index
    %get3A_2 = arith.constant 0 : index
    %get3A_3 = tpu.vector_load %arg12[%get3A_1, %get3A_2] {strides = array<i32>} : memref<1x16xf32, #tpu.memory_space<vmem>>, vector<16xf32>,
    %get3A_4 = arith.constant 0 : i32
    %get3A_5 = arith.index_cast %get3A_4 : i32 to index
    %get3A_6 = arith.constant 0 : index
    %get3A_7 = tpu.vector_load %arg11[%get3A_5, %get3A_6] {strides = array<i32>} : memref<8x16xf32, #tpu.memory_space<vmem>>, vector<16xf32>,
    %get3A_8 = arith.constant 1 : i32
    %get3A_9 = arith.index_cast %get3A_8 : i32 to index
    %get3A_10 = arith.constant 0 : index
    %get3A_11 = tpu.vector_load %arg11[%get3A_9, %get3A_10] {strides = array<i32>} : memref<8x16xf32, #tpu.memory_space<vmem>>, vector<16xf32>,
    %get3A_12 = arith.constant 2 : i32
    %get3A_13 = arith.index_cast %get3A_12 : i32 to index
    %get3A_14 = arith.constant 0 : index
    %get3A_15 = tpu.vector_load %arg11[%get3A_13, %get3A_14] {strides = array<i32>} : memref<8x16xf32, #tpu.memory_space<vmem>>, vector<16xf32>,
    %get3A_16 = arith.constant 3 : i32
    %get3A_17 = arith.index_cast %get3A_16 : i32 to index
    %get3A_18 = arith.constant 0 : index
    %get3A_19 = tpu.vector_load %arg11[%get3A_17, %get3A_18] {strides = array<i32>} : memref<8x16xf32, #tpu.memory_space<vmem>>, vector<16xf32>,
    %get3A_20 = arith.constant 4 : i32
    %get3A_21 = arith.index_cast %get3A_20 : i32 to index
    %get3A_22 = arith.constant 0 : index
    %get3A_23 = tpu.vector_load %arg11[%get3A_21, %get3A_22] {strides = array<i32>} : memref<8x16xf32, #tpu.memory_space<vmem>>, vector<16xf32>,
    %get3A_24 = arith.constant 5 : i32
    %get3A_25 = arith.index_cast %get3A_24 : i32 to index
    %get3A_26 = arith.constant 0 : index
    %get3A_27 = tpu.vector_load %arg11[%get3A_25, %get3A_26] {strides = array<i32>} : memref<8x16xf32, #tpu.memory_space<vmem>>, vector<16xf32>,
    %get3A_28 = arith.constant 6 : i32
    %get3A_29 = arith.index_cast %get3A_28 : i32 to index
    %get3A_30 = arith.constant 0 : index
    %get3A_31 = tpu.vector_load %arg11[%get3A_29, %get3A_30] {strides = array<i32>} : memref<8x16xf32, #tpu.memory_space<vmem>>, vector<16xf32>,
    %get3A_32 = arith.constant 7 : i32
    %get3A_33 = arith.index_cast %get3A_32 : i32 to index
    %get3A_34 = arith.constant 0 : index
    %get3A_35 = tpu.vector_load %arg11[%get3A_33, %get3A_34] {strides = array<i32>} : memref<8x16xf32, #tpu.memory_space<vmem>>, vector<16xf32>,
    %iota3A = tpu.iota {dimensions = array<i32: 0>} : vector<16xi32>
    %broadcast_in_dim3A = arith.constant 0 : i32
    %broadcast_in_dim3A_36 = vector.broadcast %broadcast_in_dim3A : i32 to vector<16xi32>
    %broadcast_in_dim3A_37 = arith.constant 1 : i32
    %broadcast_in_dim3A_38 = vector.broadcast %broadcast_in_dim3A_37 : i32 to vector<16xi32>
    %broadcast_in_dim3A_39 = arith.constant 2 : i32
    %broadcast_in_dim3A_40 = vector.broadcast %broadcast_in_dim3A_39 : i32 to vector<16xi32>
    %broadcast_in_dim3A_41 = arith.constant 3 : i32
    %broadcast_in_dim3A_42 = vector.broadcast %broadcast_in_dim3A_41 : i32 to vector<16xi32>
    %broadcast_in_dim3A_43 = arith.constant 4 : i32
    %broadcast_in_dim3A_44 = vector.broadcast %broadcast_in_dim3A_43 : i32 to vector<16xi32>
    %broadcast_in_dim3A_45 = arith.constant 5 : i32
    %broadcast_in_dim3A_46 = vector.broadcast %broadcast_in_dim3A_45 : i32 to vector<16xi32>
    %broadcast_in_dim3A_47 = arith.constant 6 : i32
    %broadcast_in_dim3A_48 = vector.broadcast %broadcast_in_dim3A_47 : i32 to vector<16xi32>
    %broadcast_in_dim3A_49 = arith.constant 7 : i32
    %broadcast_in_dim3A_50 = vector.broadcast %broadcast_in_dim3A_49 : i32 to vector<16xi32>
    %broadcast_in_dim3A_51 = arith.constant 8 : i32
    %broadcast_in_dim3A_52 = vector.broadcast %broadcast_in_dim3A_51 : i32 to vector<16xi32>
    %broadcast_in_dim3A_53 = arith.constant 9 : i32
    %broadcast_in_dim3A_54 = vector.broadcast %broadcast_in_dim3A_53 : i32 to vector<16xi32>
    %broadcast_in_dim3A_55 = arith.constant 10 : i32
    %broadcast_in_dim3A_56 = vector.broadcast %broadcast_in_dim3A_55 : i32 to vector<16xi32>
    %broadcast_in_dim3A_57 = arith.constant 11 : i32
    %broadcast_in_dim3A_58 = vector.broadcast %broadcast_in_dim3A_57 : i32 to vector<16xi32>
    %broadcast_in_dim3A_59 = arith.constant 12 : i32
    %broadcast_in_dim3A_60 = vector.broadcast %broadcast_in_dim3A_59 : i32 to vector<16xi32>
    %broadcast_in_dim3A_61 = arith.constant 13 : i32
    %broadcast_in_dim3A_62 = vector.broadcast %broadcast_in_dim3A_61 : i32 to vector<16xi32>
    %broadcast_in_dim3A_63 = arith.constant 14 : i32
    %broadcast_in_dim3A_64 = vector.broadcast %broadcast_in_dim3A_63 : i32 to vector<16xi32>
    %broadcast_in_dim3A_65 = arith.constant 15 : i32
    %broadcast_in_dim3A_66 = vector.broadcast %broadcast_in_dim3A_65 : i32 to vector<16xi32>
    "tpu.region"() ({
      %run_scoped3A = tpu.sem_alloc : memref<!tpu.dma_semaphore, #tpu.memory_space<semaphore_mem>>
      %dma_start3A_81 = arith.constant 0 : i32
      %dma_start3A_82 = tpu.memref_slice %arg3[%add3A, %dma_start3A_81] : memref<32x512xi32, #tpu.memory_space<hbm>> -> memref<1x512xi32, #tpu.memory_space<hbm>>
      %dma_start3A_83 = tpu.memref_squeeze %dma_start3A_82 : memref<1x512xi32, #tpu.memory_space<hbm>> -> memref<512xi32, #tpu.memory_space<hbm>>
      %dma_start3A_84 = arith.constant 0 : i32
      %dma_start3A_85 = tpu.memref_slice %arg3[%add3A, %dma_start3A_84] : memref<32x512xi32, #tpu.memory_space<hbm>> -> memref<1x512xi32, #tpu.memory_space<hbm>>
      %dma_start3A_86 = tpu.memref_squeeze %dma_start3A_85 : memref<1x512xi32, #tpu.memory_space<hbm>> -> memref<512xi32, #tpu.memory_space<hbm>>
      tpu.enqueue_dma source(%dma_start3A_86 : memref<512xi32, #tpu.memory_space<hbm>>) target(%arg8 : memref<512xi32, #tpu.memory_space<vmem>>) target_semaphore(%run_scoped3A : memref<!tpu.dma_semaphore, #tpu.memory_space<semaphore_mem>>)
      %dma_wait3A_87 = arith.constant 0 : i32
      %dma_wait3A_88 = tpu.memref_slice %arg3[%add3A, %dma_wait3A_87] : memref<32x512xi32, #tpu.memory_space<hbm>> -> memref<1x512xi32, #tpu.memory_space<hbm>>
      %dma_wait3A_89 = tpu.memref_squeeze %dma_wait3A_88 : memref<1x512xi32, #tpu.memory_space<hbm>> -> memref<512xi32, #tpu.memory_space<hbm>>
      %dma_wait3A_90 = arith.constant 0 : i32
      %dma_wait3A_91 = tpu.memref_slice %arg3[%add3A, %dma_wait3A_90] : memref<32x512xi32, #tpu.memory_space<hbm>> -> memref<1x512xi32, #tpu.memory_space<hbm>>
      %dma_wait3A_92 = tpu.memref_squeeze %dma_wait3A_91 : memref<1x512xi32, #tpu.memory_space<hbm>> -> memref<512xi32, #tpu.memory_space<hbm>>
      tpu.wait_dma2 semaphore(%run_scoped3A : memref<!tpu.dma_semaphore, #tpu.memory_space<semaphore_mem>>) src(%dma_wait3A_92 : memref<512xi32, #tpu.memory_space<hbm>>) dst(%arg8 : memref<512xi32, #tpu.memory_space<vmem>>)
      tpu.yield
    }) : () -> ()
    %mul3A_67 = arith.constant 512 : i32
    %mul3A_68 = arith.muli %add3A, %mul3A_67 : i32
    "tpu.region"() ({
      %run_scoped3A = tpu.sem_alloc : memref<!tpu.dma_semaphore, #tpu.memory_space<semaphore_mem>>
      %dma_start3A_81 = arith.constant 0 : i32
      %dma_start3A_82 = tpu.memref_slice %arg2[%mul3A_68, %dma_start3A_81] : memref<16384x16xf32, #tpu.memory_space<hbm>> -> memref<512x16xf32, #tpu.memory_space<hbm>>
      %dma_start3A_83 = arith.constant 0 : i32
      %dma_start3A_84 = tpu.memref_slice %arg2[%mul3A_68, %dma_start3A_83] : memref<16384x16xf32, #tpu.memory_space<hbm>> -> memref<512x16xf32, #tpu.memory_space<hbm>>
      tpu.enqueue_dma source(%dma_start3A_84 : memref<512x16xf32, #tpu.memory_space<hbm>>) target(%arg10 : memref<512x16xf32, #tpu.memory_space<vmem>>) target_semaphore(%run_scoped3A : memref<!tpu.dma_semaphore, #tpu.memory_space<semaphore_mem>>)
      %dma_wait3A_85 = arith.constant 0 : i32
      %dma_wait3A_86 = tpu.memref_slice %arg2[%mul3A_68, %dma_wait3A_85] : memref<16384x16xf32, #tpu.memory_space<hbm>> -> memref<512x16xf32, #tpu.memory_space<hbm>>
      %dma_wait3A_87 = arith.constant 0 : i32
      %dma_wait3A_88 = tpu.memref_slice %arg2[%mul3A_68, %dma_wait3A_87] : memref<16384x16xf32, #tpu.memory_space<hbm>> -> memref<512x16xf32, #tpu.memory_space<hbm>>
      tpu.wait_dma2 semaphore(%run_scoped3A : memref<!tpu.dma_semaphore, #tpu.memory_space<semaphore_mem>>) src(%dma_wait3A_88 : memref<512x16xf32, #tpu.memory_space<hbm>>) dst(%arg10 : memref<512x16xf32, #tpu.memory_space<vmem>>)
      tpu.yield
    }) : () -> ()
    %dma_start3A = arith.constant 0 : i32
    %dma_start3A_69 = arith.constant 0 : i32
    %dma_start3A_70 = tpu.memref_slice %arg4[%dma_start3A, %dma_start3A_69] : memref<1007616x16xf32, #tpu.memory_space<hbm>> -> memref<1007616x16xf32, #tpu.memory_space<hbm>>
    tpu.enqueue_indirect_dma source(%dma_start3A_70 : memref<1007616x16xf32, #tpu.memory_space<hbm>>) target(%arg9 : memref<512x16xf32, #tpu.memory_space<vmem>>) offsets(%arg8 : memref<512xi32, #tpu.memory_space<vmem>>) semaphore(%arg14 : memref<!tpu.dma_semaphore, #tpu.memory_space<semaphore_mem>>)
    %dma_wait3A = arith.constant 0 : i32
    %dma_wait3A_71 = arith.constant 0 : i32
    %dma_wait3A_72 = tpu.memref_slice %arg4[%dma_wait3A, %dma_wait3A_71] : memref<1007616x16xf32, #tpu.memory_space<hbm>> -> memref<1007616x16xf32, #tpu.memory_space<hbm>>
    tpu.wait_indirect_dma semaphore(%arg14 : memref<!tpu.dma_semaphore, #tpu.memory_space<semaphore_mem>>) src(%dma_wait3A_72 : memref<1007616x16xf32, #tpu.memory_space<hbm>>) dst(%arg9 : memref<512x16xf32, #tpu.memory_space<vmem>>)
    %scan3A = arith.constant 0 : i32
    %scan3A_73 = arith.constant 0 : i32
    %scan3A_74 = arith.constant 32 : i32
    %scan3A_75 = arith.addi %scan3A_73, %scan3A_74 : i32
    %scan3A_76 = arith.constant 1 : i32
    %scan3A_77 = scf.for %scan3A_81 = %scan3A_73 to %scan3A_75 step %scan3A_76 iter_args(%scan3A_82 = %scan3A) -> (i32)  : i32 {
      %mul3A_83 = arith.constant 16 : i32
      %mul3A_84 = arith.muli %scan3A_81, %mul3A_83 : i32
      %add3A_85 = vector.broadcast %mul3A_84 : i32 to vector<16xi32>
      %add3A_86 = arith.addi %add3A_85, %iota3A : vector<16xi32>
      %gather3A = tpu.vector_load_idx %arg9[%add3A_86, %broadcast_in_dim3A_36] : memref<512x16xf32, #tpu.memory_space<vmem>>[vector<16xi32>, vector<16xi32>], vector<16xf32>,
      %gather3A_87 = tpu.vector_load_idx %arg9[%add3A_86, %broadcast_in_dim3A_38] : memref<512x16xf32, #tpu.memory_space<vmem>>[vector<16xi32>, vector<16xi32>], vector<16xf32>,
      %gather3A_88 = tpu.vector_load_idx %arg9[%add3A_86, %broadcast_in_dim3A_40] : memref<512x16xf32, #tpu.memory_space<vmem>>[vector<16xi32>, vector<16xi32>], vector<16xf32>,
      %gather3A_89 = tpu.vector_load_idx %arg9[%add3A_86, %broadcast_in_dim3A_42] : memref<512x16xf32, #tpu.memory_space<vmem>>[vector<16xi32>, vector<16xi32>], vector<16xf32>,
      %gather3A_90 = tpu.vector_load_idx %arg9[%add3A_86, %broadcast_in_dim3A_44] : memref<512x16xf32, #tpu.memory_space<vmem>>[vector<16xi32>, vector<16xi32>], vector<16xf32>,
      %gather3A_91 = tpu.vector_load_idx %arg9[%add3A_86, %broadcast_in_dim3A_46] : memref<512x16xf32, #tpu.memory_space<vmem>>[vector<16xi32>, vector<16xi32>], vector<16xf32>,
      %gather3A_92 = tpu.vector_load_idx %arg9[%add3A_86, %broadcast_in_dim3A_48] : memref<512x16xf32, #tpu.memory_space<vmem>>[vector<16xi32>, vector<16xi32>], vector<16xf32>,
      %gather3A_93 = tpu.vector_load_idx %arg9[%add3A_86, %broadcast_in_dim3A_50] : memref<512x16xf32, #tpu.memory_space<vmem>>[vector<16xi32>, vector<16xi32>], vector<16xf32>,
      %gather3A_94 = tpu.vector_load_idx %arg9[%add3A_86, %broadcast_in_dim3A_52] : memref<512x16xf32, #tpu.memory_space<vmem>>[vector<16xi32>, vector<16xi32>], vector<16xf32>,
      %gather3A_95 = tpu.vector_load_idx %arg9[%add3A_86, %broadcast_in_dim3A_54] : memref<512x16xf32, #tpu.memory_space<vmem>>[vector<16xi32>, vector<16xi32>], vector<16xf32>,
      %gather3A_96 = tpu.vector_load_idx %arg9[%add3A_86, %broadcast_in_dim3A_56] : memref<512x16xf32, #tpu.memory_space<vmem>>[vector<16xi32>, vector<16xi32>], vector<16xf32>,
      %gather3A_97 = tpu.vector_load_idx %arg9[%add3A_86, %broadcast_in_dim3A_58] : memref<512x16xf32, #tpu.memory_space<vmem>>[vector<16xi32>, vector<16xi32>], vector<16xf32>,
      %gather3A_98 = tpu.vector_load_idx %arg9[%add3A_86, %broadcast_in_dim3A_60] : memref<512x16xf32, #tpu.memory_space<vmem>>[vector<16xi32>, vector<16xi32>], vector<16xf32>,
      %gather3A_99 = tpu.vector_load_idx %arg9[%add3A_86, %broadcast_in_dim3A_62] : memref<512x16xf32, #tpu.memory_space<vmem>>[vector<16xi32>, vector<16xi32>], vector<16xf32>,
      %gather3A_100 = tpu.vector_load_idx %arg9[%add3A_86, %broadcast_in_dim3A_64] : memref<512x16xf32, #tpu.memory_space<vmem>>[vector<16xi32>, vector<16xi32>], vector<16xf32>,
      %gather3A_101 = tpu.vector_load_idx %arg9[%add3A_86, %broadcast_in_dim3A_66] : memref<512x16xf32, #tpu.memory_space<vmem>>[vector<16xi32>, vector<16xi32>], vector<16xf32>,
      %mul3A_102 = arith.mulf %gather3A, %gather3A : vector<16xf32>
      %mul3A_103 = arith.mulf %gather3A_87, %gather3A_87 : vector<16xf32>
      %mul3A_104 = arith.mulf %gather3A_88, %gather3A_88 : vector<16xf32>
      %mul3A_105 = arith.mulf %gather3A_89, %gather3A_89 : vector<16xf32>
      %mul3A_106 = arith.mulf %gather3A_90, %gather3A_90 : vector<16xf32>
      %mul3A_107 = arith.mulf %gather3A_91, %gather3A_91 : vector<16xf32>
      %mul3A_108 = arith.mulf %gather3A_92, %gather3A_92 : vector<16xf32>
      %mul3A_109 = arith.mulf %gather3A_93, %gather3A_93 : vector<16xf32>
      %mul3A_110 = arith.mulf %gather3A_94, %gather3A_94 : vector<16xf32>
      %mul3A_111 = arith.mulf %gather3A_95, %gather3A_95 : vector<16xf32>
      %mul3A_112 = arith.mulf %gather3A_96, %gather3A_96 : vector<16xf32>
      %mul3A_113 = arith.mulf %gather3A_97, %gather3A_97 : vector<16xf32>
      %mul3A_114 = arith.mulf %gather3A_98, %gather3A_98 : vector<16xf32>
      %mul3A_115 = arith.mulf %gather3A_99, %gather3A_99 : vector<16xf32>
      %mul3A_116 = arith.mulf %gather3A_100, %gather3A_100 : vector<16xf32>
      %mul3A_117 = arith.mulf %gather3A_101, %gather3A_101 : vector<16xf32>
      %add3A_118 = arith.addf %mul3A_102, %mul3A_103 : vector<16xf32>
      %add3A_119 = arith.addf %mul3A_104, %mul3A_105 : vector<16xf32>
      %add3A_120 = arith.addf %mul3A_106, %mul3A_107 : vector<16xf32>
      %add3A_121 = arith.addf %mul3A_108, %mul3A_109 : vector<16xf32>
      %add3A_122 = arith.addf %mul3A_110, %mul3A_111 : vector<16xf32>
      %add3A_123 = arith.addf %mul3A_112, %mul3A_113 : vector<16xf32>
      %add3A_124 = arith.addf %mul3A_114, %mul3A_115 : vector<16xf32>
      %add3A_125 = arith.addf %mul3A_116, %mul3A_117 : vector<16xf32>
      %add3A_126 = arith.addf %add3A_118, %add3A_119 : vector<16xf32>
      %add3A_127 = arith.addf %add3A_120, %add3A_121 : vector<16xf32>
      %add3A_128 = arith.addf %add3A_122, %add3A_123 : vector<16xf32>
      %add3A_129 = arith.addf %add3A_124, %add3A_125 : vector<16xf32>
      %add3A_130 = arith.addf %add3A_126, %add3A_127 : vector<16xf32>
      %add3A_131 = arith.addf %add3A_128, %add3A_129 : vector<16xf32>
      %add3A_132 = arith.addf %add3A_130, %add3A_131 : vector<16xf32>
      %bitcast3A = vector.bitcast %add3A_132 : vector<16xf32> to vector<16xi32>
      %shift_right_arithmetic3A = arith.constant 1 : i32
      %shift_right_arithmetic3A_133 = vector.broadcast %shift_right_arithmetic3A : i32 to vector<16xi32>
      %shift_right_arithmetic3A_134 = arith.shrsi %bitcast3A, %shift_right_arithmetic3A_133 : vector<16xi32>
      %sub3A = arith.constant 1597463007 : i32
      %sub3A_135 = vector.broadcast %sub3A : i32 to vector<16xi32>
      %sub3A_136 = arith.subi %sub3A_135, %shift_right_arithmetic3A_134 : vector<16xi32>
      %bitcast3A_137 = vector.bitcast %sub3A_136 : vector<16xi32> to vector<16xf32>
      %mul3A_138 = arith.constant 5.000000e-01 : f32
      %mul3A_139 = vector.broadcast %mul3A_138 : f32 to vector<16xf32>
      %mul3A_140 = arith.mulf %mul3A_139, %add3A_132 : vector<16xf32>
      %mul3A_141 = arith.mulf %mul3A_140, %bitcast3A_137 : vector<16xf32>
      %mul3A_142 = arith.mulf %mul3A_141, %bitcast3A_137 : vector<16xf32>
      %sub3A_143 = arith.constant 1.500000e+00 : f32
      %sub3A_144 = vector.broadcast %sub3A_143 : f32 to vector<16xf32>
      %sub3A_145 = arith.subf %sub3A_144, %mul3A_142 : vector<16xf32>
      %mul3A_146 = arith.mulf %bitcast3A_137, %sub3A_145 : vector<16xf32>
      %mul3A_147 = arith.constant 5.000000e-01 : f32
      %mul3A_148 = vector.broadcast %mul3A_147 : f32 to vector<16xf32>
      %mul3A_149 = arith.mulf %mul3A_148, %add3A_132 : vector<16xf32>
      %mul3A_150 = arith.mulf %mul3A_149, %mul3A_146 : vector<16xf32>
      %mul3A_151 = arith.mulf %mul3A_150, %mul3A_146 : vector<16xf32>
      %sub3A_152 = arith.constant 1.500000e+00 : f32
      %sub3A_153 = vector.broadcast %sub3A_152 : f32 to vector<16xf32>
      %sub3A_154 = arith.subf %sub3A_153, %mul3A_151 : vector<16xf32>
      %mul3A_155 = arith.mulf %mul3A_146, %sub3A_154 : vector<16xf32>
      %mul3A_156 = arith.constant 5.000000e-01 : f32
      %mul3A_157 = vector.broadcast %mul3A_156 : f32 to vector<16xf32>
      %mul3A_158 = arith.mulf %mul3A_157, %add3A_132 : vector<16xf32>
      %mul3A_159 = arith.mulf %mul3A_158, %mul3A_155 : vector<16xf32>
      %mul3A_160 = arith.mulf %mul3A_159, %mul3A_155 : vector<16xf32>
      %sub3A_161 = arith.constant 1.500000e+00 : f32
      %sub3A_162 = vector.broadcast %sub3A_161 : f32 to vector<16xf32>
      %sub3A_163 = arith.subf %sub3A_162, %mul3A_160 : vector<16xf32>
      %mul3A_164 = arith.mulf %mul3A_155, %sub3A_163 : vector<16xf32>
      %min3A = arith.constant 1.000000e+00 : f32
      %min3A_165 = vector.broadcast %min3A : f32 to vector<16xf32>
      %min3A_166 = arith.minimumf %min3A_165, %mul3A_164 : vector<16xf32>
      %add3A_167 = arith.addf %gather3A, %gather3A_94 : vector<16xf32>
      %add3A_168 = arith.addf %gather3A_87, %gather3A_95 : vector<16xf32>
      %add3A_169 = arith.addf %gather3A_88, %gather3A_96 : vector<16xf32>
      %add3A_170 = arith.addf %gather3A_89, %gather3A_97 : vector<16xf32>
      %add3A_171 = arith.addf %gather3A_90, %gather3A_98 : vector<16xf32>
      %add3A_172 = arith.addf %gather3A_91, %gather3A_99 : vector<16xf32>
      %add3A_173 = arith.addf %gather3A_92, %gather3A_100 : vector<16xf32>
      %add3A_174 = arith.addf %gather3A_93, %gather3A_101 : vector<16xf32>
      %broadcast_in_dim3A_175 = arith.constant 0.000000e+00 : f32
      %broadcast_in_dim3A_176 = vector.broadcast %broadcast_in_dim3A_175 : f32 to vector<16xf32>
      %slice3A = vector.extract_strided_slice %get3A_7 {offsets = [0], sizes = [1], strides = [1]} : vector<16xf32> to vector<1xf32>
      %squeeze3A = vector.extract %slice3A[0] : f32 from vector<1xf32>
      %mul3A_177 = vector.broadcast %squeeze3A : f32 to vector<16xf32>
      %mul3A_178 = arith.mulf %add3A_167, %mul3A_177 : vector<16xf32>
      %slice3A_179 = vector.extract_strided_slice %get3A_11 {offsets = [0], sizes = [1], strides = [1]} : vector<16xf32> to vector<1xf32>
      %squeeze3A_180 = vector.extract %slice3A_179[0] : f32 from vector<1xf32>
      %mul3A_181 = vector.broadcast %squeeze3A_180 : f32 to vector<16xf32>
      %mul3A_182 = arith.mulf %add3A_168, %mul3A_181 : vector<16xf32>
      %add3A_183 = arith.addf %mul3A_178, %mul3A_182 : vector<16xf32>
      %slice3A_184 = vector.extract_strided_slice %get3A_15 {offsets = [0], sizes = [1], strides = [1]} : vector<16xf32> to vector<1xf32>
      %squeeze3A_185 = vector.extract %slice3A_184[0] : f32 from vector<1xf32>
      %mul3A_186 = vector.broadcast %squeeze3A_185 : f32 to vector<16xf32>
      %mul3A_187 = arith.mulf %add3A_169, %mul3A_186 : vector<16xf32>
      %add3A_188 = arith.addf %add3A_183, %mul3A_187 : vector<16xf32>
      %slice3A_189 = vector.extract_strided_slice %get3A_19 {offsets = [0], sizes = [1], strides = [1]} : vector<16xf32> to vector<1xf32>
      %squeeze3A_190 = vector.extract %slice3A_189[0] : f32 from vector<1xf32>
      %mul3A_191 = vector.broadcast %squeeze3A_190 : f32 to vector<16xf32>
      %mul3A_192 = arith.mulf %add3A_170, %mul3A_191 : vector<16xf32>
      %add3A_193 = arith.addf %add3A_188, %mul3A_192 : vector<16xf32>
      %slice3A_194 = vector.extract_strided_slice %get3A_23 {offsets = [0], sizes = [1], strides = [1]} : vector<16xf32> to vector<1xf32>
      %squeeze3A_195 = vector.extract %slice3A_194[0] : f32 from vector<1xf32>
      %mul3A_196 = vector.broadcast %squeeze3A_195 : f32 to vector<16xf32>
      %mul3A_197 = arith.mulf %add3A_171, %mul3A_196 : vector<16xf32>
      %add3A_198 = arith.addf %add3A_193, %mul3A_197 : vector<16xf32>
      %slice3A_199 = vector.extract_strided_slice %get3A_27 {offsets = [0], sizes = [1], strides = [1]} : vector<16xf32> to vector<1xf32>
      %squeeze3A_200 = vector.extract %slice3A_199[0] : f32 from vector<1xf32>
      %mul3A_201 = vector.broadcast %squeeze3A_200 : f32 to vector<16xf32>
      %mul3A_202 = arith.mulf %add3A_172, %mul3A_201 : vector<16xf32>
      %add3A_203 = arith.addf %add3A_198, %mul3A_202 : vector<16xf32>
      %slice3A_204 = vector.extract_strided_slice %get3A_31 {offsets = [0], sizes = [1], strides = [1]} : vector<16xf32> to vector<1xf32>
      %squeeze3A_205 = vector.extract %slice3A_204[0] : f32 from vector<1xf32>
      %mul3A_206 = vector.broadcast %squeeze3A_205 : f32 to vector<16xf32>
      %mul3A_207 = arith.mulf %add3A_173, %mul3A_206 : vector<16xf32>
      %add3A_208 = arith.addf %add3A_203, %mul3A_207 : vector<16xf32>
      %slice3A_209 = vector.extract_strided_slice %get3A_35 {offsets = [0], sizes = [1], strides = [1]} : vector<16xf32> to vector<1xf32>
      %squeeze3A_210 = vector.extract %slice3A_209[0] : f32 from vector<1xf32>
      %mul3A_211 = vector.broadcast %squeeze3A_210 : f32 to vector<16xf32>
      %mul3A_212 = arith.mulf %add3A_174, %mul3A_211 : vector<16xf32>
      %add3A_213 = arith.addf %add3A_208, %mul3A_212 : vector<16xf32>
      %gather3A_214 = tpu.vector_load_idx %arg10[%add3A_86, %broadcast_in_dim3A_36] : memref<512x16xf32, #tpu.memory_space<vmem>>[vector<16xi32>, vector<16xi32>], vector<16xf32>,
      %mul3A_215 = arith.mulf %gather3A_214, %add3A_213 : vector<16xf32>
      %add3A_216 = arith.addf %broadcast_in_dim3A_176, %mul3A_215 : vector<16xf32>
      %slice3A_217 = vector.extract_strided_slice %get3A_7 {offsets = [1], sizes = [1], strides = [1]} : vector<16xf32> to vector<1xf32>
      %squeeze3A_218 = vector.extract %slice3A_217[0] : f32 from vector<1xf32>
      %mul3A_219 = vector.broadcast %squeeze3A_218 : f32 to vector<16xf32>
      %mul3A_220 = arith.mulf %add3A_167, %mul3A_219 : vector<16xf32>
      %slice3A_221 = vector.extract_strided_slice %get3A_11 {offsets = [1], sizes = [1], strides = [1]} : vector<16xf32> to vector<1xf32>
      %squeeze3A_222 = vector.extract %slice3A_221[0] : f32 from vector<1xf32>
      %mul3A_223 = vector.broadcast %squeeze3A_222 : f32 to vector<16xf32>
      %mul3A_224 = arith.mulf %add3A_168, %mul3A_223 : vector<16xf32>
      %add3A_225 = arith.addf %mul3A_220, %mul3A_224 : vector<16xf32>
      %slice3A_226 = vector.extract_strided_slice %get3A_15 {offsets = [1], sizes = [1], strides = [1]} : vector<16xf32> to vector<1xf32>
      %squeeze3A_227 = vector.extract %slice3A_226[0] : f32 from vector<1xf32>
      %mul3A_228 = vector.broadcast %squeeze3A_227 : f32 to vector<16xf32>
      %mul3A_229 = arith.mulf %add3A_169, %mul3A_228 : vector<16xf32>
      %add3A_230 = arith.addf %add3A_225, %mul3A_229 : vector<16xf32>
      %slice3A_231 = vector.extract_strided_slice %get3A_19 {offsets = [1], sizes = [1], strides = [1]} : vector<16xf32> to vector<1xf32>
      %squeeze3A_232 = vector.extract %slice3A_231[0] : f32 from vector<1xf32>
      %mul3A_233 = vector.broadcast %squeeze3A_232 : f32 to vector<16xf32>
      %mul3A_234 = arith.mulf %add3A_170, %mul3A_233 : vector<16xf32>
      %add3A_235 = arith.addf %add3A_230, %mul3A_234 : vector<16xf32>
      %slice3A_236 = vector.extract_strided_slice %get3A_23 {offsets = [1], sizes = [1], strides = [1]} : vector<16xf32> to vector<1xf32>
      %squeeze3A_237 = vector.extract %slice3A_236[0] : f32 from vector<1xf32>
      %mul3A_238 = vector.broadcast %squeeze3A_237 : f32 to vector<16xf32>
      %mul3A_239 = arith.mulf %add3A_171, %mul3A_238 : vector<16xf32>
      %add3A_240 = arith.addf %add3A_235, %mul3A_239 : vector<16xf32>
      %slice3A_241 = vector.extract_strided_slice %get3A_27 {offsets = [1], sizes = [1], strides = [1]} : vector<16xf32> to vector<1xf32>
      %squeeze3A_242 = vector.extract %slice3A_241[0] : f32 from vector<1xf32>
      %mul3A_243 = vector.broadcast %squeeze3A_242 : f32 to vector<16xf32>
      %mul3A_244 = arith.mulf %add3A_172, %mul3A_243 : vector<16xf32>
      %add3A_245 = arith.addf %add3A_240, %mul3A_244 : vector<16xf32>
      %slice3A_246 = vector.extract_strided_slice %get3A_31 {offsets = [1], sizes = [1], strides = [1]} : vector<16xf32> to vector<1xf32>
      %squeeze3A_247 = vector.extract %slice3A_246[0] : f32 from vector<1xf32>
      %mul3A_248 = vector.broadcast %squeeze3A_247 : f32 to vector<16xf32>
      %mul3A_249 = arith.mulf %add3A_173, %mul3A_248 : vector<16xf32>
      %add3A_250 = arith.addf %add3A_245, %mul3A_249 : vector<16xf32>
      %slice3A_251 = vector.extract_strided_slice %get3A_35 {offsets = [1], sizes = [1], strides = [1]} : vector<16xf32> to vector<1xf32>
      %squeeze3A_252 = vector.extract %slice3A_251[0] : f32 from vector<1xf32>
      %mul3A_253 = vector.broadcast %squeeze3A_252 : f32 to vector<16xf32>
      %mul3A_254 = arith.mulf %add3A_174, %mul3A_253 : vector<16xf32>
      %add3A_255 = arith.addf %add3A_250, %mul3A_254 : vector<16xf32>
      %gather3A_256 = tpu.vector_load_idx %arg10[%add3A_86, %broadcast_in_dim3A_38] : memref<512x16xf32, #tpu.memory_space<vmem>>[vector<16xi32>, vector<16xi32>], vector<16xf32>,
      %mul3A_257 = arith.mulf %gather3A_256, %add3A_255 : vector<16xf32>
      %add3A_258 = arith.addf %add3A_216, %mul3A_257 : vector<16xf32>
      %slice3A_259 = vector.extract_strided_slice %get3A_7 {offsets = [2], sizes = [1], strides = [1]} : vector<16xf32> to vector<1xf32>
      %squeeze3A_260 = vector.extract %slice3A_259[0] : f32 from vector<1xf32>
      %mul3A_261 = vector.broadcast %squeeze3A_260 : f32 to vector<16xf32>
      %mul3A_262 = arith.mulf %add3A_167, %mul3A_261 : vector<16xf32>
      %slice3A_263 = vector.extract_strided_slice %get3A_11 {offsets = [2], sizes = [1], strides = [1]} : vector<16xf32> to vector<1xf32>
      %squeeze3A_264 = vector.extract %slice3A_263[0] : f32 from vector<1xf32>
      %mul3A_265 = vector.broadcast %squeeze3A_264 : f32 to vector<16xf32>
      %mul3A_266 = arith.mulf %add3A_168, %mul3A_265 : vector<16xf32>
      %add3A_267 = arith.addf %mul3A_262, %mul3A_266 : vector<16xf32>
      %slice3A_268 = vector.extract_strided_slice %get3A_15 {offsets = [2], sizes = [1], strides = [1]} : vector<16xf32> to vector<1xf32>
      %squeeze3A_269 = vector.extract %slice3A_268[0] : f32 from vector<1xf32>
      %mul3A_270 = vector.broadcast %squeeze3A_269 : f32 to vector<16xf32>
      %mul3A_271 = arith.mulf %add3A_169, %mul3A_270 : vector<16xf32>
      %add3A_272 = arith.addf %add3A_267, %mul3A_271 : vector<16xf32>
      %slice3A_273 = vector.extract_strided_slice %get3A_19 {offsets = [2], sizes = [1], strides = [1]} : vector<16xf32> to vector<1xf32>
      %squeeze3A_274 = vector.extract %slice3A_273[0] : f32 from vector<1xf32>
      %mul3A_275 = vector.broadcast %squeeze3A_274 : f32 to vector<16xf32>
      %mul3A_276 = arith.mulf %add3A_170, %mul3A_275 : vector<16xf32>
      %add3A_277 = arith.addf %add3A_272, %mul3A_276 : vector<16xf32>
      %slice3A_278 = vector.extract_strided_slice %get3A_23 {offsets = [2], sizes = [1], strides = [1]} : vector<16xf32> to vector<1xf32>
      %squeeze3A_279 = vector.extract %slice3A_278[0] : f32 from vector<1xf32>
      %mul3A_280 = vector.broadcast %squeeze3A_279 : f32 to vector<16xf32>
      %mul3A_281 = arith.mulf %add3A_171, %mul3A_280 : vector<16xf32>
      %add3A_282 = arith.addf %add3A_277, %mul3A_281 : vector<16xf32>
      %slice3A_283 = vector.extract_strided_slice %get3A_27 {offsets = [2], sizes = [1], strides = [1]} : vector<16xf32> to vector<1xf32>
      %squeeze3A_284 = vector.extract %slice3A_283[0] : f32 from vector<1xf32>
      %mul3A_285 = vector.broadcast %squeeze3A_284 : f32 to vector<16xf32>
      %mul3A_286 = arith.mulf %add3A_172, %mul3A_285 : vector<16xf32>
      %add3A_287 = arith.addf %add3A_282, %mul3A_286 : vector<16xf32>
      %slice3A_288 = vector.extract_strided_slice %get3A_31 {offsets = [2], sizes = [1], strides = [1]} : vector<16xf32> to vector<1xf32>
      %squeeze3A_289 = vector.extract %slice3A_288[0] : f32 from vector<1xf32>
      %mul3A_290 = vector.broadcast %squeeze3A_289 : f32 to vector<16xf32>
      %mul3A_291 = arith.mulf %add3A_173, %mul3A_290 : vector<16xf32>
      %add3A_292 = arith.addf %add3A_287, %mul3A_291 : vector<16xf32>
      %slice3A_293 = vector.extract_strided_slice %get3A_35 {offsets = [2], sizes = [1], strides = [1]} : vector<16xf32> to vector<1xf32>
      %squeeze3A_294 = vector.extract %slice3A_293[0] : f32 from vector<1xf32>
      %mul3A_295 = vector.broadcast %squeeze3A_294 : f32 to vector<16xf32>
      %mul3A_296 = arith.mulf %add3A_174, %mul3A_295 : vector<16xf32>
      %add3A_297 = arith.addf %add3A_292, %mul3A_296 : vector<16xf32>
      %gather3A_298 = tpu.vector_load_idx %arg10[%add3A_86, %broadcast_in_dim3A_40] : memref<512x16xf32, #tpu.memory_space<vmem>>[vector<16xi32>, vector<16xi32>], vector<16xf32>,
      %mul3A_299 = arith.mulf %gather3A_298, %add3A_297 : vector<16xf32>
      %add3A_300 = arith.addf %add3A_258, %mul3A_299 : vector<16xf32>
      %slice3A_301 = vector.extract_strided_slice %get3A_7 {offsets = [3], sizes = [1], strides = [1]} : vector<16xf32> to vector<1xf32>
      %squeeze3A_302 = vector.extract %slice3A_301[0] : f32 from vector<1xf32>
      %mul3A_303 = vector.broadcast %squeeze3A_302 : f32 to vector<16xf32>
      %mul3A_304 = arith.mulf %add3A_167, %mul3A_303 : vector<16xf32>
      %slice3A_305 = vector.extract_strided_slice %get3A_11 {offsets = [3], sizes = [1], strides = [1]} : vector<16xf32> to vector<1xf32>
      %squeeze3A_306 = vector.extract %slice3A_305[0] : f32 from vector<1xf32>
      %mul3A_307 = vector.broadcast %squeeze3A_306 : f32 to vector<16xf32>
      %mul3A_308 = arith.mulf %add3A_168, %mul3A_307 : vector<16xf32>
      %add3A_309 = arith.addf %mul3A_304, %mul3A_308 : vector<16xf32>
      %slice3A_310 = vector.extract_strided_slice %get3A_15 {offsets = [3], sizes = [1], strides = [1]} : vector<16xf32> to vector<1xf32>
      %squeeze3A_311 = vector.extract %slice3A_310[0] : f32 from vector<1xf32>
      %mul3A_312 = vector.broadcast %squeeze3A_311 : f32 to vector<16xf32>
      %mul3A_313 = arith.mulf %add3A_169, %mul3A_312 : vector<16xf32>
      %add3A_314 = arith.addf %add3A_309, %mul3A_313 : vector<16xf32>
      %slice3A_315 = vector.extract_strided_slice %get3A_19 {offsets = [3], sizes = [1], strides = [1]} : vector<16xf32> to vector<1xf32>
      %squeeze3A_316 = vector.extract %slice3A_315[0] : f32 from vector<1xf32>
      %mul3A_317 = vector.broadcast %squeeze3A_316 : f32 to vector<16xf32>
      %mul3A_318 = arith.mulf %add3A_170, %mul3A_317 : vector<16xf32>
      %add3A_319 = arith.addf %add3A_314, %mul3A_318 : vector<16xf32>
      %slice3A_320 = vector.extract_strided_slice %get3A_23 {offsets = [3], sizes = [1], strides = [1]} : vector<16xf32> to vector<1xf32>
      %squeeze3A_321 = vector.extract %slice3A_320[0] : f32 from vector<1xf32>
      %mul3A_322 = vector.broadcast %squeeze3A_321 : f32 to vector<16xf32>
      %mul3A_323 = arith.mulf %add3A_171, %mul3A_322 : vector<16xf32>
      %add3A_324 = arith.addf %add3A_319, %mul3A_323 : vector<16xf32>
      %slice3A_325 = vector.extract_strided_slice %get3A_27 {offsets = [3], sizes = [1], strides = [1]} : vector<16xf32> to vector<1xf32>
      %squeeze3A_326 = vector.extract %slice3A_325[0] : f32 from vector<1xf32>
      %mul3A_327 = vector.broadcast %squeeze3A_326 : f32 to vector<16xf32>
      %mul3A_328 = arith.mulf %add3A_172, %mul3A_327 : vector<16xf32>
      %add3A_329 = arith.addf %add3A_324, %mul3A_328 : vector<16xf32>
      %slice3A_330 = vector.extract_strided_slice %get3A_31 {offsets = [3], sizes = [1], strides = [1]} : vector<16xf32> to vector<1xf32>
      %squeeze3A_331 = vector.extract %slice3A_330[0] : f32 from vector<1xf32>
      %mul3A_332 = vector.broadcast %squeeze3A_331 : f32 to vector<16xf32>
      %mul3A_333 = arith.mulf %add3A_173, %mul3A_332 : vector<16xf32>
      %add3A_334 = arith.addf %add3A_329, %mul3A_333 : vector<16xf32>
      %slice3A_335 = vector.extract_strided_slice %get3A_35 {offsets = [3], sizes = [1], strides = [1]} : vector<16xf32> to vector<1xf32>
      %squeeze3A_336 = vector.extract %slice3A_335[0] : f32 from vector<1xf32>
      %mul3A_337 = vector.broadcast %squeeze3A_336 : f32 to vector<16xf32>
      %mul3A_338 = arith.mulf %add3A_174, %mul3A_337 : vector<16xf32>
      %add3A_339 = arith.addf %add3A_334, %mul3A_338 : vector<16xf32>
      %gather3A_340 = tpu.vector_load_idx %arg10[%add3A_86, %broadcast_in_dim3A_42] : memref<512x16xf32, #tpu.memory_space<vmem>>[vector<16xi32>, vector<16xi32>], vector<16xf32>,
      %mul3A_341 = arith.mulf %gather3A_340, %add3A_339 : vector<16xf32>
      %add3A_342 = arith.addf %add3A_300, %mul3A_341 : vector<16xf32>
      %slice3A_343 = vector.extract_strided_slice %get3A_7 {offsets = [4], sizes = [1], strides = [1]} : vector<16xf32> to vector<1xf32>
      %squeeze3A_344 = vector.extract %slice3A_343[0] : f32 from vector<1xf32>
      %mul3A_345 = vector.broadcast %squeeze3A_344 : f32 to vector<16xf32>
      %mul3A_346 = arith.mulf %add3A_167, %mul3A_345 : vector<16xf32>
      %slice3A_347 = vector.extract_strided_slice %get3A_11 {offsets = [4], sizes = [1], strides = [1]} : vector<16xf32> to vector<1xf32>
      %squeeze3A_348 = vector.extract %slice3A_347[0] : f32 from vector<1xf32>
      %mul3A_349 = vector.broadcast %squeeze3A_348 : f32 to vector<16xf32>
      %mul3A_350 = arith.mulf %add3A_168, %mul3A_349 : vector<16xf32>
      %add3A_351 = arith.addf %mul3A_346, %mul3A_350 : vector<16xf32>
      %slice3A_352 = vector.extract_strided_slice %get3A_15 {offsets = [4], sizes = [1], strides = [1]} : vector<16xf32> to vector<1xf32>
      %squeeze3A_353 = vector.extract %slice3A_352[0] : f32 from vector<1xf32>
      %mul3A_354 = vector.broadcast %squeeze3A_353 : f32 to vector<16xf32>
      %mul3A_355 = arith.mulf %add3A_169, %mul3A_354 : vector<16xf32>
      %add3A_356 = arith.addf %add3A_351, %mul3A_355 : vector<16xf32>
      %slice3A_357 = vector.extract_strided_slice %get3A_19 {offsets = [4], sizes = [1], strides = [1]} : vector<16xf32> to vector<1xf32>
      %squeeze3A_358 = vector.extract %slice3A_357[0] : f32 from vector<1xf32>
      %mul3A_359 = vector.broadcast %squeeze3A_358 : f32 to vector<16xf32>
      %mul3A_360 = arith.mulf %add3A_170, %mul3A_359 : vector<16xf32>
      %add3A_361 = arith.addf %add3A_356, %mul3A_360 : vector<16xf32>
      %slice3A_362 = vector.extract_strided_slice %get3A_23 {offsets = [4], sizes = [1], strides = [1]} : vector<16xf32> to vector<1xf32>
      %squeeze3A_363 = vector.extract %slice3A_362[0] : f32 from vector<1xf32>
      %mul3A_364 = vector.broadcast %squeeze3A_363 : f32 to vector<16xf32>
      %mul3A_365 = arith.mulf %add3A_171, %mul3A_364 : vector<16xf32>
      %add3A_366 = arith.addf %add3A_361, %mul3A_365 : vector<16xf32>
      %slice3A_367 = vector.extract_strided_slice %get3A_27 {offsets = [4], sizes = [1], strides = [1]} : vector<16xf32> to vector<1xf32>
      %squeeze3A_368 = vector.extract %slice3A_367[0] : f32 from vector<1xf32>
      %mul3A_369 = vector.broadcast %squeeze3A_368 : f32 to vector<16xf32>
      %mul3A_370 = arith.mulf %add3A_172, %mul3A_369 : vector<16xf32>
      %add3A_371 = arith.addf %add3A_366, %mul3A_370 : vector<16xf32>
      %slice3A_372 = vector.extract_strided_slice %get3A_31 {offsets = [4], sizes = [1], strides = [1]} : vector<16xf32> to vector<1xf32>
      %squeeze3A_373 = vector.extract %slice3A_372[0] : f32 from vector<1xf32>
      %mul3A_374 = vector.broadcast %squeeze3A_373 : f32 to vector<16xf32>
      %mul3A_375 = arith.mulf %add3A_173, %mul3A_374 : vector<16xf32>
      %add3A_376 = arith.addf %add3A_371, %mul3A_375 : vector<16xf32>
      %slice3A_377 = vector.extract_strided_slice %get3A_35 {offsets = [4], sizes = [1], strides = [1]} : vector<16xf32> to vector<1xf32>
      %squeeze3A_378 = vector.extract %slice3A_377[0] : f32 from vector<1xf32>
      %mul3A_379 = vector.broadcast %squeeze3A_378 : f32 to vector<16xf32>
      %mul3A_380 = arith.mulf %add3A_174, %mul3A_379 : vector<16xf32>
      %add3A_381 = arith.addf %add3A_376, %mul3A_380 : vector<16xf32>
      %gather3A_382 = tpu.vector_load_idx %arg10[%add3A_86, %broadcast_in_dim3A_44] : memref<512x16xf32, #tpu.memory_space<vmem>>[vector<16xi32>, vector<16xi32>], vector<16xf32>,
      %mul3A_383 = arith.mulf %gather3A_382, %add3A_381 : vector<16xf32>
      %add3A_384 = arith.addf %add3A_342, %mul3A_383 : vector<16xf32>
      %slice3A_385 = vector.extract_strided_slice %get3A_7 {offsets = [5], sizes = [1], strides = [1]} : vector<16xf32> to vector<1xf32>
      %squeeze3A_386 = vector.extract %slice3A_385[0] : f32 from vector<1xf32>
      %mul3A_387 = vector.broadcast %squeeze3A_386 : f32 to vector<16xf32>
      %mul3A_388 = arith.mulf %add3A_167, %mul3A_387 : vector<16xf32>
      %slice3A_389 = vector.extract_strided_slice %get3A_11 {offsets = [5], sizes = [1], strides = [1]} : vector<16xf32> to vector<1xf32>
      %squeeze3A_390 = vector.extract %slice3A_389[0] : f32 from vector<1xf32>
      %mul3A_391 = vector.broadcast %squeeze3A_390 : f32 to vector<16xf32>
      %mul3A_392 = arith.mulf %add3A_168, %mul3A_391 : vector<16xf32>
      %add3A_393 = arith.addf %mul3A_388, %mul3A_392 : vector<16xf32>
      %slice3A_394 = vector.extract_strided_slice %get3A_15 {offsets = [5], sizes = [1], strides = [1]} : vector<16xf32> to vector<1xf32>
      %squeeze3A_395 = vector.extract %slice3A_394[0] : f32 from vector<1xf32>
      %mul3A_396 = vector.broadcast %squeeze3A_395 : f32 to vector<16xf32>
      %mul3A_397 = arith.mulf %add3A_169, %mul3A_396 : vector<16xf32>
      %add3A_398 = arith.addf %add3A_393, %mul3A_397 : vector<16xf32>
      %slice3A_399 = vector.extract_strided_slice %get3A_19 {offsets = [5], sizes = [1], strides = [1]} : vector<16xf32> to vector<1xf32>
      %squeeze3A_400 = vector.extract %slice3A_399[0] : f32 from vector<1xf32>
      %mul3A_401 = vector.broadcast %squeeze3A_400 : f32 to vector<16xf32>
      %mul3A_402 = arith.mulf %add3A_170, %mul3A_401 : vector<16xf32>
      %add3A_403 = arith.addf %add3A_398, %mul3A_402 : vector<16xf32>
      %slice3A_404 = vector.extract_strided_slice %get3A_23 {offsets = [5], sizes = [1], strides = [1]} : vector<16xf32> to vector<1xf32>
      %squeeze3A_405 = vector.extract %slice3A_404[0] : f32 from vector<1xf32>
      %mul3A_406 = vector.broadcast %squeeze3A_405 : f32 to vector<16xf32>
      %mul3A_407 = arith.mulf %add3A_171, %mul3A_406 : vector<16xf32>
      %add3A_408 = arith.addf %add3A_403, %mul3A_407 : vector<16xf32>
      %slice3A_409 = vector.extract_strided_slice %get3A_27 {offsets = [5], sizes = [1], strides = [1]} : vector<16xf32> to vector<1xf32>
      %squeeze3A_410 = vector.extract %slice3A_409[0] : f32 from vector<1xf32>
      %mul3A_411 = vector.broadcast %squeeze3A_410 : f32 to vector<16xf32>
      %mul3A_412 = arith.mulf %add3A_172, %mul3A_411 : vector<16xf32>
      %add3A_413 = arith.addf %add3A_408, %mul3A_412 : vector<16xf32>
      %slice3A_414 = vector.extract_strided_slice %get3A_31 {offsets = [5], sizes = [1], strides = [1]} : vector<16xf32> to vector<1xf32>
      %squeeze3A_415 = vector.extract %slice3A_414[0] : f32 from vector<1xf32>
      %mul3A_416 = vector.broadcast %squeeze3A_415 : f32 to vector<16xf32>
      %mul3A_417 = arith.mulf %add3A_173, %mul3A_416 : vector<16xf32>
      %add3A_418 = arith.addf %add3A_413, %mul3A_417 : vector<16xf32>
      %slice3A_419 = vector.extract_strided_slice %get3A_35 {offsets = [5], sizes = [1], strides = [1]} : vector<16xf32> to vector<1xf32>
      %squeeze3A_420 = vector.extract %slice3A_419[0] : f32 from vector<1xf32>
      %mul3A_421 = vector.broadcast %squeeze3A_420 : f32 to vector<16xf32>
      %mul3A_422 = arith.mulf %add3A_174, %mul3A_421 : vector<16xf32>
      %add3A_423 = arith.addf %add3A_418, %mul3A_422 : vector<16xf32>
      %gather3A_424 = tpu.vector_load_idx %arg10[%add3A_86, %broadcast_in_dim3A_46] : memref<512x16xf32, #tpu.memory_space<vmem>>[vector<16xi32>, vector<16xi32>], vector<16xf32>,
      %mul3A_425 = arith.mulf %gather3A_424, %add3A_423 : vector<16xf32>
      %add3A_426 = arith.addf %add3A_384, %mul3A_425 : vector<16xf32>
      %slice3A_427 = vector.extract_strided_slice %get3A_7 {offsets = [6], sizes = [1], strides = [1]} : vector<16xf32> to vector<1xf32>
      %squeeze3A_428 = vector.extract %slice3A_427[0] : f32 from vector<1xf32>
      %mul3A_429 = vector.broadcast %squeeze3A_428 : f32 to vector<16xf32>
      %mul3A_430 = arith.mulf %add3A_167, %mul3A_429 : vector<16xf32>
      %slice3A_431 = vector.extract_strided_slice %get3A_11 {offsets = [6], sizes = [1], strides = [1]} : vector<16xf32> to vector<1xf32>
      %squeeze3A_432 = vector.extract %slice3A_431[0] : f32 from vector<1xf32>
      %mul3A_433 = vector.broadcast %squeeze3A_432 : f32 to vector<16xf32>
      %mul3A_434 = arith.mulf %add3A_168, %mul3A_433 : vector<16xf32>
      %add3A_435 = arith.addf %mul3A_430, %mul3A_434 : vector<16xf32>
      %slice3A_436 = vector.extract_strided_slice %get3A_15 {offsets = [6], sizes = [1], strides = [1]} : vector<16xf32> to vector<1xf32>
      %squeeze3A_437 = vector.extract %slice3A_436[0] : f32 from vector<1xf32>
      %mul3A_438 = vector.broadcast %squeeze3A_437 : f32 to vector<16xf32>
      %mul3A_439 = arith.mulf %add3A_169, %mul3A_438 : vector<16xf32>
      %add3A_440 = arith.addf %add3A_435, %mul3A_439 : vector<16xf32>
      %slice3A_441 = vector.extract_strided_slice %get3A_19 {offsets = [6], sizes = [1], strides = [1]} : vector<16xf32> to vector<1xf32>
      %squeeze3A_442 = vector.extract %slice3A_441[0] : f32 from vector<1xf32>
      %mul3A_443 = vector.broadcast %squeeze3A_442 : f32 to vector<16xf32>
      %mul3A_444 = arith.mulf %add3A_170, %mul3A_443 : vector<16xf32>
      %add3A_445 = arith.addf %add3A_440, %mul3A_444 : vector<16xf32>
      %slice3A_446 = vector.extract_strided_slice %get3A_23 {offsets = [6], sizes = [1], strides = [1]} : vector<16xf32> to vector<1xf32>
      %squeeze3A_447 = vector.extract %slice3A_446[0] : f32 from vector<1xf32>
      %mul3A_448 = vector.broadcast %squeeze3A_447 : f32 to vector<16xf32>
      %mul3A_449 = arith.mulf %add3A_171, %mul3A_448 : vector<16xf32>
      %add3A_450 = arith.addf %add3A_445, %mul3A_449 : vector<16xf32>
      %slice3A_451 = vector.extract_strided_slice %get3A_27 {offsets = [6], sizes = [1], strides = [1]} : vector<16xf32> to vector<1xf32>
      %squeeze3A_452 = vector.extract %slice3A_451[0] : f32 from vector<1xf32>
      %mul3A_453 = vector.broadcast %squeeze3A_452 : f32 to vector<16xf32>
      %mul3A_454 = arith.mulf %add3A_172, %mul3A_453 : vector<16xf32>
      %add3A_455 = arith.addf %add3A_450, %mul3A_454 : vector<16xf32>
      %slice3A_456 = vector.extract_strided_slice %get3A_31 {offsets = [6], sizes = [1], strides = [1]} : vector<16xf32> to vector<1xf32>
      %squeeze3A_457 = vector.extract %slice3A_456[0] : f32 from vector<1xf32>
      %mul3A_458 = vector.broadcast %squeeze3A_457 : f32 to vector<16xf32>
      %mul3A_459 = arith.mulf %add3A_173, %mul3A_458 : vector<16xf32>
      %add3A_460 = arith.addf %add3A_455, %mul3A_459 : vector<16xf32>
      %slice3A_461 = vector.extract_strided_slice %get3A_35 {offsets = [6], sizes = [1], strides = [1]} : vector<16xf32> to vector<1xf32>
      %squeeze3A_462 = vector.extract %slice3A_461[0] : f32 from vector<1xf32>
      %mul3A_463 = vector.broadcast %squeeze3A_462 : f32 to vector<16xf32>
      %mul3A_464 = arith.mulf %add3A_174, %mul3A_463 : vector<16xf32>
      %add3A_465 = arith.addf %add3A_460, %mul3A_464 : vector<16xf32>
      %gather3A_466 = tpu.vector_load_idx %arg10[%add3A_86, %broadcast_in_dim3A_48] : memref<512x16xf32, #tpu.memory_space<vmem>>[vector<16xi32>, vector<16xi32>], vector<16xf32>,
      %mul3A_467 = arith.mulf %gather3A_466, %add3A_465 : vector<16xf32>
      %add3A_468 = arith.addf %add3A_426, %mul3A_467 : vector<16xf32>
      %slice3A_469 = vector.extract_strided_slice %get3A_7 {offsets = [7], sizes = [1], strides = [1]} : vector<16xf32> to vector<1xf32>
      %squeeze3A_470 = vector.extract %slice3A_469[0] : f32 from vector<1xf32>
      %mul3A_471 = vector.broadcast %squeeze3A_470 : f32 to vector<16xf32>
      %mul3A_472 = arith.mulf %add3A_167, %mul3A_471 : vector<16xf32>
      %slice3A_473 = vector.extract_strided_slice %get3A_11 {offsets = [7], sizes = [1], strides = [1]} : vector<16xf32> to vector<1xf32>
      %squeeze3A_474 = vector.extract %slice3A_473[0] : f32 from vector<1xf32>
      %mul3A_475 = vector.broadcast %squeeze3A_474 : f32 to vector<16xf32>
      %mul3A_476 = arith.mulf %add3A_168, %mul3A_475 : vector<16xf32>
      %add3A_477 = arith.addf %mul3A_472, %mul3A_476 : vector<16xf32>
      %slice3A_478 = vector.extract_strided_slice %get3A_15 {offsets = [7], sizes = [1], strides = [1]} : vector<16xf32> to vector<1xf32>
      %squeeze3A_479 = vector.extract %slice3A_478[0] : f32 from vector<1xf32>
      %mul3A_480 = vector.broadcast %squeeze3A_479 : f32 to vector<16xf32>
      %mul3A_481 = arith.mulf %add3A_169, %mul3A_480 : vector<16xf32>
      %add3A_482 = arith.addf %add3A_477, %mul3A_481 : vector<16xf32>
      %slice3A_483 = vector.extract_strided_slice %get3A_19 {offsets = [7], sizes = [1], strides = [1]} : vector<16xf32> to vector<1xf32>
      %squeeze3A_484 = vector.extract %slice3A_483[0] : f32 from vector<1xf32>
      %mul3A_485 = vector.broadcast %squeeze3A_484 : f32 to vector<16xf32>
      %mul3A_486 = arith.mulf %add3A_170, %mul3A_485 : vector<16xf32>
      %add3A_487 = arith.addf %add3A_482, %mul3A_486 : vector<16xf32>
      %slice3A_488 = vector.extract_strided_slice %get3A_23 {offsets = [7], sizes = [1], strides = [1]} : vector<16xf32> to vector<1xf32>
      %squeeze3A_489 = vector.extract %slice3A_488[0] : f32 from vector<1xf32>
      %mul3A_490 = vector.broadcast %squeeze3A_489 : f32 to vector<16xf32>
      %mul3A_491 = arith.mulf %add3A_171, %mul3A_490 : vector<16xf32>
      %add3A_492 = arith.addf %add3A_487, %mul3A_491 : vector<16xf32>
      %slice3A_493 = vector.extract_strided_slice %get3A_27 {offsets = [7], sizes = [1], strides = [1]} : vector<16xf32> to vector<1xf32>
      %squeeze3A_494 = vector.extract %slice3A_493[0] : f32 from vector<1xf32>
      %mul3A_495 = vector.broadcast %squeeze3A_494 : f32 to vector<16xf32>
      %mul3A_496 = arith.mulf %add3A_172, %mul3A_495 : vector<16xf32>
      %add3A_497 = arith.addf %add3A_492, %mul3A_496 : vector<16xf32>
      %slice3A_498 = vector.extract_strided_slice %get3A_31 {offsets = [7], sizes = [1], strides = [1]} : vector<16xf32> to vector<1xf32>
      %squeeze3A_499 = vector.extract %slice3A_498[0] : f32 from vector<1xf32>
      %mul3A_500 = vector.broadcast %squeeze3A_499 : f32 to vector<16xf32>
      %mul3A_501 = arith.mulf %add3A_173, %mul3A_500 : vector<16xf32>
      %add3A_502 = arith.addf %add3A_497, %mul3A_501 : vector<16xf32>
      %slice3A_503 = vector.extract_strided_slice %get3A_35 {offsets = [7], sizes = [1], strides = [1]} : vector<16xf32> to vector<1xf32>
      %squeeze3A_504 = vector.extract %slice3A_503[0] : f32 from vector<1xf32>
      %mul3A_505 = vector.broadcast %squeeze3A_504 : f32 to vector<16xf32>
      %mul3A_506 = arith.mulf %add3A_174, %mul3A_505 : vector<16xf32>
      %add3A_507 = arith.addf %add3A_502, %mul3A_506 : vector<16xf32>
      %gather3A_508 = tpu.vector_load_idx %arg10[%add3A_86, %broadcast_in_dim3A_50] : memref<512x16xf32, #tpu.memory_space<vmem>>[vector<16xi32>, vector<16xi32>], vector<16xf32>,
      %mul3A_509 = arith.mulf %gather3A_508, %add3A_507 : vector<16xf32>
      %add3A_510 = arith.addf %add3A_468, %mul3A_509 : vector<16xf32>
      %slice3A_511 = vector.extract_strided_slice %get3A_7 {offsets = [8], sizes = [1], strides = [1]} : vector<16xf32> to vector<1xf32>
      %squeeze3A_512 = vector.extract %slice3A_511[0] : f32 from vector<1xf32>
      %mul3A_513 = vector.broadcast %squeeze3A_512 : f32 to vector<16xf32>
      %mul3A_514 = arith.mulf %add3A_167, %mul3A_513 : vector<16xf32>
      %slice3A_515 = vector.extract_strided_slice %get3A_11 {offsets = [8], sizes = [1], strides = [1]} : vector<16xf32> to vector<1xf32>
      %squeeze3A_516 = vector.extract %slice3A_515[0] : f32 from vector<1xf32>
      %mul3A_517 = vector.broadcast %squeeze3A_516 : f32 to vector<16xf32>
      %mul3A_518 = arith.mulf %add3A_168, %mul3A_517 : vector<16xf32>
      %add3A_519 = arith.addf %mul3A_514, %mul3A_518 : vector<16xf32>
      %slice3A_520 = vector.extract_strided_slice %get3A_15 {offsets = [8], sizes = [1], strides = [1]} : vector<16xf32> to vector<1xf32>
      %squeeze3A_521 = vector.extract %slice3A_520[0] : f32 from vector<1xf32>
      %mul3A_522 = vector.broadcast %squeeze3A_521 : f32 to vector<16xf32>
      %mul3A_523 = arith.mulf %add3A_169, %mul3A_522 : vector<16xf32>
      %add3A_524 = arith.addf %add3A_519, %mul3A_523 : vector<16xf32>
      %slice3A_525 = vector.extract_strided_slice %get3A_19 {offsets = [8], sizes = [1], strides = [1]} : vector<16xf32> to vector<1xf32>
      %squeeze3A_526 = vector.extract %slice3A_525[0] : f32 from vector<1xf32>
      %mul3A_527 = vector.broadcast %squeeze3A_526 : f32 to vector<16xf32>
      %mul3A_528 = arith.mulf %add3A_170, %mul3A_527 : vector<16xf32>
      %add3A_529 = arith.addf %add3A_524, %mul3A_528 : vector<16xf32>
      %slice3A_530 = vector.extract_strided_slice %get3A_23 {offsets = [8], sizes = [1], strides = [1]} : vector<16xf32> to vector<1xf32>
      %squeeze3A_531 = vector.extract %slice3A_530[0] : f32 from vector<1xf32>
      %mul3A_532 = vector.broadcast %squeeze3A_531 : f32 to vector<16xf32>
      %mul3A_533 = arith.mulf %add3A_171, %mul3A_532 : vector<16xf32>
      %add3A_534 = arith.addf %add3A_529, %mul3A_533 : vector<16xf32>
      %slice3A_535 = vector.extract_strided_slice %get3A_27 {offsets = [8], sizes = [1], strides = [1]} : vector<16xf32> to vector<1xf32>
      %squeeze3A_536 = vector.extract %slice3A_535[0] : f32 from vector<1xf32>
      %mul3A_537 = vector.broadcast %squeeze3A_536 : f32 to vector<16xf32>
      %mul3A_538 = arith.mulf %add3A_172, %mul3A_537 : vector<16xf32>
      %add3A_539 = arith.addf %add3A_534, %mul3A_538 : vector<16xf32>
      %slice3A_540 = vector.extract_strided_slice %get3A_31 {offsets = [8], sizes = [1], strides = [1]} : vector<16xf32> to vector<1xf32>
      %squeeze3A_541 = vector.extract %slice3A_540[0] : f32 from vector<1xf32>
      %mul3A_542 = vector.broadcast %squeeze3A_541 : f32 to vector<16xf32>
      %mul3A_543 = arith.mulf %add3A_173, %mul3A_542 : vector<16xf32>
      %add3A_544 = arith.addf %add3A_539, %mul3A_543 : vector<16xf32>
      %slice3A_545 = vector.extract_strided_slice %get3A_35 {offsets = [8], sizes = [1], strides = [1]} : vector<16xf32> to vector<1xf32>
      %squeeze3A_546 = vector.extract %slice3A_545[0] : f32 from vector<1xf32>
      %mul3A_547 = vector.broadcast %squeeze3A_546 : f32 to vector<16xf32>
      %mul3A_548 = arith.mulf %add3A_174, %mul3A_547 : vector<16xf32>
      %add3A_549 = arith.addf %add3A_544, %mul3A_548 : vector<16xf32>
      %gather3A_550 = tpu.vector_load_idx %arg10[%add3A_86, %broadcast_in_dim3A_52] : memref<512x16xf32, #tpu.memory_space<vmem>>[vector<16xi32>, vector<16xi32>], vector<16xf32>,
      %mul3A_551 = arith.mulf %gather3A_550, %add3A_549 : vector<16xf32>
      %add3A_552 = arith.addf %add3A_510, %mul3A_551 : vector<16xf32>
      %slice3A_553 = vector.extract_strided_slice %get3A_7 {offsets = [9], sizes = [1], strides = [1]} : vector<16xf32> to vector<1xf32>
      %squeeze3A_554 = vector.extract %slice3A_553[0] : f32 from vector<1xf32>
      %mul3A_555 = vector.broadcast %squeeze3A_554 : f32 to vector<16xf32>
      %mul3A_556 = arith.mulf %add3A_167, %mul3A_555 : vector<16xf32>
      %slice3A_557 = vector.extract_strided_slice %get3A_11 {offsets = [9], sizes = [1], strides = [1]} : vector<16xf32> to vector<1xf32>
      %squeeze3A_558 = vector.extract %slice3A_557[0] : f32 from vector<1xf32>
      %mul3A_559 = vector.broadcast %squeeze3A_558 : f32 to vector<16xf32>
      %mul3A_560 = arith.mulf %add3A_168, %mul3A_559 : vector<16xf32>
      %add3A_561 = arith.addf %mul3A_556, %mul3A_560 : vector<16xf32>
      %slice3A_562 = vector.extract_strided_slice %get3A_15 {offsets = [9], sizes = [1], strides = [1]} : vector<16xf32> to vector<1xf32>
      %squeeze3A_563 = vector.extract %slice3A_562[0] : f32 from vector<1xf32>
      %mul3A_564 = vector.broadcast %squeeze3A_563 : f32 to vector<16xf32>
      %mul3A_565 = arith.mulf %add3A_169, %mul3A_564 : vector<16xf32>
      %add3A_566 = arith.addf %add3A_561, %mul3A_565 : vector<16xf32>
      %slice3A_567 = vector.extract_strided_slice %get3A_19 {offsets = [9], sizes = [1], strides = [1]} : vector<16xf32> to vector<1xf32>
      %squeeze3A_568 = vector.extract %slice3A_567[0] : f32 from vector<1xf32>
      %mul3A_569 = vector.broadcast %squeeze3A_568 : f32 to vector<16xf32>
      %mul3A_570 = arith.mulf %add3A_170, %mul3A_569 : vector<16xf32>
      %add3A_571 = arith.addf %add3A_566, %mul3A_570 : vector<16xf32>
      %slice3A_572 = vector.extract_strided_slice %get3A_23 {offsets = [9], sizes = [1], strides = [1]} : vector<16xf32> to vector<1xf32>
      %squeeze3A_573 = vector.extract %slice3A_572[0] : f32 from vector<1xf32>
      %mul3A_574 = vector.broadcast %squeeze3A_573 : f32 to vector<16xf32>
      %mul3A_575 = arith.mulf %add3A_171, %mul3A_574 : vector<16xf32>
      %add3A_576 = arith.addf %add3A_571, %mul3A_575 : vector<16xf32>
      %slice3A_577 = vector.extract_strided_slice %get3A_27 {offsets = [9], sizes = [1], strides = [1]} : vector<16xf32> to vector<1xf32>
      %squeeze3A_578 = vector.extract %slice3A_577[0] : f32 from vector<1xf32>
      %mul3A_579 = vector.broadcast %squeeze3A_578 : f32 to vector<16xf32>
      %mul3A_580 = arith.mulf %add3A_172, %mul3A_579 : vector<16xf32>
      %add3A_581 = arith.addf %add3A_576, %mul3A_580 : vector<16xf32>
      %slice3A_582 = vector.extract_strided_slice %get3A_31 {offsets = [9], sizes = [1], strides = [1]} : vector<16xf32> to vector<1xf32>
      %squeeze3A_583 = vector.extract %slice3A_582[0] : f32 from vector<1xf32>
      %mul3A_584 = vector.broadcast %squeeze3A_583 : f32 to vector<16xf32>
      %mul3A_585 = arith.mulf %add3A_173, %mul3A_584 : vector<16xf32>
      %add3A_586 = arith.addf %add3A_581, %mul3A_585 : vector<16xf32>
      %slice3A_587 = vector.extract_strided_slice %get3A_35 {offsets = [9], sizes = [1], strides = [1]} : vector<16xf32> to vector<1xf32>
      %squeeze3A_588 = vector.extract %slice3A_587[0] : f32 from vector<1xf32>
      %mul3A_589 = vector.broadcast %squeeze3A_588 : f32 to vector<16xf32>
      %mul3A_590 = arith.mulf %add3A_174, %mul3A_589 : vector<16xf32>
      %add3A_591 = arith.addf %add3A_586, %mul3A_590 : vector<16xf32>
      %gather3A_592 = tpu.vector_load_idx %arg10[%add3A_86, %broadcast_in_dim3A_54] : memref<512x16xf32, #tpu.memory_space<vmem>>[vector<16xi32>, vector<16xi32>], vector<16xf32>,
      %mul3A_593 = arith.mulf %gather3A_592, %add3A_591 : vector<16xf32>
      %add3A_594 = arith.addf %add3A_552, %mul3A_593 : vector<16xf32>
      %slice3A_595 = vector.extract_strided_slice %get3A_7 {offsets = [10], sizes = [1], strides = [1]} : vector<16xf32> to vector<1xf32>
      %squeeze3A_596 = vector.extract %slice3A_595[0] : f32 from vector<1xf32>
      %mul3A_597 = vector.broadcast %squeeze3A_596 : f32 to vector<16xf32>
      %mul3A_598 = arith.mulf %add3A_167, %mul3A_597 : vector<16xf32>
      %slice3A_599 = vector.extract_strided_slice %get3A_11 {offsets = [10], sizes = [1], strides = [1]} : vector<16xf32> to vector<1xf32>
      %squeeze3A_600 = vector.extract %slice3A_599[0] : f32 from vector<1xf32>
      %mul3A_601 = vector.broadcast %squeeze3A_600 : f32 to vector<16xf32>
      %mul3A_602 = arith.mulf %add3A_168, %mul3A_601 : vector<16xf32>
      %add3A_603 = arith.addf %mul3A_598, %mul3A_602 : vector<16xf32>
      %slice3A_604 = vector.extract_strided_slice %get3A_15 {offsets = [10], sizes = [1], strides = [1]} : vector<16xf32> to vector<1xf32>
      %squeeze3A_605 = vector.extract %slice3A_604[0] : f32 from vector<1xf32>
      %mul3A_606 = vector.broadcast %squeeze3A_605 : f32 to vector<16xf32>
      %mul3A_607 = arith.mulf %add3A_169, %mul3A_606 : vector<16xf32>
      %add3A_608 = arith.addf %add3A_603, %mul3A_607 : vector<16xf32>
      %slice3A_609 = vector.extract_strided_slice %get3A_19 {offsets = [10], sizes = [1], strides = [1]} : vector<16xf32> to vector<1xf32>
      %squeeze3A_610 = vector.extract %slice3A_609[0] : f32 from vector<1xf32>
      %mul3A_611 = vector.broadcast %squeeze3A_610 : f32 to vector<16xf32>
      %mul3A_612 = arith.mulf %add3A_170, %mul3A_611 : vector<16xf32>
      %add3A_613 = arith.addf %add3A_608, %mul3A_612 : vector<16xf32>
      %slice3A_614 = vector.extract_strided_slice %get3A_23 {offsets = [10], sizes = [1], strides = [1]} : vector<16xf32> to vector<1xf32>
      %squeeze3A_615 = vector.extract %slice3A_614[0] : f32 from vector<1xf32>
      %mul3A_616 = vector.broadcast %squeeze3A_615 : f32 to vector<16xf32>
      %mul3A_617 = arith.mulf %add3A_171, %mul3A_616 : vector<16xf32>
      %add3A_618 = arith.addf %add3A_613, %mul3A_617 : vector<16xf32>
      %slice3A_619 = vector.extract_strided_slice %get3A_27 {offsets = [10], sizes = [1], strides = [1]} : vector<16xf32> to vector<1xf32>
      %squeeze3A_620 = vector.extract %slice3A_619[0] : f32 from vector<1xf32>
      %mul3A_621 = vector.broadcast %squeeze3A_620 : f32 to vector<16xf32>
      %mul3A_622 = arith.mulf %add3A_172, %mul3A_621 : vector<16xf32>
      %add3A_623 = arith.addf %add3A_618, %mul3A_622 : vector<16xf32>
      %slice3A_624 = vector.extract_strided_slice %get3A_31 {offsets = [10], sizes = [1], strides = [1]} : vector<16xf32> to vector<1xf32>
      %squeeze3A_625 = vector.extract %slice3A_624[0] : f32 from vector<1xf32>
      %mul3A_626 = vector.broadcast %squeeze3A_625 : f32 to vector<16xf32>
      %mul3A_627 = arith.mulf %add3A_173, %mul3A_626 : vector<16xf32>
      %add3A_628 = arith.addf %add3A_623, %mul3A_627 : vector<16xf32>
      %slice3A_629 = vector.extract_strided_slice %get3A_35 {offsets = [10], sizes = [1], strides = [1]} : vector<16xf32> to vector<1xf32>
      %squeeze3A_630 = vector.extract %slice3A_629[0] : f32 from vector<1xf32>
      %mul3A_631 = vector.broadcast %squeeze3A_630 : f32 to vector<16xf32>
      %mul3A_632 = arith.mulf %add3A_174, %mul3A_631 : vector<16xf32>
      %add3A_633 = arith.addf %add3A_628, %mul3A_632 : vector<16xf32>
      %gather3A_634 = tpu.vector_load_idx %arg10[%add3A_86, %broadcast_in_dim3A_56] : memref<512x16xf32, #tpu.memory_space<vmem>>[vector<16xi32>, vector<16xi32>], vector<16xf32>,
      %mul3A_635 = arith.mulf %gather3A_634, %add3A_633 : vector<16xf32>
      %add3A_636 = arith.addf %add3A_594, %mul3A_635 : vector<16xf32>
      %slice3A_637 = vector.extract_strided_slice %get3A_7 {offsets = [11], sizes = [1], strides = [1]} : vector<16xf32> to vector<1xf32>
      %squeeze3A_638 = vector.extract %slice3A_637[0] : f32 from vector<1xf32>
      %mul3A_639 = vector.broadcast %squeeze3A_638 : f32 to vector<16xf32>
      %mul3A_640 = arith.mulf %add3A_167, %mul3A_639 : vector<16xf32>
      %slice3A_641 = vector.extract_strided_slice %get3A_11 {offsets = [11], sizes = [1], strides = [1]} : vector<16xf32> to vector<1xf32>
      %squeeze3A_642 = vector.extract %slice3A_641[0] : f32 from vector<1xf32>
      %mul3A_643 = vector.broadcast %squeeze3A_642 : f32 to vector<16xf32>
      %mul3A_644 = arith.mulf %add3A_168, %mul3A_643 : vector<16xf32>
      %add3A_645 = arith.addf %mul3A_640, %mul3A_644 : vector<16xf32>
      %slice3A_646 = vector.extract_strided_slice %get3A_15 {offsets = [11], sizes = [1], strides = [1]} : vector<16xf32> to vector<1xf32>
      %squeeze3A_647 = vector.extract %slice3A_646[0] : f32 from vector<1xf32>
      %mul3A_648 = vector.broadcast %squeeze3A_647 : f32 to vector<16xf32>
      %mul3A_649 = arith.mulf %add3A_169, %mul3A_648 : vector<16xf32>
      %add3A_650 = arith.addf %add3A_645, %mul3A_649 : vector<16xf32>
      %slice3A_651 = vector.extract_strided_slice %get3A_19 {offsets = [11], sizes = [1], strides = [1]} : vector<16xf32> to vector<1xf32>
      %squeeze3A_652 = vector.extract %slice3A_651[0] : f32 from vector<1xf32>
      %mul3A_653 = vector.broadcast %squeeze3A_652 : f32 to vector<16xf32>
      %mul3A_654 = arith.mulf %add3A_170, %mul3A_653 : vector<16xf32>
      %add3A_655 = arith.addf %add3A_650, %mul3A_654 : vector<16xf32>
      %slice3A_656 = vector.extract_strided_slice %get3A_23 {offsets = [11], sizes = [1], strides = [1]} : vector<16xf32> to vector<1xf32>
      %squeeze3A_657 = vector.extract %slice3A_656[0] : f32 from vector<1xf32>
      %mul3A_658 = vector.broadcast %squeeze3A_657 : f32 to vector<16xf32>
      %mul3A_659 = arith.mulf %add3A_171, %mul3A_658 : vector<16xf32>
      %add3A_660 = arith.addf %add3A_655, %mul3A_659 : vector<16xf32>
      %slice3A_661 = vector.extract_strided_slice %get3A_27 {offsets = [11], sizes = [1], strides = [1]} : vector<16xf32> to vector<1xf32>
      %squeeze3A_662 = vector.extract %slice3A_661[0] : f32 from vector<1xf32>
      %mul3A_663 = vector.broadcast %squeeze3A_662 : f32 to vector<16xf32>
      %mul3A_664 = arith.mulf %add3A_172, %mul3A_663 : vector<16xf32>
      %add3A_665 = arith.addf %add3A_660, %mul3A_664 : vector<16xf32>
      %slice3A_666 = vector.extract_strided_slice %get3A_31 {offsets = [11], sizes = [1], strides = [1]} : vector<16xf32> to vector<1xf32>
      %squeeze3A_667 = vector.extract %slice3A_666[0] : f32 from vector<1xf32>
      %mul3A_668 = vector.broadcast %squeeze3A_667 : f32 to vector<16xf32>
      %mul3A_669 = arith.mulf %add3A_173, %mul3A_668 : vector<16xf32>
      %add3A_670 = arith.addf %add3A_665, %mul3A_669 : vector<16xf32>
      %slice3A_671 = vector.extract_strided_slice %get3A_35 {offsets = [11], sizes = [1], strides = [1]} : vector<16xf32> to vector<1xf32>
      %squeeze3A_672 = vector.extract %slice3A_671[0] : f32 from vector<1xf32>
      %mul3A_673 = vector.broadcast %squeeze3A_672 : f32 to vector<16xf32>
      %mul3A_674 = arith.mulf %add3A_174, %mul3A_673 : vector<16xf32>
      %add3A_675 = arith.addf %add3A_670, %mul3A_674 : vector<16xf32>
      %gather3A_676 = tpu.vector_load_idx %arg10[%add3A_86, %broadcast_in_dim3A_58] : memref<512x16xf32, #tpu.memory_space<vmem>>[vector<16xi32>, vector<16xi32>], vector<16xf32>,
      %mul3A_677 = arith.mulf %gather3A_676, %add3A_675 : vector<16xf32>
      %add3A_678 = arith.addf %add3A_636, %mul3A_677 : vector<16xf32>
      %slice3A_679 = vector.extract_strided_slice %get3A_7 {offsets = [12], sizes = [1], strides = [1]} : vector<16xf32> to vector<1xf32>
      %squeeze3A_680 = vector.extract %slice3A_679[0] : f32 from vector<1xf32>
      %mul3A_681 = vector.broadcast %squeeze3A_680 : f32 to vector<16xf32>
      %mul3A_682 = arith.mulf %add3A_167, %mul3A_681 : vector<16xf32>
      %slice3A_683 = vector.extract_strided_slice %get3A_11 {offsets = [12], sizes = [1], strides = [1]} : vector<16xf32> to vector<1xf32>
      %squeeze3A_684 = vector.extract %slice3A_683[0] : f32 from vector<1xf32>
      %mul3A_685 = vector.broadcast %squeeze3A_684 : f32 to vector<16xf32>
      %mul3A_686 = arith.mulf %add3A_168, %mul3A_685 : vector<16xf32>
      %add3A_687 = arith.addf %mul3A_682, %mul3A_686 : vector<16xf32>
      %slice3A_688 = vector.extract_strided_slice %get3A_15 {offsets = [12], sizes = [1], strides = [1]} : vector<16xf32> to vector<1xf32>
      %squeeze3A_689 = vector.extract %slice3A_688[0] : f32 from vector<1xf32>
      %mul3A_690 = vector.broadcast %squeeze3A_689 : f32 to vector<16xf32>
      %mul3A_691 = arith.mulf %add3A_169, %mul3A_690 : vector<16xf32>
      %add3A_692 = arith.addf %add3A_687, %mul3A_691 : vector<16xf32>
      %slice3A_693 = vector.extract_strided_slice %get3A_19 {offsets = [12], sizes = [1], strides = [1]} : vector<16xf32> to vector<1xf32>
      %squeeze3A_694 = vector.extract %slice3A_693[0] : f32 from vector<1xf32>
      %mul3A_695 = vector.broadcast %squeeze3A_694 : f32 to vector<16xf32>
      %mul3A_696 = arith.mulf %add3A_170, %mul3A_695 : vector<16xf32>
      %add3A_697 = arith.addf %add3A_692, %mul3A_696 : vector<16xf32>
      %slice3A_698 = vector.extract_strided_slice %get3A_23 {offsets = [12], sizes = [1], strides = [1]} : vector<16xf32> to vector<1xf32>
      %squeeze3A_699 = vector.extract %slice3A_698[0] : f32 from vector<1xf32>
      %mul3A_700 = vector.broadcast %squeeze3A_699 : f32 to vector<16xf32>
      %mul3A_701 = arith.mulf %add3A_171, %mul3A_700 : vector<16xf32>
      %add3A_702 = arith.addf %add3A_697, %mul3A_701 : vector<16xf32>
      %slice3A_703 = vector.extract_strided_slice %get3A_27 {offsets = [12], sizes = [1], strides = [1]} : vector<16xf32> to vector<1xf32>
      %squeeze3A_704 = vector.extract %slice3A_703[0] : f32 from vector<1xf32>
      %mul3A_705 = vector.broadcast %squeeze3A_704 : f32 to vector<16xf32>
      %mul3A_706 = arith.mulf %add3A_172, %mul3A_705 : vector<16xf32>
      %add3A_707 = arith.addf %add3A_702, %mul3A_706 : vector<16xf32>
      %slice3A_708 = vector.extract_strided_slice %get3A_31 {offsets = [12], sizes = [1], strides = [1]} : vector<16xf32> to vector<1xf32>
      %squeeze3A_709 = vector.extract %slice3A_708[0] : f32 from vector<1xf32>
      %mul3A_710 = vector.broadcast %squeeze3A_709 : f32 to vector<16xf32>
      %mul3A_711 = arith.mulf %add3A_173, %mul3A_710 : vector<16xf32>
      %add3A_712 = arith.addf %add3A_707, %mul3A_711 : vector<16xf32>
      %slice3A_713 = vector.extract_strided_slice %get3A_35 {offsets = [12], sizes = [1], strides = [1]} : vector<16xf32> to vector<1xf32>
      %squeeze3A_714 = vector.extract %slice3A_713[0] : f32 from vector<1xf32>
      %mul3A_715 = vector.broadcast %squeeze3A_714 : f32 to vector<16xf32>
      %mul3A_716 = arith.mulf %add3A_174, %mul3A_715 : vector<16xf32>
      %add3A_717 = arith.addf %add3A_712, %mul3A_716 : vector<16xf32>
      %gather3A_718 = tpu.vector_load_idx %arg10[%add3A_86, %broadcast_in_dim3A_60] : memref<512x16xf32, #tpu.memory_space<vmem>>[vector<16xi32>, vector<16xi32>], vector<16xf32>,
      %mul3A_719 = arith.mulf %gather3A_718, %add3A_717 : vector<16xf32>
      %add3A_720 = arith.addf %add3A_678, %mul3A_719 : vector<16xf32>
      %slice3A_721 = vector.extract_strided_slice %get3A_7 {offsets = [13], sizes = [1], strides = [1]} : vector<16xf32> to vector<1xf32>
      %squeeze3A_722 = vector.extract %slice3A_721[0] : f32 from vector<1xf32>
      %mul3A_723 = vector.broadcast %squeeze3A_722 : f32 to vector<16xf32>
      %mul3A_724 = arith.mulf %add3A_167, %mul3A_723 : vector<16xf32>
      %slice3A_725 = vector.extract_strided_slice %get3A_11 {offsets = [13], sizes = [1], strides = [1]} : vector<16xf32> to vector<1xf32>
      %squeeze3A_726 = vector.extract %slice3A_725[0] : f32 from vector<1xf32>
      %mul3A_727 = vector.broadcast %squeeze3A_726 : f32 to vector<16xf32>
      %mul3A_728 = arith.mulf %add3A_168, %mul3A_727 : vector<16xf32>
      %add3A_729 = arith.addf %mul3A_724, %mul3A_728 : vector<16xf32>
      %slice3A_730 = vector.extract_strided_slice %get3A_15 {offsets = [13], sizes = [1], strides = [1]} : vector<16xf32> to vector<1xf32>
      %squeeze3A_731 = vector.extract %slice3A_730[0] : f32 from vector<1xf32>
      %mul3A_732 = vector.broadcast %squeeze3A_731 : f32 to vector<16xf32>
      %mul3A_733 = arith.mulf %add3A_169, %mul3A_732 : vector<16xf32>
      %add3A_734 = arith.addf %add3A_729, %mul3A_733 : vector<16xf32>
      %slice3A_735 = vector.extract_strided_slice %get3A_19 {offsets = [13], sizes = [1], strides = [1]} : vector<16xf32> to vector<1xf32>
      %squeeze3A_736 = vector.extract %slice3A_735[0] : f32 from vector<1xf32>
      %mul3A_737 = vector.broadcast %squeeze3A_736 : f32 to vector<16xf32>
      %mul3A_738 = arith.mulf %add3A_170, %mul3A_737 : vector<16xf32>
      %add3A_739 = arith.addf %add3A_734, %mul3A_738 : vector<16xf32>
      %slice3A_740 = vector.extract_strided_slice %get3A_23 {offsets = [13], sizes = [1], strides = [1]} : vector<16xf32> to vector<1xf32>
      %squeeze3A_741 = vector.extract %slice3A_740[0] : f32 from vector<1xf32>
      %mul3A_742 = vector.broadcast %squeeze3A_741 : f32 to vector<16xf32>
      %mul3A_743 = arith.mulf %add3A_171, %mul3A_742 : vector<16xf32>
      %add3A_744 = arith.addf %add3A_739, %mul3A_743 : vector<16xf32>
      %slice3A_745 = vector.extract_strided_slice %get3A_27 {offsets = [13], sizes = [1], strides = [1]} : vector<16xf32> to vector<1xf32>
      %squeeze3A_746 = vector.extract %slice3A_745[0] : f32 from vector<1xf32>
      %mul3A_747 = vector.broadcast %squeeze3A_746 : f32 to vector<16xf32>
      %mul3A_748 = arith.mulf %add3A_172, %mul3A_747 : vector<16xf32>
      %add3A_749 = arith.addf %add3A_744, %mul3A_748 : vector<16xf32>
      %slice3A_750 = vector.extract_strided_slice %get3A_31 {offsets = [13], sizes = [1], strides = [1]} : vector<16xf32> to vector<1xf32>
      %squeeze3A_751 = vector.extract %slice3A_750[0] : f32 from vector<1xf32>
      %mul3A_752 = vector.broadcast %squeeze3A_751 : f32 to vector<16xf32>
      %mul3A_753 = arith.mulf %add3A_173, %mul3A_752 : vector<16xf32>
      %add3A_754 = arith.addf %add3A_749, %mul3A_753 : vector<16xf32>
      %slice3A_755 = vector.extract_strided_slice %get3A_35 {offsets = [13], sizes = [1], strides = [1]} : vector<16xf32> to vector<1xf32>
      %squeeze3A_756 = vector.extract %slice3A_755[0] : f32 from vector<1xf32>
      %mul3A_757 = vector.broadcast %squeeze3A_756 : f32 to vector<16xf32>
      %mul3A_758 = arith.mulf %add3A_174, %mul3A_757 : vector<16xf32>
      %add3A_759 = arith.addf %add3A_754, %mul3A_758 : vector<16xf32>
      %gather3A_760 = tpu.vector_load_idx %arg10[%add3A_86, %broadcast_in_dim3A_62] : memref<512x16xf32, #tpu.memory_space<vmem>>[vector<16xi32>, vector<16xi32>], vector<16xf32>,
      %mul3A_761 = arith.mulf %gather3A_760, %add3A_759 : vector<16xf32>
      %add3A_762 = arith.addf %add3A_720, %mul3A_761 : vector<16xf32>
      %slice3A_763 = vector.extract_strided_slice %get3A_7 {offsets = [14], sizes = [1], strides = [1]} : vector<16xf32> to vector<1xf32>
      %squeeze3A_764 = vector.extract %slice3A_763[0] : f32 from vector<1xf32>
      %mul3A_765 = vector.broadcast %squeeze3A_764 : f32 to vector<16xf32>
      %mul3A_766 = arith.mulf %add3A_167, %mul3A_765 : vector<16xf32>
      %slice3A_767 = vector.extract_strided_slice %get3A_11 {offsets = [14], sizes = [1], strides = [1]} : vector<16xf32> to vector<1xf32>
      %squeeze3A_768 = vector.extract %slice3A_767[0] : f32 from vector<1xf32>
      %mul3A_769 = vector.broadcast %squeeze3A_768 : f32 to vector<16xf32>
      %mul3A_770 = arith.mulf %add3A_168, %mul3A_769 : vector<16xf32>
      %add3A_771 = arith.addf %mul3A_766, %mul3A_770 : vector<16xf32>
      %slice3A_772 = vector.extract_strided_slice %get3A_15 {offsets = [14], sizes = [1], strides = [1]} : vector<16xf32> to vector<1xf32>
      %squeeze3A_773 = vector.extract %slice3A_772[0] : f32 from vector<1xf32>
      %mul3A_774 = vector.broadcast %squeeze3A_773 : f32 to vector<16xf32>
      %mul3A_775 = arith.mulf %add3A_169, %mul3A_774 : vector<16xf32>
      %add3A_776 = arith.addf %add3A_771, %mul3A_775 : vector<16xf32>
      %slice3A_777 = vector.extract_strided_slice %get3A_19 {offsets = [14], sizes = [1], strides = [1]} : vector<16xf32> to vector<1xf32>
      %squeeze3A_778 = vector.extract %slice3A_777[0] : f32 from vector<1xf32>
      %mul3A_779 = vector.broadcast %squeeze3A_778 : f32 to vector<16xf32>
      %mul3A_780 = arith.mulf %add3A_170, %mul3A_779 : vector<16xf32>
      %add3A_781 = arith.addf %add3A_776, %mul3A_780 : vector<16xf32>
      %slice3A_782 = vector.extract_strided_slice %get3A_23 {offsets = [14], sizes = [1], strides = [1]} : vector<16xf32> to vector<1xf32>
      %squeeze3A_783 = vector.extract %slice3A_782[0] : f32 from vector<1xf32>
      %mul3A_784 = vector.broadcast %squeeze3A_783 : f32 to vector<16xf32>
      %mul3A_785 = arith.mulf %add3A_171, %mul3A_784 : vector<16xf32>
      %add3A_786 = arith.addf %add3A_781, %mul3A_785 : vector<16xf32>
      %slice3A_787 = vector.extract_strided_slice %get3A_27 {offsets = [14], sizes = [1], strides = [1]} : vector<16xf32> to vector<1xf32>
      %squeeze3A_788 = vector.extract %slice3A_787[0] : f32 from vector<1xf32>
      %mul3A_789 = vector.broadcast %squeeze3A_788 : f32 to vector<16xf32>
      %mul3A_790 = arith.mulf %add3A_172, %mul3A_789 : vector<16xf32>
      %add3A_791 = arith.addf %add3A_786, %mul3A_790 : vector<16xf32>
      %slice3A_792 = vector.extract_strided_slice %get3A_31 {offsets = [14], sizes = [1], strides = [1]} : vector<16xf32> to vector<1xf32>
      %squeeze3A_793 = vector.extract %slice3A_792[0] : f32 from vector<1xf32>
      %mul3A_794 = vector.broadcast %squeeze3A_793 : f32 to vector<16xf32>
      %mul3A_795 = arith.mulf %add3A_173, %mul3A_794 : vector<16xf32>
      %add3A_796 = arith.addf %add3A_791, %mul3A_795 : vector<16xf32>
      %slice3A_797 = vector.extract_strided_slice %get3A_35 {offsets = [14], sizes = [1], strides = [1]} : vector<16xf32> to vector<1xf32>
      %squeeze3A_798 = vector.extract %slice3A_797[0] : f32 from vector<1xf32>
      %mul3A_799 = vector.broadcast %squeeze3A_798 : f32 to vector<16xf32>
      %mul3A_800 = arith.mulf %add3A_174, %mul3A_799 : vector<16xf32>
      %add3A_801 = arith.addf %add3A_796, %mul3A_800 : vector<16xf32>
      %gather3A_802 = tpu.vector_load_idx %arg10[%add3A_86, %broadcast_in_dim3A_64] : memref<512x16xf32, #tpu.memory_space<vmem>>[vector<16xi32>, vector<16xi32>], vector<16xf32>,
      %mul3A_803 = arith.mulf %gather3A_802, %add3A_801 : vector<16xf32>
      %add3A_804 = arith.addf %add3A_762, %mul3A_803 : vector<16xf32>
      %slice3A_805 = vector.extract_strided_slice %get3A_7 {offsets = [15], sizes = [1], strides = [1]} : vector<16xf32> to vector<1xf32>
      %squeeze3A_806 = vector.extract %slice3A_805[0] : f32 from vector<1xf32>
      %mul3A_807 = vector.broadcast %squeeze3A_806 : f32 to vector<16xf32>
      %mul3A_808 = arith.mulf %add3A_167, %mul3A_807 : vector<16xf32>
      %slice3A_809 = vector.extract_strided_slice %get3A_11 {offsets = [15], sizes = [1], strides = [1]} : vector<16xf32> to vector<1xf32>
      %squeeze3A_810 = vector.extract %slice3A_809[0] : f32 from vector<1xf32>
      %mul3A_811 = vector.broadcast %squeeze3A_810 : f32 to vector<16xf32>
      %mul3A_812 = arith.mulf %add3A_168, %mul3A_811 : vector<16xf32>
      %add3A_813 = arith.addf %mul3A_808, %mul3A_812 : vector<16xf32>
      %slice3A_814 = vector.extract_strided_slice %get3A_15 {offsets = [15], sizes = [1], strides = [1]} : vector<16xf32> to vector<1xf32>
      %squeeze3A_815 = vector.extract %slice3A_814[0] : f32 from vector<1xf32>
      %mul3A_816 = vector.broadcast %squeeze3A_815 : f32 to vector<16xf32>
      %mul3A_817 = arith.mulf %add3A_169, %mul3A_816 : vector<16xf32>
      %add3A_818 = arith.addf %add3A_813, %mul3A_817 : vector<16xf32>
      %slice3A_819 = vector.extract_strided_slice %get3A_19 {offsets = [15], sizes = [1], strides = [1]} : vector<16xf32> to vector<1xf32>
      %squeeze3A_820 = vector.extract %slice3A_819[0] : f32 from vector<1xf32>
      %mul3A_821 = vector.broadcast %squeeze3A_820 : f32 to vector<16xf32>
      %mul3A_822 = arith.mulf %add3A_170, %mul3A_821 : vector<16xf32>
      %add3A_823 = arith.addf %add3A_818, %mul3A_822 : vector<16xf32>
      %slice3A_824 = vector.extract_strided_slice %get3A_23 {offsets = [15], sizes = [1], strides = [1]} : vector<16xf32> to vector<1xf32>
      %squeeze3A_825 = vector.extract %slice3A_824[0] : f32 from vector<1xf32>
      %mul3A_826 = vector.broadcast %squeeze3A_825 : f32 to vector<16xf32>
      %mul3A_827 = arith.mulf %add3A_171, %mul3A_826 : vector<16xf32>
      %add3A_828 = arith.addf %add3A_823, %mul3A_827 : vector<16xf32>
      %slice3A_829 = vector.extract_strided_slice %get3A_27 {offsets = [15], sizes = [1], strides = [1]} : vector<16xf32> to vector<1xf32>
      %squeeze3A_830 = vector.extract %slice3A_829[0] : f32 from vector<1xf32>
      %mul3A_831 = vector.broadcast %squeeze3A_830 : f32 to vector<16xf32>
      %mul3A_832 = arith.mulf %add3A_172, %mul3A_831 : vector<16xf32>
      %add3A_833 = arith.addf %add3A_828, %mul3A_832 : vector<16xf32>
      %slice3A_834 = vector.extract_strided_slice %get3A_31 {offsets = [15], sizes = [1], strides = [1]} : vector<16xf32> to vector<1xf32>
      %squeeze3A_835 = vector.extract %slice3A_834[0] : f32 from vector<1xf32>
      %mul3A_836 = vector.broadcast %squeeze3A_835 : f32 to vector<16xf32>
      %mul3A_837 = arith.mulf %add3A_173, %mul3A_836 : vector<16xf32>
      %add3A_838 = arith.addf %add3A_833, %mul3A_837 : vector<16xf32>
      %slice3A_839 = vector.extract_strided_slice %get3A_35 {offsets = [15], sizes = [1], strides = [1]} : vector<16xf32> to vector<1xf32>
      %squeeze3A_840 = vector.extract %slice3A_839[0] : f32 from vector<1xf32>
      %mul3A_841 = vector.broadcast %squeeze3A_840 : f32 to vector<16xf32>
      %mul3A_842 = arith.mulf %add3A_174, %mul3A_841 : vector<16xf32>
      %add3A_843 = arith.addf %add3A_838, %mul3A_842 : vector<16xf32>
      %gather3A_844 = tpu.vector_load_idx %arg10[%add3A_86, %broadcast_in_dim3A_66] : memref<512x16xf32, #tpu.memory_space<vmem>>[vector<16xi32>, vector<16xi32>], vector<16xf32>,
      %mul3A_845 = arith.mulf %gather3A_844, %add3A_843 : vector<16xf32>
      %add3A_846 = arith.addf %add3A_804, %mul3A_845 : vector<16xf32>
      %mul3A_847 = arith.mulf %add3A_846, %min3A_166 : vector<16xf32>
      %neg3A = arith.constant 0.000000e+00 : f32
      %neg3A_848 = vector.broadcast %neg3A : f32 to vector<16xf32>
      %neg3A_849 = arith.subf %neg3A_848, %mul3A_847 : vector<16xf32>
      %exp3A = math.exp %neg3A_849 : vector<16xf32>
      %add3A_850 = arith.constant 1.000000e+00 : f32
      %add3A_851 = vector.broadcast %add3A_850 : f32 to vector<16xf32>
      %add3A_852 = arith.addf %add3A_851, %exp3A : vector<16xf32>
      %div3A = arith.constant 1.000000e+00 : f32
      %div3A_853 = vector.broadcast %div3A : f32 to vector<16xf32>
      %div3A_854 = arith.divf %div3A_853, %add3A_852 : vector<16xf32>
      %mul3A_855 = arith.constant 16 : i32
      %mul3A_856 = arith.muli %scan3A_81, %mul3A_855 : i32
      %swap3A = arith.index_cast %mul3A_856 : i32 to index
      %swap3A_857 = tpu.vector_load %arg13[%swap3A] {strides = array<i32>} : memref<512xf32, #tpu.memory_space<vmem>>, vector<16xf32>,
      tpu.vector_store %arg13[%swap3A], %div3A_854 {strides = array<i32>} : memref<512xf32, #tpu.memory_space<vmem>>, vector<16xf32>,
      %scan3A_858 = arith.constant 0 : i32
      scf.yield %scan3A_858 : i32
    }
    %scan3A_78 = arith.constant 32 : i32
    %mul3A_79 = arith.constant 512 : i32
    %mul3A_80 = arith.muli %add3A, %mul3A_79 : i32
    "tpu.region"() ({
      %run_scoped3A = tpu.sem_alloc : memref<!tpu.dma_semaphore, #tpu.memory_space<semaphore_mem>>
      %dma_start3A_81 = tpu.memref_slice %arg7[%mul3A_80] : memref<16384xf32, #tpu.memory_space<hbm>> -> memref<512xf32, #tpu.memory_space<hbm>>
      %dma_start3A_82 = tpu.memref_slice %arg7[%mul3A_80] : memref<16384xf32, #tpu.memory_space<hbm>> -> memref<512xf32, #tpu.memory_space<hbm>>
      tpu.enqueue_dma source(%arg13 : memref<512xf32, #tpu.memory_space<vmem>>) target(%dma_start3A_82 : memref<512xf32, #tpu.memory_space<hbm>>) target_semaphore(%run_scoped3A : memref<!tpu.dma_semaphore, #tpu.memory_space<semaphore_mem>>)
      %dma_wait3A_83 = tpu.memref_slice %arg7[%mul3A_80] : memref<16384xf32, #tpu.memory_space<hbm>> -> memref<512xf32, #tpu.memory_space<hbm>>
      %dma_wait3A_84 = tpu.memref_slice %arg7[%mul3A_80] : memref<16384xf32, #tpu.memory_space<hbm>> -> memref<512xf32, #tpu.memory_space<hbm>>
      tpu.wait_dma2 semaphore(%run_scoped3A : memref<!tpu.dma_semaphore, #tpu.memory_space<semaphore_mem>>) src(%arg13 : memref<512xf32, #tpu.memory_space<vmem>>) dst(%dma_wait3A_84 : memref<512xf32, #tpu.memory_space<hbm>>)
      tpu.yield
    }) : () -> ()
    return
  }
}

#map = affine_map<(d0, d1) -> (0, 0)>
module attributes {stable_mosaic.version = 14 : i64} {
  func.func @_body_a(%arg0: i32, %arg1: i32, %arg2: memref<32x25600xi32, #tpu.memory_space<hbm>>, %arg3: memref<32x512xi32, #tpu.memory_space<hbm>>, %arg4: memref<1007616x16xf32, #tpu.memory_space<hbm>>, %arg5: memref<8x16xf32, #tpu.memory_space<hbm>>, %arg6: memref<1x16xf32, #tpu.memory_space<hbm>>, %arg7: memref<16384x16xf32, #tpu.memory_space<hbm>>, %arg8: memref<25600xi32, #tpu.memory_space<vmem>>, %arg9: memref<1600x16xf32, #tpu.memory_space<vmem>>, %arg10: memref<1600x16xf32, #tpu.memory_space<vmem>>, %arg11: memref<512xi32, #tpu.memory_space<vmem>>, %arg12: memref<512x16xf32, #tpu.memory_space<vmem>>, %arg13: memref<8x16xf32, #tpu.memory_space<vmem>>, %arg14: memref<1x16xf32, #tpu.memory_space<vmem>>, %arg15: memref<512x16xf32, #tpu.memory_space<vmem>>, %arg16: memref<!tpu.dma_semaphore, #tpu.memory_space<semaphore_mem>>, %arg17: memref<!tpu.dma_semaphore, #tpu.memory_space<semaphore_mem>>) attributes {dimension_semantics = [#tpu.dimension_semantics<core_parallel>, #tpu.dimension_semantics<subcore_parallel>], iteration_bounds = array<i64: 2, 16>, scalar_prefetch = 0 : i64, scratch_operands = 10 : i64, tpu.core_type = #tpu.core_type<sc_vector_subcore>, window_params = [{transform_indices = #map}, {transform_indices = #map}, {transform_indices = #map}, {transform_indices = #map}, {transform_indices = #map}, {transform_indices = #map}]} {
    %mul3A = arith.constant 2 : i32
    %mul3A_0 = arith.muli %arg1, %mul3A : i32
    %add3A = arith.addi %mul3A_0, %arg0 : i32
    "tpu.region"() ({
      %run_scoped3A = tpu.sem_alloc : memref<!tpu.dma_semaphore, #tpu.memory_space<semaphore_mem>>
      tpu.enqueue_dma source(%arg5 : memref<8x16xf32, #tpu.memory_space<hbm>>) target(%arg13 : memref<8x16xf32, #tpu.memory_space<vmem>>) target_semaphore(%run_scoped3A : memref<!tpu.dma_semaphore, #tpu.memory_space<semaphore_mem>>)
      tpu.wait_dma2 semaphore(%run_scoped3A : memref<!tpu.dma_semaphore, #tpu.memory_space<semaphore_mem>>) src(%arg5 : memref<8x16xf32, #tpu.memory_space<hbm>>) dst(%arg13 : memref<8x16xf32, #tpu.memory_space<vmem>>)
      tpu.yield
    }) : () -> ()
    "tpu.region"() ({
      %run_scoped3A = tpu.sem_alloc : memref<!tpu.dma_semaphore, #tpu.memory_space<semaphore_mem>>
      tpu.enqueue_dma source(%arg6 : memref<1x16xf32, #tpu.memory_space<hbm>>) target(%arg14 : memref<1x16xf32, #tpu.memory_space<vmem>>) target_semaphore(%run_scoped3A : memref<!tpu.dma_semaphore, #tpu.memory_space<semaphore_mem>>)
      tpu.wait_dma2 semaphore(%run_scoped3A : memref<!tpu.dma_semaphore, #tpu.memory_space<semaphore_mem>>) src(%arg6 : memref<1x16xf32, #tpu.memory_space<hbm>>) dst(%arg14 : memref<1x16xf32, #tpu.memory_space<vmem>>)
      tpu.yield
    }) : () -> ()
    %get3A = arith.constant 0 : i32
    %get3A_1 = arith.index_cast %get3A : i32 to index
    %get3A_2 = arith.constant 0 : index
    %get3A_3 = tpu.vector_load %arg14[%get3A_1, %get3A_2] {strides = array<i32>} : memref<1x16xf32, #tpu.memory_space<vmem>>, vector<16xf32>,
    %get3A_4 = arith.constant 0 : i32
    %get3A_5 = arith.index_cast %get3A_4 : i32 to index
    %get3A_6 = arith.constant 0 : index
    %get3A_7 = tpu.vector_load %arg13[%get3A_5, %get3A_6] {strides = array<i32>} : memref<8x16xf32, #tpu.memory_space<vmem>>, vector<16xf32>,
    %get3A_8 = arith.constant 1 : i32
    %get3A_9 = arith.index_cast %get3A_8 : i32 to index
    %get3A_10 = arith.constant 0 : index
    %get3A_11 = tpu.vector_load %arg13[%get3A_9, %get3A_10] {strides = array<i32>} : memref<8x16xf32, #tpu.memory_space<vmem>>, vector<16xf32>,
    %get3A_12 = arith.constant 2 : i32
    %get3A_13 = arith.index_cast %get3A_12 : i32 to index
    %get3A_14 = arith.constant 0 : index
    %get3A_15 = tpu.vector_load %arg13[%get3A_13, %get3A_14] {strides = array<i32>} : memref<8x16xf32, #tpu.memory_space<vmem>>, vector<16xf32>,
    %get3A_16 = arith.constant 3 : i32
    %get3A_17 = arith.index_cast %get3A_16 : i32 to index
    %get3A_18 = arith.constant 0 : index
    %get3A_19 = tpu.vector_load %arg13[%get3A_17, %get3A_18] {strides = array<i32>} : memref<8x16xf32, #tpu.memory_space<vmem>>, vector<16xf32>,
    %get3A_20 = arith.constant 4 : i32
    %get3A_21 = arith.index_cast %get3A_20 : i32 to index
    %get3A_22 = arith.constant 0 : index
    %get3A_23 = tpu.vector_load %arg13[%get3A_21, %get3A_22] {strides = array<i32>} : memref<8x16xf32, #tpu.memory_space<vmem>>, vector<16xf32>,
    %get3A_24 = arith.constant 5 : i32
    %get3A_25 = arith.index_cast %get3A_24 : i32 to index
    %get3A_26 = arith.constant 0 : index
    %get3A_27 = tpu.vector_load %arg13[%get3A_25, %get3A_26] {strides = array<i32>} : memref<8x16xf32, #tpu.memory_space<vmem>>, vector<16xf32>,
    %get3A_28 = arith.constant 6 : i32
    %get3A_29 = arith.index_cast %get3A_28 : i32 to index
    %get3A_30 = arith.constant 0 : index
    %get3A_31 = tpu.vector_load %arg13[%get3A_29, %get3A_30] {strides = array<i32>} : memref<8x16xf32, #tpu.memory_space<vmem>>, vector<16xf32>,
    %get3A_32 = arith.constant 7 : i32
    %get3A_33 = arith.index_cast %get3A_32 : i32 to index
    %get3A_34 = arith.constant 0 : index
    %get3A_35 = tpu.vector_load %arg13[%get3A_33, %get3A_34] {strides = array<i32>} : memref<8x16xf32, #tpu.memory_space<vmem>>, vector<16xf32>,
    %broadcast_in_dim3A = arith.constant 0.000000e+00 : f32
    %broadcast_in_dim3A_36 = vector.broadcast %broadcast_in_dim3A : f32 to vector<16xf32>
    %broadcast_in_dim3A_37 = arith.constant 0.000000e+00 : f32
    %broadcast_in_dim3A_38 = vector.broadcast %broadcast_in_dim3A_37 : f32 to vector<16xf32>
    %slice3A = vector.extract_strided_slice %get3A_3 {offsets = [0], sizes = [1], strides = [1]} : vector<16xf32> to vector<1xf32>
    %squeeze3A = vector.extract %slice3A[0] : f32 from vector<1xf32>
    %mul3A_39 = vector.broadcast %squeeze3A : f32 to vector<16xf32>
    %mul3A_40 = arith.mulf %get3A_7, %mul3A_39 : vector<16xf32>
    %add3A_41 = arith.addf %broadcast_in_dim3A_36, %mul3A_40 : vector<16xf32>
    %slice3A_42 = vector.extract_strided_slice %get3A_3 {offsets = [8], sizes = [1], strides = [1]} : vector<16xf32> to vector<1xf32>
    %squeeze3A_43 = vector.extract %slice3A_42[0] : f32 from vector<1xf32>
    %mul3A_44 = vector.broadcast %squeeze3A_43 : f32 to vector<16xf32>
    %mul3A_45 = arith.mulf %get3A_7, %mul3A_44 : vector<16xf32>
    %add3A_46 = arith.addf %broadcast_in_dim3A_38, %mul3A_45 : vector<16xf32>
    %slice3A_47 = vector.extract_strided_slice %get3A_3 {offsets = [1], sizes = [1], strides = [1]} : vector<16xf32> to vector<1xf32>
    %squeeze3A_48 = vector.extract %slice3A_47[0] : f32 from vector<1xf32>
    %mul3A_49 = vector.broadcast %squeeze3A_48 : f32 to vector<16xf32>
    %mul3A_50 = arith.mulf %get3A_11, %mul3A_49 : vector<16xf32>
    %add3A_51 = arith.addf %add3A_41, %mul3A_50 : vector<16xf32>
    %slice3A_52 = vector.extract_strided_slice %get3A_3 {offsets = [9], sizes = [1], strides = [1]} : vector<16xf32> to vector<1xf32>
    %squeeze3A_53 = vector.extract %slice3A_52[0] : f32 from vector<1xf32>
    %mul3A_54 = vector.broadcast %squeeze3A_53 : f32 to vector<16xf32>
    %mul3A_55 = arith.mulf %get3A_11, %mul3A_54 : vector<16xf32>
    %add3A_56 = arith.addf %add3A_46, %mul3A_55 : vector<16xf32>
    %slice3A_57 = vector.extract_strided_slice %get3A_3 {offsets = [2], sizes = [1], strides = [1]} : vector<16xf32> to vector<1xf32>
    %squeeze3A_58 = vector.extract %slice3A_57[0] : f32 from vector<1xf32>
    %mul3A_59 = vector.broadcast %squeeze3A_58 : f32 to vector<16xf32>
    %mul3A_60 = arith.mulf %get3A_15, %mul3A_59 : vector<16xf32>
    %add3A_61 = arith.addf %add3A_51, %mul3A_60 : vector<16xf32>
    %slice3A_62 = vector.extract_strided_slice %get3A_3 {offsets = [10], sizes = [1], strides = [1]} : vector<16xf32> to vector<1xf32>
    %squeeze3A_63 = vector.extract %slice3A_62[0] : f32 from vector<1xf32>
    %mul3A_64 = vector.broadcast %squeeze3A_63 : f32 to vector<16xf32>
    %mul3A_65 = arith.mulf %get3A_15, %mul3A_64 : vector<16xf32>
    %add3A_66 = arith.addf %add3A_56, %mul3A_65 : vector<16xf32>
    %slice3A_67 = vector.extract_strided_slice %get3A_3 {offsets = [3], sizes = [1], strides = [1]} : vector<16xf32> to vector<1xf32>
    %squeeze3A_68 = vector.extract %slice3A_67[0] : f32 from vector<1xf32>
    %mul3A_69 = vector.broadcast %squeeze3A_68 : f32 to vector<16xf32>
    %mul3A_70 = arith.mulf %get3A_19, %mul3A_69 : vector<16xf32>
    %add3A_71 = arith.addf %add3A_61, %mul3A_70 : vector<16xf32>
    %slice3A_72 = vector.extract_strided_slice %get3A_3 {offsets = [11], sizes = [1], strides = [1]} : vector<16xf32> to vector<1xf32>
    %squeeze3A_73 = vector.extract %slice3A_72[0] : f32 from vector<1xf32>
    %mul3A_74 = vector.broadcast %squeeze3A_73 : f32 to vector<16xf32>
    %mul3A_75 = arith.mulf %get3A_19, %mul3A_74 : vector<16xf32>
    %add3A_76 = arith.addf %add3A_66, %mul3A_75 : vector<16xf32>
    %slice3A_77 = vector.extract_strided_slice %get3A_3 {offsets = [4], sizes = [1], strides = [1]} : vector<16xf32> to vector<1xf32>
    %squeeze3A_78 = vector.extract %slice3A_77[0] : f32 from vector<1xf32>
    %mul3A_79 = vector.broadcast %squeeze3A_78 : f32 to vector<16xf32>
    %mul3A_80 = arith.mulf %get3A_23, %mul3A_79 : vector<16xf32>
    %add3A_81 = arith.addf %add3A_71, %mul3A_80 : vector<16xf32>
    %slice3A_82 = vector.extract_strided_slice %get3A_3 {offsets = [12], sizes = [1], strides = [1]} : vector<16xf32> to vector<1xf32>
    %squeeze3A_83 = vector.extract %slice3A_82[0] : f32 from vector<1xf32>
    %mul3A_84 = vector.broadcast %squeeze3A_83 : f32 to vector<16xf32>
    %mul3A_85 = arith.mulf %get3A_23, %mul3A_84 : vector<16xf32>
    %add3A_86 = arith.addf %add3A_76, %mul3A_85 : vector<16xf32>
    %slice3A_87 = vector.extract_strided_slice %get3A_3 {offsets = [5], sizes = [1], strides = [1]} : vector<16xf32> to vector<1xf32>
    %squeeze3A_88 = vector.extract %slice3A_87[0] : f32 from vector<1xf32>
    %mul3A_89 = vector.broadcast %squeeze3A_88 : f32 to vector<16xf32>
    %mul3A_90 = arith.mulf %get3A_27, %mul3A_89 : vector<16xf32>
    %add3A_91 = arith.addf %add3A_81, %mul3A_90 : vector<16xf32>
    %slice3A_92 = vector.extract_strided_slice %get3A_3 {offsets = [13], sizes = [1], strides = [1]} : vector<16xf32> to vector<1xf32>
    %squeeze3A_93 = vector.extract %slice3A_92[0] : f32 from vector<1xf32>
    %mul3A_94 = vector.broadcast %squeeze3A_93 : f32 to vector<16xf32>
    %mul3A_95 = arith.mulf %get3A_27, %mul3A_94 : vector<16xf32>
    %add3A_96 = arith.addf %add3A_86, %mul3A_95 : vector<16xf32>
    %slice3A_97 = vector.extract_strided_slice %get3A_3 {offsets = [6], sizes = [1], strides = [1]} : vector<16xf32> to vector<1xf32>
    %squeeze3A_98 = vector.extract %slice3A_97[0] : f32 from vector<1xf32>
    %mul3A_99 = vector.broadcast %squeeze3A_98 : f32 to vector<16xf32>
    %mul3A_100 = arith.mulf %get3A_31, %mul3A_99 : vector<16xf32>
    %add3A_101 = arith.addf %add3A_91, %mul3A_100 : vector<16xf32>
    %slice3A_102 = vector.extract_strided_slice %get3A_3 {offsets = [14], sizes = [1], strides = [1]} : vector<16xf32> to vector<1xf32>
    %squeeze3A_103 = vector.extract %slice3A_102[0] : f32 from vector<1xf32>
    %mul3A_104 = vector.broadcast %squeeze3A_103 : f32 to vector<16xf32>
    %mul3A_105 = arith.mulf %get3A_31, %mul3A_104 : vector<16xf32>
    %add3A_106 = arith.addf %add3A_96, %mul3A_105 : vector<16xf32>
    %slice3A_107 = vector.extract_strided_slice %get3A_3 {offsets = [7], sizes = [1], strides = [1]} : vector<16xf32> to vector<1xf32>
    %squeeze3A_108 = vector.extract %slice3A_107[0] : f32 from vector<1xf32>
    %mul3A_109 = vector.broadcast %squeeze3A_108 : f32 to vector<16xf32>
    %mul3A_110 = arith.mulf %get3A_35, %mul3A_109 : vector<16xf32>
    %add3A_111 = arith.addf %add3A_101, %mul3A_110 : vector<16xf32>
    %slice3A_112 = vector.extract_strided_slice %get3A_3 {offsets = [15], sizes = [1], strides = [1]} : vector<16xf32> to vector<1xf32>
    %squeeze3A_113 = vector.extract %slice3A_112[0] : f32 from vector<1xf32>
    %mul3A_114 = vector.broadcast %squeeze3A_113 : f32 to vector<16xf32>
    %mul3A_115 = arith.mulf %get3A_35, %mul3A_114 : vector<16xf32>
    %add3A_116 = arith.addf %add3A_106, %mul3A_115 : vector<16xf32>
    %slice3A_117 = vector.extract_strided_slice %add3A_111 {offsets = [0], sizes = [1], strides = [1]} : vector<16xf32> to vector<1xf32>
    %squeeze3A_118 = vector.extract %slice3A_117[0] : f32 from vector<1xf32>
    %slice3A_119 = vector.extract_strided_slice %add3A_111 {offsets = [1], sizes = [1], strides = [1]} : vector<16xf32> to vector<1xf32>
    %squeeze3A_120 = vector.extract %slice3A_119[0] : f32 from vector<1xf32>
    %slice3A_121 = vector.extract_strided_slice %add3A_111 {offsets = [2], sizes = [1], strides = [1]} : vector<16xf32> to vector<1xf32>
    %squeeze3A_122 = vector.extract %slice3A_121[0] : f32 from vector<1xf32>
    %slice3A_123 = vector.extract_strided_slice %add3A_111 {offsets = [3], sizes = [1], strides = [1]} : vector<16xf32> to vector<1xf32>
    %squeeze3A_124 = vector.extract %slice3A_123[0] : f32 from vector<1xf32>
    %slice3A_125 = vector.extract_strided_slice %add3A_111 {offsets = [4], sizes = [1], strides = [1]} : vector<16xf32> to vector<1xf32>
    %squeeze3A_126 = vector.extract %slice3A_125[0] : f32 from vector<1xf32>
    %slice3A_127 = vector.extract_strided_slice %add3A_111 {offsets = [5], sizes = [1], strides = [1]} : vector<16xf32> to vector<1xf32>
    %squeeze3A_128 = vector.extract %slice3A_127[0] : f32 from vector<1xf32>
    %slice3A_129 = vector.extract_strided_slice %add3A_111 {offsets = [6], sizes = [1], strides = [1]} : vector<16xf32> to vector<1xf32>
    %squeeze3A_130 = vector.extract %slice3A_129[0] : f32 from vector<1xf32>
    %slice3A_131 = vector.extract_strided_slice %add3A_111 {offsets = [7], sizes = [1], strides = [1]} : vector<16xf32> to vector<1xf32>
    %squeeze3A_132 = vector.extract %slice3A_131[0] : f32 from vector<1xf32>
    %slice3A_133 = vector.extract_strided_slice %add3A_111 {offsets = [8], sizes = [1], strides = [1]} : vector<16xf32> to vector<1xf32>
    %squeeze3A_134 = vector.extract %slice3A_133[0] : f32 from vector<1xf32>
    %slice3A_135 = vector.extract_strided_slice %add3A_111 {offsets = [9], sizes = [1], strides = [1]} : vector<16xf32> to vector<1xf32>
    %squeeze3A_136 = vector.extract %slice3A_135[0] : f32 from vector<1xf32>
    %slice3A_137 = vector.extract_strided_slice %add3A_111 {offsets = [10], sizes = [1], strides = [1]} : vector<16xf32> to vector<1xf32>
    %squeeze3A_138 = vector.extract %slice3A_137[0] : f32 from vector<1xf32>
    %slice3A_139 = vector.extract_strided_slice %add3A_111 {offsets = [11], sizes = [1], strides = [1]} : vector<16xf32> to vector<1xf32>
    %squeeze3A_140 = vector.extract %slice3A_139[0] : f32 from vector<1xf32>
    %slice3A_141 = vector.extract_strided_slice %add3A_111 {offsets = [12], sizes = [1], strides = [1]} : vector<16xf32> to vector<1xf32>
    %squeeze3A_142 = vector.extract %slice3A_141[0] : f32 from vector<1xf32>
    %slice3A_143 = vector.extract_strided_slice %add3A_111 {offsets = [13], sizes = [1], strides = [1]} : vector<16xf32> to vector<1xf32>
    %squeeze3A_144 = vector.extract %slice3A_143[0] : f32 from vector<1xf32>
    %slice3A_145 = vector.extract_strided_slice %add3A_111 {offsets = [14], sizes = [1], strides = [1]} : vector<16xf32> to vector<1xf32>
    %squeeze3A_146 = vector.extract %slice3A_145[0] : f32 from vector<1xf32>
    %slice3A_147 = vector.extract_strided_slice %add3A_111 {offsets = [15], sizes = [1], strides = [1]} : vector<16xf32> to vector<1xf32>
    %squeeze3A_148 = vector.extract %slice3A_147[0] : f32 from vector<1xf32>
    %slice3A_149 = vector.extract_strided_slice %add3A_116 {offsets = [0], sizes = [1], strides = [1]} : vector<16xf32> to vector<1xf32>
    %squeeze3A_150 = vector.extract %slice3A_149[0] : f32 from vector<1xf32>
    %slice3A_151 = vector.extract_strided_slice %add3A_116 {offsets = [1], sizes = [1], strides = [1]} : vector<16xf32> to vector<1xf32>
    %squeeze3A_152 = vector.extract %slice3A_151[0] : f32 from vector<1xf32>
    %slice3A_153 = vector.extract_strided_slice %add3A_116 {offsets = [2], sizes = [1], strides = [1]} : vector<16xf32> to vector<1xf32>
    %squeeze3A_154 = vector.extract %slice3A_153[0] : f32 from vector<1xf32>
    %slice3A_155 = vector.extract_strided_slice %add3A_116 {offsets = [3], sizes = [1], strides = [1]} : vector<16xf32> to vector<1xf32>
    %squeeze3A_156 = vector.extract %slice3A_155[0] : f32 from vector<1xf32>
    %slice3A_157 = vector.extract_strided_slice %add3A_116 {offsets = [4], sizes = [1], strides = [1]} : vector<16xf32> to vector<1xf32>
    %squeeze3A_158 = vector.extract %slice3A_157[0] : f32 from vector<1xf32>
    %slice3A_159 = vector.extract_strided_slice %add3A_116 {offsets = [5], sizes = [1], strides = [1]} : vector<16xf32> to vector<1xf32>
    %squeeze3A_160 = vector.extract %slice3A_159[0] : f32 from vector<1xf32>
    %slice3A_161 = vector.extract_strided_slice %add3A_116 {offsets = [6], sizes = [1], strides = [1]} : vector<16xf32> to vector<1xf32>
    %squeeze3A_162 = vector.extract %slice3A_161[0] : f32 from vector<1xf32>
    %slice3A_163 = vector.extract_strided_slice %add3A_116 {offsets = [7], sizes = [1], strides = [1]} : vector<16xf32> to vector<1xf32>
    %squeeze3A_164 = vector.extract %slice3A_163[0] : f32 from vector<1xf32>
    %slice3A_165 = vector.extract_strided_slice %add3A_116 {offsets = [8], sizes = [1], strides = [1]} : vector<16xf32> to vector<1xf32>
    %squeeze3A_166 = vector.extract %slice3A_165[0] : f32 from vector<1xf32>
    %slice3A_167 = vector.extract_strided_slice %add3A_116 {offsets = [9], sizes = [1], strides = [1]} : vector<16xf32> to vector<1xf32>
    %squeeze3A_168 = vector.extract %slice3A_167[0] : f32 from vector<1xf32>
    %slice3A_169 = vector.extract_strided_slice %add3A_116 {offsets = [10], sizes = [1], strides = [1]} : vector<16xf32> to vector<1xf32>
    %squeeze3A_170 = vector.extract %slice3A_169[0] : f32 from vector<1xf32>
    %slice3A_171 = vector.extract_strided_slice %add3A_116 {offsets = [11], sizes = [1], strides = [1]} : vector<16xf32> to vector<1xf32>
    %squeeze3A_172 = vector.extract %slice3A_171[0] : f32 from vector<1xf32>
    %slice3A_173 = vector.extract_strided_slice %add3A_116 {offsets = [12], sizes = [1], strides = [1]} : vector<16xf32> to vector<1xf32>
    %squeeze3A_174 = vector.extract %slice3A_173[0] : f32 from vector<1xf32>
    %slice3A_175 = vector.extract_strided_slice %add3A_116 {offsets = [13], sizes = [1], strides = [1]} : vector<16xf32> to vector<1xf32>
    %squeeze3A_176 = vector.extract %slice3A_175[0] : f32 from vector<1xf32>
    %slice3A_177 = vector.extract_strided_slice %add3A_116 {offsets = [14], sizes = [1], strides = [1]} : vector<16xf32> to vector<1xf32>
    %squeeze3A_178 = vector.extract %slice3A_177[0] : f32 from vector<1xf32>
    %slice3A_179 = vector.extract_strided_slice %add3A_116 {offsets = [15], sizes = [1], strides = [1]} : vector<16xf32> to vector<1xf32>
    %squeeze3A_180 = vector.extract %slice3A_179[0] : f32 from vector<1xf32>
    %iota3A = tpu.iota {dimensions = array<i32: 0>} : vector<16xi32>
    %broadcast_in_dim3A_181 = arith.constant 0 : i32
    %broadcast_in_dim3A_182 = vector.broadcast %broadcast_in_dim3A_181 : i32 to vector<16xi32>
    %broadcast_in_dim3A_183 = arith.constant 1 : i32
    %broadcast_in_dim3A_184 = vector.broadcast %broadcast_in_dim3A_183 : i32 to vector<16xi32>
    %broadcast_in_dim3A_185 = arith.constant 2 : i32
    %broadcast_in_dim3A_186 = vector.broadcast %broadcast_in_dim3A_185 : i32 to vector<16xi32>
    %broadcast_in_dim3A_187 = arith.constant 3 : i32
    %broadcast_in_dim3A_188 = vector.broadcast %broadcast_in_dim3A_187 : i32 to vector<16xi32>
    %broadcast_in_dim3A_189 = arith.constant 4 : i32
    %broadcast_in_dim3A_190 = vector.broadcast %broadcast_in_dim3A_189 : i32 to vector<16xi32>
    %broadcast_in_dim3A_191 = arith.constant 5 : i32
    %broadcast_in_dim3A_192 = vector.broadcast %broadcast_in_dim3A_191 : i32 to vector<16xi32>
    %broadcast_in_dim3A_193 = arith.constant 6 : i32
    %broadcast_in_dim3A_194 = vector.broadcast %broadcast_in_dim3A_193 : i32 to vector<16xi32>
    %broadcast_in_dim3A_195 = arith.constant 7 : i32
    %broadcast_in_dim3A_196 = vector.broadcast %broadcast_in_dim3A_195 : i32 to vector<16xi32>
    %broadcast_in_dim3A_197 = arith.constant 8 : i32
    %broadcast_in_dim3A_198 = vector.broadcast %broadcast_in_dim3A_197 : i32 to vector<16xi32>
    %broadcast_in_dim3A_199 = arith.constant 9 : i32
    %broadcast_in_dim3A_200 = vector.broadcast %broadcast_in_dim3A_199 : i32 to vector<16xi32>
    %broadcast_in_dim3A_201 = arith.constant 10 : i32
    %broadcast_in_dim3A_202 = vector.broadcast %broadcast_in_dim3A_201 : i32 to vector<16xi32>
    %broadcast_in_dim3A_203 = arith.constant 11 : i32
    %broadcast_in_dim3A_204 = vector.broadcast %broadcast_in_dim3A_203 : i32 to vector<16xi32>
    %broadcast_in_dim3A_205 = arith.constant 12 : i32
    %broadcast_in_dim3A_206 = vector.broadcast %broadcast_in_dim3A_205 : i32 to vector<16xi32>
    %broadcast_in_dim3A_207 = arith.constant 13 : i32
    %broadcast_in_dim3A_208 = vector.broadcast %broadcast_in_dim3A_207 : i32 to vector<16xi32>
    %broadcast_in_dim3A_209 = arith.constant 14 : i32
    %broadcast_in_dim3A_210 = vector.broadcast %broadcast_in_dim3A_209 : i32 to vector<16xi32>
    %broadcast_in_dim3A_211 = arith.constant 15 : i32
    %broadcast_in_dim3A_212 = vector.broadcast %broadcast_in_dim3A_211 : i32 to vector<16xi32>
    "tpu.region"() ({
      %run_scoped3A = tpu.sem_alloc : memref<!tpu.dma_semaphore, #tpu.memory_space<semaphore_mem>>
      %dma_start3A_230 = arith.constant 0 : i32
      %dma_start3A_231 = tpu.memref_slice %arg2[%add3A, %dma_start3A_230] : memref<32x25600xi32, #tpu.memory_space<hbm>> -> memref<1x25600xi32, #tpu.memory_space<hbm>>
      %dma_start3A_232 = tpu.memref_squeeze %dma_start3A_231 : memref<1x25600xi32, #tpu.memory_space<hbm>> -> memref<25600xi32, #tpu.memory_space<hbm>>
      %dma_start3A_233 = arith.constant 0 : i32
      %dma_start3A_234 = tpu.memref_slice %arg2[%add3A, %dma_start3A_233] : memref<32x25600xi32, #tpu.memory_space<hbm>> -> memref<1x25600xi32, #tpu.memory_space<hbm>>
      %dma_start3A_235 = tpu.memref_squeeze %dma_start3A_234 : memref<1x25600xi32, #tpu.memory_space<hbm>> -> memref<25600xi32, #tpu.memory_space<hbm>>
      tpu.enqueue_dma source(%dma_start3A_235 : memref<25600xi32, #tpu.memory_space<hbm>>) target(%arg8 : memref<25600xi32, #tpu.memory_space<vmem>>) target_semaphore(%run_scoped3A : memref<!tpu.dma_semaphore, #tpu.memory_space<semaphore_mem>>)
      %dma_wait3A_236 = arith.constant 0 : i32
      %dma_wait3A_237 = tpu.memref_slice %arg2[%add3A, %dma_wait3A_236] : memref<32x25600xi32, #tpu.memory_space<hbm>> -> memref<1x25600xi32, #tpu.memory_space<hbm>>
      %dma_wait3A_238 = tpu.memref_squeeze %dma_wait3A_237 : memref<1x25600xi32, #tpu.memory_space<hbm>> -> memref<25600xi32, #tpu.memory_space<hbm>>
      %dma_wait3A_239 = arith.constant 0 : i32
      %dma_wait3A_240 = tpu.memref_slice %arg2[%add3A, %dma_wait3A_239] : memref<32x25600xi32, #tpu.memory_space<hbm>> -> memref<1x25600xi32, #tpu.memory_space<hbm>>
      %dma_wait3A_241 = tpu.memref_squeeze %dma_wait3A_240 : memref<1x25600xi32, #tpu.memory_space<hbm>> -> memref<25600xi32, #tpu.memory_space<hbm>>
      tpu.wait_dma2 semaphore(%run_scoped3A : memref<!tpu.dma_semaphore, #tpu.memory_space<semaphore_mem>>) src(%dma_wait3A_241 : memref<25600xi32, #tpu.memory_space<hbm>>) dst(%arg8 : memref<25600xi32, #tpu.memory_space<vmem>>)
      tpu.yield
    }) : () -> ()
    "tpu.region"() ({
      %run_scoped3A = tpu.sem_alloc : memref<!tpu.dma_semaphore, #tpu.memory_space<semaphore_mem>>
      %dma_start3A_230 = arith.constant 0 : i32
      %dma_start3A_231 = tpu.memref_slice %arg3[%add3A, %dma_start3A_230] : memref<32x512xi32, #tpu.memory_space<hbm>> -> memref<1x512xi32, #tpu.memory_space<hbm>>
      %dma_start3A_232 = tpu.memref_squeeze %dma_start3A_231 : memref<1x512xi32, #tpu.memory_space<hbm>> -> memref<512xi32, #tpu.memory_space<hbm>>
      %dma_start3A_233 = arith.constant 0 : i32
      %dma_start3A_234 = tpu.memref_slice %arg3[%add3A, %dma_start3A_233] : memref<32x512xi32, #tpu.memory_space<hbm>> -> memref<1x512xi32, #tpu.memory_space<hbm>>
      %dma_start3A_235 = tpu.memref_squeeze %dma_start3A_234 : memref<1x512xi32, #tpu.memory_space<hbm>> -> memref<512xi32, #tpu.memory_space<hbm>>
      tpu.enqueue_dma source(%dma_start3A_235 : memref<512xi32, #tpu.memory_space<hbm>>) target(%arg11 : memref<512xi32, #tpu.memory_space<vmem>>) target_semaphore(%run_scoped3A : memref<!tpu.dma_semaphore, #tpu.memory_space<semaphore_mem>>)
      %dma_wait3A_236 = arith.constant 0 : i32
      %dma_wait3A_237 = tpu.memref_slice %arg3[%add3A, %dma_wait3A_236] : memref<32x512xi32, #tpu.memory_space<hbm>> -> memref<1x512xi32, #tpu.memory_space<hbm>>
      %dma_wait3A_238 = tpu.memref_squeeze %dma_wait3A_237 : memref<1x512xi32, #tpu.memory_space<hbm>> -> memref<512xi32, #tpu.memory_space<hbm>>
      %dma_wait3A_239 = arith.constant 0 : i32
      %dma_wait3A_240 = tpu.memref_slice %arg3[%add3A, %dma_wait3A_239] : memref<32x512xi32, #tpu.memory_space<hbm>> -> memref<1x512xi32, #tpu.memory_space<hbm>>
      %dma_wait3A_241 = tpu.memref_squeeze %dma_wait3A_240 : memref<1x512xi32, #tpu.memory_space<hbm>> -> memref<512xi32, #tpu.memory_space<hbm>>
      tpu.wait_dma2 semaphore(%run_scoped3A : memref<!tpu.dma_semaphore, #tpu.memory_space<semaphore_mem>>) src(%dma_wait3A_241 : memref<512xi32, #tpu.memory_space<hbm>>) dst(%arg11 : memref<512xi32, #tpu.memory_space<vmem>>)
      tpu.yield
    }) : () -> ()
    %dma_start3A = arith.constant 0 : i32
    %dma_start3A_213 = arith.constant 0 : i32
    %dma_start3A_214 = tpu.memref_slice %arg4[%dma_start3A, %dma_start3A_213] : memref<1007616x16xf32, #tpu.memory_space<hbm>> -> memref<1007616x16xf32, #tpu.memory_space<hbm>>
    tpu.enqueue_indirect_dma source(%dma_start3A_214 : memref<1007616x16xf32, #tpu.memory_space<hbm>>) target(%arg12 : memref<512x16xf32, #tpu.memory_space<vmem>>) offsets(%arg11 : memref<512xi32, #tpu.memory_space<vmem>>) semaphore(%arg16 : memref<!tpu.dma_semaphore, #tpu.memory_space<semaphore_mem>>)
    %dma_wait3A = arith.constant 0 : i32
    %dma_wait3A_215 = arith.constant 0 : i32
    %dma_wait3A_216 = tpu.memref_slice %arg4[%dma_wait3A, %dma_wait3A_215] : memref<1007616x16xf32, #tpu.memory_space<hbm>> -> memref<1007616x16xf32, #tpu.memory_space<hbm>>
    tpu.wait_indirect_dma semaphore(%arg16 : memref<!tpu.dma_semaphore, #tpu.memory_space<semaphore_mem>>) src(%dma_wait3A_216 : memref<1007616x16xf32, #tpu.memory_space<hbm>>) dst(%arg12 : memref<512x16xf32, #tpu.memory_space<vmem>>)
    %dma_start3A_217 = arith.constant 0 : i32
    %dma_start3A_218 = tpu.memref_slice %arg8[%dma_start3A_217] : memref<25600xi32, #tpu.memory_space<vmem>> -> memref<1600xi32, #tpu.memory_space<vmem>>
    %dma_start3A_219 = arith.constant 0 : i32
    %dma_start3A_220 = arith.constant 0 : i32
    %dma_start3A_221 = tpu.memref_slice %arg4[%dma_start3A_219, %dma_start3A_220] : memref<1007616x16xf32, #tpu.memory_space<hbm>> -> memref<1007616x16xf32, #tpu.memory_space<hbm>>
    tpu.enqueue_indirect_dma source(%dma_start3A_221 : memref<1007616x16xf32, #tpu.memory_space<hbm>>) target(%arg9 : memref<1600x16xf32, #tpu.memory_space<vmem>>) offsets(%dma_start3A_218 : memref<1600xi32, #tpu.memory_space<vmem>>) semaphore(%arg16 : memref<!tpu.dma_semaphore, #tpu.memory_space<semaphore_mem>>)
    %scan3A = arith.constant 0 : i32
    %scan3A_222 = arith.constant 0 : i32
    %scan3A_223 = arith.constant 8 : i32
    %scan3A_224 = arith.addi %scan3A_222, %scan3A_223 : i32
    %scan3A_225 = arith.constant 1 : i32
    %scan3A_226 = scf.for %scan3A_230 = %scan3A_222 to %scan3A_224 step %scan3A_225 iter_args(%scan3A_231 = %scan3A) -> (i32)  : i32 {
      %mul3A_232 = arith.constant 2 : i32
      %mul3A_233 = arith.muli %mul3A_232, %scan3A_230 : i32
      %add3A_234 = arith.constant 1 : i32
      %add3A_235 = arith.addi %mul3A_233, %add3A_234 : i32
      %mul3A_236 = arith.constant 1600 : i32
      %mul3A_237 = arith.muli %add3A_235, %mul3A_236 : i32
      %dma_start3A_238 = tpu.memref_slice %arg8[%mul3A_237] : memref<25600xi32, #tpu.memory_space<vmem>> -> memref<1600xi32, #tpu.memory_space<vmem>>
      %dma_start3A_239 = arith.constant 0 : i32
      %dma_start3A_240 = arith.constant 0 : i32
      %dma_start3A_241 = tpu.memref_slice %arg4[%dma_start3A_239, %dma_start3A_240] : memref<1007616x16xf32, #tpu.memory_space<hbm>> -> memref<1007616x16xf32, #tpu.memory_space<hbm>>
      tpu.enqueue_indirect_dma source(%dma_start3A_241 : memref<1007616x16xf32, #tpu.memory_space<hbm>>) target(%arg10 : memref<1600x16xf32, #tpu.memory_space<vmem>>) offsets(%dma_start3A_238 : memref<1600xi32, #tpu.memory_space<vmem>>) semaphore(%arg17 : memref<!tpu.dma_semaphore, #tpu.memory_space<semaphore_mem>>)
      %dma_wait3A_242 = arith.constant 0 : i32
      %dma_wait3A_243 = arith.constant 0 : i32
      %dma_wait3A_244 = tpu.memref_slice %arg4[%dma_wait3A_242, %dma_wait3A_243] : memref<1007616x16xf32, #tpu.memory_space<hbm>> -> memref<1600x16xf32, #tpu.memory_space<hbm>>
      %dma_wait3A_245 = arith.constant 0 : i32
      %dma_wait3A_246 = arith.constant 0 : i32
      %dma_wait3A_247 = tpu.memref_slice %arg4[%dma_wait3A_245, %dma_wait3A_246] : memref<1007616x16xf32, #tpu.memory_space<hbm>> -> memref<1600x16xf32, #tpu.memory_space<hbm>>
      tpu.wait_dma2 semaphore(%arg16 : memref<!tpu.dma_semaphore, #tpu.memory_space<semaphore_mem>>) src(%dma_wait3A_247 : memref<1600x16xf32, #tpu.memory_space<hbm>>) dst(%arg9 : memref<1600x16xf32, #tpu.memory_space<vmem>>)
      %scan3A_248 = arith.constant 0 : i32
      %scan3A_249 = arith.constant 0 : i32
      %scan3A_250 = arith.constant 2 : i32
      %scan3A_251 = arith.addi %scan3A_249, %scan3A_250 : i32
      %scan3A_252 = arith.constant 1 : i32
      %scan3A_253 = scf.for %scan3A_273 = %scan3A_249 to %scan3A_251 step %scan3A_252 iter_args(%scan3A_274 = %scan3A_248) -> (i32)  : i32 {
        %mul3A_275 = arith.constant 32 : i32
        %mul3A_276 = arith.muli %mul3A_233, %mul3A_275 : i32
        %mul3A_277 = arith.constant 16 : i32
        %mul3A_278 = arith.muli %scan3A_273, %mul3A_277 : i32
        %add3A_279 = arith.addi %mul3A_276, %mul3A_278 : i32
        %add3A_280 = vector.broadcast %add3A_279 : i32 to vector<16xi32>
        %add3A_281 = arith.addi %add3A_280, %iota3A : vector<16xi32>
        %gather3A = tpu.vector_load_idx %arg12[%add3A_281, %broadcast_in_dim3A_182] : memref<512x16xf32, #tpu.memory_space<vmem>>[vector<16xi32>, vector<16xi32>], vector<16xf32>,
        %gather3A_282 = tpu.vector_load_idx %arg12[%add3A_281, %broadcast_in_dim3A_184] : memref<512x16xf32, #tpu.memory_space<vmem>>[vector<16xi32>, vector<16xi32>], vector<16xf32>,
        %gather3A_283 = tpu.vector_load_idx %arg12[%add3A_281, %broadcast_in_dim3A_186] : memref<512x16xf32, #tpu.memory_space<vmem>>[vector<16xi32>, vector<16xi32>], vector<16xf32>,
        %gather3A_284 = tpu.vector_load_idx %arg12[%add3A_281, %broadcast_in_dim3A_188] : memref<512x16xf32, #tpu.memory_space<vmem>>[vector<16xi32>, vector<16xi32>], vector<16xf32>,
        %gather3A_285 = tpu.vector_load_idx %arg12[%add3A_281, %broadcast_in_dim3A_190] : memref<512x16xf32, #tpu.memory_space<vmem>>[vector<16xi32>, vector<16xi32>], vector<16xf32>,
        %gather3A_286 = tpu.vector_load_idx %arg12[%add3A_281, %broadcast_in_dim3A_192] : memref<512x16xf32, #tpu.memory_space<vmem>>[vector<16xi32>, vector<16xi32>], vector<16xf32>,
        %gather3A_287 = tpu.vector_load_idx %arg12[%add3A_281, %broadcast_in_dim3A_194] : memref<512x16xf32, #tpu.memory_space<vmem>>[vector<16xi32>, vector<16xi32>], vector<16xf32>,
        %gather3A_288 = tpu.vector_load_idx %arg12[%add3A_281, %broadcast_in_dim3A_196] : memref<512x16xf32, #tpu.memory_space<vmem>>[vector<16xi32>, vector<16xi32>], vector<16xf32>,
        %gather3A_289 = tpu.vector_load_idx %arg12[%add3A_281, %broadcast_in_dim3A_198] : memref<512x16xf32, #tpu.memory_space<vmem>>[vector<16xi32>, vector<16xi32>], vector<16xf32>,
        %gather3A_290 = tpu.vector_load_idx %arg12[%add3A_281, %broadcast_in_dim3A_200] : memref<512x16xf32, #tpu.memory_space<vmem>>[vector<16xi32>, vector<16xi32>], vector<16xf32>,
        %gather3A_291 = tpu.vector_load_idx %arg12[%add3A_281, %broadcast_in_dim3A_202] : memref<512x16xf32, #tpu.memory_space<vmem>>[vector<16xi32>, vector<16xi32>], vector<16xf32>,
        %gather3A_292 = tpu.vector_load_idx %arg12[%add3A_281, %broadcast_in_dim3A_204] : memref<512x16xf32, #tpu.memory_space<vmem>>[vector<16xi32>, vector<16xi32>], vector<16xf32>,
        %gather3A_293 = tpu.vector_load_idx %arg12[%add3A_281, %broadcast_in_dim3A_206] : memref<512x16xf32, #tpu.memory_space<vmem>>[vector<16xi32>, vector<16xi32>], vector<16xf32>,
        %gather3A_294 = tpu.vector_load_idx %arg12[%add3A_281, %broadcast_in_dim3A_208] : memref<512x16xf32, #tpu.memory_space<vmem>>[vector<16xi32>, vector<16xi32>], vector<16xf32>,
        %gather3A_295 = tpu.vector_load_idx %arg12[%add3A_281, %broadcast_in_dim3A_210] : memref<512x16xf32, #tpu.memory_space<vmem>>[vector<16xi32>, vector<16xi32>], vector<16xf32>,
        %gather3A_296 = tpu.vector_load_idx %arg12[%add3A_281, %broadcast_in_dim3A_212] : memref<512x16xf32, #tpu.memory_space<vmem>>[vector<16xi32>, vector<16xi32>], vector<16xf32>,
        %mul3A_297 = arith.mulf %gather3A, %gather3A : vector<16xf32>
        %mul3A_298 = arith.mulf %gather3A_282, %gather3A_282 : vector<16xf32>
        %mul3A_299 = arith.mulf %gather3A_283, %gather3A_283 : vector<16xf32>
        %mul3A_300 = arith.mulf %gather3A_284, %gather3A_284 : vector<16xf32>
        %mul3A_301 = arith.mulf %gather3A_285, %gather3A_285 : vector<16xf32>
        %mul3A_302 = arith.mulf %gather3A_286, %gather3A_286 : vector<16xf32>
        %mul3A_303 = arith.mulf %gather3A_287, %gather3A_287 : vector<16xf32>
        %mul3A_304 = arith.mulf %gather3A_288, %gather3A_288 : vector<16xf32>
        %mul3A_305 = arith.mulf %gather3A_289, %gather3A_289 : vector<16xf32>
        %mul3A_306 = arith.mulf %gather3A_290, %gather3A_290 : vector<16xf32>
        %mul3A_307 = arith.mulf %gather3A_291, %gather3A_291 : vector<16xf32>
        %mul3A_308 = arith.mulf %gather3A_292, %gather3A_292 : vector<16xf32>
        %mul3A_309 = arith.mulf %gather3A_293, %gather3A_293 : vector<16xf32>
        %mul3A_310 = arith.mulf %gather3A_294, %gather3A_294 : vector<16xf32>
        %mul3A_311 = arith.mulf %gather3A_295, %gather3A_295 : vector<16xf32>
        %mul3A_312 = arith.mulf %gather3A_296, %gather3A_296 : vector<16xf32>
        %add3A_313 = arith.addf %mul3A_297, %mul3A_298 : vector<16xf32>
        %add3A_314 = arith.addf %mul3A_299, %mul3A_300 : vector<16xf32>
        %add3A_315 = arith.addf %mul3A_301, %mul3A_302 : vector<16xf32>
        %add3A_316 = arith.addf %mul3A_303, %mul3A_304 : vector<16xf32>
        %add3A_317 = arith.addf %mul3A_305, %mul3A_306 : vector<16xf32>
        %add3A_318 = arith.addf %mul3A_307, %mul3A_308 : vector<16xf32>
        %add3A_319 = arith.addf %mul3A_309, %mul3A_310 : vector<16xf32>
        %add3A_320 = arith.addf %mul3A_311, %mul3A_312 : vector<16xf32>
        %add3A_321 = arith.addf %add3A_313, %add3A_314 : vector<16xf32>
        %add3A_322 = arith.addf %add3A_315, %add3A_316 : vector<16xf32>
        %add3A_323 = arith.addf %add3A_317, %add3A_318 : vector<16xf32>
        %add3A_324 = arith.addf %add3A_319, %add3A_320 : vector<16xf32>
        %add3A_325 = arith.addf %add3A_321, %add3A_322 : vector<16xf32>
        %add3A_326 = arith.addf %add3A_323, %add3A_324 : vector<16xf32>
        %add3A_327 = arith.addf %add3A_325, %add3A_326 : vector<16xf32>
        %mul3A_328 = vector.broadcast %squeeze3A_118 : f32 to vector<16xf32>
        %mul3A_329 = arith.mulf %gather3A, %mul3A_328 : vector<16xf32>
        %mul3A_330 = vector.broadcast %squeeze3A_120 : f32 to vector<16xf32>
        %mul3A_331 = arith.mulf %gather3A_282, %mul3A_330 : vector<16xf32>
        %mul3A_332 = vector.broadcast %squeeze3A_122 : f32 to vector<16xf32>
        %mul3A_333 = arith.mulf %gather3A_283, %mul3A_332 : vector<16xf32>
        %mul3A_334 = vector.broadcast %squeeze3A_124 : f32 to vector<16xf32>
        %mul3A_335 = arith.mulf %gather3A_284, %mul3A_334 : vector<16xf32>
        %mul3A_336 = vector.broadcast %squeeze3A_126 : f32 to vector<16xf32>
        %mul3A_337 = arith.mulf %gather3A_285, %mul3A_336 : vector<16xf32>
        %mul3A_338 = vector.broadcast %squeeze3A_128 : f32 to vector<16xf32>
        %mul3A_339 = arith.mulf %gather3A_286, %mul3A_338 : vector<16xf32>
        %mul3A_340 = vector.broadcast %squeeze3A_130 : f32 to vector<16xf32>
        %mul3A_341 = arith.mulf %gather3A_287, %mul3A_340 : vector<16xf32>
        %mul3A_342 = vector.broadcast %squeeze3A_132 : f32 to vector<16xf32>
        %mul3A_343 = arith.mulf %gather3A_288, %mul3A_342 : vector<16xf32>
        %mul3A_344 = vector.broadcast %squeeze3A_134 : f32 to vector<16xf32>
        %mul3A_345 = arith.mulf %gather3A_289, %mul3A_344 : vector<16xf32>
        %mul3A_346 = vector.broadcast %squeeze3A_136 : f32 to vector<16xf32>
        %mul3A_347 = arith.mulf %gather3A_290, %mul3A_346 : vector<16xf32>
        %mul3A_348 = vector.broadcast %squeeze3A_138 : f32 to vector<16xf32>
        %mul3A_349 = arith.mulf %gather3A_291, %mul3A_348 : vector<16xf32>
        %mul3A_350 = vector.broadcast %squeeze3A_140 : f32 to vector<16xf32>
        %mul3A_351 = arith.mulf %gather3A_292, %mul3A_350 : vector<16xf32>
        %mul3A_352 = vector.broadcast %squeeze3A_142 : f32 to vector<16xf32>
        %mul3A_353 = arith.mulf %gather3A_293, %mul3A_352 : vector<16xf32>
        %mul3A_354 = vector.broadcast %squeeze3A_144 : f32 to vector<16xf32>
        %mul3A_355 = arith.mulf %gather3A_294, %mul3A_354 : vector<16xf32>
        %mul3A_356 = vector.broadcast %squeeze3A_146 : f32 to vector<16xf32>
        %mul3A_357 = arith.mulf %gather3A_295, %mul3A_356 : vector<16xf32>
        %mul3A_358 = vector.broadcast %squeeze3A_148 : f32 to vector<16xf32>
        %mul3A_359 = arith.mulf %gather3A_296, %mul3A_358 : vector<16xf32>
        %add3A_360 = arith.addf %mul3A_329, %mul3A_331 : vector<16xf32>
        %add3A_361 = arith.addf %mul3A_333, %mul3A_335 : vector<16xf32>
        %add3A_362 = arith.addf %mul3A_337, %mul3A_339 : vector<16xf32>
        %add3A_363 = arith.addf %mul3A_341, %mul3A_343 : vector<16xf32>
        %add3A_364 = arith.addf %mul3A_345, %mul3A_347 : vector<16xf32>
        %add3A_365 = arith.addf %mul3A_349, %mul3A_351 : vector<16xf32>
        %add3A_366 = arith.addf %mul3A_353, %mul3A_355 : vector<16xf32>
        %add3A_367 = arith.addf %mul3A_357, %mul3A_359 : vector<16xf32>
        %add3A_368 = arith.addf %add3A_360, %add3A_361 : vector<16xf32>
        %add3A_369 = arith.addf %add3A_362, %add3A_363 : vector<16xf32>
        %add3A_370 = arith.addf %add3A_364, %add3A_365 : vector<16xf32>
        %add3A_371 = arith.addf %add3A_366, %add3A_367 : vector<16xf32>
        %add3A_372 = arith.addf %add3A_368, %add3A_369 : vector<16xf32>
        %add3A_373 = arith.addf %add3A_370, %add3A_371 : vector<16xf32>
        %add3A_374 = arith.addf %add3A_372, %add3A_373 : vector<16xf32>
        %bitcast3A = vector.bitcast %add3A_327 : vector<16xf32> to vector<16xi32>
        %shift_right_arithmetic3A = arith.constant 1 : i32
        %shift_right_arithmetic3A_375 = vector.broadcast %shift_right_arithmetic3A : i32 to vector<16xi32>
        %shift_right_arithmetic3A_376 = arith.shrsi %bitcast3A, %shift_right_arithmetic3A_375 : vector<16xi32>
        %sub3A = arith.constant 1597463007 : i32
        %sub3A_377 = vector.broadcast %sub3A : i32 to vector<16xi32>
        %sub3A_378 = arith.subi %sub3A_377, %shift_right_arithmetic3A_376 : vector<16xi32>
        %bitcast3A_379 = vector.bitcast %sub3A_378 : vector<16xi32> to vector<16xf32>
        %mul3A_380 = arith.constant 5.000000e-01 : f32
        %mul3A_381 = vector.broadcast %mul3A_380 : f32 to vector<16xf32>
        %mul3A_382 = arith.mulf %mul3A_381, %add3A_327 : vector<16xf32>
        %mul3A_383 = arith.mulf %mul3A_382, %bitcast3A_379 : vector<16xf32>
        %mul3A_384 = arith.mulf %mul3A_383, %bitcast3A_379 : vector<16xf32>
        %sub3A_385 = arith.constant 1.500000e+00 : f32
        %sub3A_386 = vector.broadcast %sub3A_385 : f32 to vector<16xf32>
        %sub3A_387 = arith.subf %sub3A_386, %mul3A_384 : vector<16xf32>
        %mul3A_388 = arith.mulf %bitcast3A_379, %sub3A_387 : vector<16xf32>
        %mul3A_389 = arith.constant 5.000000e-01 : f32
        %mul3A_390 = vector.broadcast %mul3A_389 : f32 to vector<16xf32>
        %mul3A_391 = arith.mulf %mul3A_390, %add3A_327 : vector<16xf32>
        %mul3A_392 = arith.mulf %mul3A_391, %mul3A_388 : vector<16xf32>
        %mul3A_393 = arith.mulf %mul3A_392, %mul3A_388 : vector<16xf32>
        %sub3A_394 = arith.constant 1.500000e+00 : f32
        %sub3A_395 = vector.broadcast %sub3A_394 : f32 to vector<16xf32>
        %sub3A_396 = arith.subf %sub3A_395, %mul3A_393 : vector<16xf32>
        %mul3A_397 = arith.mulf %mul3A_388, %sub3A_396 : vector<16xf32>
        %mul3A_398 = arith.constant 5.000000e-01 : f32
        %mul3A_399 = vector.broadcast %mul3A_398 : f32 to vector<16xf32>
        %mul3A_400 = arith.mulf %mul3A_399, %add3A_327 : vector<16xf32>
        %mul3A_401 = arith.mulf %mul3A_400, %mul3A_397 : vector<16xf32>
        %mul3A_402 = arith.mulf %mul3A_401, %mul3A_397 : vector<16xf32>
        %sub3A_403 = arith.constant 1.500000e+00 : f32
        %sub3A_404 = vector.broadcast %sub3A_403 : f32 to vector<16xf32>
        %sub3A_405 = arith.subf %sub3A_404, %mul3A_402 : vector<16xf32>
        %mul3A_406 = arith.mulf %mul3A_397, %sub3A_405 : vector<16xf32>
        %min3A = arith.constant 1.000000e+00 : f32
        %min3A_407 = vector.broadcast %min3A : f32 to vector<16xf32>
        %min3A_408 = arith.minimumf %min3A_407, %mul3A_406 : vector<16xf32>
        %mul3A_409 = arith.mulf %add3A_374, %min3A_408 : vector<16xf32>
        %mul3A_410 = arith.constant 16 : i32
        %mul3A_411 = arith.muli %scan3A_273, %mul3A_410 : i32
        %add3A_412 = vector.broadcast %mul3A_411 : i32 to vector<16xi32>
        %add3A_413 = arith.addi %add3A_412, %iota3A : vector<16xi32>
        %mul3A_414 = arith.constant 50 : i32
        %mul3A_415 = vector.broadcast %mul3A_414 : i32 to vector<16xi32>
        %mul3A_416 = arith.muli %add3A_413, %mul3A_415 : vector<16xi32>
        %broadcast_in_dim3A_417 = arith.constant 0.000000e+00 : f32
        %broadcast_in_dim3A_418 = vector.broadcast %broadcast_in_dim3A_417 : f32 to vector<16xf32>
        %parallel_loop3A = arith.constant 0 : i32
        %parallel_loop3A_419 = arith.constant 50 : i32
        %parallel_loop3A_420 = arith.constant 1 : i32
        %parallel_loop3A_421:17 = scf.for %parallel_loop3A_441 = %parallel_loop3A to %parallel_loop3A_419 step %parallel_loop3A_420 iter_args(%parallel_loop3A_442 = %broadcast_in_dim3A_418, %parallel_loop3A_443 = %broadcast_in_dim3A_418, %parallel_loop3A_444 = %broadcast_in_dim3A_418, %parallel_loop3A_445 = %broadcast_in_dim3A_418, %parallel_loop3A_446 = %broadcast_in_dim3A_418, %parallel_loop3A_447 = %broadcast_in_dim3A_418, %parallel_loop3A_448 = %broadcast_in_dim3A_418, %parallel_loop3A_449 = %broadcast_in_dim3A_418, %parallel_loop3A_450 = %broadcast_in_dim3A_418, %parallel_loop3A_451 = %broadcast_in_dim3A_418, %parallel_loop3A_452 = %broadcast_in_dim3A_418, %parallel_loop3A_453 = %broadcast_in_dim3A_418, %parallel_loop3A_454 = %broadcast_in_dim3A_418, %parallel_loop3A_455 = %broadcast_in_dim3A_418, %parallel_loop3A_456 = %broadcast_in_dim3A_418, %parallel_loop3A_457 = %broadcast_in_dim3A_418, %parallel_loop3A_458 = %broadcast_in_dim3A_418) -> (vector<16xf32>, vector<16xf32>, vector<16xf32>, vector<16xf32>, vector<16xf32>, vector<16xf32>, vector<16xf32>, vector<16xf32>, vector<16xf32>, vector<16xf32>, vector<16xf32>, vector<16xf32>, vector<16xf32>, vector<16xf32>, vector<16xf32>, vector<16xf32>, vector<16xf32>)  : i32 {
          %parallel_loop3A_459 = vector.broadcast %parallel_loop3A_441 : i32 to vector<16xi32>
          %parallel_loop3A_460 = arith.addi %mul3A_416, %parallel_loop3A_459 : vector<16xi32>
          %parallel_loop3A_461 = tpu.vector_load_idx %arg9[%parallel_loop3A_460, %broadcast_in_dim3A_182] : memref<1600x16xf32, #tpu.memory_space<vmem>>[vector<16xi32>, vector<16xi32>], vector<16xf32>,
          %parallel_loop3A_462 = tpu.vector_load_idx %arg9[%parallel_loop3A_460, %broadcast_in_dim3A_184] : memref<1600x16xf32, #tpu.memory_space<vmem>>[vector<16xi32>, vector<16xi32>], vector<16xf32>,
          %parallel_loop3A_463 = tpu.vector_load_idx %arg9[%parallel_loop3A_460, %broadcast_in_dim3A_186] : memref<1600x16xf32, #tpu.memory_space<vmem>>[vector<16xi32>, vector<16xi32>], vector<16xf32>,
          %parallel_loop3A_464 = tpu.vector_load_idx %arg9[%parallel_loop3A_460, %broadcast_in_dim3A_188] : memref<1600x16xf32, #tpu.memory_space<vmem>>[vector<16xi32>, vector<16xi32>], vector<16xf32>,
          %parallel_loop3A_465 = tpu.vector_load_idx %arg9[%parallel_loop3A_460, %broadcast_in_dim3A_190] : memref<1600x16xf32, #tpu.memory_space<vmem>>[vector<16xi32>, vector<16xi32>], vector<16xf32>,
          %parallel_loop3A_466 = tpu.vector_load_idx %arg9[%parallel_loop3A_460, %broadcast_in_dim3A_192] : memref<1600x16xf32, #tpu.memory_space<vmem>>[vector<16xi32>, vector<16xi32>], vector<16xf32>,
          %parallel_loop3A_467 = tpu.vector_load_idx %arg9[%parallel_loop3A_460, %broadcast_in_dim3A_194] : memref<1600x16xf32, #tpu.memory_space<vmem>>[vector<16xi32>, vector<16xi32>], vector<16xf32>,
          %parallel_loop3A_468 = tpu.vector_load_idx %arg9[%parallel_loop3A_460, %broadcast_in_dim3A_196] : memref<1600x16xf32, #tpu.memory_space<vmem>>[vector<16xi32>, vector<16xi32>], vector<16xf32>,
          %parallel_loop3A_469 = tpu.vector_load_idx %arg9[%parallel_loop3A_460, %broadcast_in_dim3A_198] : memref<1600x16xf32, #tpu.memory_space<vmem>>[vector<16xi32>, vector<16xi32>], vector<16xf32>,
          %parallel_loop3A_470 = tpu.vector_load_idx %arg9[%parallel_loop3A_460, %broadcast_in_dim3A_200] : memref<1600x16xf32, #tpu.memory_space<vmem>>[vector<16xi32>, vector<16xi32>], vector<16xf32>,
          %parallel_loop3A_471 = tpu.vector_load_idx %arg9[%parallel_loop3A_460, %broadcast_in_dim3A_202] : memref<1600x16xf32, #tpu.memory_space<vmem>>[vector<16xi32>, vector<16xi32>], vector<16xf32>,
          %parallel_loop3A_472 = tpu.vector_load_idx %arg9[%parallel_loop3A_460, %broadcast_in_dim3A_204] : memref<1600x16xf32, #tpu.memory_space<vmem>>[vector<16xi32>, vector<16xi32>], vector<16xf32>,
          %parallel_loop3A_473 = tpu.vector_load_idx %arg9[%parallel_loop3A_460, %broadcast_in_dim3A_206] : memref<1600x16xf32, #tpu.memory_space<vmem>>[vector<16xi32>, vector<16xi32>], vector<16xf32>,
          %parallel_loop3A_474 = tpu.vector_load_idx %arg9[%parallel_loop3A_460, %broadcast_in_dim3A_208] : memref<1600x16xf32, #tpu.memory_space<vmem>>[vector<16xi32>, vector<16xi32>], vector<16xf32>,
          %parallel_loop3A_475 = tpu.vector_load_idx %arg9[%parallel_loop3A_460, %broadcast_in_dim3A_210] : memref<1600x16xf32, #tpu.memory_space<vmem>>[vector<16xi32>, vector<16xi32>], vector<16xf32>,
          %parallel_loop3A_476 = tpu.vector_load_idx %arg9[%parallel_loop3A_460, %broadcast_in_dim3A_212] : memref<1600x16xf32, #tpu.memory_space<vmem>>[vector<16xi32>, vector<16xi32>], vector<16xf32>,
          %parallel_loop3A_477 = arith.mulf %parallel_loop3A_461, %parallel_loop3A_461 : vector<16xf32>
          %parallel_loop3A_478 = arith.mulf %parallel_loop3A_462, %parallel_loop3A_462 : vector<16xf32>
          %parallel_loop3A_479 = arith.mulf %parallel_loop3A_463, %parallel_loop3A_463 : vector<16xf32>
          %parallel_loop3A_480 = arith.mulf %parallel_loop3A_464, %parallel_loop3A_464 : vector<16xf32>
          %parallel_loop3A_481 = arith.mulf %parallel_loop3A_465, %parallel_loop3A_465 : vector<16xf32>
          %parallel_loop3A_482 = arith.mulf %parallel_loop3A_466, %parallel_loop3A_466 : vector<16xf32>
          %parallel_loop3A_483 = arith.mulf %parallel_loop3A_467, %parallel_loop3A_467 : vector<16xf32>
          %parallel_loop3A_484 = arith.mulf %parallel_loop3A_468, %parallel_loop3A_468 : vector<16xf32>
          %parallel_loop3A_485 = arith.mulf %parallel_loop3A_469, %parallel_loop3A_469 : vector<16xf32>
          %parallel_loop3A_486 = arith.mulf %parallel_loop3A_470, %parallel_loop3A_470 : vector<16xf32>
          %parallel_loop3A_487 = arith.mulf %parallel_loop3A_471, %parallel_loop3A_471 : vector<16xf32>
          %parallel_loop3A_488 = arith.mulf %parallel_loop3A_472, %parallel_loop3A_472 : vector<16xf32>
          %parallel_loop3A_489 = arith.mulf %parallel_loop3A_473, %parallel_loop3A_473 : vector<16xf32>
          %parallel_loop3A_490 = arith.mulf %parallel_loop3A_474, %parallel_loop3A_474 : vector<16xf32>
          %parallel_loop3A_491 = arith.mulf %parallel_loop3A_475, %parallel_loop3A_475 : vector<16xf32>
          %parallel_loop3A_492 = arith.mulf %parallel_loop3A_476, %parallel_loop3A_476 : vector<16xf32>
          %parallel_loop3A_493 = arith.addf %parallel_loop3A_477, %parallel_loop3A_478 : vector<16xf32>
          %parallel_loop3A_494 = arith.addf %parallel_loop3A_479, %parallel_loop3A_480 : vector<16xf32>
          %parallel_loop3A_495 = arith.addf %parallel_loop3A_481, %parallel_loop3A_482 : vector<16xf32>
          %parallel_loop3A_496 = arith.addf %parallel_loop3A_483, %parallel_loop3A_484 : vector<16xf32>
          %parallel_loop3A_497 = arith.addf %parallel_loop3A_485, %parallel_loop3A_486 : vector<16xf32>
          %parallel_loop3A_498 = arith.addf %parallel_loop3A_487, %parallel_loop3A_488 : vector<16xf32>
          %parallel_loop3A_499 = arith.addf %parallel_loop3A_489, %parallel_loop3A_490 : vector<16xf32>
          %parallel_loop3A_500 = arith.addf %parallel_loop3A_491, %parallel_loop3A_492 : vector<16xf32>
          %parallel_loop3A_501 = arith.addf %parallel_loop3A_493, %parallel_loop3A_494 : vector<16xf32>
          %parallel_loop3A_502 = arith.addf %parallel_loop3A_495, %parallel_loop3A_496 : vector<16xf32>
          %parallel_loop3A_503 = arith.addf %parallel_loop3A_497, %parallel_loop3A_498 : vector<16xf32>
          %parallel_loop3A_504 = arith.addf %parallel_loop3A_499, %parallel_loop3A_500 : vector<16xf32>
          %parallel_loop3A_505 = arith.addf %parallel_loop3A_501, %parallel_loop3A_502 : vector<16xf32>
          %parallel_loop3A_506 = arith.addf %parallel_loop3A_503, %parallel_loop3A_504 : vector<16xf32>
          %parallel_loop3A_507 = arith.addf %parallel_loop3A_505, %parallel_loop3A_506 : vector<16xf32>
          %parallel_loop3A_508 = vector.broadcast %squeeze3A_150 : f32 to vector<16xf32>
          %parallel_loop3A_509 = arith.mulf %parallel_loop3A_461, %parallel_loop3A_508 : vector<16xf32>
          %parallel_loop3A_510 = vector.broadcast %squeeze3A_152 : f32 to vector<16xf32>
          %parallel_loop3A_511 = arith.mulf %parallel_loop3A_462, %parallel_loop3A_510 : vector<16xf32>
          %parallel_loop3A_512 = vector.broadcast %squeeze3A_154 : f32 to vector<16xf32>
          %parallel_loop3A_513 = arith.mulf %parallel_loop3A_463, %parallel_loop3A_512 : vector<16xf32>
          %parallel_loop3A_514 = vector.broadcast %squeeze3A_156 : f32 to vector<16xf32>
          %parallel_loop3A_515 = arith.mulf %parallel_loop3A_464, %parallel_loop3A_514 : vector<16xf32>
          %parallel_loop3A_516 = vector.broadcast %squeeze3A_158 : f32 to vector<16xf32>
          %parallel_loop3A_517 = arith.mulf %parallel_loop3A_465, %parallel_loop3A_516 : vector<16xf32>
          %parallel_loop3A_518 = vector.broadcast %squeeze3A_160 : f32 to vector<16xf32>
          %parallel_loop3A_519 = arith.mulf %parallel_loop3A_466, %parallel_loop3A_518 : vector<16xf32>
          %parallel_loop3A_520 = vector.broadcast %squeeze3A_162 : f32 to vector<16xf32>
          %parallel_loop3A_521 = arith.mulf %parallel_loop3A_467, %parallel_loop3A_520 : vector<16xf32>
          %parallel_loop3A_522 = vector.broadcast %squeeze3A_164 : f32 to vector<16xf32>
          %parallel_loop3A_523 = arith.mulf %parallel_loop3A_468, %parallel_loop3A_522 : vector<16xf32>
          %parallel_loop3A_524 = vector.broadcast %squeeze3A_166 : f32 to vector<16xf32>
          %parallel_loop3A_525 = arith.mulf %parallel_loop3A_469, %parallel_loop3A_524 : vector<16xf32>
          %parallel_loop3A_526 = vector.broadcast %squeeze3A_168 : f32 to vector<16xf32>
          %parallel_loop3A_527 = arith.mulf %parallel_loop3A_470, %parallel_loop3A_526 : vector<16xf32>
          %parallel_loop3A_528 = vector.broadcast %squeeze3A_170 : f32 to vector<16xf32>
          %parallel_loop3A_529 = arith.mulf %parallel_loop3A_471, %parallel_loop3A_528 : vector<16xf32>
          %parallel_loop3A_530 = vector.broadcast %squeeze3A_172 : f32 to vector<16xf32>
          %parallel_loop3A_531 = arith.mulf %parallel_loop3A_472, %parallel_loop3A_530 : vector<16xf32>
          %parallel_loop3A_532 = vector.broadcast %squeeze3A_174 : f32 to vector<16xf32>
          %parallel_loop3A_533 = arith.mulf %parallel_loop3A_473, %parallel_loop3A_532 : vector<16xf32>
          %parallel_loop3A_534 = vector.broadcast %squeeze3A_176 : f32 to vector<16xf32>
          %parallel_loop3A_535 = arith.mulf %parallel_loop3A_474, %parallel_loop3A_534 : vector<16xf32>
          %parallel_loop3A_536 = vector.broadcast %squeeze3A_178 : f32 to vector<16xf32>
          %parallel_loop3A_537 = arith.mulf %parallel_loop3A_475, %parallel_loop3A_536 : vector<16xf32>
          %parallel_loop3A_538 = vector.broadcast %squeeze3A_180 : f32 to vector<16xf32>
          %parallel_loop3A_539 = arith.mulf %parallel_loop3A_476, %parallel_loop3A_538 : vector<16xf32>
          %parallel_loop3A_540 = arith.addf %parallel_loop3A_509, %parallel_loop3A_511 : vector<16xf32>
          %parallel_loop3A_541 = arith.addf %parallel_loop3A_513, %parallel_loop3A_515 : vector<16xf32>
          %parallel_loop3A_542 = arith.addf %parallel_loop3A_517, %parallel_loop3A_519 : vector<16xf32>
          %parallel_loop3A_543 = arith.addf %parallel_loop3A_521, %parallel_loop3A_523 : vector<16xf32>
          %parallel_loop3A_544 = arith.addf %parallel_loop3A_525, %parallel_loop3A_527 : vector<16xf32>
          %parallel_loop3A_545 = arith.addf %parallel_loop3A_529, %parallel_loop3A_531 : vector<16xf32>
          %parallel_loop3A_546 = arith.addf %parallel_loop3A_533, %parallel_loop3A_535 : vector<16xf32>
          %parallel_loop3A_547 = arith.addf %parallel_loop3A_537, %parallel_loop3A_539 : vector<16xf32>
          %parallel_loop3A_548 = arith.addf %parallel_loop3A_540, %parallel_loop3A_541 : vector<16xf32>
          %parallel_loop3A_549 = arith.addf %parallel_loop3A_542, %parallel_loop3A_543 : vector<16xf32>
          %parallel_loop3A_550 = arith.addf %parallel_loop3A_544, %parallel_loop3A_545 : vector<16xf32>
          %parallel_loop3A_551 = arith.addf %parallel_loop3A_546, %parallel_loop3A_547 : vector<16xf32>
          %parallel_loop3A_552 = arith.addf %parallel_loop3A_548, %parallel_loop3A_549 : vector<16xf32>
          %parallel_loop3A_553 = arith.addf %parallel_loop3A_550, %parallel_loop3A_551 : vector<16xf32>
          %parallel_loop3A_554 = arith.addf %parallel_loop3A_552, %parallel_loop3A_553 : vector<16xf32>
          %parallel_loop3A_555 = vector.bitcast %parallel_loop3A_507 : vector<16xf32> to vector<16xi32>
          %parallel_loop3A_556 = arith.constant 1 : i32
          %parallel_loop3A_557 = vector.broadcast %parallel_loop3A_556 : i32 to vector<16xi32>
          %parallel_loop3A_558 = arith.shrsi %parallel_loop3A_555, %parallel_loop3A_557 : vector<16xi32>
          %parallel_loop3A_559 = arith.constant 1597463007 : i32
          %parallel_loop3A_560 = vector.broadcast %parallel_loop3A_559 : i32 to vector<16xi32>
          %parallel_loop3A_561 = arith.subi %parallel_loop3A_560, %parallel_loop3A_558 : vector<16xi32>
          %parallel_loop3A_562 = vector.bitcast %parallel_loop3A_561 : vector<16xi32> to vector<16xf32>
          %parallel_loop3A_563 = arith.constant 5.000000e-01 : f32
          %parallel_loop3A_564 = vector.broadcast %parallel_loop3A_563 : f32 to vector<16xf32>
          %parallel_loop3A_565 = arith.mulf %parallel_loop3A_564, %parallel_loop3A_507 : vector<16xf32>
          %parallel_loop3A_566 = arith.mulf %parallel_loop3A_565, %parallel_loop3A_562 : vector<16xf32>
          %parallel_loop3A_567 = arith.mulf %parallel_loop3A_566, %parallel_loop3A_562 : vector<16xf32>
          %parallel_loop3A_568 = arith.constant 1.500000e+00 : f32
          %parallel_loop3A_569 = vector.broadcast %parallel_loop3A_568 : f32 to vector<16xf32>
          %parallel_loop3A_570 = arith.subf %parallel_loop3A_569, %parallel_loop3A_567 : vector<16xf32>
          %parallel_loop3A_571 = arith.mulf %parallel_loop3A_562, %parallel_loop3A_570 : vector<16xf32>
          %parallel_loop3A_572 = arith.constant 5.000000e-01 : f32
          %parallel_loop3A_573 = vector.broadcast %parallel_loop3A_572 : f32 to vector<16xf32>
          %parallel_loop3A_574 = arith.mulf %parallel_loop3A_573, %parallel_loop3A_507 : vector<16xf32>
          %parallel_loop3A_575 = arith.mulf %parallel_loop3A_574, %parallel_loop3A_571 : vector<16xf32>
          %parallel_loop3A_576 = arith.mulf %parallel_loop3A_575, %parallel_loop3A_571 : vector<16xf32>
          %parallel_loop3A_577 = arith.constant 1.500000e+00 : f32
          %parallel_loop3A_578 = vector.broadcast %parallel_loop3A_577 : f32 to vector<16xf32>
          %parallel_loop3A_579 = arith.subf %parallel_loop3A_578, %parallel_loop3A_576 : vector<16xf32>
          %parallel_loop3A_580 = arith.mulf %parallel_loop3A_571, %parallel_loop3A_579 : vector<16xf32>
          %parallel_loop3A_581 = arith.constant 5.000000e-01 : f32
          %parallel_loop3A_582 = vector.broadcast %parallel_loop3A_581 : f32 to vector<16xf32>
          %parallel_loop3A_583 = arith.mulf %parallel_loop3A_582, %parallel_loop3A_507 : vector<16xf32>
          %parallel_loop3A_584 = arith.mulf %parallel_loop3A_583, %parallel_loop3A_580 : vector<16xf32>
          %parallel_loop3A_585 = arith.mulf %parallel_loop3A_584, %parallel_loop3A_580 : vector<16xf32>
          %parallel_loop3A_586 = arith.constant 1.500000e+00 : f32
          %parallel_loop3A_587 = vector.broadcast %parallel_loop3A_586 : f32 to vector<16xf32>
          %parallel_loop3A_588 = arith.subf %parallel_loop3A_587, %parallel_loop3A_585 : vector<16xf32>
          %parallel_loop3A_589 = arith.mulf %parallel_loop3A_580, %parallel_loop3A_588 : vector<16xf32>
          %parallel_loop3A_590 = arith.constant 1.000000e+00 : f32
          %parallel_loop3A_591 = vector.broadcast %parallel_loop3A_590 : f32 to vector<16xf32>
          %parallel_loop3A_592 = arith.minimumf %parallel_loop3A_591, %parallel_loop3A_589 : vector<16xf32>
          %parallel_loop3A_593 = arith.mulf %parallel_loop3A_554, %parallel_loop3A_592 : vector<16xf32>
          %parallel_loop3A_594 = arith.addf %mul3A_409, %parallel_loop3A_593 : vector<16xf32>
          %parallel_loop3A_595 = arith.constant 0.000000e+00 : f32
          %parallel_loop3A_596 = vector.broadcast %parallel_loop3A_595 : f32 to vector<16xf32>
          %parallel_loop3A_597 = arith.cmpf oge, %parallel_loop3A_594, %parallel_loop3A_596 : vector<16xf32>
          %parallel_loop3A_598 = arith.constant 2.000000e-01 : f32
          %parallel_loop3A_599 = vector.broadcast %parallel_loop3A_598 : f32 to vector<16xf32>
          %parallel_loop3A_600 = arith.mulf %parallel_loop3A_594, %parallel_loop3A_599 : vector<16xf32>
          %parallel_loop3A_601 = arith.select %parallel_loop3A_597, %parallel_loop3A_594, %parallel_loop3A_600 : vector<16xi1>, vector<16xf32>
          %parallel_loop3A_602 = math.exp %parallel_loop3A_601 : vector<16xf32>
          %parallel_loop3A_603 = arith.mulf %parallel_loop3A_602, %parallel_loop3A_592 : vector<16xf32>
          %parallel_loop3A_604 = arith.mulf %parallel_loop3A_603, %parallel_loop3A_461 : vector<16xf32>
          %parallel_loop3A_605 = arith.addf %parallel_loop3A_443, %parallel_loop3A_604 : vector<16xf32>
          %parallel_loop3A_606 = arith.mulf %parallel_loop3A_603, %parallel_loop3A_462 : vector<16xf32>
          %parallel_loop3A_607 = arith.addf %parallel_loop3A_444, %parallel_loop3A_606 : vector<16xf32>
          %parallel_loop3A_608 = arith.mulf %parallel_loop3A_603, %parallel_loop3A_463 : vector<16xf32>
          %parallel_loop3A_609 = arith.addf %parallel_loop3A_445, %parallel_loop3A_608 : vector<16xf32>
          %parallel_loop3A_610 = arith.mulf %parallel_loop3A_603, %parallel_loop3A_464 : vector<16xf32>
          %parallel_loop3A_611 = arith.addf %parallel_loop3A_446, %parallel_loop3A_610 : vector<16xf32>
          %parallel_loop3A_612 = arith.mulf %parallel_loop3A_603, %parallel_loop3A_465 : vector<16xf32>
          %parallel_loop3A_613 = arith.addf %parallel_loop3A_447, %parallel_loop3A_612 : vector<16xf32>
          %parallel_loop3A_614 = arith.mulf %parallel_loop3A_603, %parallel_loop3A_466 : vector<16xf32>
          %parallel_loop3A_615 = arith.addf %parallel_loop3A_448, %parallel_loop3A_614 : vector<16xf32>
          %parallel_loop3A_616 = arith.mulf %parallel_loop3A_603, %parallel_loop3A_467 : vector<16xf32>
          %parallel_loop3A_617 = arith.addf %parallel_loop3A_449, %parallel_loop3A_616 : vector<16xf32>
          %parallel_loop3A_618 = arith.mulf %parallel_loop3A_603, %parallel_loop3A_468 : vector<16xf32>
          %parallel_loop3A_619 = arith.addf %parallel_loop3A_450, %parallel_loop3A_618 : vector<16xf32>
          %parallel_loop3A_620 = arith.mulf %parallel_loop3A_603, %parallel_loop3A_469 : vector<16xf32>
          %parallel_loop3A_621 = arith.addf %parallel_loop3A_451, %parallel_loop3A_620 : vector<16xf32>
          %parallel_loop3A_622 = arith.mulf %parallel_loop3A_603, %parallel_loop3A_470 : vector<16xf32>
          %parallel_loop3A_623 = arith.addf %parallel_loop3A_452, %parallel_loop3A_622 : vector<16xf32>
          %parallel_loop3A_624 = arith.mulf %parallel_loop3A_603, %parallel_loop3A_471 : vector<16xf32>
          %parallel_loop3A_625 = arith.addf %parallel_loop3A_453, %parallel_loop3A_624 : vector<16xf32>
          %parallel_loop3A_626 = arith.mulf %parallel_loop3A_603, %parallel_loop3A_472 : vector<16xf32>
          %parallel_loop3A_627 = arith.addf %parallel_loop3A_454, %parallel_loop3A_626 : vector<16xf32>
          %parallel_loop3A_628 = arith.mulf %parallel_loop3A_603, %parallel_loop3A_473 : vector<16xf32>
          %parallel_loop3A_629 = arith.addf %parallel_loop3A_455, %parallel_loop3A_628 : vector<16xf32>
          %parallel_loop3A_630 = arith.mulf %parallel_loop3A_603, %parallel_loop3A_474 : vector<16xf32>
          %parallel_loop3A_631 = arith.addf %parallel_loop3A_456, %parallel_loop3A_630 : vector<16xf32>
          %parallel_loop3A_632 = arith.mulf %parallel_loop3A_603, %parallel_loop3A_475 : vector<16xf32>
          %parallel_loop3A_633 = arith.addf %parallel_loop3A_457, %parallel_loop3A_632 : vector<16xf32>
          %parallel_loop3A_634 = arith.mulf %parallel_loop3A_603, %parallel_loop3A_476 : vector<16xf32>
          %parallel_loop3A_635 = arith.addf %parallel_loop3A_458, %parallel_loop3A_634 : vector<16xf32>
          %parallel_loop3A_636 = arith.addf %parallel_loop3A_442, %parallel_loop3A_602 : vector<16xf32>
          scf.yield %parallel_loop3A_636, %parallel_loop3A_605, %parallel_loop3A_607, %parallel_loop3A_609, %parallel_loop3A_611, %parallel_loop3A_613, %parallel_loop3A_615, %parallel_loop3A_617, %parallel_loop3A_619, %parallel_loop3A_621, %parallel_loop3A_623, %parallel_loop3A_625, %parallel_loop3A_627, %parallel_loop3A_629, %parallel_loop3A_631, %parallel_loop3A_633, %parallel_loop3A_635 : vector<16xf32>, vector<16xf32>, vector<16xf32>, vector<16xf32>, vector<16xf32>, vector<16xf32>, vector<16xf32>, vector<16xf32>, vector<16xf32>, vector<16xf32>, vector<16xf32>, vector<16xf32>, vector<16xf32>, vector<16xf32>, vector<16xf32>, vector<16xf32>, vector<16xf32>
        } {sc.loop_unroll_factor = 2 : i64, sc.parallel_access}
        %div3A = arith.constant 1.000000e+00 : f32
        %div3A_422 = vector.broadcast %div3A : f32 to vector<16xf32>
        %div3A_423 = arith.divf %div3A_422, %parallel_loop3A_421#0 : vector<16xf32>
        %mul3A_424 = arith.mulf %parallel_loop3A_421#1, %div3A_423 : vector<16xf32>
        tpu.vector_store_idx %arg15[%add3A_281, %broadcast_in_dim3A_182], %mul3A_424 : memref<512x16xf32, #tpu.memory_space<vmem>>[vector<16xi32>, vector<16xi32>], vector<16xf32>,
        %mul3A_425 = arith.mulf %parallel_loop3A_421#2, %div3A_423 : vector<16xf32>
        tpu.vector_store_idx %arg15[%add3A_281, %broadcast_in_dim3A_184], %mul3A_425 : memref<512x16xf32, #tpu.memory_space<vmem>>[vector<16xi32>, vector<16xi32>], vector<16xf32>,
        %mul3A_426 = arith.mulf %parallel_loop3A_421#3, %div3A_423 : vector<16xf32>
        tpu.vector_store_idx %arg15[%add3A_281, %broadcast_in_dim3A_186], %mul3A_426 : memref<512x16xf32, #tpu.memory_space<vmem>>[vector<16xi32>, vector<16xi32>], vector<16xf32>,
        %mul3A_427 = arith.mulf %parallel_loop3A_421#4, %div3A_423 : vector<16xf32>
        tpu.vector_store_idx %arg15[%add3A_281, %broadcast_in_dim3A_188], %mul3A_427 : memref<512x16xf32, #tpu.memory_space<vmem>>[vector<16xi32>, vector<16xi32>], vector<16xf32>,
        %mul3A_428 = arith.mulf %parallel_loop3A_421#5, %div3A_423 : vector<16xf32>
        tpu.vector_store_idx %arg15[%add3A_281, %broadcast_in_dim3A_190], %mul3A_428 : memref<512x16xf32, #tpu.memory_space<vmem>>[vector<16xi32>, vector<16xi32>], vector<16xf32>,
        %mul3A_429 = arith.mulf %parallel_loop3A_421#6, %div3A_423 : vector<16xf32>
        tpu.vector_store_idx %arg15[%add3A_281, %broadcast_in_dim3A_192], %mul3A_429 : memref<512x16xf32, #tpu.memory_space<vmem>>[vector<16xi32>, vector<16xi32>], vector<16xf32>,
        %mul3A_430 = arith.mulf %parallel_loop3A_421#7, %div3A_423 : vector<16xf32>
        tpu.vector_store_idx %arg15[%add3A_281, %broadcast_in_dim3A_194], %mul3A_430 : memref<512x16xf32, #tpu.memory_space<vmem>>[vector<16xi32>, vector<16xi32>], vector<16xf32>,
        %mul3A_431 = arith.mulf %parallel_loop3A_421#8, %div3A_423 : vector<16xf32>
        tpu.vector_store_idx %arg15[%add3A_281, %broadcast_in_dim3A_196], %mul3A_431 : memref<512x16xf32, #tpu.memory_space<vmem>>[vector<16xi32>, vector<16xi32>], vector<16xf32>,
        %mul3A_432 = arith.mulf %parallel_loop3A_421#9, %div3A_423 : vector<16xf32>
        tpu.vector_store_idx %arg15[%add3A_281, %broadcast_in_dim3A_198], %mul3A_432 : memref<512x16xf32, #tpu.memory_space<vmem>>[vector<16xi32>, vector<16xi32>], vector<16xf32>,
        %mul3A_433 = arith.mulf %parallel_loop3A_421#10, %div3A_423 : vector<16xf32>
        tpu.vector_store_idx %arg15[%add3A_281, %broadcast_in_dim3A_200], %mul3A_433 : memref<512x16xf32, #tpu.memory_space<vmem>>[vector<16xi32>, vector<16xi32>], vector<16xf32>,
        %mul3A_434 = arith.mulf %parallel_loop3A_421#11, %div3A_423 : vector<16xf32>
        tpu.vector_store_idx %arg15[%add3A_281, %broadcast_in_dim3A_202], %mul3A_434 : memref<512x16xf32, #tpu.memory_space<vmem>>[vector<16xi32>, vector<16xi32>], vector<16xf32>,
        %mul3A_435 = arith.mulf %parallel_loop3A_421#12, %div3A_423 : vector<16xf32>
        tpu.vector_store_idx %arg15[%add3A_281, %broadcast_in_dim3A_204], %mul3A_435 : memref<512x16xf32, #tpu.memory_space<vmem>>[vector<16xi32>, vector<16xi32>], vector<16xf32>,
        %mul3A_436 = arith.mulf %parallel_loop3A_421#13, %div3A_423 : vector<16xf32>
        tpu.vector_store_idx %arg15[%add3A_281, %broadcast_in_dim3A_206], %mul3A_436 : memref<512x16xf32, #tpu.memory_space<vmem>>[vector<16xi32>, vector<16xi32>], vector<16xf32>,
        %mul3A_437 = arith.mulf %parallel_loop3A_421#14, %div3A_423 : vector<16xf32>
        tpu.vector_store_idx %arg15[%add3A_281, %broadcast_in_dim3A_208], %mul3A_437 : memref<512x16xf32, #tpu.memory_space<vmem>>[vector<16xi32>, vector<16xi32>], vector<16xf32>,
        %mul3A_438 = arith.mulf %parallel_loop3A_421#15, %div3A_423 : vector<16xf32>
        tpu.vector_store_idx %arg15[%add3A_281, %broadcast_in_dim3A_210], %mul3A_438 : memref<512x16xf32, #tpu.memory_space<vmem>>[vector<16xi32>, vector<16xi32>], vector<16xf32>,
        %mul3A_439 = arith.mulf %parallel_loop3A_421#16, %div3A_423 : vector<16xf32>
        tpu.vector_store_idx %arg15[%add3A_281, %broadcast_in_dim3A_212], %mul3A_439 : memref<512x16xf32, #tpu.memory_space<vmem>>[vector<16xi32>, vector<16xi32>], vector<16xf32>,
        %scan3A_440 = arith.constant 0 : i32
        scf.yield %scan3A_440 : i32
      }
      %scan3A_254 = arith.constant 2 : i32
      %lt3A = arith.constant 7 : i32
      %lt3A_255 = arith.cmpi slt, %scan3A_230, %lt3A : i32
      %convert_element_type3A = arith.extui %lt3A_255 : i1 to i32
      %cond3A = arith.constant 0 : i32
      %cond3A_256 = arith.cmpi ne, %convert_element_type3A, %cond3A : i32
      scf.if %cond3A_256 {
        %add3A_273 = arith.constant 2 : i32
        %add3A_274 = arith.addi %mul3A_233, %add3A_273 : i32
        %mul3A_275 = arith.constant 1600 : i32
        %mul3A_276 = arith.muli %add3A_274, %mul3A_275 : i32
        %dma_start3A_277 = tpu.memref_slice %arg8[%mul3A_276] : memref<25600xi32, #tpu.memory_space<vmem>> -> memref<1600xi32, #tpu.memory_space<vmem>>
        %dma_start3A_278 = arith.constant 0 : i32
        %dma_start3A_279 = arith.constant 0 : i32
        %dma_start3A_280 = tpu.memref_slice %arg4[%dma_start3A_278, %dma_start3A_279] : memref<1007616x16xf32, #tpu.memory_space<hbm>> -> memref<1007616x16xf32, #tpu.memory_space<hbm>>
        tpu.enqueue_indirect_dma source(%dma_start3A_280 : memref<1007616x16xf32, #tpu.memory_space<hbm>>) target(%arg9 : memref<1600x16xf32, #tpu.memory_space<vmem>>) offsets(%dma_start3A_277 : memref<1600xi32, #tpu.memory_space<vmem>>) semaphore(%arg16 : memref<!tpu.dma_semaphore, #tpu.memory_space<semaphore_mem>>)
      } else {
      }
      %dma_wait3A_257 = arith.constant 0 : i32
      %dma_wait3A_258 = arith.constant 0 : i32
      %dma_wait3A_259 = tpu.memref_slice %arg4[%dma_wait3A_257, %dma_wait3A_258] : memref<1007616x16xf32, #tpu.memory_space<hbm>> -> memref<1600x16xf32, #tpu.memory_space<hbm>>
      %dma_wait3A_260 = arith.constant 0 : i32
      %dma_wait3A_261 = arith.constant 0 : i32
      %dma_wait3A_262 = tpu.memref_slice %arg4[%dma_wait3A_260, %dma_wait3A_261] : memref<1007616x16xf32, #tpu.memory_space<hbm>> -> memref<1600x16xf32, #tpu.memory_space<hbm>>
      tpu.wait_dma2 semaphore(%arg17 : memref<!tpu.dma_semaphore, #tpu.memory_space<semaphore_mem>>) src(%dma_wait3A_262 : memref<1600x16xf32, #tpu.memory_space<hbm>>) dst(%arg10 : memref<1600x16xf32, #tpu.memory_space<vmem>>)
      %add3A_263 = arith.constant 1 : i32
      %add3A_264 = arith.addi %mul3A_233, %add3A_263 : i32
      %scan3A_265 = arith.constant 0 : i32
      %scan3A_266 = arith.constant 0 : i32
      %scan3A_267 = arith.constant 2 : i32
      %scan3A_268 = arith.addi %scan3A_266, %scan3A_267 : i32
      %scan3A_269 = arith.constant 1 : i32
      %scan3A_270 = scf.for %scan3A_273 = %scan3A_266 to %scan3A_268 step %scan3A_269 iter_args(%scan3A_274 = %scan3A_265) -> (i32)  : i32 {
        %mul3A_275 = arith.constant 32 : i32
        %mul3A_276 = arith.muli %add3A_264, %mul3A_275 : i32
        %mul3A_277 = arith.constant 16 : i32
        %mul3A_278 = arith.muli %scan3A_273, %mul3A_277 : i32
        %add3A_279 = arith.addi %mul3A_276, %mul3A_278 : i32
        %add3A_280 = vector.broadcast %add3A_279 : i32 to vector<16xi32>
        %add3A_281 = arith.addi %add3A_280, %iota3A : vector<16xi32>
        %gather3A = tpu.vector_load_idx %arg12[%add3A_281, %broadcast_in_dim3A_182] : memref<512x16xf32, #tpu.memory_space<vmem>>[vector<16xi32>, vector<16xi32>], vector<16xf32>,
        %gather3A_282 = tpu.vector_load_idx %arg12[%add3A_281, %broadcast_in_dim3A_184] : memref<512x16xf32, #tpu.memory_space<vmem>>[vector<16xi32>, vector<16xi32>], vector<16xf32>,
        %gather3A_283 = tpu.vector_load_idx %arg12[%add3A_281, %broadcast_in_dim3A_186] : memref<512x16xf32, #tpu.memory_space<vmem>>[vector<16xi32>, vector<16xi32>], vector<16xf32>,
        %gather3A_284 = tpu.vector_load_idx %arg12[%add3A_281, %broadcast_in_dim3A_188] : memref<512x16xf32, #tpu.memory_space<vmem>>[vector<16xi32>, vector<16xi32>], vector<16xf32>,
        %gather3A_285 = tpu.vector_load_idx %arg12[%add3A_281, %broadcast_in_dim3A_190] : memref<512x16xf32, #tpu.memory_space<vmem>>[vector<16xi32>, vector<16xi32>], vector<16xf32>,
        %gather3A_286 = tpu.vector_load_idx %arg12[%add3A_281, %broadcast_in_dim3A_192] : memref<512x16xf32, #tpu.memory_space<vmem>>[vector<16xi32>, vector<16xi32>], vector<16xf32>,
        %gather3A_287 = tpu.vector_load_idx %arg12[%add3A_281, %broadcast_in_dim3A_194] : memref<512x16xf32, #tpu.memory_space<vmem>>[vector<16xi32>, vector<16xi32>], vector<16xf32>,
        %gather3A_288 = tpu.vector_load_idx %arg12[%add3A_281, %broadcast_in_dim3A_196] : memref<512x16xf32, #tpu.memory_space<vmem>>[vector<16xi32>, vector<16xi32>], vector<16xf32>,
        %gather3A_289 = tpu.vector_load_idx %arg12[%add3A_281, %broadcast_in_dim3A_198] : memref<512x16xf32, #tpu.memory_space<vmem>>[vector<16xi32>, vector<16xi32>], vector<16xf32>,
        %gather3A_290 = tpu.vector_load_idx %arg12[%add3A_281, %broadcast_in_dim3A_200] : memref<512x16xf32, #tpu.memory_space<vmem>>[vector<16xi32>, vector<16xi32>], vector<16xf32>,
        %gather3A_291 = tpu.vector_load_idx %arg12[%add3A_281, %broadcast_in_dim3A_202] : memref<512x16xf32, #tpu.memory_space<vmem>>[vector<16xi32>, vector<16xi32>], vector<16xf32>,
        %gather3A_292 = tpu.vector_load_idx %arg12[%add3A_281, %broadcast_in_dim3A_204] : memref<512x16xf32, #tpu.memory_space<vmem>>[vector<16xi32>, vector<16xi32>], vector<16xf32>,
        %gather3A_293 = tpu.vector_load_idx %arg12[%add3A_281, %broadcast_in_dim3A_206] : memref<512x16xf32, #tpu.memory_space<vmem>>[vector<16xi32>, vector<16xi32>], vector<16xf32>,
        %gather3A_294 = tpu.vector_load_idx %arg12[%add3A_281, %broadcast_in_dim3A_208] : memref<512x16xf32, #tpu.memory_space<vmem>>[vector<16xi32>, vector<16xi32>], vector<16xf32>,
        %gather3A_295 = tpu.vector_load_idx %arg12[%add3A_281, %broadcast_in_dim3A_210] : memref<512x16xf32, #tpu.memory_space<vmem>>[vector<16xi32>, vector<16xi32>], vector<16xf32>,
        %gather3A_296 = tpu.vector_load_idx %arg12[%add3A_281, %broadcast_in_dim3A_212] : memref<512x16xf32, #tpu.memory_space<vmem>>[vector<16xi32>, vector<16xi32>], vector<16xf32>,
        %mul3A_297 = arith.mulf %gather3A, %gather3A : vector<16xf32>
        %mul3A_298 = arith.mulf %gather3A_282, %gather3A_282 : vector<16xf32>
        %mul3A_299 = arith.mulf %gather3A_283, %gather3A_283 : vector<16xf32>
        %mul3A_300 = arith.mulf %gather3A_284, %gather3A_284 : vector<16xf32>
        %mul3A_301 = arith.mulf %gather3A_285, %gather3A_285 : vector<16xf32>
        %mul3A_302 = arith.mulf %gather3A_286, %gather3A_286 : vector<16xf32>
        %mul3A_303 = arith.mulf %gather3A_287, %gather3A_287 : vector<16xf32>
        %mul3A_304 = arith.mulf %gather3A_288, %gather3A_288 : vector<16xf32>
        %mul3A_305 = arith.mulf %gather3A_289, %gather3A_289 : vector<16xf32>
        %mul3A_306 = arith.mulf %gather3A_290, %gather3A_290 : vector<16xf32>
        %mul3A_307 = arith.mulf %gather3A_291, %gather3A_291 : vector<16xf32>
        %mul3A_308 = arith.mulf %gather3A_292, %gather3A_292 : vector<16xf32>
        %mul3A_309 = arith.mulf %gather3A_293, %gather3A_293 : vector<16xf32>
        %mul3A_310 = arith.mulf %gather3A_294, %gather3A_294 : vector<16xf32>
        %mul3A_311 = arith.mulf %gather3A_295, %gather3A_295 : vector<16xf32>
        %mul3A_312 = arith.mulf %gather3A_296, %gather3A_296 : vector<16xf32>
        %add3A_313 = arith.addf %mul3A_297, %mul3A_298 : vector<16xf32>
        %add3A_314 = arith.addf %mul3A_299, %mul3A_300 : vector<16xf32>
        %add3A_315 = arith.addf %mul3A_301, %mul3A_302 : vector<16xf32>
        %add3A_316 = arith.addf %mul3A_303, %mul3A_304 : vector<16xf32>
        %add3A_317 = arith.addf %mul3A_305, %mul3A_306 : vector<16xf32>
        %add3A_318 = arith.addf %mul3A_307, %mul3A_308 : vector<16xf32>
        %add3A_319 = arith.addf %mul3A_309, %mul3A_310 : vector<16xf32>
        %add3A_320 = arith.addf %mul3A_311, %mul3A_312 : vector<16xf32>
        %add3A_321 = arith.addf %add3A_313, %add3A_314 : vector<16xf32>
        %add3A_322 = arith.addf %add3A_315, %add3A_316 : vector<16xf32>
        %add3A_323 = arith.addf %add3A_317, %add3A_318 : vector<16xf32>
        %add3A_324 = arith.addf %add3A_319, %add3A_320 : vector<16xf32>
        %add3A_325 = arith.addf %add3A_321, %add3A_322 : vector<16xf32>
        %add3A_326 = arith.addf %add3A_323, %add3A_324 : vector<16xf32>
        %add3A_327 = arith.addf %add3A_325, %add3A_326 : vector<16xf32>
        %mul3A_328 = vector.broadcast %squeeze3A_118 : f32 to vector<16xf32>
        %mul3A_329 = arith.mulf %gather3A, %mul3A_328 : vector<16xf32>
        %mul3A_330 = vector.broadcast %squeeze3A_120 : f32 to vector<16xf32>
        %mul3A_331 = arith.mulf %gather3A_282, %mul3A_330 : vector<16xf32>
        %mul3A_332 = vector.broadcast %squeeze3A_122 : f32 to vector<16xf32>
        %mul3A_333 = arith.mulf %gather3A_283, %mul3A_332 : vector<16xf32>
        %mul3A_334 = vector.broadcast %squeeze3A_124 : f32 to vector<16xf32>
        %mul3A_335 = arith.mulf %gather3A_284, %mul3A_334 : vector<16xf32>
        %mul3A_336 = vector.broadcast %squeeze3A_126 : f32 to vector<16xf32>
        %mul3A_337 = arith.mulf %gather3A_285, %mul3A_336 : vector<16xf32>
        %mul3A_338 = vector.broadcast %squeeze3A_128 : f32 to vector<16xf32>
        %mul3A_339 = arith.mulf %gather3A_286, %mul3A_338 : vector<16xf32>
        %mul3A_340 = vector.broadcast %squeeze3A_130 : f32 to vector<16xf32>
        %mul3A_341 = arith.mulf %gather3A_287, %mul3A_340 : vector<16xf32>
        %mul3A_342 = vector.broadcast %squeeze3A_132 : f32 to vector<16xf32>
        %mul3A_343 = arith.mulf %gather3A_288, %mul3A_342 : vector<16xf32>
        %mul3A_344 = vector.broadcast %squeeze3A_134 : f32 to vector<16xf32>
        %mul3A_345 = arith.mulf %gather3A_289, %mul3A_344 : vector<16xf32>
        %mul3A_346 = vector.broadcast %squeeze3A_136 : f32 to vector<16xf32>
        %mul3A_347 = arith.mulf %gather3A_290, %mul3A_346 : vector<16xf32>
        %mul3A_348 = vector.broadcast %squeeze3A_138 : f32 to vector<16xf32>
        %mul3A_349 = arith.mulf %gather3A_291, %mul3A_348 : vector<16xf32>
        %mul3A_350 = vector.broadcast %squeeze3A_140 : f32 to vector<16xf32>
        %mul3A_351 = arith.mulf %gather3A_292, %mul3A_350 : vector<16xf32>
        %mul3A_352 = vector.broadcast %squeeze3A_142 : f32 to vector<16xf32>
        %mul3A_353 = arith.mulf %gather3A_293, %mul3A_352 : vector<16xf32>
        %mul3A_354 = vector.broadcast %squeeze3A_144 : f32 to vector<16xf32>
        %mul3A_355 = arith.mulf %gather3A_294, %mul3A_354 : vector<16xf32>
        %mul3A_356 = vector.broadcast %squeeze3A_146 : f32 to vector<16xf32>
        %mul3A_357 = arith.mulf %gather3A_295, %mul3A_356 : vector<16xf32>
        %mul3A_358 = vector.broadcast %squeeze3A_148 : f32 to vector<16xf32>
        %mul3A_359 = arith.mulf %gather3A_296, %mul3A_358 : vector<16xf32>
        %add3A_360 = arith.addf %mul3A_329, %mul3A_331 : vector<16xf32>
        %add3A_361 = arith.addf %mul3A_333, %mul3A_335 : vector<16xf32>
        %add3A_362 = arith.addf %mul3A_337, %mul3A_339 : vector<16xf32>
        %add3A_363 = arith.addf %mul3A_341, %mul3A_343 : vector<16xf32>
        %add3A_364 = arith.addf %mul3A_345, %mul3A_347 : vector<16xf32>
        %add3A_365 = arith.addf %mul3A_349, %mul3A_351 : vector<16xf32>
        %add3A_366 = arith.addf %mul3A_353, %mul3A_355 : vector<16xf32>
        %add3A_367 = arith.addf %mul3A_357, %mul3A_359 : vector<16xf32>
        %add3A_368 = arith.addf %add3A_360, %add3A_361 : vector<16xf32>
        %add3A_369 = arith.addf %add3A_362, %add3A_363 : vector<16xf32>
        %add3A_370 = arith.addf %add3A_364, %add3A_365 : vector<16xf32>
        %add3A_371 = arith.addf %add3A_366, %add3A_367 : vector<16xf32>
        %add3A_372 = arith.addf %add3A_368, %add3A_369 : vector<16xf32>
        %add3A_373 = arith.addf %add3A_370, %add3A_371 : vector<16xf32>
        %add3A_374 = arith.addf %add3A_372, %add3A_373 : vector<16xf32>
        %bitcast3A = vector.bitcast %add3A_327 : vector<16xf32> to vector<16xi32>
        %shift_right_arithmetic3A = arith.constant 1 : i32
        %shift_right_arithmetic3A_375 = vector.broadcast %shift_right_arithmetic3A : i32 to vector<16xi32>
        %shift_right_arithmetic3A_376 = arith.shrsi %bitcast3A, %shift_right_arithmetic3A_375 : vector<16xi32>
        %sub3A = arith.constant 1597463007 : i32
        %sub3A_377 = vector.broadcast %sub3A : i32 to vector<16xi32>
        %sub3A_378 = arith.subi %sub3A_377, %shift_right_arithmetic3A_376 : vector<16xi32>
        %bitcast3A_379 = vector.bitcast %sub3A_378 : vector<16xi32> to vector<16xf32>
        %mul3A_380 = arith.constant 5.000000e-01 : f32
        %mul3A_381 = vector.broadcast %mul3A_380 : f32 to vector<16xf32>
        %mul3A_382 = arith.mulf %mul3A_381, %add3A_327 : vector<16xf32>
        %mul3A_383 = arith.mulf %mul3A_382, %bitcast3A_379 : vector<16xf32>
        %mul3A_384 = arith.mulf %mul3A_383, %bitcast3A_379 : vector<16xf32>
        %sub3A_385 = arith.constant 1.500000e+00 : f32
        %sub3A_386 = vector.broadcast %sub3A_385 : f32 to vector<16xf32>
        %sub3A_387 = arith.subf %sub3A_386, %mul3A_384 : vector<16xf32>
        %mul3A_388 = arith.mulf %bitcast3A_379, %sub3A_387 : vector<16xf32>
        %mul3A_389 = arith.constant 5.000000e-01 : f32
        %mul3A_390 = vector.broadcast %mul3A_389 : f32 to vector<16xf32>
        %mul3A_391 = arith.mulf %mul3A_390, %add3A_327 : vector<16xf32>
        %mul3A_392 = arith.mulf %mul3A_391, %mul3A_388 : vector<16xf32>
        %mul3A_393 = arith.mulf %mul3A_392, %mul3A_388 : vector<16xf32>
        %sub3A_394 = arith.constant 1.500000e+00 : f32
        %sub3A_395 = vector.broadcast %sub3A_394 : f32 to vector<16xf32>
        %sub3A_396 = arith.subf %sub3A_395, %mul3A_393 : vector<16xf32>
        %mul3A_397 = arith.mulf %mul3A_388, %sub3A_396 : vector<16xf32>
        %mul3A_398 = arith.constant 5.000000e-01 : f32
        %mul3A_399 = vector.broadcast %mul3A_398 : f32 to vector<16xf32>
        %mul3A_400 = arith.mulf %mul3A_399, %add3A_327 : vector<16xf32>
        %mul3A_401 = arith.mulf %mul3A_400, %mul3A_397 : vector<16xf32>
        %mul3A_402 = arith.mulf %mul3A_401, %mul3A_397 : vector<16xf32>
        %sub3A_403 = arith.constant 1.500000e+00 : f32
        %sub3A_404 = vector.broadcast %sub3A_403 : f32 to vector<16xf32>
        %sub3A_405 = arith.subf %sub3A_404, %mul3A_402 : vector<16xf32>
        %mul3A_406 = arith.mulf %mul3A_397, %sub3A_405 : vector<16xf32>
        %min3A = arith.constant 1.000000e+00 : f32
        %min3A_407 = vector.broadcast %min3A : f32 to vector<16xf32>
        %min3A_408 = arith.minimumf %min3A_407, %mul3A_406 : vector<16xf32>
        %mul3A_409 = arith.mulf %add3A_374, %min3A_408 : vector<16xf32>
        %mul3A_410 = arith.constant 16 : i32
        %mul3A_411 = arith.muli %scan3A_273, %mul3A_410 : i32
        %add3A_412 = vector.broadcast %mul3A_411 : i32 to vector<16xi32>
        %add3A_413 = arith.addi %add3A_412, %iota3A : vector<16xi32>
        %mul3A_414 = arith.constant 50 : i32
        %mul3A_415 = vector.broadcast %mul3A_414 : i32 to vector<16xi32>
        %mul3A_416 = arith.muli %add3A_413, %mul3A_415 : vector<16xi32>
        %broadcast_in_dim3A_417 = arith.constant 0.000000e+00 : f32
        %broadcast_in_dim3A_418 = vector.broadcast %broadcast_in_dim3A_417 : f32 to vector<16xf32>
        %parallel_loop3A = arith.constant 0 : i32
        %parallel_loop3A_419 = arith.constant 50 : i32
        %parallel_loop3A_420 = arith.constant 1 : i32
        %parallel_loop3A_421:17 = scf.for %parallel_loop3A_441 = %parallel_loop3A to %parallel_loop3A_419 step %parallel_loop3A_420 iter_args(%parallel_loop3A_442 = %broadcast_in_dim3A_418, %parallel_loop3A_443 = %broadcast_in_dim3A_418, %parallel_loop3A_444 = %broadcast_in_dim3A_418, %parallel_loop3A_445 = %broadcast_in_dim3A_418, %parallel_loop3A_446 = %broadcast_in_dim3A_418, %parallel_loop3A_447 = %broadcast_in_dim3A_418, %parallel_loop3A_448 = %broadcast_in_dim3A_418, %parallel_loop3A_449 = %broadcast_in_dim3A_418, %parallel_loop3A_450 = %broadcast_in_dim3A_418, %parallel_loop3A_451 = %broadcast_in_dim3A_418, %parallel_loop3A_452 = %broadcast_in_dim3A_418, %parallel_loop3A_453 = %broadcast_in_dim3A_418, %parallel_loop3A_454 = %broadcast_in_dim3A_418, %parallel_loop3A_455 = %broadcast_in_dim3A_418, %parallel_loop3A_456 = %broadcast_in_dim3A_418, %parallel_loop3A_457 = %broadcast_in_dim3A_418, %parallel_loop3A_458 = %broadcast_in_dim3A_418) -> (vector<16xf32>, vector<16xf32>, vector<16xf32>, vector<16xf32>, vector<16xf32>, vector<16xf32>, vector<16xf32>, vector<16xf32>, vector<16xf32>, vector<16xf32>, vector<16xf32>, vector<16xf32>, vector<16xf32>, vector<16xf32>, vector<16xf32>, vector<16xf32>, vector<16xf32>)  : i32 {
          %parallel_loop3A_459 = vector.broadcast %parallel_loop3A_441 : i32 to vector<16xi32>
          %parallel_loop3A_460 = arith.addi %mul3A_416, %parallel_loop3A_459 : vector<16xi32>
          %parallel_loop3A_461 = tpu.vector_load_idx %arg10[%parallel_loop3A_460, %broadcast_in_dim3A_182] : memref<1600x16xf32, #tpu.memory_space<vmem>>[vector<16xi32>, vector<16xi32>], vector<16xf32>,
          %parallel_loop3A_462 = tpu.vector_load_idx %arg10[%parallel_loop3A_460, %broadcast_in_dim3A_184] : memref<1600x16xf32, #tpu.memory_space<vmem>>[vector<16xi32>, vector<16xi32>], vector<16xf32>,
          %parallel_loop3A_463 = tpu.vector_load_idx %arg10[%parallel_loop3A_460, %broadcast_in_dim3A_186] : memref<1600x16xf32, #tpu.memory_space<vmem>>[vector<16xi32>, vector<16xi32>], vector<16xf32>,
          %parallel_loop3A_464 = tpu.vector_load_idx %arg10[%parallel_loop3A_460, %broadcast_in_dim3A_188] : memref<1600x16xf32, #tpu.memory_space<vmem>>[vector<16xi32>, vector<16xi32>], vector<16xf32>,
          %parallel_loop3A_465 = tpu.vector_load_idx %arg10[%parallel_loop3A_460, %broadcast_in_dim3A_190] : memref<1600x16xf32, #tpu.memory_space<vmem>>[vector<16xi32>, vector<16xi32>], vector<16xf32>,
          %parallel_loop3A_466 = tpu.vector_load_idx %arg10[%parallel_loop3A_460, %broadcast_in_dim3A_192] : memref<1600x16xf32, #tpu.memory_space<vmem>>[vector<16xi32>, vector<16xi32>], vector<16xf32>,
          %parallel_loop3A_467 = tpu.vector_load_idx %arg10[%parallel_loop3A_460, %broadcast_in_dim3A_194] : memref<1600x16xf32, #tpu.memory_space<vmem>>[vector<16xi32>, vector<16xi32>], vector<16xf32>,
          %parallel_loop3A_468 = tpu.vector_load_idx %arg10[%parallel_loop3A_460, %broadcast_in_dim3A_196] : memref<1600x16xf32, #tpu.memory_space<vmem>>[vector<16xi32>, vector<16xi32>], vector<16xf32>,
          %parallel_loop3A_469 = tpu.vector_load_idx %arg10[%parallel_loop3A_460, %broadcast_in_dim3A_198] : memref<1600x16xf32, #tpu.memory_space<vmem>>[vector<16xi32>, vector<16xi32>], vector<16xf32>,
          %parallel_loop3A_470 = tpu.vector_load_idx %arg10[%parallel_loop3A_460, %broadcast_in_dim3A_200] : memref<1600x16xf32, #tpu.memory_space<vmem>>[vector<16xi32>, vector<16xi32>], vector<16xf32>,
          %parallel_loop3A_471 = tpu.vector_load_idx %arg10[%parallel_loop3A_460, %broadcast_in_dim3A_202] : memref<1600x16xf32, #tpu.memory_space<vmem>>[vector<16xi32>, vector<16xi32>], vector<16xf32>,
          %parallel_loop3A_472 = tpu.vector_load_idx %arg10[%parallel_loop3A_460, %broadcast_in_dim3A_204] : memref<1600x16xf32, #tpu.memory_space<vmem>>[vector<16xi32>, vector<16xi32>], vector<16xf32>,
          %parallel_loop3A_473 = tpu.vector_load_idx %arg10[%parallel_loop3A_460, %broadcast_in_dim3A_206] : memref<1600x16xf32, #tpu.memory_space<vmem>>[vector<16xi32>, vector<16xi32>], vector<16xf32>,
          %parallel_loop3A_474 = tpu.vector_load_idx %arg10[%parallel_loop3A_460, %broadcast_in_dim3A_208] : memref<1600x16xf32, #tpu.memory_space<vmem>>[vector<16xi32>, vector<16xi32>], vector<16xf32>,
          %parallel_loop3A_475 = tpu.vector_load_idx %arg10[%parallel_loop3A_460, %broadcast_in_dim3A_210] : memref<1600x16xf32, #tpu.memory_space<vmem>>[vector<16xi32>, vector<16xi32>], vector<16xf32>,
          %parallel_loop3A_476 = tpu.vector_load_idx %arg10[%parallel_loop3A_460, %broadcast_in_dim3A_212] : memref<1600x16xf32, #tpu.memory_space<vmem>>[vector<16xi32>, vector<16xi32>], vector<16xf32>,
          %parallel_loop3A_477 = arith.mulf %parallel_loop3A_461, %parallel_loop3A_461 : vector<16xf32>
          %parallel_loop3A_478 = arith.mulf %parallel_loop3A_462, %parallel_loop3A_462 : vector<16xf32>
          %parallel_loop3A_479 = arith.mulf %parallel_loop3A_463, %parallel_loop3A_463 : vector<16xf32>
          %parallel_loop3A_480 = arith.mulf %parallel_loop3A_464, %parallel_loop3A_464 : vector<16xf32>
          %parallel_loop3A_481 = arith.mulf %parallel_loop3A_465, %parallel_loop3A_465 : vector<16xf32>
          %parallel_loop3A_482 = arith.mulf %parallel_loop3A_466, %parallel_loop3A_466 : vector<16xf32>
          %parallel_loop3A_483 = arith.mulf %parallel_loop3A_467, %parallel_loop3A_467 : vector<16xf32>
          %parallel_loop3A_484 = arith.mulf %parallel_loop3A_468, %parallel_loop3A_468 : vector<16xf32>
          %parallel_loop3A_485 = arith.mulf %parallel_loop3A_469, %parallel_loop3A_469 : vector<16xf32>
          %parallel_loop3A_486 = arith.mulf %parallel_loop3A_470, %parallel_loop3A_470 : vector<16xf32>
          %parallel_loop3A_487 = arith.mulf %parallel_loop3A_471, %parallel_loop3A_471 : vector<16xf32>
          %parallel_loop3A_488 = arith.mulf %parallel_loop3A_472, %parallel_loop3A_472 : vector<16xf32>
          %parallel_loop3A_489 = arith.mulf %parallel_loop3A_473, %parallel_loop3A_473 : vector<16xf32>
          %parallel_loop3A_490 = arith.mulf %parallel_loop3A_474, %parallel_loop3A_474 : vector<16xf32>
          %parallel_loop3A_491 = arith.mulf %parallel_loop3A_475, %parallel_loop3A_475 : vector<16xf32>
          %parallel_loop3A_492 = arith.mulf %parallel_loop3A_476, %parallel_loop3A_476 : vector<16xf32>
          %parallel_loop3A_493 = arith.addf %parallel_loop3A_477, %parallel_loop3A_478 : vector<16xf32>
          %parallel_loop3A_494 = arith.addf %parallel_loop3A_479, %parallel_loop3A_480 : vector<16xf32>
          %parallel_loop3A_495 = arith.addf %parallel_loop3A_481, %parallel_loop3A_482 : vector<16xf32>
          %parallel_loop3A_496 = arith.addf %parallel_loop3A_483, %parallel_loop3A_484 : vector<16xf32>
          %parallel_loop3A_497 = arith.addf %parallel_loop3A_485, %parallel_loop3A_486 : vector<16xf32>
          %parallel_loop3A_498 = arith.addf %parallel_loop3A_487, %parallel_loop3A_488 : vector<16xf32>
          %parallel_loop3A_499 = arith.addf %parallel_loop3A_489, %parallel_loop3A_490 : vector<16xf32>
          %parallel_loop3A_500 = arith.addf %parallel_loop3A_491, %parallel_loop3A_492 : vector<16xf32>
          %parallel_loop3A_501 = arith.addf %parallel_loop3A_493, %parallel_loop3A_494 : vector<16xf32>
          %parallel_loop3A_502 = arith.addf %parallel_loop3A_495, %parallel_loop3A_496 : vector<16xf32>
          %parallel_loop3A_503 = arith.addf %parallel_loop3A_497, %parallel_loop3A_498 : vector<16xf32>
          %parallel_loop3A_504 = arith.addf %parallel_loop3A_499, %parallel_loop3A_500 : vector<16xf32>
          %parallel_loop3A_505 = arith.addf %parallel_loop3A_501, %parallel_loop3A_502 : vector<16xf32>
          %parallel_loop3A_506 = arith.addf %parallel_loop3A_503, %parallel_loop3A_504 : vector<16xf32>
          %parallel_loop3A_507 = arith.addf %parallel_loop3A_505, %parallel_loop3A_506 : vector<16xf32>
          %parallel_loop3A_508 = vector.broadcast %squeeze3A_150 : f32 to vector<16xf32>
          %parallel_loop3A_509 = arith.mulf %parallel_loop3A_461, %parallel_loop3A_508 : vector<16xf32>
          %parallel_loop3A_510 = vector.broadcast %squeeze3A_152 : f32 to vector<16xf32>
          %parallel_loop3A_511 = arith.mulf %parallel_loop3A_462, %parallel_loop3A_510 : vector<16xf32>
          %parallel_loop3A_512 = vector.broadcast %squeeze3A_154 : f32 to vector<16xf32>
          %parallel_loop3A_513 = arith.mulf %parallel_loop3A_463, %parallel_loop3A_512 : vector<16xf32>
          %parallel_loop3A_514 = vector.broadcast %squeeze3A_156 : f32 to vector<16xf32>
          %parallel_loop3A_515 = arith.mulf %parallel_loop3A_464, %parallel_loop3A_514 : vector<16xf32>
          %parallel_loop3A_516 = vector.broadcast %squeeze3A_158 : f32 to vector<16xf32>
          %parallel_loop3A_517 = arith.mulf %parallel_loop3A_465, %parallel_loop3A_516 : vector<16xf32>
          %parallel_loop3A_518 = vector.broadcast %squeeze3A_160 : f32 to vector<16xf32>
          %parallel_loop3A_519 = arith.mulf %parallel_loop3A_466, %parallel_loop3A_518 : vector<16xf32>
          %parallel_loop3A_520 = vector.broadcast %squeeze3A_162 : f32 to vector<16xf32>
          %parallel_loop3A_521 = arith.mulf %parallel_loop3A_467, %parallel_loop3A_520 : vector<16xf32>
          %parallel_loop3A_522 = vector.broadcast %squeeze3A_164 : f32 to vector<16xf32>
          %parallel_loop3A_523 = arith.mulf %parallel_loop3A_468, %parallel_loop3A_522 : vector<16xf32>
          %parallel_loop3A_524 = vector.broadcast %squeeze3A_166 : f32 to vector<16xf32>
          %parallel_loop3A_525 = arith.mulf %parallel_loop3A_469, %parallel_loop3A_524 : vector<16xf32>
          %parallel_loop3A_526 = vector.broadcast %squeeze3A_168 : f32 to vector<16xf32>
          %parallel_loop3A_527 = arith.mulf %parallel_loop3A_470, %parallel_loop3A_526 : vector<16xf32>
          %parallel_loop3A_528 = vector.broadcast %squeeze3A_170 : f32 to vector<16xf32>
          %parallel_loop3A_529 = arith.mulf %parallel_loop3A_471, %parallel_loop3A_528 : vector<16xf32>
          %parallel_loop3A_530 = vector.broadcast %squeeze3A_172 : f32 to vector<16xf32>
          %parallel_loop3A_531 = arith.mulf %parallel_loop3A_472, %parallel_loop3A_530 : vector<16xf32>
          %parallel_loop3A_532 = vector.broadcast %squeeze3A_174 : f32 to vector<16xf32>
          %parallel_loop3A_533 = arith.mulf %parallel_loop3A_473, %parallel_loop3A_532 : vector<16xf32>
          %parallel_loop3A_534 = vector.broadcast %squeeze3A_176 : f32 to vector<16xf32>
          %parallel_loop3A_535 = arith.mulf %parallel_loop3A_474, %parallel_loop3A_534 : vector<16xf32>
          %parallel_loop3A_536 = vector.broadcast %squeeze3A_178 : f32 to vector<16xf32>
          %parallel_loop3A_537 = arith.mulf %parallel_loop3A_475, %parallel_loop3A_536 : vector<16xf32>
          %parallel_loop3A_538 = vector.broadcast %squeeze3A_180 : f32 to vector<16xf32>
          %parallel_loop3A_539 = arith.mulf %parallel_loop3A_476, %parallel_loop3A_538 : vector<16xf32>
          %parallel_loop3A_540 = arith.addf %parallel_loop3A_509, %parallel_loop3A_511 : vector<16xf32>
          %parallel_loop3A_541 = arith.addf %parallel_loop3A_513, %parallel_loop3A_515 : vector<16xf32>
          %parallel_loop3A_542 = arith.addf %parallel_loop3A_517, %parallel_loop3A_519 : vector<16xf32>
          %parallel_loop3A_543 = arith.addf %parallel_loop3A_521, %parallel_loop3A_523 : vector<16xf32>
          %parallel_loop3A_544 = arith.addf %parallel_loop3A_525, %parallel_loop3A_527 : vector<16xf32>
          %parallel_loop3A_545 = arith.addf %parallel_loop3A_529, %parallel_loop3A_531 : vector<16xf32>
          %parallel_loop3A_546 = arith.addf %parallel_loop3A_533, %parallel_loop3A_535 : vector<16xf32>
          %parallel_loop3A_547 = arith.addf %parallel_loop3A_537, %parallel_loop3A_539 : vector<16xf32>
          %parallel_loop3A_548 = arith.addf %parallel_loop3A_540, %parallel_loop3A_541 : vector<16xf32>
          %parallel_loop3A_549 = arith.addf %parallel_loop3A_542, %parallel_loop3A_543 : vector<16xf32>
          %parallel_loop3A_550 = arith.addf %parallel_loop3A_544, %parallel_loop3A_545 : vector<16xf32>
          %parallel_loop3A_551 = arith.addf %parallel_loop3A_546, %parallel_loop3A_547 : vector<16xf32>
          %parallel_loop3A_552 = arith.addf %parallel_loop3A_548, %parallel_loop3A_549 : vector<16xf32>
          %parallel_loop3A_553 = arith.addf %parallel_loop3A_550, %parallel_loop3A_551 : vector<16xf32>
          %parallel_loop3A_554 = arith.addf %parallel_loop3A_552, %parallel_loop3A_553 : vector<16xf32>
          %parallel_loop3A_555 = vector.bitcast %parallel_loop3A_507 : vector<16xf32> to vector<16xi32>
          %parallel_loop3A_556 = arith.constant 1 : i32
          %parallel_loop3A_557 = vector.broadcast %parallel_loop3A_556 : i32 to vector<16xi32>
          %parallel_loop3A_558 = arith.shrsi %parallel_loop3A_555, %parallel_loop3A_557 : vector<16xi32>
          %parallel_loop3A_559 = arith.constant 1597463007 : i32
          %parallel_loop3A_560 = vector.broadcast %parallel_loop3A_559 : i32 to vector<16xi32>
          %parallel_loop3A_561 = arith.subi %parallel_loop3A_560, %parallel_loop3A_558 : vector<16xi32>
          %parallel_loop3A_562 = vector.bitcast %parallel_loop3A_561 : vector<16xi32> to vector<16xf32>
          %parallel_loop3A_563 = arith.constant 5.000000e-01 : f32
          %parallel_loop3A_564 = vector.broadcast %parallel_loop3A_563 : f32 to vector<16xf32>
          %parallel_loop3A_565 = arith.mulf %parallel_loop3A_564, %parallel_loop3A_507 : vector<16xf32>
          %parallel_loop3A_566 = arith.mulf %parallel_loop3A_565, %parallel_loop3A_562 : vector<16xf32>
          %parallel_loop3A_567 = arith.mulf %parallel_loop3A_566, %parallel_loop3A_562 : vector<16xf32>
          %parallel_loop3A_568 = arith.constant 1.500000e+00 : f32
          %parallel_loop3A_569 = vector.broadcast %parallel_loop3A_568 : f32 to vector<16xf32>
          %parallel_loop3A_570 = arith.subf %parallel_loop3A_569, %parallel_loop3A_567 : vector<16xf32>
          %parallel_loop3A_571 = arith.mulf %parallel_loop3A_562, %parallel_loop3A_570 : vector<16xf32>
          %parallel_loop3A_572 = arith.constant 5.000000e-01 : f32
          %parallel_loop3A_573 = vector.broadcast %parallel_loop3A_572 : f32 to vector<16xf32>
          %parallel_loop3A_574 = arith.mulf %parallel_loop3A_573, %parallel_loop3A_507 : vector<16xf32>
          %parallel_loop3A_575 = arith.mulf %parallel_loop3A_574, %parallel_loop3A_571 : vector<16xf32>
          %parallel_loop3A_576 = arith.mulf %parallel_loop3A_575, %parallel_loop3A_571 : vector<16xf32>
          %parallel_loop3A_577 = arith.constant 1.500000e+00 : f32
          %parallel_loop3A_578 = vector.broadcast %parallel_loop3A_577 : f32 to vector<16xf32>
          %parallel_loop3A_579 = arith.subf %parallel_loop3A_578, %parallel_loop3A_576 : vector<16xf32>
          %parallel_loop3A_580 = arith.mulf %parallel_loop3A_571, %parallel_loop3A_579 : vector<16xf32>
          %parallel_loop3A_581 = arith.constant 5.000000e-01 : f32
          %parallel_loop3A_582 = vector.broadcast %parallel_loop3A_581 : f32 to vector<16xf32>
          %parallel_loop3A_583 = arith.mulf %parallel_loop3A_582, %parallel_loop3A_507 : vector<16xf32>
          %parallel_loop3A_584 = arith.mulf %parallel_loop3A_583, %parallel_loop3A_580 : vector<16xf32>
          %parallel_loop3A_585 = arith.mulf %parallel_loop3A_584, %parallel_loop3A_580 : vector<16xf32>
          %parallel_loop3A_586 = arith.constant 1.500000e+00 : f32
          %parallel_loop3A_587 = vector.broadcast %parallel_loop3A_586 : f32 to vector<16xf32>
          %parallel_loop3A_588 = arith.subf %parallel_loop3A_587, %parallel_loop3A_585 : vector<16xf32>
          %parallel_loop3A_589 = arith.mulf %parallel_loop3A_580, %parallel_loop3A_588 : vector<16xf32>
          %parallel_loop3A_590 = arith.constant 1.000000e+00 : f32
          %parallel_loop3A_591 = vector.broadcast %parallel_loop3A_590 : f32 to vector<16xf32>
          %parallel_loop3A_592 = arith.minimumf %parallel_loop3A_591, %parallel_loop3A_589 : vector<16xf32>
          %parallel_loop3A_593 = arith.mulf %parallel_loop3A_554, %parallel_loop3A_592 : vector<16xf32>
          %parallel_loop3A_594 = arith.addf %mul3A_409, %parallel_loop3A_593 : vector<16xf32>
          %parallel_loop3A_595 = arith.constant 0.000000e+00 : f32
          %parallel_loop3A_596 = vector.broadcast %parallel_loop3A_595 : f32 to vector<16xf32>
          %parallel_loop3A_597 = arith.cmpf oge, %parallel_loop3A_594, %parallel_loop3A_596 : vector<16xf32>
          %parallel_loop3A_598 = arith.constant 2.000000e-01 : f32
          %parallel_loop3A_599 = vector.broadcast %parallel_loop3A_598 : f32 to vector<16xf32>
          %parallel_loop3A_600 = arith.mulf %parallel_loop3A_594, %parallel_loop3A_599 : vector<16xf32>
          %parallel_loop3A_601 = arith.select %parallel_loop3A_597, %parallel_loop3A_594, %parallel_loop3A_600 : vector<16xi1>, vector<16xf32>
          %parallel_loop3A_602 = math.exp %parallel_loop3A_601 : vector<16xf32>
          %parallel_loop3A_603 = arith.mulf %parallel_loop3A_602, %parallel_loop3A_592 : vector<16xf32>
          %parallel_loop3A_604 = arith.mulf %parallel_loop3A_603, %parallel_loop3A_461 : vector<16xf32>
          %parallel_loop3A_605 = arith.addf %parallel_loop3A_443, %parallel_loop3A_604 : vector<16xf32>
          %parallel_loop3A_606 = arith.mulf %parallel_loop3A_603, %parallel_loop3A_462 : vector<16xf32>
          %parallel_loop3A_607 = arith.addf %parallel_loop3A_444, %parallel_loop3A_606 : vector<16xf32>
          %parallel_loop3A_608 = arith.mulf %parallel_loop3A_603, %parallel_loop3A_463 : vector<16xf32>
          %parallel_loop3A_609 = arith.addf %parallel_loop3A_445, %parallel_loop3A_608 : vector<16xf32>
          %parallel_loop3A_610 = arith.mulf %parallel_loop3A_603, %parallel_loop3A_464 : vector<16xf32>
          %parallel_loop3A_611 = arith.addf %parallel_loop3A_446, %parallel_loop3A_610 : vector<16xf32>
          %parallel_loop3A_612 = arith.mulf %parallel_loop3A_603, %parallel_loop3A_465 : vector<16xf32>
          %parallel_loop3A_613 = arith.addf %parallel_loop3A_447, %parallel_loop3A_612 : vector<16xf32>
          %parallel_loop3A_614 = arith.mulf %parallel_loop3A_603, %parallel_loop3A_466 : vector<16xf32>
          %parallel_loop3A_615 = arith.addf %parallel_loop3A_448, %parallel_loop3A_614 : vector<16xf32>
          %parallel_loop3A_616 = arith.mulf %parallel_loop3A_603, %parallel_loop3A_467 : vector<16xf32>
          %parallel_loop3A_617 = arith.addf %parallel_loop3A_449, %parallel_loop3A_616 : vector<16xf32>
          %parallel_loop3A_618 = arith.mulf %parallel_loop3A_603, %parallel_loop3A_468 : vector<16xf32>
          %parallel_loop3A_619 = arith.addf %parallel_loop3A_450, %parallel_loop3A_618 : vector<16xf32>
          %parallel_loop3A_620 = arith.mulf %parallel_loop3A_603, %parallel_loop3A_469 : vector<16xf32>
          %parallel_loop3A_621 = arith.addf %parallel_loop3A_451, %parallel_loop3A_620 : vector<16xf32>
          %parallel_loop3A_622 = arith.mulf %parallel_loop3A_603, %parallel_loop3A_470 : vector<16xf32>
          %parallel_loop3A_623 = arith.addf %parallel_loop3A_452, %parallel_loop3A_622 : vector<16xf32>
          %parallel_loop3A_624 = arith.mulf %parallel_loop3A_603, %parallel_loop3A_471 : vector<16xf32>
          %parallel_loop3A_625 = arith.addf %parallel_loop3A_453, %parallel_loop3A_624 : vector<16xf32>
          %parallel_loop3A_626 = arith.mulf %parallel_loop3A_603, %parallel_loop3A_472 : vector<16xf32>
          %parallel_loop3A_627 = arith.addf %parallel_loop3A_454, %parallel_loop3A_626 : vector<16xf32>
          %parallel_loop3A_628 = arith.mulf %parallel_loop3A_603, %parallel_loop3A_473 : vector<16xf32>
          %parallel_loop3A_629 = arith.addf %parallel_loop3A_455, %parallel_loop3A_628 : vector<16xf32>
          %parallel_loop3A_630 = arith.mulf %parallel_loop3A_603, %parallel_loop3A_474 : vector<16xf32>
          %parallel_loop3A_631 = arith.addf %parallel_loop3A_456, %parallel_loop3A_630 : vector<16xf32>
          %parallel_loop3A_632 = arith.mulf %parallel_loop3A_603, %parallel_loop3A_475 : vector<16xf32>
          %parallel_loop3A_633 = arith.addf %parallel_loop3A_457, %parallel_loop3A_632 : vector<16xf32>
          %parallel_loop3A_634 = arith.mulf %parallel_loop3A_603, %parallel_loop3A_476 : vector<16xf32>
          %parallel_loop3A_635 = arith.addf %parallel_loop3A_458, %parallel_loop3A_634 : vector<16xf32>
          %parallel_loop3A_636 = arith.addf %parallel_loop3A_442, %parallel_loop3A_602 : vector<16xf32>
          scf.yield %parallel_loop3A_636, %parallel_loop3A_605, %parallel_loop3A_607, %parallel_loop3A_609, %parallel_loop3A_611, %parallel_loop3A_613, %parallel_loop3A_615, %parallel_loop3A_617, %parallel_loop3A_619, %parallel_loop3A_621, %parallel_loop3A_623, %parallel_loop3A_625, %parallel_loop3A_627, %parallel_loop3A_629, %parallel_loop3A_631, %parallel_loop3A_633, %parallel_loop3A_635 : vector<16xf32>, vector<16xf32>, vector<16xf32>, vector<16xf32>, vector<16xf32>, vector<16xf32>, vector<16xf32>, vector<16xf32>, vector<16xf32>, vector<16xf32>, vector<16xf32>, vector<16xf32>, vector<16xf32>, vector<16xf32>, vector<16xf32>, vector<16xf32>, vector<16xf32>
        } {sc.loop_unroll_factor = 2 : i64, sc.parallel_access}
        %div3A = arith.constant 1.000000e+00 : f32
        %div3A_422 = vector.broadcast %div3A : f32 to vector<16xf32>
        %div3A_423 = arith.divf %div3A_422, %parallel_loop3A_421#0 : vector<16xf32>
        %mul3A_424 = arith.mulf %parallel_loop3A_421#1, %div3A_423 : vector<16xf32>
        tpu.vector_store_idx %arg15[%add3A_281, %broadcast_in_dim3A_182], %mul3A_424 : memref<512x16xf32, #tpu.memory_space<vmem>>[vector<16xi32>, vector<16xi32>], vector<16xf32>,
        %mul3A_425 = arith.mulf %parallel_loop3A_421#2, %div3A_423 : vector<16xf32>
        tpu.vector_store_idx %arg15[%add3A_281, %broadcast_in_dim3A_184], %mul3A_425 : memref<512x16xf32, #tpu.memory_space<vmem>>[vector<16xi32>, vector<16xi32>], vector<16xf32>,
        %mul3A_426 = arith.mulf %parallel_loop3A_421#3, %div3A_423 : vector<16xf32>
        tpu.vector_store_idx %arg15[%add3A_281, %broadcast_in_dim3A_186], %mul3A_426 : memref<512x16xf32, #tpu.memory_space<vmem>>[vector<16xi32>, vector<16xi32>], vector<16xf32>,
        %mul3A_427 = arith.mulf %parallel_loop3A_421#4, %div3A_423 : vector<16xf32>
        tpu.vector_store_idx %arg15[%add3A_281, %broadcast_in_dim3A_188], %mul3A_427 : memref<512x16xf32, #tpu.memory_space<vmem>>[vector<16xi32>, vector<16xi32>], vector<16xf32>,
        %mul3A_428 = arith.mulf %parallel_loop3A_421#5, %div3A_423 : vector<16xf32>
        tpu.vector_store_idx %arg15[%add3A_281, %broadcast_in_dim3A_190], %mul3A_428 : memref<512x16xf32, #tpu.memory_space<vmem>>[vector<16xi32>, vector<16xi32>], vector<16xf32>,
        %mul3A_429 = arith.mulf %parallel_loop3A_421#6, %div3A_423 : vector<16xf32>
        tpu.vector_store_idx %arg15[%add3A_281, %broadcast_in_dim3A_192], %mul3A_429 : memref<512x16xf32, #tpu.memory_space<vmem>>[vector<16xi32>, vector<16xi32>], vector<16xf32>,
        %mul3A_430 = arith.mulf %parallel_loop3A_421#7, %div3A_423 : vector<16xf32>
        tpu.vector_store_idx %arg15[%add3A_281, %broadcast_in_dim3A_194], %mul3A_430 : memref<512x16xf32, #tpu.memory_space<vmem>>[vector<16xi32>, vector<16xi32>], vector<16xf32>,
        %mul3A_431 = arith.mulf %parallel_loop3A_421#8, %div3A_423 : vector<16xf32>
        tpu.vector_store_idx %arg15[%add3A_281, %broadcast_in_dim3A_196], %mul3A_431 : memref<512x16xf32, #tpu.memory_space<vmem>>[vector<16xi32>, vector<16xi32>], vector<16xf32>,
        %mul3A_432 = arith.mulf %parallel_loop3A_421#9, %div3A_423 : vector<16xf32>
        tpu.vector_store_idx %arg15[%add3A_281, %broadcast_in_dim3A_198], %mul3A_432 : memref<512x16xf32, #tpu.memory_space<vmem>>[vector<16xi32>, vector<16xi32>], vector<16xf32>,
        %mul3A_433 = arith.mulf %parallel_loop3A_421#10, %div3A_423 : vector<16xf32>
        tpu.vector_store_idx %arg15[%add3A_281, %broadcast_in_dim3A_200], %mul3A_433 : memref<512x16xf32, #tpu.memory_space<vmem>>[vector<16xi32>, vector<16xi32>], vector<16xf32>,
        %mul3A_434 = arith.mulf %parallel_loop3A_421#11, %div3A_423 : vector<16xf32>
        tpu.vector_store_idx %arg15[%add3A_281, %broadcast_in_dim3A_202], %mul3A_434 : memref<512x16xf32, #tpu.memory_space<vmem>>[vector<16xi32>, vector<16xi32>], vector<16xf32>,
        %mul3A_435 = arith.mulf %parallel_loop3A_421#12, %div3A_423 : vector<16xf32>
        tpu.vector_store_idx %arg15[%add3A_281, %broadcast_in_dim3A_204], %mul3A_435 : memref<512x16xf32, #tpu.memory_space<vmem>>[vector<16xi32>, vector<16xi32>], vector<16xf32>,
        %mul3A_436 = arith.mulf %parallel_loop3A_421#13, %div3A_423 : vector<16xf32>
        tpu.vector_store_idx %arg15[%add3A_281, %broadcast_in_dim3A_206], %mul3A_436 : memref<512x16xf32, #tpu.memory_space<vmem>>[vector<16xi32>, vector<16xi32>], vector<16xf32>,
        %mul3A_437 = arith.mulf %parallel_loop3A_421#14, %div3A_423 : vector<16xf32>
        tpu.vector_store_idx %arg15[%add3A_281, %broadcast_in_dim3A_208], %mul3A_437 : memref<512x16xf32, #tpu.memory_space<vmem>>[vector<16xi32>, vector<16xi32>], vector<16xf32>,
        %mul3A_438 = arith.mulf %parallel_loop3A_421#15, %div3A_423 : vector<16xf32>
        tpu.vector_store_idx %arg15[%add3A_281, %broadcast_in_dim3A_210], %mul3A_438 : memref<512x16xf32, #tpu.memory_space<vmem>>[vector<16xi32>, vector<16xi32>], vector<16xf32>,
        %mul3A_439 = arith.mulf %parallel_loop3A_421#16, %div3A_423 : vector<16xf32>
        tpu.vector_store_idx %arg15[%add3A_281, %broadcast_in_dim3A_212], %mul3A_439 : memref<512x16xf32, #tpu.memory_space<vmem>>[vector<16xi32>, vector<16xi32>], vector<16xf32>,
        %scan3A_440 = arith.constant 0 : i32
        scf.yield %scan3A_440 : i32
      }
      %scan3A_271 = arith.constant 2 : i32
      %scan3A_272 = arith.constant 0 : i32
      scf.yield %scan3A_272 : i32
    }
    %scan3A_227 = arith.constant 8 : i32
    %mul3A_228 = arith.constant 512 : i32
    %mul3A_229 = arith.muli %add3A, %mul3A_228 : i32
    "tpu.region"() ({
      %run_scoped3A = tpu.sem_alloc : memref<!tpu.dma_semaphore, #tpu.memory_space<semaphore_mem>>
      %dma_start3A_230 = arith.constant 0 : i32
      %dma_start3A_231 = tpu.memref_slice %arg7[%mul3A_229, %dma_start3A_230] : memref<16384x16xf32, #tpu.memory_space<hbm>> -> memref<512x16xf32, #tpu.memory_space<hbm>>
      %dma_start3A_232 = arith.constant 0 : i32
      %dma_start3A_233 = tpu.memref_slice %arg7[%mul3A_229, %dma_start3A_232] : memref<16384x16xf32, #tpu.memory_space<hbm>> -> memref<512x16xf32, #tpu.memory_space<hbm>>
      tpu.enqueue_dma source(%arg15 : memref<512x16xf32, #tpu.memory_space<vmem>>) target(%dma_start3A_233 : memref<512x16xf32, #tpu.memory_space<hbm>>) target_semaphore(%run_scoped3A : memref<!tpu.dma_semaphore, #tpu.memory_space<semaphore_mem>>)
      %dma_wait3A_234 = arith.constant 0 : i32
      %dma_wait3A_235 = tpu.memref_slice %arg7[%mul3A_229, %dma_wait3A_234] : memref<16384x16xf32, #tpu.memory_space<hbm>> -> memref<512x16xf32, #tpu.memory_space<hbm>>
      %dma_wait3A_236 = arith.constant 0 : i32
      %dma_wait3A_237 = tpu.memref_slice %arg7[%mul3A_229, %dma_wait3A_236] : memref<16384x16xf32, #tpu.memory_space<hbm>> -> memref<512x16xf32, #tpu.memory_space<hbm>>
      tpu.wait_dma2 semaphore(%run_scoped3A : memref<!tpu.dma_semaphore, #tpu.memory_space<semaphore_mem>>) src(%arg15 : memref<512x16xf32, #tpu.memory_space<vmem>>) dst(%dma_wait3A_237 : memref<512x16xf32, #tpu.memory_space<hbm>>)
      tpu.yield
    }) : () -> ()
    return
  }
}

module attributes {stable_mosaic.version = 14 : i64} {
  func.func @_relayout_body(%arg0: i32, %arg1: memref<16x8192xf32, #tpu.memory_space<vmem>>, %arg2: memref<1024x128xf32, #tpu.memory_space<vmem>>) attributes {dimension_semantics = [#tpu.dimension_semantics<arbitrary>], iteration_bounds = array<i64: 123>, scalar_prefetch = 0 : i64, scratch_operands = 0 : i64, tpu.core_type = #tpu.core_type<tc>, window_params = [{transform_indices = @transform_0, window_bounds = array<i64: 16, 8192>}, {transform_indices = @transform_1, window_bounds = array<i64: 1024, 128>}]} {
    %get3A = arith.constant 0 : index
    %get3A_0 = arith.constant 0 : index
    %get3A_1 = vector.load %arg1[%get3A, %get3A_0] : memref<16x8192xf32, #tpu.memory_space<vmem>>, vector<16x8192xf32>
    %slice3A = vector.extract_strided_slice %get3A_1 {offsets = [0, 0], sizes = [16, 128], strides = [1, 1]} : vector<16x8192xf32> to vector<16x128xf32>
    %transpose3A = tpu.transpose %slice3A, [1, 0] : vector<16x128xf32> -> vector<128x16xf32>
    %swap3A = arith.constant 0 : index
    %swap3A_2 = arith.constant 0 : index
    %swap3A_3 = vector.load %arg2[%swap3A, %swap3A_2] : memref<1024x128xf32, #tpu.memory_space<vmem>>, vector<128x16xf32>
    tpu.vector_store %arg2[%swap3A, %swap3A_2], %transpose3A {strides = array<i32>} : memref<1024x128xf32, #tpu.memory_space<vmem>>, vector<128x16xf32>,
    %slice3A_4 = vector.extract_strided_slice %get3A_1 {offsets = [0, 128], sizes = [16, 128], strides = [1, 1]} : vector<16x8192xf32> to vector<16x128xf32>
    %transpose3A_5 = tpu.transpose %slice3A_4, [1, 0] : vector<16x128xf32> -> vector<128x16xf32>
    %swap3A_6 = arith.constant 0 : index
    %swap3A_7 = arith.constant 16 : index
    %swap3A_8 = vector.load %arg2[%swap3A_6, %swap3A_7] : memref<1024x128xf32, #tpu.memory_space<vmem>>, vector<128x16xf32>
    tpu.vector_store %arg2[%swap3A_6, %swap3A_7], %transpose3A_5 {strides = array<i32>} : memref<1024x128xf32, #tpu.memory_space<vmem>>, vector<128x16xf32>,
    %slice3A_9 = vector.extract_strided_slice %get3A_1 {offsets = [0, 256], sizes = [16, 128], strides = [1, 1]} : vector<16x8192xf32> to vector<16x128xf32>
    %transpose3A_10 = tpu.transpose %slice3A_9, [1, 0] : vector<16x128xf32> -> vector<128x16xf32>
    %swap3A_11 = arith.constant 0 : index
    %swap3A_12 = arith.constant 32 : index
    %swap3A_13 = vector.load %arg2[%swap3A_11, %swap3A_12] : memref<1024x128xf32, #tpu.memory_space<vmem>>, vector<128x16xf32>
    tpu.vector_store %arg2[%swap3A_11, %swap3A_12], %transpose3A_10 {strides = array<i32>} : memref<1024x128xf32, #tpu.memory_space<vmem>>, vector<128x16xf32>,
    %slice3A_14 = vector.extract_strided_slice %get3A_1 {offsets = [0, 384], sizes = [16, 128], strides = [1, 1]} : vector<16x8192xf32> to vector<16x128xf32>
    %transpose3A_15 = tpu.transpose %slice3A_14, [1, 0] : vector<16x128xf32> -> vector<128x16xf32>
    %swap3A_16 = arith.constant 0 : index
    %swap3A_17 = arith.constant 48 : index
    %swap3A_18 = vector.load %arg2[%swap3A_16, %swap3A_17] : memref<1024x128xf32, #tpu.memory_space<vmem>>, vector<128x16xf32>
    tpu.vector_store %arg2[%swap3A_16, %swap3A_17], %transpose3A_15 {strides = array<i32>} : memref<1024x128xf32, #tpu.memory_space<vmem>>, vector<128x16xf32>,
    %slice3A_19 = vector.extract_strided_slice %get3A_1 {offsets = [0, 512], sizes = [16, 128], strides = [1, 1]} : vector<16x8192xf32> to vector<16x128xf32>
    %transpose3A_20 = tpu.transpose %slice3A_19, [1, 0] : vector<16x128xf32> -> vector<128x16xf32>
    %swap3A_21 = arith.constant 0 : index
    %swap3A_22 = arith.constant 64 : index
    %swap3A_23 = vector.load %arg2[%swap3A_21, %swap3A_22] : memref<1024x128xf32, #tpu.memory_space<vmem>>, vector<128x16xf32>
    tpu.vector_store %arg2[%swap3A_21, %swap3A_22], %transpose3A_20 {strides = array<i32>} : memref<1024x128xf32, #tpu.memory_space<vmem>>, vector<128x16xf32>,
    %slice3A_24 = vector.extract_strided_slice %get3A_1 {offsets = [0, 640], sizes = [16, 128], strides = [1, 1]} : vector<16x8192xf32> to vector<16x128xf32>
    %transpose3A_25 = tpu.transpose %slice3A_24, [1, 0] : vector<16x128xf32> -> vector<128x16xf32>
    %swap3A_26 = arith.constant 0 : index
    %swap3A_27 = arith.constant 80 : index
    %swap3A_28 = vector.load %arg2[%swap3A_26, %swap3A_27] : memref<1024x128xf32, #tpu.memory_space<vmem>>, vector<128x16xf32>
    tpu.vector_store %arg2[%swap3A_26, %swap3A_27], %transpose3A_25 {strides = array<i32>} : memref<1024x128xf32, #tpu.memory_space<vmem>>, vector<128x16xf32>,
    %slice3A_29 = vector.extract_strided_slice %get3A_1 {offsets = [0, 768], sizes = [16, 128], strides = [1, 1]} : vector<16x8192xf32> to vector<16x128xf32>
    %transpose3A_30 = tpu.transpose %slice3A_29, [1, 0] : vector<16x128xf32> -> vector<128x16xf32>
    %swap3A_31 = arith.constant 0 : index
    %swap3A_32 = arith.constant 96 : index
    %swap3A_33 = vector.load %arg2[%swap3A_31, %swap3A_32] : memref<1024x128xf32, #tpu.memory_space<vmem>>, vector<128x16xf32>
    tpu.vector_store %arg2[%swap3A_31, %swap3A_32], %transpose3A_30 {strides = array<i32>} : memref<1024x128xf32, #tpu.memory_space<vmem>>, vector<128x16xf32>,
    %slice3A_34 = vector.extract_strided_slice %get3A_1 {offsets = [0, 896], sizes = [16, 128], strides = [1, 1]} : vector<16x8192xf32> to vector<16x128xf32>
    %transpose3A_35 = tpu.transpose %slice3A_34, [1, 0] : vector<16x128xf32> -> vector<128x16xf32>
    %swap3A_36 = arith.constant 0 : index
    %swap3A_37 = arith.constant 112 : index
    %swap3A_38 = vector.load %arg2[%swap3A_36, %swap3A_37] : memref<1024x128xf32, #tpu.memory_space<vmem>>, vector<128x16xf32>
    tpu.vector_store %arg2[%swap3A_36, %swap3A_37], %transpose3A_35 {strides = array<i32>} : memref<1024x128xf32, #tpu.memory_space<vmem>>, vector<128x16xf32>,
    %slice3A_39 = vector.extract_strided_slice %get3A_1 {offsets = [0, 1024], sizes = [16, 128], strides = [1, 1]} : vector<16x8192xf32> to vector<16x128xf32>
    %transpose3A_40 = tpu.transpose %slice3A_39, [1, 0] : vector<16x128xf32> -> vector<128x16xf32>
    %swap3A_41 = arith.constant 128 : index
    %swap3A_42 = arith.constant 0 : index
    %swap3A_43 = vector.load %arg2[%swap3A_41, %swap3A_42] : memref<1024x128xf32, #tpu.memory_space<vmem>>, vector<128x16xf32>
    tpu.vector_store %arg2[%swap3A_41, %swap3A_42], %transpose3A_40 {strides = array<i32>} : memref<1024x128xf32, #tpu.memory_space<vmem>>, vector<128x16xf32>,
    %slice3A_44 = vector.extract_strided_slice %get3A_1 {offsets = [0, 1152], sizes = [16, 128], strides = [1, 1]} : vector<16x8192xf32> to vector<16x128xf32>
    %transpose3A_45 = tpu.transpose %slice3A_44, [1, 0] : vector<16x128xf32> -> vector<128x16xf32>
    %swap3A_46 = arith.constant 128 : index
    %swap3A_47 = arith.constant 16 : index
    %swap3A_48 = vector.load %arg2[%swap3A_46, %swap3A_47] : memref<1024x128xf32, #tpu.memory_space<vmem>>, vector<128x16xf32>
    tpu.vector_store %arg2[%swap3A_46, %swap3A_47], %transpose3A_45 {strides = array<i32>} : memref<1024x128xf32, #tpu.memory_space<vmem>>, vector<128x16xf32>,
    %slice3A_49 = vector.extract_strided_slice %get3A_1 {offsets = [0, 1280], sizes = [16, 128], strides = [1, 1]} : vector<16x8192xf32> to vector<16x128xf32>
    %transpose3A_50 = tpu.transpose %slice3A_49, [1, 0] : vector<16x128xf32> -> vector<128x16xf32>
    %swap3A_51 = arith.constant 128 : index
    %swap3A_52 = arith.constant 32 : index
    %swap3A_53 = vector.load %arg2[%swap3A_51, %swap3A_52] : memref<1024x128xf32, #tpu.memory_space<vmem>>, vector<128x16xf32>
    tpu.vector_store %arg2[%swap3A_51, %swap3A_52], %transpose3A_50 {strides = array<i32>} : memref<1024x128xf32, #tpu.memory_space<vmem>>, vector<128x16xf32>,
    %slice3A_54 = vector.extract_strided_slice %get3A_1 {offsets = [0, 1408], sizes = [16, 128], strides = [1, 1]} : vector<16x8192xf32> to vector<16x128xf32>
    %transpose3A_55 = tpu.transpose %slice3A_54, [1, 0] : vector<16x128xf32> -> vector<128x16xf32>
    %swap3A_56 = arith.constant 128 : index
    %swap3A_57 = arith.constant 48 : index
    %swap3A_58 = vector.load %arg2[%swap3A_56, %swap3A_57] : memref<1024x128xf32, #tpu.memory_space<vmem>>, vector<128x16xf32>
    tpu.vector_store %arg2[%swap3A_56, %swap3A_57], %transpose3A_55 {strides = array<i32>} : memref<1024x128xf32, #tpu.memory_space<vmem>>, vector<128x16xf32>,
    %slice3A_59 = vector.extract_strided_slice %get3A_1 {offsets = [0, 1536], sizes = [16, 128], strides = [1, 1]} : vector<16x8192xf32> to vector<16x128xf32>
    %transpose3A_60 = tpu.transpose %slice3A_59, [1, 0] : vector<16x128xf32> -> vector<128x16xf32>
    %swap3A_61 = arith.constant 128 : index
    %swap3A_62 = arith.constant 64 : index
    %swap3A_63 = vector.load %arg2[%swap3A_61, %swap3A_62] : memref<1024x128xf32, #tpu.memory_space<vmem>>, vector<128x16xf32>
    tpu.vector_store %arg2[%swap3A_61, %swap3A_62], %transpose3A_60 {strides = array<i32>} : memref<1024x128xf32, #tpu.memory_space<vmem>>, vector<128x16xf32>,
    %slice3A_64 = vector.extract_strided_slice %get3A_1 {offsets = [0, 1664], sizes = [16, 128], strides = [1, 1]} : vector<16x8192xf32> to vector<16x128xf32>
    %transpose3A_65 = tpu.transpose %slice3A_64, [1, 0] : vector<16x128xf32> -> vector<128x16xf32>
    %swap3A_66 = arith.constant 128 : index
    %swap3A_67 = arith.constant 80 : index
    %swap3A_68 = vector.load %arg2[%swap3A_66, %swap3A_67] : memref<1024x128xf32, #tpu.memory_space<vmem>>, vector<128x16xf32>
    tpu.vector_store %arg2[%swap3A_66, %swap3A_67], %transpose3A_65 {strides = array<i32>} : memref<1024x128xf32, #tpu.memory_space<vmem>>, vector<128x16xf32>,
    %slice3A_69 = vector.extract_strided_slice %get3A_1 {offsets = [0, 1792], sizes = [16, 128], strides = [1, 1]} : vector<16x8192xf32> to vector<16x128xf32>
    %transpose3A_70 = tpu.transpose %slice3A_69, [1, 0] : vector<16x128xf32> -> vector<128x16xf32>
    %swap3A_71 = arith.constant 128 : index
    %swap3A_72 = arith.constant 96 : index
    %swap3A_73 = vector.load %arg2[%swap3A_71, %swap3A_72] : memref<1024x128xf32, #tpu.memory_space<vmem>>, vector<128x16xf32>
    tpu.vector_store %arg2[%swap3A_71, %swap3A_72], %transpose3A_70 {strides = array<i32>} : memref<1024x128xf32, #tpu.memory_space<vmem>>, vector<128x16xf32>,
    %slice3A_74 = vector.extract_strided_slice %get3A_1 {offsets = [0, 1920], sizes = [16, 128], strides = [1, 1]} : vector<16x8192xf32> to vector<16x128xf32>
    %transpose3A_75 = tpu.transpose %slice3A_74, [1, 0] : vector<16x128xf32> -> vector<128x16xf32>
    %swap3A_76 = arith.constant 128 : index
    %swap3A_77 = arith.constant 112 : index
    %swap3A_78 = vector.load %arg2[%swap3A_76, %swap3A_77] : memref<1024x128xf32, #tpu.memory_space<vmem>>, vector<128x16xf32>
    tpu.vector_store %arg2[%swap3A_76, %swap3A_77], %transpose3A_75 {strides = array<i32>} : memref<1024x128xf32, #tpu.memory_space<vmem>>, vector<128x16xf32>,
    %slice3A_79 = vector.extract_strided_slice %get3A_1 {offsets = [0, 2048], sizes = [16, 128], strides = [1, 1]} : vector<16x8192xf32> to vector<16x128xf32>
    %transpose3A_80 = tpu.transpose %slice3A_79, [1, 0] : vector<16x128xf32> -> vector<128x16xf32>
    %swap3A_81 = arith.constant 256 : index
    %swap3A_82 = arith.constant 0 : index
    %swap3A_83 = vector.load %arg2[%swap3A_81, %swap3A_82] : memref<1024x128xf32, #tpu.memory_space<vmem>>, vector<128x16xf32>
    tpu.vector_store %arg2[%swap3A_81, %swap3A_82], %transpose3A_80 {strides = array<i32>} : memref<1024x128xf32, #tpu.memory_space<vmem>>, vector<128x16xf32>,
    %slice3A_84 = vector.extract_strided_slice %get3A_1 {offsets = [0, 2176], sizes = [16, 128], strides = [1, 1]} : vector<16x8192xf32> to vector<16x128xf32>
    %transpose3A_85 = tpu.transpose %slice3A_84, [1, 0] : vector<16x128xf32> -> vector<128x16xf32>
    %swap3A_86 = arith.constant 256 : index
    %swap3A_87 = arith.constant 16 : index
    %swap3A_88 = vector.load %arg2[%swap3A_86, %swap3A_87] : memref<1024x128xf32, #tpu.memory_space<vmem>>, vector<128x16xf32>
    tpu.vector_store %arg2[%swap3A_86, %swap3A_87], %transpose3A_85 {strides = array<i32>} : memref<1024x128xf32, #tpu.memory_space<vmem>>, vector<128x16xf32>,
    %slice3A_89 = vector.extract_strided_slice %get3A_1 {offsets = [0, 2304], sizes = [16, 128], strides = [1, 1]} : vector<16x8192xf32> to vector<16x128xf32>
    %transpose3A_90 = tpu.transpose %slice3A_89, [1, 0] : vector<16x128xf32> -> vector<128x16xf32>
    %swap3A_91 = arith.constant 256 : index
    %swap3A_92 = arith.constant 32 : index
    %swap3A_93 = vector.load %arg2[%swap3A_91, %swap3A_92] : memref<1024x128xf32, #tpu.memory_space<vmem>>, vector<128x16xf32>
    tpu.vector_store %arg2[%swap3A_91, %swap3A_92], %transpose3A_90 {strides = array<i32>} : memref<1024x128xf32, #tpu.memory_space<vmem>>, vector<128x16xf32>,
    %slice3A_94 = vector.extract_strided_slice %get3A_1 {offsets = [0, 2432], sizes = [16, 128], strides = [1, 1]} : vector<16x8192xf32> to vector<16x128xf32>
    %transpose3A_95 = tpu.transpose %slice3A_94, [1, 0] : vector<16x128xf32> -> vector<128x16xf32>
    %swap3A_96 = arith.constant 256 : index
    %swap3A_97 = arith.constant 48 : index
    %swap3A_98 = vector.load %arg2[%swap3A_96, %swap3A_97] : memref<1024x128xf32, #tpu.memory_space<vmem>>, vector<128x16xf32>
    tpu.vector_store %arg2[%swap3A_96, %swap3A_97], %transpose3A_95 {strides = array<i32>} : memref<1024x128xf32, #tpu.memory_space<vmem>>, vector<128x16xf32>,
    %slice3A_99 = vector.extract_strided_slice %get3A_1 {offsets = [0, 2560], sizes = [16, 128], strides = [1, 1]} : vector<16x8192xf32> to vector<16x128xf32>
    %transpose3A_100 = tpu.transpose %slice3A_99, [1, 0] : vector<16x128xf32> -> vector<128x16xf32>
    %swap3A_101 = arith.constant 256 : index
    %swap3A_102 = arith.constant 64 : index
    %swap3A_103 = vector.load %arg2[%swap3A_101, %swap3A_102] : memref<1024x128xf32, #tpu.memory_space<vmem>>, vector<128x16xf32>
    tpu.vector_store %arg2[%swap3A_101, %swap3A_102], %transpose3A_100 {strides = array<i32>} : memref<1024x128xf32, #tpu.memory_space<vmem>>, vector<128x16xf32>,
    %slice3A_104 = vector.extract_strided_slice %get3A_1 {offsets = [0, 2688], sizes = [16, 128], strides = [1, 1]} : vector<16x8192xf32> to vector<16x128xf32>
    %transpose3A_105 = tpu.transpose %slice3A_104, [1, 0] : vector<16x128xf32> -> vector<128x16xf32>
    %swap3A_106 = arith.constant 256 : index
    %swap3A_107 = arith.constant 80 : index
    %swap3A_108 = vector.load %arg2[%swap3A_106, %swap3A_107] : memref<1024x128xf32, #tpu.memory_space<vmem>>, vector<128x16xf32>
    tpu.vector_store %arg2[%swap3A_106, %swap3A_107], %transpose3A_105 {strides = array<i32>} : memref<1024x128xf32, #tpu.memory_space<vmem>>, vector<128x16xf32>,
    %slice3A_109 = vector.extract_strided_slice %get3A_1 {offsets = [0, 2816], sizes = [16, 128], strides = [1, 1]} : vector<16x8192xf32> to vector<16x128xf32>
    %transpose3A_110 = tpu.transpose %slice3A_109, [1, 0] : vector<16x128xf32> -> vector<128x16xf32>
    %swap3A_111 = arith.constant 256 : index
    %swap3A_112 = arith.constant 96 : index
    %swap3A_113 = vector.load %arg2[%swap3A_111, %swap3A_112] : memref<1024x128xf32, #tpu.memory_space<vmem>>, vector<128x16xf32>
    tpu.vector_store %arg2[%swap3A_111, %swap3A_112], %transpose3A_110 {strides = array<i32>} : memref<1024x128xf32, #tpu.memory_space<vmem>>, vector<128x16xf32>,
    %slice3A_114 = vector.extract_strided_slice %get3A_1 {offsets = [0, 2944], sizes = [16, 128], strides = [1, 1]} : vector<16x8192xf32> to vector<16x128xf32>
    %transpose3A_115 = tpu.transpose %slice3A_114, [1, 0] : vector<16x128xf32> -> vector<128x16xf32>
    %swap3A_116 = arith.constant 256 : index
    %swap3A_117 = arith.constant 112 : index
    %swap3A_118 = vector.load %arg2[%swap3A_116, %swap3A_117] : memref<1024x128xf32, #tpu.memory_space<vmem>>, vector<128x16xf32>
    tpu.vector_store %arg2[%swap3A_116, %swap3A_117], %transpose3A_115 {strides = array<i32>} : memref<1024x128xf32, #tpu.memory_space<vmem>>, vector<128x16xf32>,
    %slice3A_119 = vector.extract_strided_slice %get3A_1 {offsets = [0, 3072], sizes = [16, 128], strides = [1, 1]} : vector<16x8192xf32> to vector<16x128xf32>
    %transpose3A_120 = tpu.transpose %slice3A_119, [1, 0] : vector<16x128xf32> -> vector<128x16xf32>
    %swap3A_121 = arith.constant 384 : index
    %swap3A_122 = arith.constant 0 : index
    %swap3A_123 = vector.load %arg2[%swap3A_121, %swap3A_122] : memref<1024x128xf32, #tpu.memory_space<vmem>>, vector<128x16xf32>
    tpu.vector_store %arg2[%swap3A_121, %swap3A_122], %transpose3A_120 {strides = array<i32>} : memref<1024x128xf32, #tpu.memory_space<vmem>>, vector<128x16xf32>,
    %slice3A_124 = vector.extract_strided_slice %get3A_1 {offsets = [0, 3200], sizes = [16, 128], strides = [1, 1]} : vector<16x8192xf32> to vector<16x128xf32>
    %transpose3A_125 = tpu.transpose %slice3A_124, [1, 0] : vector<16x128xf32> -> vector<128x16xf32>
    %swap3A_126 = arith.constant 384 : index
    %swap3A_127 = arith.constant 16 : index
    %swap3A_128 = vector.load %arg2[%swap3A_126, %swap3A_127] : memref<1024x128xf32, #tpu.memory_space<vmem>>, vector<128x16xf32>
    tpu.vector_store %arg2[%swap3A_126, %swap3A_127], %transpose3A_125 {strides = array<i32>} : memref<1024x128xf32, #tpu.memory_space<vmem>>, vector<128x16xf32>,
    %slice3A_129 = vector.extract_strided_slice %get3A_1 {offsets = [0, 3328], sizes = [16, 128], strides = [1, 1]} : vector<16x8192xf32> to vector<16x128xf32>
    %transpose3A_130 = tpu.transpose %slice3A_129, [1, 0] : vector<16x128xf32> -> vector<128x16xf32>
    %swap3A_131 = arith.constant 384 : index
    %swap3A_132 = arith.constant 32 : index
    %swap3A_133 = vector.load %arg2[%swap3A_131, %swap3A_132] : memref<1024x128xf32, #tpu.memory_space<vmem>>, vector<128x16xf32>
    tpu.vector_store %arg2[%swap3A_131, %swap3A_132], %transpose3A_130 {strides = array<i32>} : memref<1024x128xf32, #tpu.memory_space<vmem>>, vector<128x16xf32>,
    %slice3A_134 = vector.extract_strided_slice %get3A_1 {offsets = [0, 3456], sizes = [16, 128], strides = [1, 1]} : vector<16x8192xf32> to vector<16x128xf32>
    %transpose3A_135 = tpu.transpose %slice3A_134, [1, 0] : vector<16x128xf32> -> vector<128x16xf32>
    %swap3A_136 = arith.constant 384 : index
    %swap3A_137 = arith.constant 48 : index
    %swap3A_138 = vector.load %arg2[%swap3A_136, %swap3A_137] : memref<1024x128xf32, #tpu.memory_space<vmem>>, vector<128x16xf32>
    tpu.vector_store %arg2[%swap3A_136, %swap3A_137], %transpose3A_135 {strides = array<i32>} : memref<1024x128xf32, #tpu.memory_space<vmem>>, vector<128x16xf32>,
    %slice3A_139 = vector.extract_strided_slice %get3A_1 {offsets = [0, 3584], sizes = [16, 128], strides = [1, 1]} : vector<16x8192xf32> to vector<16x128xf32>
    %transpose3A_140 = tpu.transpose %slice3A_139, [1, 0] : vector<16x128xf32> -> vector<128x16xf32>
    %swap3A_141 = arith.constant 384 : index
    %swap3A_142 = arith.constant 64 : index
    %swap3A_143 = vector.load %arg2[%swap3A_141, %swap3A_142] : memref<1024x128xf32, #tpu.memory_space<vmem>>, vector<128x16xf32>
    tpu.vector_store %arg2[%swap3A_141, %swap3A_142], %transpose3A_140 {strides = array<i32>} : memref<1024x128xf32, #tpu.memory_space<vmem>>, vector<128x16xf32>,
    %slice3A_144 = vector.extract_strided_slice %get3A_1 {offsets = [0, 3712], sizes = [16, 128], strides = [1, 1]} : vector<16x8192xf32> to vector<16x128xf32>
    %transpose3A_145 = tpu.transpose %slice3A_144, [1, 0] : vector<16x128xf32> -> vector<128x16xf32>
    %swap3A_146 = arith.constant 384 : index
    %swap3A_147 = arith.constant 80 : index
    %swap3A_148 = vector.load %arg2[%swap3A_146, %swap3A_147] : memref<1024x128xf32, #tpu.memory_space<vmem>>, vector<128x16xf32>
    tpu.vector_store %arg2[%swap3A_146, %swap3A_147], %transpose3A_145 {strides = array<i32>} : memref<1024x128xf32, #tpu.memory_space<vmem>>, vector<128x16xf32>,
    %slice3A_149 = vector.extract_strided_slice %get3A_1 {offsets = [0, 3840], sizes = [16, 128], strides = [1, 1]} : vector<16x8192xf32> to vector<16x128xf32>
    %transpose3A_150 = tpu.transpose %slice3A_149, [1, 0] : vector<16x128xf32> -> vector<128x16xf32>
    %swap3A_151 = arith.constant 384 : index
    %swap3A_152 = arith.constant 96 : index
    %swap3A_153 = vector.load %arg2[%swap3A_151, %swap3A_152] : memref<1024x128xf32, #tpu.memory_space<vmem>>, vector<128x16xf32>
    tpu.vector_store %arg2[%swap3A_151, %swap3A_152], %transpose3A_150 {strides = array<i32>} : memref<1024x128xf32, #tpu.memory_space<vmem>>, vector<128x16xf32>,
    %slice3A_154 = vector.extract_strided_slice %get3A_1 {offsets = [0, 3968], sizes = [16, 128], strides = [1, 1]} : vector<16x8192xf32> to vector<16x128xf32>
    %transpose3A_155 = tpu.transpose %slice3A_154, [1, 0] : vector<16x128xf32> -> vector<128x16xf32>
    %swap3A_156 = arith.constant 384 : index
    %swap3A_157 = arith.constant 112 : index
    %swap3A_158 = vector.load %arg2[%swap3A_156, %swap3A_157] : memref<1024x128xf32, #tpu.memory_space<vmem>>, vector<128x16xf32>
    tpu.vector_store %arg2[%swap3A_156, %swap3A_157], %transpose3A_155 {strides = array<i32>} : memref<1024x128xf32, #tpu.memory_space<vmem>>, vector<128x16xf32>,
    %slice3A_159 = vector.extract_strided_slice %get3A_1 {offsets = [0, 4096], sizes = [16, 128], strides = [1, 1]} : vector<16x8192xf32> to vector<16x128xf32>
    %transpose3A_160 = tpu.transpose %slice3A_159, [1, 0] : vector<16x128xf32> -> vector<128x16xf32>
    %swap3A_161 = arith.constant 512 : index
    %swap3A_162 = arith.constant 0 : index
    %swap3A_163 = vector.load %arg2[%swap3A_161, %swap3A_162] : memref<1024x128xf32, #tpu.memory_space<vmem>>, vector<128x16xf32>
    tpu.vector_store %arg2[%swap3A_161, %swap3A_162], %transpose3A_160 {strides = array<i32>} : memref<1024x128xf32, #tpu.memory_space<vmem>>, vector<128x16xf32>,
    %slice3A_164 = vector.extract_strided_slice %get3A_1 {offsets = [0, 4224], sizes = [16, 128], strides = [1, 1]} : vector<16x8192xf32> to vector<16x128xf32>
    %transpose3A_165 = tpu.transpose %slice3A_164, [1, 0] : vector<16x128xf32> -> vector<128x16xf32>
    %swap3A_166 = arith.constant 512 : index
    %swap3A_167 = arith.constant 16 : index
    %swap3A_168 = vector.load %arg2[%swap3A_166, %swap3A_167] : memref<1024x128xf32, #tpu.memory_space<vmem>>, vector<128x16xf32>
    tpu.vector_store %arg2[%swap3A_166, %swap3A_167], %transpose3A_165 {strides = array<i32>} : memref<1024x128xf32, #tpu.memory_space<vmem>>, vector<128x16xf32>,
    %slice3A_169 = vector.extract_strided_slice %get3A_1 {offsets = [0, 4352], sizes = [16, 128], strides = [1, 1]} : vector<16x8192xf32> to vector<16x128xf32>
    %transpose3A_170 = tpu.transpose %slice3A_169, [1, 0] : vector<16x128xf32> -> vector<128x16xf32>
    %swap3A_171 = arith.constant 512 : index
    %swap3A_172 = arith.constant 32 : index
    %swap3A_173 = vector.load %arg2[%swap3A_171, %swap3A_172] : memref<1024x128xf32, #tpu.memory_space<vmem>>, vector<128x16xf32>
    tpu.vector_store %arg2[%swap3A_171, %swap3A_172], %transpose3A_170 {strides = array<i32>} : memref<1024x128xf32, #tpu.memory_space<vmem>>, vector<128x16xf32>,
    %slice3A_174 = vector.extract_strided_slice %get3A_1 {offsets = [0, 4480], sizes = [16, 128], strides = [1, 1]} : vector<16x8192xf32> to vector<16x128xf32>
    %transpose3A_175 = tpu.transpose %slice3A_174, [1, 0] : vector<16x128xf32> -> vector<128x16xf32>
    %swap3A_176 = arith.constant 512 : index
    %swap3A_177 = arith.constant 48 : index
    %swap3A_178 = vector.load %arg2[%swap3A_176, %swap3A_177] : memref<1024x128xf32, #tpu.memory_space<vmem>>, vector<128x16xf32>
    tpu.vector_store %arg2[%swap3A_176, %swap3A_177], %transpose3A_175 {strides = array<i32>} : memref<1024x128xf32, #tpu.memory_space<vmem>>, vector<128x16xf32>,
    %slice3A_179 = vector.extract_strided_slice %get3A_1 {offsets = [0, 4608], sizes = [16, 128], strides = [1, 1]} : vector<16x8192xf32> to vector<16x128xf32>
    %transpose3A_180 = tpu.transpose %slice3A_179, [1, 0] : vector<16x128xf32> -> vector<128x16xf32>
    %swap3A_181 = arith.constant 512 : index
    %swap3A_182 = arith.constant 64 : index
    %swap3A_183 = vector.load %arg2[%swap3A_181, %swap3A_182] : memref<1024x128xf32, #tpu.memory_space<vmem>>, vector<128x16xf32>
    tpu.vector_store %arg2[%swap3A_181, %swap3A_182], %transpose3A_180 {strides = array<i32>} : memref<1024x128xf32, #tpu.memory_space<vmem>>, vector<128x16xf32>,
    %slice3A_184 = vector.extract_strided_slice %get3A_1 {offsets = [0, 4736], sizes = [16, 128], strides = [1, 1]} : vector<16x8192xf32> to vector<16x128xf32>
    %transpose3A_185 = tpu.transpose %slice3A_184, [1, 0] : vector<16x128xf32> -> vector<128x16xf32>
    %swap3A_186 = arith.constant 512 : index
    %swap3A_187 = arith.constant 80 : index
    %swap3A_188 = vector.load %arg2[%swap3A_186, %swap3A_187] : memref<1024x128xf32, #tpu.memory_space<vmem>>, vector<128x16xf32>
    tpu.vector_store %arg2[%swap3A_186, %swap3A_187], %transpose3A_185 {strides = array<i32>} : memref<1024x128xf32, #tpu.memory_space<vmem>>, vector<128x16xf32>,
    %slice3A_189 = vector.extract_strided_slice %get3A_1 {offsets = [0, 4864], sizes = [16, 128], strides = [1, 1]} : vector<16x8192xf32> to vector<16x128xf32>
    %transpose3A_190 = tpu.transpose %slice3A_189, [1, 0] : vector<16x128xf32> -> vector<128x16xf32>
    %swap3A_191 = arith.constant 512 : index
    %swap3A_192 = arith.constant 96 : index
    %swap3A_193 = vector.load %arg2[%swap3A_191, %swap3A_192] : memref<1024x128xf32, #tpu.memory_space<vmem>>, vector<128x16xf32>
    tpu.vector_store %arg2[%swap3A_191, %swap3A_192], %transpose3A_190 {strides = array<i32>} : memref<1024x128xf32, #tpu.memory_space<vmem>>, vector<128x16xf32>,
    %slice3A_194 = vector.extract_strided_slice %get3A_1 {offsets = [0, 4992], sizes = [16, 128], strides = [1, 1]} : vector<16x8192xf32> to vector<16x128xf32>
    %transpose3A_195 = tpu.transpose %slice3A_194, [1, 0] : vector<16x128xf32> -> vector<128x16xf32>
    %swap3A_196 = arith.constant 512 : index
    %swap3A_197 = arith.constant 112 : index
    %swap3A_198 = vector.load %arg2[%swap3A_196, %swap3A_197] : memref<1024x128xf32, #tpu.memory_space<vmem>>, vector<128x16xf32>
    tpu.vector_store %arg2[%swap3A_196, %swap3A_197], %transpose3A_195 {strides = array<i32>} : memref<1024x128xf32, #tpu.memory_space<vmem>>, vector<128x16xf32>,
    %slice3A_199 = vector.extract_strided_slice %get3A_1 {offsets = [0, 5120], sizes = [16, 128], strides = [1, 1]} : vector<16x8192xf32> to vector<16x128xf32>
    %transpose3A_200 = tpu.transpose %slice3A_199, [1, 0] : vector<16x128xf32> -> vector<128x16xf32>
    %swap3A_201 = arith.constant 640 : index
    %swap3A_202 = arith.constant 0 : index
    %swap3A_203 = vector.load %arg2[%swap3A_201, %swap3A_202] : memref<1024x128xf32, #tpu.memory_space<vmem>>, vector<128x16xf32>
    tpu.vector_store %arg2[%swap3A_201, %swap3A_202], %transpose3A_200 {strides = array<i32>} : memref<1024x128xf32, #tpu.memory_space<vmem>>, vector<128x16xf32>,
    %slice3A_204 = vector.extract_strided_slice %get3A_1 {offsets = [0, 5248], sizes = [16, 128], strides = [1, 1]} : vector<16x8192xf32> to vector<16x128xf32>
    %transpose3A_205 = tpu.transpose %slice3A_204, [1, 0] : vector<16x128xf32> -> vector<128x16xf32>
    %swap3A_206 = arith.constant 640 : index
    %swap3A_207 = arith.constant 16 : index
    %swap3A_208 = vector.load %arg2[%swap3A_206, %swap3A_207] : memref<1024x128xf32, #tpu.memory_space<vmem>>, vector<128x16xf32>
    tpu.vector_store %arg2[%swap3A_206, %swap3A_207], %transpose3A_205 {strides = array<i32>} : memref<1024x128xf32, #tpu.memory_space<vmem>>, vector<128x16xf32>,
    %slice3A_209 = vector.extract_strided_slice %get3A_1 {offsets = [0, 5376], sizes = [16, 128], strides = [1, 1]} : vector<16x8192xf32> to vector<16x128xf32>
    %transpose3A_210 = tpu.transpose %slice3A_209, [1, 0] : vector<16x128xf32> -> vector<128x16xf32>
    %swap3A_211 = arith.constant 640 : index
    %swap3A_212 = arith.constant 32 : index
    %swap3A_213 = vector.load %arg2[%swap3A_211, %swap3A_212] : memref<1024x128xf32, #tpu.memory_space<vmem>>, vector<128x16xf32>
    tpu.vector_store %arg2[%swap3A_211, %swap3A_212], %transpose3A_210 {strides = array<i32>} : memref<1024x128xf32, #tpu.memory_space<vmem>>, vector<128x16xf32>,
    %slice3A_214 = vector.extract_strided_slice %get3A_1 {offsets = [0, 5504], sizes = [16, 128], strides = [1, 1]} : vector<16x8192xf32> to vector<16x128xf32>
    %transpose3A_215 = tpu.transpose %slice3A_214, [1, 0] : vector<16x128xf32> -> vector<128x16xf32>
    %swap3A_216 = arith.constant 640 : index
    %swap3A_217 = arith.constant 48 : index
    %swap3A_218 = vector.load %arg2[%swap3A_216, %swap3A_217] : memref<1024x128xf32, #tpu.memory_space<vmem>>, vector<128x16xf32>
    tpu.vector_store %arg2[%swap3A_216, %swap3A_217], %transpose3A_215 {strides = array<i32>} : memref<1024x128xf32, #tpu.memory_space<vmem>>, vector<128x16xf32>,
    %slice3A_219 = vector.extract_strided_slice %get3A_1 {offsets = [0, 5632], sizes = [16, 128], strides = [1, 1]} : vector<16x8192xf32> to vector<16x128xf32>
    %transpose3A_220 = tpu.transpose %slice3A_219, [1, 0] : vector<16x128xf32> -> vector<128x16xf32>
    %swap3A_221 = arith.constant 640 : index
    %swap3A_222 = arith.constant 64 : index
    %swap3A_223 = vector.load %arg2[%swap3A_221, %swap3A_222] : memref<1024x128xf32, #tpu.memory_space<vmem>>, vector<128x16xf32>
    tpu.vector_store %arg2[%swap3A_221, %swap3A_222], %transpose3A_220 {strides = array<i32>} : memref<1024x128xf32, #tpu.memory_space<vmem>>, vector<128x16xf32>,
    %slice3A_224 = vector.extract_strided_slice %get3A_1 {offsets = [0, 5760], sizes = [16, 128], strides = [1, 1]} : vector<16x8192xf32> to vector<16x128xf32>
    %transpose3A_225 = tpu.transpose %slice3A_224, [1, 0] : vector<16x128xf32> -> vector<128x16xf32>
    %swap3A_226 = arith.constant 640 : index
    %swap3A_227 = arith.constant 80 : index
    %swap3A_228 = vector.load %arg2[%swap3A_226, %swap3A_227] : memref<1024x128xf32, #tpu.memory_space<vmem>>, vector<128x16xf32>
    tpu.vector_store %arg2[%swap3A_226, %swap3A_227], %transpose3A_225 {strides = array<i32>} : memref<1024x128xf32, #tpu.memory_space<vmem>>, vector<128x16xf32>,
    %slice3A_229 = vector.extract_strided_slice %get3A_1 {offsets = [0, 5888], sizes = [16, 128], strides = [1, 1]} : vector<16x8192xf32> to vector<16x128xf32>
    %transpose3A_230 = tpu.transpose %slice3A_229, [1, 0] : vector<16x128xf32> -> vector<128x16xf32>
    %swap3A_231 = arith.constant 640 : index
    %swap3A_232 = arith.constant 96 : index
    %swap3A_233 = vector.load %arg2[%swap3A_231, %swap3A_232] : memref<1024x128xf32, #tpu.memory_space<vmem>>, vector<128x16xf32>
    tpu.vector_store %arg2[%swap3A_231, %swap3A_232], %transpose3A_230 {strides = array<i32>} : memref<1024x128xf32, #tpu.memory_space<vmem>>, vector<128x16xf32>,
    %slice3A_234 = vector.extract_strided_slice %get3A_1 {offsets = [0, 6016], sizes = [16, 128], strides = [1, 1]} : vector<16x8192xf32> to vector<16x128xf32>
    %transpose3A_235 = tpu.transpose %slice3A_234, [1, 0] : vector<16x128xf32> -> vector<128x16xf32>
    %swap3A_236 = arith.constant 640 : index
    %swap3A_237 = arith.constant 112 : index
    %swap3A_238 = vector.load %arg2[%swap3A_236, %swap3A_237] : memref<1024x128xf32, #tpu.memory_space<vmem>>, vector<128x16xf32>
    tpu.vector_store %arg2[%swap3A_236, %swap3A_237], %transpose3A_235 {strides = array<i32>} : memref<1024x128xf32, #tpu.memory_space<vmem>>, vector<128x16xf32>,
    %slice3A_239 = vector.extract_strided_slice %get3A_1 {offsets = [0, 6144], sizes = [16, 128], strides = [1, 1]} : vector<16x8192xf32> to vector<16x128xf32>
    %transpose3A_240 = tpu.transpose %slice3A_239, [1, 0] : vector<16x128xf32> -> vector<128x16xf32>
    %swap3A_241 = arith.constant 768 : index
    %swap3A_242 = arith.constant 0 : index
    %swap3A_243 = vector.load %arg2[%swap3A_241, %swap3A_242] : memref<1024x128xf32, #tpu.memory_space<vmem>>, vector<128x16xf32>
    tpu.vector_store %arg2[%swap3A_241, %swap3A_242], %transpose3A_240 {strides = array<i32>} : memref<1024x128xf32, #tpu.memory_space<vmem>>, vector<128x16xf32>,
    %slice3A_244 = vector.extract_strided_slice %get3A_1 {offsets = [0, 6272], sizes = [16, 128], strides = [1, 1]} : vector<16x8192xf32> to vector<16x128xf32>
    %transpose3A_245 = tpu.transpose %slice3A_244, [1, 0] : vector<16x128xf32> -> vector<128x16xf32>
    %swap3A_246 = arith.constant 768 : index
    %swap3A_247 = arith.constant 16 : index
    %swap3A_248 = vector.load %arg2[%swap3A_246, %swap3A_247] : memref<1024x128xf32, #tpu.memory_space<vmem>>, vector<128x16xf32>
    tpu.vector_store %arg2[%swap3A_246, %swap3A_247], %transpose3A_245 {strides = array<i32>} : memref<1024x128xf32, #tpu.memory_space<vmem>>, vector<128x16xf32>,
    %slice3A_249 = vector.extract_strided_slice %get3A_1 {offsets = [0, 6400], sizes = [16, 128], strides = [1, 1]} : vector<16x8192xf32> to vector<16x128xf32>
    %transpose3A_250 = tpu.transpose %slice3A_249, [1, 0] : vector<16x128xf32> -> vector<128x16xf32>
    %swap3A_251 = arith.constant 768 : index
    %swap3A_252 = arith.constant 32 : index
    %swap3A_253 = vector.load %arg2[%swap3A_251, %swap3A_252] : memref<1024x128xf32, #tpu.memory_space<vmem>>, vector<128x16xf32>
    tpu.vector_store %arg2[%swap3A_251, %swap3A_252], %transpose3A_250 {strides = array<i32>} : memref<1024x128xf32, #tpu.memory_space<vmem>>, vector<128x16xf32>,
    %slice3A_254 = vector.extract_strided_slice %get3A_1 {offsets = [0, 6528], sizes = [16, 128], strides = [1, 1]} : vector<16x8192xf32> to vector<16x128xf32>
    %transpose3A_255 = tpu.transpose %slice3A_254, [1, 0] : vector<16x128xf32> -> vector<128x16xf32>
    %swap3A_256 = arith.constant 768 : index
    %swap3A_257 = arith.constant 48 : index
    %swap3A_258 = vector.load %arg2[%swap3A_256, %swap3A_257] : memref<1024x128xf32, #tpu.memory_space<vmem>>, vector<128x16xf32>
    tpu.vector_store %arg2[%swap3A_256, %swap3A_257], %transpose3A_255 {strides = array<i32>} : memref<1024x128xf32, #tpu.memory_space<vmem>>, vector<128x16xf32>,
    %slice3A_259 = vector.extract_strided_slice %get3A_1 {offsets = [0, 6656], sizes = [16, 128], strides = [1, 1]} : vector<16x8192xf32> to vector<16x128xf32>
    %transpose3A_260 = tpu.transpose %slice3A_259, [1, 0] : vector<16x128xf32> -> vector<128x16xf32>
    %swap3A_261 = arith.constant 768 : index
    %swap3A_262 = arith.constant 64 : index
    %swap3A_263 = vector.load %arg2[%swap3A_261, %swap3A_262] : memref<1024x128xf32, #tpu.memory_space<vmem>>, vector<128x16xf32>
    tpu.vector_store %arg2[%swap3A_261, %swap3A_262], %transpose3A_260 {strides = array<i32>} : memref<1024x128xf32, #tpu.memory_space<vmem>>, vector<128x16xf32>,
    %slice3A_264 = vector.extract_strided_slice %get3A_1 {offsets = [0, 6784], sizes = [16, 128], strides = [1, 1]} : vector<16x8192xf32> to vector<16x128xf32>
    %transpose3A_265 = tpu.transpose %slice3A_264, [1, 0] : vector<16x128xf32> -> vector<128x16xf32>
    %swap3A_266 = arith.constant 768 : index
    %swap3A_267 = arith.constant 80 : index
    %swap3A_268 = vector.load %arg2[%swap3A_266, %swap3A_267] : memref<1024x128xf32, #tpu.memory_space<vmem>>, vector<128x16xf32>
    tpu.vector_store %arg2[%swap3A_266, %swap3A_267], %transpose3A_265 {strides = array<i32>} : memref<1024x128xf32, #tpu.memory_space<vmem>>, vector<128x16xf32>,
    %slice3A_269 = vector.extract_strided_slice %get3A_1 {offsets = [0, 6912], sizes = [16, 128], strides = [1, 1]} : vector<16x8192xf32> to vector<16x128xf32>
    %transpose3A_270 = tpu.transpose %slice3A_269, [1, 0] : vector<16x128xf32> -> vector<128x16xf32>
    %swap3A_271 = arith.constant 768 : index
    %swap3A_272 = arith.constant 96 : index
    %swap3A_273 = vector.load %arg2[%swap3A_271, %swap3A_272] : memref<1024x128xf32, #tpu.memory_space<vmem>>, vector<128x16xf32>
    tpu.vector_store %arg2[%swap3A_271, %swap3A_272], %transpose3A_270 {strides = array<i32>} : memref<1024x128xf32, #tpu.memory_space<vmem>>, vector<128x16xf32>,
    %slice3A_274 = vector.extract_strided_slice %get3A_1 {offsets = [0, 7040], sizes = [16, 128], strides = [1, 1]} : vector<16x8192xf32> to vector<16x128xf32>
    %transpose3A_275 = tpu.transpose %slice3A_274, [1, 0] : vector<16x128xf32> -> vector<128x16xf32>
    %swap3A_276 = arith.constant 768 : index
    %swap3A_277 = arith.constant 112 : index
    %swap3A_278 = vector.load %arg2[%swap3A_276, %swap3A_277] : memref<1024x128xf32, #tpu.memory_space<vmem>>, vector<128x16xf32>
    tpu.vector_store %arg2[%swap3A_276, %swap3A_277], %transpose3A_275 {strides = array<i32>} : memref<1024x128xf32, #tpu.memory_space<vmem>>, vector<128x16xf32>,
    %slice3A_279 = vector.extract_strided_slice %get3A_1 {offsets = [0, 7168], sizes = [16, 128], strides = [1, 1]} : vector<16x8192xf32> to vector<16x128xf32>
    %transpose3A_280 = tpu.transpose %slice3A_279, [1, 0] : vector<16x128xf32> -> vector<128x16xf32>
    %swap3A_281 = arith.constant 896 : index
    %swap3A_282 = arith.constant 0 : index
    %swap3A_283 = vector.load %arg2[%swap3A_281, %swap3A_282] : memref<1024x128xf32, #tpu.memory_space<vmem>>, vector<128x16xf32>
    tpu.vector_store %arg2[%swap3A_281, %swap3A_282], %transpose3A_280 {strides = array<i32>} : memref<1024x128xf32, #tpu.memory_space<vmem>>, vector<128x16xf32>,
    %slice3A_284 = vector.extract_strided_slice %get3A_1 {offsets = [0, 7296], sizes = [16, 128], strides = [1, 1]} : vector<16x8192xf32> to vector<16x128xf32>
    %transpose3A_285 = tpu.transpose %slice3A_284, [1, 0] : vector<16x128xf32> -> vector<128x16xf32>
    %swap3A_286 = arith.constant 896 : index
    %swap3A_287 = arith.constant 16 : index
    %swap3A_288 = vector.load %arg2[%swap3A_286, %swap3A_287] : memref<1024x128xf32, #tpu.memory_space<vmem>>, vector<128x16xf32>
    tpu.vector_store %arg2[%swap3A_286, %swap3A_287], %transpose3A_285 {strides = array<i32>} : memref<1024x128xf32, #tpu.memory_space<vmem>>, vector<128x16xf32>,
    %slice3A_289 = vector.extract_strided_slice %get3A_1 {offsets = [0, 7424], sizes = [16, 128], strides = [1, 1]} : vector<16x8192xf32> to vector<16x128xf32>
    %transpose3A_290 = tpu.transpose %slice3A_289, [1, 0] : vector<16x128xf32> -> vector<128x16xf32>
    %swap3A_291 = arith.constant 896 : index
    %swap3A_292 = arith.constant 32 : index
    %swap3A_293 = vector.load %arg2[%swap3A_291, %swap3A_292] : memref<1024x128xf32, #tpu.memory_space<vmem>>, vector<128x16xf32>
    tpu.vector_store %arg2[%swap3A_291, %swap3A_292], %transpose3A_290 {strides = array<i32>} : memref<1024x128xf32, #tpu.memory_space<vmem>>, vector<128x16xf32>,
    %slice3A_294 = vector.extract_strided_slice %get3A_1 {offsets = [0, 7552], sizes = [16, 128], strides = [1, 1]} : vector<16x8192xf32> to vector<16x128xf32>
    %transpose3A_295 = tpu.transpose %slice3A_294, [1, 0] : vector<16x128xf32> -> vector<128x16xf32>
    %swap3A_296 = arith.constant 896 : index
    %swap3A_297 = arith.constant 48 : index
    %swap3A_298 = vector.load %arg2[%swap3A_296, %swap3A_297] : memref<1024x128xf32, #tpu.memory_space<vmem>>, vector<128x16xf32>
    tpu.vector_store %arg2[%swap3A_296, %swap3A_297], %transpose3A_295 {strides = array<i32>} : memref<1024x128xf32, #tpu.memory_space<vmem>>, vector<128x16xf32>,
    %slice3A_299 = vector.extract_strided_slice %get3A_1 {offsets = [0, 7680], sizes = [16, 128], strides = [1, 1]} : vector<16x8192xf32> to vector<16x128xf32>
    %transpose3A_300 = tpu.transpose %slice3A_299, [1, 0] : vector<16x128xf32> -> vector<128x16xf32>
    %swap3A_301 = arith.constant 896 : index
    %swap3A_302 = arith.constant 64 : index
    %swap3A_303 = vector.load %arg2[%swap3A_301, %swap3A_302] : memref<1024x128xf32, #tpu.memory_space<vmem>>, vector<128x16xf32>
    tpu.vector_store %arg2[%swap3A_301, %swap3A_302], %transpose3A_300 {strides = array<i32>} : memref<1024x128xf32, #tpu.memory_space<vmem>>, vector<128x16xf32>,
    %slice3A_304 = vector.extract_strided_slice %get3A_1 {offsets = [0, 7808], sizes = [16, 128], strides = [1, 1]} : vector<16x8192xf32> to vector<16x128xf32>
    %transpose3A_305 = tpu.transpose %slice3A_304, [1, 0] : vector<16x128xf32> -> vector<128x16xf32>
    %swap3A_306 = arith.constant 896 : index
    %swap3A_307 = arith.constant 80 : index
    %swap3A_308 = vector.load %arg2[%swap3A_306, %swap3A_307] : memref<1024x128xf32, #tpu.memory_space<vmem>>, vector<128x16xf32>
    tpu.vector_store %arg2[%swap3A_306, %swap3A_307], %transpose3A_305 {strides = array<i32>} : memref<1024x128xf32, #tpu.memory_space<vmem>>, vector<128x16xf32>,
    %slice3A_309 = vector.extract_strided_slice %get3A_1 {offsets = [0, 7936], sizes = [16, 128], strides = [1, 1]} : vector<16x8192xf32> to vector<16x128xf32>
    %transpose3A_310 = tpu.transpose %slice3A_309, [1, 0] : vector<16x128xf32> -> vector<128x16xf32>
    %swap3A_311 = arith.constant 896 : index
    %swap3A_312 = arith.constant 96 : index
    %swap3A_313 = vector.load %arg2[%swap3A_311, %swap3A_312] : memref<1024x128xf32, #tpu.memory_space<vmem>>, vector<128x16xf32>
    tpu.vector_store %arg2[%swap3A_311, %swap3A_312], %transpose3A_310 {strides = array<i32>} : memref<1024x128xf32, #tpu.memory_space<vmem>>, vector<128x16xf32>,
    %slice3A_314 = vector.extract_strided_slice %get3A_1 {offsets = [0, 8064], sizes = [16, 128], strides = [1, 1]} : vector<16x8192xf32> to vector<16x128xf32>
    %transpose3A_315 = tpu.transpose %slice3A_314, [1, 0] : vector<16x128xf32> -> vector<128x16xf32>
    %swap3A_316 = arith.constant 896 : index
    %swap3A_317 = arith.constant 112 : index
    %swap3A_318 = vector.load %arg2[%swap3A_316, %swap3A_317] : memref<1024x128xf32, #tpu.memory_space<vmem>>, vector<128x16xf32>
    tpu.vector_store %arg2[%swap3A_316, %swap3A_317], %transpose3A_315 {strides = array<i32>} : memref<1024x128xf32, #tpu.memory_space<vmem>>, vector<128x16xf32>,
    return
  }
  func.func @transform_0(%arg0: i32) -> (i32, i32) {
    %c0_i32 = arith.constant 0 : i32
    %c0_i32_0 = arith.constant 0 : i32
    return %c0_i32, %arg0 : i32, i32
  }
  func.func @transform_1(%arg0: i32) -> (i32, i32) {
    %c0_i32 = arith.constant 0 : i32
    %c0_i32_0 = arith.constant 0 : i32
    return %arg0, %c0_i32 : i32, i32
  }
}

</mosaic_0001>

<sc_bundles>
// kernel: kernel.6.cloned.1.call-start
scs
__scs_entry_jumppad:
0x0: {  	(pc) =	sbr.rel $0x88, $3  }
0x1: {  	(tag) =	ssettag $0x0;
	lr =	simm.s32 $0x1  }
0x2: {  	[smem:$0x3F9A] =	sst lr;
	_ =	strace $0xD0000000  }
0x3: {  	_ = 	snop  }
0x4: {  	_ = 	snop  }
0x5: {  	_ = 	snop  }
0x6: {  	_ = 	snop  }
0x7: {  	_ = 	snop  }
__scs_overlays_trampoline_lowered:
0x8: {  	[smem:$0x3FA9] =	sst s0  }
0x9: {  	[smem:$0x3FAA] =	sst s1  }
0xa: {  	[smem:$0x3FAB] =	sst s2  }
0xb: {  	[smem:$0x3FAC] =	sst s3  }
0xc: {  	[smem:$0x3FAD] =	sst s4  }
0xd: {  	[smem:$0x3FAE] =	sst s5  }
0xe: {  	[smem:$0x3FAF] =	sst s6  }
0xf: {  	[smem:$0x3FB0] =	sst s7  }
0x10: {  	[smem:$0x3FB1] =	sst s8  }
0x11: {  	[smem:$0x3FB2] =	sst s9;
	s0 =	simm.s32 @!p0 $0x0  }
0x12: {  	s1 =	sld [smem:$0x3F98];
	s0 =	simm.s32 @p0 $0x1  }
0x13: {  	[smem:$0x3FB3] =	sst s0;
	s0 =	simm.s32 @!p1 $0x0  }
0x14: {  	s2 =	sld [smem:$0x3F97];
	s0 =	simm.s32 @p1 $0x1  }
0x15: {  	[smem:$0x3FB4] =	sst s0;
	s0 =	simm.s32 @!p2 $0x0  }
0x16: {  	s3 =	sld [smem:$0x3FDB];
	s0 =	simm.s32 @p2 $0x1  }
0x17: {  	s4 =	simm.s32 $0x1BF5;
	[smem:$0x3FB6] =	sst s0  }
0x18: {  	s0 =	sld [smem:$0x3F99];
	_ =	swait.ge [sflag:s4], $0x0  }
0x19: {  	s7 =	sld [smem:$0x3F9A]  }
0x1a: {  	s8 =	sadd.s32 $0xFFFFE003, lr  }
0x1b: {  	s9 =	sadd.s32 $0xFFFFFEF7, lr;
	s5 =	simm.s32 $0xFFFFFFFF;
	p2 =	slt.u32 s8, $0xFFFFF086  }
0x1c: {  	p1 =	slt.u32 s9, $0xF7A;
	s5 =	simm.s32 @!p2 $0x0  }
0x1d: {  	s5 =	simm.s32 @p1 $0x1;
	p0 =	seq.s32 s7, s2  }
0x1e: {  	s7 =	smul.u32 @!p0 $0xF7A, s2;
	p2 =	seq.s32 @!p0 s5, $0x0  }
0x1f: {  	s9 =	smul.u32 $0xF7A, s1;
	s8 =	simm.s32 @!p0 $0x1BF5;
	p2 =	por !p2, p0  }
0x20: {  	[sflag:s8] =	ssyncset.s32 @!p0 $0xFFFFF086;
	s6 =	sadd.s32 @!p0 s3, s7;
	s7 =	simm.s32 @!p0 $0x108  }
0x21: {  	s3 =	sadd.s32 s3, s9;
	s6 =	sadd.s32 @!p0 $0x88, s6;
	s7 =	simm.s32 @p2 $0x1082  }
0x22: {  	[simem:s7], [sflag:s8] =	dma.local @!p0 [hbm:s6], $0xF7A  }
0x23: {  	s9 =	sor.u32 $0xD0000000, s2;
	s6 =	simm.s32 $0x108;
	_ =	swait.ge @!p0 [sflag:s8], $0x0  }
0x24: {  	s3 =	sadd.s32 $0x88, s3;
	s6 =	simm.s32 @!p1 $0x1082;
	[sflag:s4] =	ssyncset.s32 $0xFFFFF086  }
0x25: {  	[simem:s6], [sflag:s4] =	dma.local [hbm:s3], $0xF7A  }
0x26: {  	[smem:$0x3F9A] =	sst s1;
	(tag) =	ssettag s2;
	_ =	strace s9  }
0x27: {  	s1 =	sld [smem:$0x3FAA]  }
0x28: {  	s2 =	sld [smem:$0x3FAB]  }
0x29: {  	s4 =	sld [smem:$0x3FAD]  }
0x2a: {  	p0 =	seq.s32 s5, $0x0;
	s5 =	sld [smem:$0x3FAE]  }
0x2b: {  	s6 =	sld [smem:$0x3FAF]  }
0x2c: {  	s7 =	sld [smem:$0x3FB0]  }
0x2d: {  	s3 =	simm.s32 $0x108;
	s8 =	sld [smem:$0x3FB1]  }
0x2e: {  	s3 =	simm.s32 @!p0 $0x1082;
	s9 =	sld [smem:$0x3FB2]  }
0x2f: {  	lr =	sadd.s32 s0, s3;
	s0 =	sld [smem:$0x3FA9]  }
0x30: {  	s3 =	sld [smem:$0x3FAC]  }
0x31: {  	[smem:$0x3FB5] =	sst s10  }
0x32: {  	s10 =	sld [smem:$0x3FB3];
	_ =	sdelay $0x3  }
0x33: {  	p0 =	seq.s32 s10, $0x1;
	s10 =	sld [smem:$0x3FB5];
	_ =	sdelay $0x3  }
0x34: {  	[smem:$0x3FB5] =	sst s10  }
0x35: {  	s10 =	sld [smem:$0x3FB4];
	_ =	sdelay $0x3  }
0x36: {  	p1 =	seq.s32 s10, $0x1;
	s10 =	sld [smem:$0x3FB5];
	_ =	sdelay $0x3  }
0x37: {  	[smem:$0x3FB5] =	sst s10  }
0x38: {  	s10 =	sld [smem:$0x3FB6]  }
0x39: {  	_ = 	snop;
	(pc) =	sbr.ind lr, $3  }
0x3a: {  	_ = 	snop  }
0x3b: {  	_ = 	snop  }
0x3c: {  	p2 =	seq.s32 s10, $0x1;
	s10 =	sld [smem:$0x3FB5]  }
0x3d: {  	_ =	shalt  }
0x3e: {  	_ =	shalt  }
0x3f: {  	_ =	shalt  }
0x40: {  	_ =	shalt  }
0x41: {  	_ =	shalt  }
0x42: {  	_ =	shalt  }
0x43: {  	_ =	shalt  }
0x44: {  	_ =	shalt  }
0x45: {  	_ =	shalt  }
0x46: {  	_ =	shalt  }
0x47: {  	_ =	shalt  }
0x48: {  	_ =	shalt  }
0x49: {  	_ =	shalt  }
0x4a: {  	_ =	shalt  }
0x4b: {  	_ =	shalt  }
0x4c: {  	_ =	shalt  }
0x4d: {  	_ =	shalt  }
0x4e: {  	_ =	shalt  }
0x4f: {  	_ =	shalt  }
0x50: {  	_ =	shalt  }
0x51: {  	_ =	shalt  }
0x52: {  	_ =	shalt  }
0x53: {  	_ =	shalt  }
0x54: {  	_ =	shalt  }
0x55: {  	_ =	shalt  }
0x56: {  	_ =	shalt  }
0x57: {  	_ =	shalt  }
0x58: {  	_ =	shalt  }
0x59: {  	_ =	shalt  }
0x5a: {  	_ =	shalt  }
0x5b: {  	_ =	shalt  }
0x5c: {  	_ =	shalt  }
0x5d: {  	_ =	shalt  }
0x5e: {  	_ =	shalt  }
0x5f: {  	_ =	shalt  }
0x60: {  	_ =	shalt  }
0x61: {  	_ =	shalt  }
0x62: {  	_ =	shalt  }
0x63: {  	_ =	shalt  }
0x64: {  	_ =	shalt  }
0x65: {  	_ =	shalt  }
0x66: {  	_ =	shalt  }
0x67: {  	_ =	shalt  }
0x68: {  	_ =	shalt  }
0x69: {  	_ =	shalt  }
0x6a: {  	_ =	shalt  }
0x6b: {  	_ =	shalt  }
0x6c: {  	_ =	shalt  }
0x6d: {  	_ =	shalt  }
0x6e: {  	_ =	shalt  }
0x6f: {  	_ =	shalt  }
0x70: {  	_ =	shalt  }
0x71: {  	_ =	shalt  }
0x72: {  	_ =	shalt  }
0x73: {  	_ =	shalt  }
0x74: {  	_ =	shalt  }
0x75: {  	_ =	shalt  }
0x76: {  	_ =	shalt  }
0x77: {  	_ =	shalt  }
0x78: {  	_ =	shalt  }
0x79: {  	_ =	shalt  }
0x7a: {  	_ =	shalt  }
0x7b: {  	_ =	shalt  }
0x7c: {  	_ =	shalt  }
0x7d: {  	_ =	shalt  }
0x7e: {  	_ =	shalt  }
0x7f: {  	_ =	shalt  }
0x80: {  	_ =	shalt  }
0x81: {  	_ =	shalt  }
0x82: {  	_ =	shalt  }
0x83: {  	_ =	shalt  }
0x84: {  	_ =	shalt  }
0x85: {  	_ =	shalt  }
0x86: {  	_ =	shalt  }
0x87: {  	_ =	shalt  }
.Lfunc_end0:
.L_simem_size_0:
called_computation_lowered:
.L_overlay_start_0:
0x88: {  	s2 =	sld [smem:$0x3FD9]  }
0x89: {  	s3 =	sld [smem:$0x3FFE];
	_ =	sdelay $0x1  }
0x8a: {  	s1 =	srdreg.scid  }
0x8b: {  	s0 =	sand.u32 $0x1, s1  }
0x8c: {  	s17 =	sshll.u32 s0, $0xA;
	s2 =	sadd.s32 s3, s2  }
0x8d: {  	s2 =	sadd.s32 s2, s17  }
0x8e: {  	[smem:$0x3FC1] =	sst s2  }
0x8f: {  	_ = 	snop  }
0x90: {  	s2 =	sld [smem:$0x3FC3]  }
0x91: {  	s18 =	sld [smem:$0x3FD0];
	(tm) =	ssettm $0x1  }
0x92: {  	s4 =	sld [smem:$0x3FFB];
	_ =	sdelay $0x3  }
0x93: {  	_ =	strace s4  }
0x94: {  	s4 =	sld [smem:$0x3FFC];
	_ =	sdelay $0x3  }
0x95: {  	_ =	strace s4  }
0x96: {  	s4 =	sld [smem:$0x3FFD];
	_ =	sdelay $0x3  }
0x97: {  	_ =	strace s4  }
0x98: {  	_ =	strace $0x8FFFFFFF  }
0x99: {  	s19 =	sld [smem:$0x3FDB];
	_ =	sdelay $0x1  }
0x9a: {  	s5 =	simm.s32 $_scs_section_size  }
0x9b: {  	s6 =	simm.s32 $_size__tile_overlayer_lowered;
	s7 =	simm.s32 $_tile_overlayer_lowered  }
0x9c: {  	s22 =	simm.s32 $0x1BFF;
	s21 =	sshll.u32 s7, $0x1;
	s4 =	sadd.s32 s5, s19  }
0x9d: {  	s8 =	simm.s32 $0x0;
	s20 =	sshll.u32 s6, $0x1;
	s6 =	sadd.s32 s21, s4  }
0x9e: {  	[timem:s8], [sflag:s22] =	dma.local [hbm:s6], s20  }
0x9f: {  	_ =	swait.ge [sflag:s22], s20  }
0xa0: {  	s5 =	ssub.s32 $0x0, s20;
	[sflag:s22] =	ssyncset.done $0x0  }
0xa1: {  	[sflag:s22] =	ssyncadd.s32 s5;
	_ =	sdelay $0x1  }
0xa2: {  	s23 =	simm.s32 $0x1B8B  }
0xa3: {  	_ =	swait.ge [sflag:s23], $0x1  }
0xa4: {  	[sflag:s23] =	ssyncset.done $0x0  }
0xa5: {  	s25 =	simm.s32 $0x1B8E;
	s24 =	sld [smem:$0x3FFE];
	[sflag:s23] =	ssyncadd.s32 $0xFFFFFFFF  }
0xa6: {  	s26 =	simm.s32 $execute0_lowered;
	[smem:$0x3FD2] =	sst s25  }
0xa7: {  	s6 =	sshll.u32 s26, $0x1;
	_ =	strace $0x80000046;
	[dreg:$0x1] =	wrdreg $0xFFFFFFFF  }
0xa8: {  	s28 =	simm.s32 $_size_execute0_lowered;
	s4 =	sadd.s32 s4, s6;
	[dreg:$0x0] =	wrdreg $0x0  }
0xa9: {  	s6 =	sshll.u32 s28, $0x1;
	[dreg:$0x2] =	wrdreg s4  }
0xaa: {  	[dreg:$0x3] =	wrdreg s6  }
0xab: {  	[dreg:$0x4] =	wrdreg $0xC0  }
0xac: {  	_ =	task [dreg:s8], $0x5FFFF  }
0xad: {  	[dreg:$0x1] =	wrdreg $0xFFFFFFFF  }
0xae: {  	[dreg:$0x0] =	wrdreg $0x60  }
0xaf: {  	[dreg:$0x2] =	wrdreg s24  }
0xb0: {  	[dreg:$0x3] =	wrdreg s18  }
0xb1: {  	[dreg:$0x4] =	wrdreg s2  }
0xb2: {  	[dreg:$0x5] =	wrdreg $0x9  }
0xb3: {  	_ =	task.clear_ibuf [dreg:s8], $0x6FFFF;
	_ =	strace $0x90000046  }
0xb4: {  	s29 =	simm.s32 $0x9;
	_ =	strace $0x80000048  }
0xb5: {  	_ =	swait.ge [sflag:s29], $0x1  }
0xb6: {  	[sflag:s29] =	ssyncadd.s32 $0xFFFFFFFF  }
0xb7: {  	_ =	strace $0x90000048  }
0xb8: {  	_ =	sfence  }
0xb9: {  	s30 =	sld [smem:$0x0];
	_ =	sdelay $0x2  }
0xba: {  	s31 =	sshll.u32 s1, $0xD;
	s1 =	sshrl.u32 s1, $0x2  }
0xbb: {  	s3 =	sand.u32 $0x4000, s31;
	s1 =	sadd.s32 s1, s30  }
0xbc: {  	s0 =	sor.u32 s3, s0;
	s1 =	sshll.u32 s1, $0x11  }
0xbd: {  	s0 =	sor.u32 s1, s0  }
0xbe: {  	s0 =	sadd.s32 $0x8F2B, s0  }
0xbf: {  	[sflag:s0] =	ssyncadd.remote.s32 $0x1  }
0xc0: {  	_ =	sfence.sel $0xFFFF  }
0xc1: {  	[dreg:$0x0] =	wrdreg $0xFFFFFFFF;
	(pc) =	sbr.abs _section_cstart, $3  }
0xc2: {  	[dreg:$0x1] =	wrdreg $0xFFFFFFFF  }
0xc3: {  	_ =	task.clear_ibuf [dreg:s8], $0x2FFFF;
	_ =	strace $0x9FFFFFFF  }
0xc4: {  	(tm) =	ssettm $0x7FFFFFFF  }
0xc5: {  	_ =	shalt  }
tec
execute0_lowered:
.L_overlay_start_1:
0x0: {  	(tag) =	ssettag $0x1  }
0x1: {  	s6 =	rddreg [dreg:$0x0]  }
0x2: {  	s1 =	srdreg.scid;
	s7 =	rddreg [dreg:$0x1]  }
0x3: {  	s0 =	stileid.u32;
	s2 =	rddreg [dreg:$0x2];
	s3 =	simm.s32 $0x0  }
0x4: {  	s13 =	simm.s32 $0x12C00;
	s14 =	simm.s32 $0x200;
	s15 =	simm.s32 $0x12E00  }
0x5: {  	s16 =	simm.s32 $0x1;
	s17 =	simm.s32 $0x640;
	s18 =	simm.s32 $0x6400  }
0x6: {  	s19 =	simm.s32 $0xC800;
	s20 =	simm.s32 $0x14E90;
	s21 =	simm.s32 $0x2  }
0x7: {  	s22 =	simm.s32 $0x0;
	s8 =	sand.u32 $0x1, s1;
	s1 =	rddreg [dreg:$0x3]  }
0x8: {  	s30 =	sshll.u32 s0, $0x1;
	[smem:$0x7FF] =	sst s3;
	s5 =	sadd.s32 $0x205E00, s6  }
0x9: {  	s9 =	sor.u32 s8, s30;
	_ =	strace $0x80000047;
	s8 =	ssub.s32 $0x2, s8  }
0xa: {  	v0 =	vlaneseq.u32;
	s4 =	smul.u32 $0xC80, s9;
	s11 =	sshll.u32 s9, $0xA;
	s31 =	sshrl.u32 s8, $0x1  }
0xb: {  	v1 =	vmul.u32 $0x10, v0;
	s9 =	sshll.u32 s9, $0x6;
	s11 =	sadd.s32 s11, s6;
	s12 =	ssub.s32 s8, s31  }
0xc: {  	v0 =	vmul.u32 $0x32, v0;
	s7 =	sadd.s32 s7, s9;
	s10 =	sadd.s32 s4, s6;
	s4 =	sadd.s32 $0x19E00, s6  }
0xd: {  	[tilespmem:$0x1FFE0] =	vst v1;
	s8 =	sadd.s32 $0x206000, s11;
	s9 =	smax.u32 s12, $0x1;
	s11 =	simm.s32 $0x3  }
0xe: {  	[tilespmem:$0x1FFF0] =	vst v0;
	s12 =	simm.s32 $0x14E80;
	s6 =	sadd.s32 $0xE00, s10;
	s10 =	simm.s32 $0x14E00  }
.LBB2_1:
0xf: {  	[tilespmem:s10], [sflag:$0x3] =	stream.linear.gather [hbm4b:s5+s3], $0x80, $0x38;
	[tilespmem:$0x16E90] =	vst v63  }
0x10: {  	_ =	swait.ge [sflag:s11], $0x80  }
0x11: {  	[sflag:s11] =	ssyncset.done $0x0  }
0x12: {  	[sflag:s11] =	ssyncadd.s32 $0xFFFFFF80  }
0x13: {  	[tilespmem:s12], [sflag:$0x3] =	stream.linear.gather [hbm4b:s2+s3], $0x10, $0x38;
	[tilespmem:$0x16E90] =	vst v63  }
0x14: {  	_ =	swait.ge [sflag:s11], $0x10  }
0x15: {  	[sflag:s11] =	ssyncset.done $0x0  }
0x16: {  	[sflag:s11] =	ssyncadd.s32 $0xFFFFFFF0  }
0x17: {  	v0 =	vld [tilespmem:$0x14E80];
	_ =	sdelay $0x1  }
0x18: {  	v1 =	vld [tilespmem:$0x14E00];
	_ =	sdelay $0x1  }
0x19: {  	v2 =	vld [tilespmem:$0x14E10]  }
0x1a: {  	v3 =	vbroadcast v0, $0x0  }
0x1b: {  	v4 =	vld [tilespmem:$0x14E20]  }
0x1c: {  	v5 =	vbroadcast v0, $0x1;
	v3 =	vmul.f32 v3, v1  }
0x1d: {  	v6 =	vld [tilespmem:$0x14E30]  }
0x1e: {  	v7 =	vbroadcast v0, $0x2;
	v5 =	vmul.f32 v2, v5;
	v3 =	vadd.f32 $0.0e+00, v3  }
0x1f: {  	v8 =	vld [tilespmem:$0x14E40]  }
0x20: {  	v21 =	vbroadcast v0, $0x3;
	v20 =	vmul.f32 v4, v7;
	v3 =	vadd.f32 v5, v3  }
0x21: {  	v9 =	vld [tilespmem:$0x14E50]  }
0x22: {  	v23 =	vbroadcast v0, $0x4;
	v22 =	vmul.f32 v6, v21;
	v3 =	vadd.f32 v20, v3  }
0x23: {  	v11 =	vld [tilespmem:$0x14E60]  }
0x24: {  	v26 =	vbroadcast v0, $0x5;
	v25 =	vmul.f32 v8, v23;
	v3 =	vadd.f32 v22, v3  }
0x25: {  	v12 =	vld [tilespmem:$0x14E70]  }
0x26: {  	v29 =	vbroadcast v0, $0x6;
	v28 =	vmul.f32 v9, v26;
	v3 =	vadd.f32 v25, v3;
	_ =	sdelay $0x1  }
0x27: {  	v33 =	vbroadcast v0, $0x7;
	v32 =	vmul.f32 v11, v29;
	v3 =	vadd.f32 v28, v3;
	_ =	sdelay $0x1  }
0x28: {  	v37 =	vmul.f32 v12, v33;
	v3 =	vadd.f32 v32, v3;
	_ =	sdelay $0x1  }
0x29: {  	v3 =	vadd.f32 v37, v3  }
0x2a: {  	v10 =	vbroadcast v0, $0x8  }
0x2b: {  	v24 =	vbroadcast v0, $0x9;
	v39 =	vbroadcast v3, $0x0  }
0x2c: {  	[tilespmem:s3], [sflag:$0x3] =	stream.linear.gather [hbm4b:s6+s3], $0x6400, $0x38;
	v1 =	vmul.f32 v10, v1;
	v40 =	vbroadcast v3, $0x1;
	[tilespmem:$0x16E90] =	vst v63  }
0x2d: {  	v27 =	vbroadcast v0, $0xA;
	v41 =	vbroadcast v3, $0x2;
	[tilespmem:$0x1FDE0] =	vst v39  }
0x2e: {  	v2 =	vmul.f32 v2, v24;
	v1 =	vadd.f32 $0.0e+00, v1;
	v42 =	vbroadcast v3, $0x3;
	[tilespmem:$0x1FDF0] =	vst v40  }
0x2f: {  	v31 =	vbroadcast v0, $0xB;
	[tilespmem:$0x1FE00] =	vst v41  }
0x30: {  	v30 =	vmul.f32 v4, v27;
	v1 =	vadd.f32 v2, v1;
	v43 =	vbroadcast v3, $0x4;
	[tilespmem:$0x1FE10] =	vst v42  }
0x31: {  	v35 =	vbroadcast v0, $0xC;
	v44 =	vbroadcast v3, $0x5;
	_ =	swait.ge [sflag:s11], $0x6400  }
0x32: {  	v34 =	vmul.f32 v6, v31;
	v1 =	vadd.f32 v30, v1;
	v45 =	vbroadcast v3, $0x6;
	[tilespmem:$0x1FE20] =	vst v43  }
0x33: {  	v36 =	vbroadcast v0, $0xD;
	v46 =	vbroadcast v3, $0x7;
	[tilespmem:$0x1FE30] =	vst v44  }
0x34: {  	v4 =	vmul.f32 v8, v35;
	v1 =	vadd.f32 v34, v1;
	v47 =	vbroadcast v3, $0x8;
	[tilespmem:$0x1FE40] =	vst v45  }
0x35: {  	v38 =	vbroadcast v0, $0xE;
	v48 =	vbroadcast v3, $0x9;
	[tilespmem:$0x1FE50] =	vst v46  }
0x36: {  	v6 =	vmul.f32 v9, v36;
	v1 =	vadd.f32 v4, v1;
	v49 =	vbroadcast v3, $0xA;
	[tilespmem:$0x1FE60] =	vst v47  }
0x37: {  	v50 =	vbroadcast v3, $0xB;
	[tilespmem:$0x1FE70] =	vst v48  }
0x38: {  	v0 =	vbroadcast v0, $0xF;
	v2 =	vmul.f32 v11, v38;
	v1 =	vadd.f32 v6, v1;
	[sflag:s11] =	ssyncset.done $0x0;
	[tilespmem:$0x1FE80] =	vst v49  }
0x39: {  	[tilespmem:$0x1FE90] =	vst v50;
	[sflag:s11] =	ssyncadd.s32 $0xFFFF9C00  }
0x3a: {  	v0 =	vmul.f32 v12, v0;
	v1 =	vadd.f32 v2, v1;
	v51 =	vbroadcast v3, $0xC;
	[tilespmem:s13], [sflag:$0x3] =	stream.linear.gather [hbm4b:s7+s3], $0x200, $0x38;
	[tilespmem:$0x16E90] =	vst v63  }
0x3b: {  	v52 =	vbroadcast v3, $0xD;
	_ =	swait.ge [sflag:s11], $0x200  }
0x3c: {  	v0 =	vadd.f32 v0, v1;
	v53 =	vbroadcast v3, $0xE;
	[tilespmem:$0x1FEA0] =	vst v51  }
0x3d: {  	v54 =	vbroadcast v3, $0xF;
	[tilespmem:$0x1FEB0] =	vst v52  }
0x3e: {  	v55 =	vbroadcast v0, $0x0;
	[tilespmem:$0x1FEC0] =	vst v53  }
0x3f: {  	v56 =	vbroadcast v0, $0x1;
	[tilespmem:$0x1FED0] =	vst v54  }
0x40: {  	v57 =	vbroadcast v0, $0x2;
	[tilespmem:$0x1FEE0] =	vst v55  }
0x41: {  	v58 =	vbroadcast v0, $0x3;
	[tilespmem:$0x1FEF0] =	vst v56  }
0x42: {  	[sflag:s11] =	ssyncset.done $0x0;
	[tilespmem:$0x1FF00] =	vst v57  }
0x43: {  	[tilespmem:$0x1FF10] =	vst v58;
	[sflag:s11] =	ssyncadd.s32 $0xFFFFFE00  }
0x44: {  	v59 =	vbroadcast v0, $0x4;
	[tilespmem:s15], [sflag:$0x1] =	stream.indirect.gather [hbm4b:s4+s14], $0x10, s13, s14, $0xb8;
	[tilespmem:$0x16E90] =	vst v63  }
0x45: {  	v60 =	vbroadcast v0, $0x5;
	_ =	swait.ge [sflag:s16], $0x2000  }
0x46: {  	v61 =	vbroadcast v0, $0x7;
	[tilespmem:$0x1FF20] =	vst v59  }
0x47: {  	v62 =	vbroadcast v0, $0x8;
	[tilespmem:$0x1FF30] =	vst v60  }
0x48: {  	v63 =	vbroadcast v0, $0xA;
	[tilespmem:$0x1FF40] =	vst v61  }
0x49: {  	v56 =	vbroadcast v0, $0x9;
	[tilespmem:$0x1FF50] =	vst v62  }
0x4a: {  	v48 =	vbroadcast v0, $0xB;
	[tilespmem:$0x1FF60] =	vst v63  }
0x4b: {  	v26 =	vbroadcast v0, $0xC;
	[tilespmem:$0x1FF70] =	vst v56  }
0x4c: {  	v27 =	vbroadcast v0, $0xD;
	[tilespmem:$0x1FF80] =	vst v48  }
0x4d: {  	v28 =	vbroadcast v0, $0xE;
	[tilespmem:$0x1FF90] =	vst v26  }
0x4e: {  	v39 =	vbroadcast v0, $0x6;
	v0 =	vbroadcast v0, $0xF;
	[tilespmem:$0x1FFA0] =	vst v27  }
0x4f: {  	[tilespmem:$0x1FFB0] =	vst v28  }
0x50: {  	[sflag:s16] =	ssyncset.done $0x0;
	[tilespmem:$0x1FFC0] =	vst v0  }
0x51: {  	s23 =	simm.s32 $0x0;
	[tilespmem:$0x1FFD0] =	vst v39;
	[sflag:s16] =	ssyncadd.s32 $0xFFFFE000  }
0x52: {  	[tilespmem:s18], [sflag:$0x1] =	stream.indirect.gather [hbm4b:s4+s17], $0x10, s3, s17, $0xb8;
	[tilespmem:$0x16E90] =	vst v63  }
.LBB2_2:
0x53: {  	s24 =	sshllo.u32 s23, $0x1  }
0x54: {  	s25 =	smul.u32 $0x1900, s24;
	_ =	sdelay $0x1  }
0x55: {  	s25 =	sshra.s32 s25, $0x2  }
0x56: {  	[tilespmem:s19], [sflag:$0x2] =	stream.indirect.gather [hbm4b:s4+s17], $0x10, s25, s17, $0xb8;
	[tilespmem:$0x16E90] =	vst v63  }
0x57: {  	_ =	swait.ge [sflag:s16], $0x6400  }
0x58: {  	s26 =	simm.s32 $0x0;
	p1 =	por $0x1, $0x1;
	[sflag:s16] =	ssyncset.done $0x0  }
0x59: {  	s28 =	simm.s32 $0x0;
	s25 =	sshll.u32 s23, $0x6;
	[sflag:s16] =	ssyncadd.s32 $0xFFFF9C00  }
.LBB2_3:
0x5a: {  	v1 =	vld [tilespmem:$0x1FFE0];
	_ =	sdelay $0x1  }
0x5b: {  	s29 =	sor.u32 s25, s28  }
0x5c: {  	v0 =	vmov s29  }
0x5d: {  	v0 =	vshll.u32 v0, $0x4  }
0x5e: {  	v13 =	vor.u32 v1, v0  }
0x5f: {  	v1 =	vor.u32 $0x1, v13  }
0x60: {  	v2 =	vor.u32 $0x2, v13  }
0x61: {  	v3 =	vor.u32 $0x3, v13  }
0x62: {  	v4 =	vor.u32 $0x4, v13  }
0x63: {  	v5 =	vor.u32 $0x5, v13;
	[tilespmem:$0x1FB80] =	vst v13;
	v0 =	vld.idx.msk [tilespmem:v13+s15+$0x0], $0xffff  }
0x64: {  	v6 =	vor.u32 $0x6, v13;
	[tilespmem:$0x1FAE0] =	vst v1;
	v1 =	vld.idx.msk [tilespmem:v1+s15+$0x0], $0xffff  }
0x65: {  	v7 =	vor.u32 $0x7, v13;
	[tilespmem:$0x1FAF0] =	vst v2;
	v2 =	vld.idx.msk [tilespmem:v2+s15+$0x0], $0xffff  }
0x66: {  	v8 =	vor.u32 $0x8, v13;
	[tilespmem:$0x1FB00] =	vst v3;
	v3 =	vld.idx.msk [tilespmem:v3+s15+$0x0], $0xffff  }
0x67: {  	v9 =	vor.u32 $0x9, v13;
	[tilespmem:$0x1FB10] =	vst v4;
	v4 =	vld.idx.msk [tilespmem:v4+s15+$0x0], $0xffff  }
0x68: {  	v10 =	vor.u32 $0xA, v13;
	[tilespmem:$0x1FB20] =	vst v5;
	v5 =	vld.idx.msk [tilespmem:v5+s15+$0x0], $0xffff  }
0x69: {  	v11 =	vor.u32 $0xB, v13;
	[tilespmem:$0x1FB30] =	vst v6;
	v6 =	vld.idx.msk [tilespmem:v6+s15+$0x0], $0xffff  }
0x6a: {  	v12 =	vor.u32 $0xC, v13;
	[tilespmem:$0x1FB40] =	vst v7;
	v7 =	vld.idx.msk [tilespmem:v7+s15+$0x0], $0xffff  }
0x6b: {  	v15 =	vor.u32 $0xD, v13;
	[tilespmem:$0x1FB50] =	vst v8;
	v8 =	vld.idx.msk [tilespmem:v8+s15+$0x0], $0xffff  }
0x6c: {  	v18 =	vor.u32 $0xE, v13;
	[tilespmem:$0x1FB60] =	vst v9;
	v9 =	vld.idx.msk [tilespmem:v9+s15+$0x0], $0xffff  }
0x6d: {  	v21 =	vor.u32 $0xF, v13;
	[tilespmem:$0x1FB70] =	vst v10;
	v10 =	vld.idx.msk [tilespmem:v10+s15+$0x0], $0xffff  }
0x6e: {  	[tilespmem:$0x1FB90] =	vst v11;
	v11 =	vld.idx.msk [tilespmem:v11+s15+$0x0], $0xffff  }
0x6f: {  	[tilespmem:$0x1FBA0] =	vst v12;
	v12 =	vld.idx.msk [tilespmem:v12+s15+$0x0], $0xffff;
	v13 =	vmul.f32 v0, v0;
	v14 =	vmul.f32 v1, v1  }
0x70: {  	[tilespmem:$0x1FBB0] =	vst v15;
	v15 =	vld.idx.msk [tilespmem:v15+s15+$0x0], $0xffff;
	v16 =	vmul.f32 v2, v2;
	v17 =	vmul.f32 v3, v3  }
0x71: {  	[tilespmem:$0x1FBC0] =	vst v18;
	v18 =	vld.idx.msk [tilespmem:v18+s15+$0x0], $0xffff;
	v19 =	vmul.f32 v4, v4;
	v20 =	vmul.f32 v5, v5  }
0x72: {  	[tilespmem:$0x1FBD0] =	vst v21;
	v21 =	vld.idx.msk [tilespmem:v21+s15+$0x0], $0xffff;
	v22 =	vmul.f32 v6, v6;
	v23 =	vmul.f32 v7, v7  }
0x73: {  	v24 =	vmul.f32 v8, v8;
	v25 =	vmul.f32 v9, v9  }
0x74: {  	v26 =	vmul.f32 v10, v10;
	v31 =	vmul.f32 v11, v11  }
0x75: {  	v28 =	vmul.f32 v12, v12;
	v29 =	vmul.f32 v15, v15  }
0x76: {  	v30 =	vmul.f32 v18, v18;
	v13 =	vadd.f32 v14, v13;
	v14 =	vadd.f32 v17, v16  }
0x77: {  	v16 =	vmul.f32 v21, v21;
	v17 =	vadd.f32 v20, v19;
	v19 =	vadd.f32 v23, v22  }
0x78: {  	v20 =	vadd.f32 v25, v24;
	v22 =	vadd.f32 v31, v26  }
0x79: {  	v23 =	vadd.f32 v29, v28;
	v16 =	vadd.f32 v16, v30  }
0x7a: {  	v13 =	vadd.f32 v14, v13;
	v14 =	vadd.f32 v19, v17  }
0x7b: {  	v17 =	vadd.f32 v22, v20;
	v16 =	vadd.f32 v16, v23;
	_ =	sdelay $0x1  }
0x7c: {  	v26 =	vld [tilespmem:$0x1FE60];
	v13 =	vadd.f32 v14, v13;
	v14 =	vadd.f32 v16, v17  }
0x7d: {  	v22 =	vld [tilespmem:$0x1FE00]  }
0x7e: {  	v19 =	vmov s28;
	v13 =	vadd.f32 v14, v13;
	v14 =	vld [tilespmem:$0x1FFF0]  }
0x7f: {  	v19 =	vmul.u32 $0x32, v19  }
0x80: {  	v24 =	vld [tilespmem:$0x1FE30]  }
0x81: {  	v16 =	vbroadcast v19, $0x0;
	v19 =	vld [tilespmem:$0x1FDE0]  }
0x82: {  	v8 =	vmul.f32 v8, v26;
	v26 =	vld [tilespmem:$0x1FE70]  }
0x83: {  	v2 =	vmul.f32 v2, v22;
	v22 =	vld [tilespmem:$0x1FE10];
	v17 =	vadd.s32 v14, v16  }
0x84: {  	s28 =	simm.s32 $0x1;
	v16 =	vadd.s32 s26, v17  }
0x85: {  	v23 =	vld [tilespmem:$0x1FE20];
	[tilespmem:$0x1FBE0] =	vst v17;
	v17 =	vadd.s32 s28, v17;
	v16 =	vshll.u32 v16, $0x4  }
0x86: {  	v25 =	vld [tilespmem:$0x1FE50];
	v0 =	vmul.f32 v0, v19;
	v19 =	vshll.u32 v17, $0x4  }
0x87: {  	v5 =	vmul.f32 v5, v24;
	v24 =	vld [tilespmem:$0x1FE40];
	v20 =	vor.u32 $0x1, v16  }
0x88: {  	v9 =	vmul.f32 v9, v26;
	v26 =	vld [tilespmem:$0x1FE80];
	v3 =	vmul.f32 v3, v22;
	v22 =	vor.u32 $0x2, v16  }
0x89: {  	v17 =	vld [tilespmem:$0x1FDF0]  }
0x8a: {  	v4 =	vmul.f32 v4, v23;
	v23 =	vor.u32 $0x3, v16;
	v62 =	vld.idx.msk [tilespmem:v16+s18+$0x0], $0xffff  }
0x8b: {  	v47 =	vld.idx.msk [tilespmem:v19+s18+$0x0], $0xffff  }
0x8c: {  	v6 =	vmul.f32 v6, v24;
	v24 =	vor.u32 $0x4, v16;
	v58 =	vld.idx.msk [tilespmem:v20+s18+$0x0], $0xffff  }
0x8d: {  	v7 =	vmul.f32 v7, v25;
	v14 =	vshra.s32 v13, $0x1;
	v13 =	vmul.f32 $5.000000000e-01, v13;
	v59 =	vld.idx.msk [tilespmem:v22+s18+$0x0], $0xffff  }
0x8e: {  	v44 =	vadd.f32 v9, v8;
	v14 =	vsub.s32 $0x5F3759DF, v14;
	v25 =	vor.u32 $0x5, v16;
	v22 =	vld [tilespmem:$0x1FE90]  }
0x8f: {  	v9 =	vor.u32 $0xE, v16;
	v1 =	vmul.f32 v1, v17;
	v17 =	vmul.f32 v14, v13;
	v61 =	vld.idx.msk [tilespmem:v23+s18+$0x0], $0xffff  }
0x90: {  	v52 =	vor.u32 $0x7, v19;
	v23 =	vld [tilespmem:$0x1FEB0]  }
0x91: {  	v37 =	vld.idx.msk [tilespmem:v24+s18+$0x0], $0xffff;
	v17 =	vmul.f32 v14, v17  }
0x92: {  	v24 =	vld [tilespmem:$0x1FEC0]  }
0x93: {  	v53 =	vor.u32 $0x8, v19;
	v38 =	vld.idx.msk [tilespmem:v25+s18+$0x0], $0xffff;
	v17 =	vsub.f32 $1.500000000e+00, v17  }
0x94: {  	v42 =	vadd.f32 v7, v6;
	v2 =	vadd.f32 v3, v2;
	v55 =	vor.u32 $0xB, v19;
	v9 =	vld.idx.msk [tilespmem:v9+s18+$0x0], $0xffff  }
0x95: {  	v10 =	vmul.f32 v10, v26;
	v26 =	vor.u32 $0x9, v16;
	v35 =	vld.idx.msk [tilespmem:v52+s18+$0x0], $0xffff;
	v14 =	vmul.f32 v14, v17  }
0x96: {  	v29 =	vor.u32 $0xE, v19;
	v11 =	vmul.f32 v11, v22;
	v22 =	vld [tilespmem:$0x1FEA0];
	v15 =	vmul.f32 v15, v23  }
0x97: {  	v50 =	vor.u32 $0x3, v19;
	v18 =	vmul.f32 v18, v24;
	v24 =	vld [tilespmem:$0x1FED0];
	v23 =	vmul.f32 v14, v13  }
0x98: {  	v3 =	vadd.f32 v5, v4;
	v20 =	vor.u32 $0x6, v16;
	v33 =	vld.idx.msk [tilespmem:v53+s18+$0x0], $0xffff;
	v0 =	vadd.f32 v1, v0  }
0x99: {  	v7 =	vld.idx.msk [tilespmem:v55+s18+$0x0], $0xffff;
	v17 =	vor.u32 $0x7, v16;
	v8 =	vadd.f32 v11, v10;
	v1 =	vmul.f32 v23, v14  }
0x9a: {  	v0 =	vadd.f32 v2, v0;
	v2 =	vadd.f32 v42, v3;
	v11 =	vld.idx.msk [tilespmem:v26+s18+$0x0], $0xffff;
	v23 =	vor.u32 $0xB, v16  }
0x9b: {  	v43 =	vor.u32 $0xD, v16;
	v4 =	vld.idx.msk [tilespmem:v29+s18+$0x0], $0xffff;
	v46 =	vadd.f32 v8, v44;
	v1 =	vsub.f32 $1.500000000e+00, v1  }
0x9c: {  	v42 =	vld.idx.msk [tilespmem:v50+s18+$0x0], $0xffff;
	v8 =	vor.u32 $0x4, v19;
	v12 =	vmul.f32 v12, v22;
	v21 =	vmul.f32 v21, v24  }
0x9d: {  	v39 =	vld.idx.msk [tilespmem:v20+s18+$0x0], $0xffff;
	v22 =	vor.u32 $0x8, v16;
	v1 =	vmul.f32 v1, v14  }
0x9e: {  	v24 =	vor.u32 $0xA, v16;
	v63 =	vld.idx.msk [tilespmem:v17+s18+$0x0], $0xffff;
	v10 =	vadd.f32 v15, v12;
	v12 =	vadd.f32 v21, v18  }
0x9f: {  	v41 =	vor.u32 $0xC, v16;
	v15 =	vmovc v11;
	v11 =	vor.u32 $0xF, v16;
	v16 =	vld.idx.msk [tilespmem:v23+s18+$0x0], $0xffff;
	v3 =	vmul.f32 v1, v13  }
0xa0: {  	v45 =	vor.u32 $0x2, v19;
	v51 =	vor.u32 $0x5, v19;
	v49 =	vadd.f32 v12, v10;
	v12 =	vld.idx.msk [tilespmem:v43+s18+$0x0], $0xffff  }
0xa1: {  	v36 =	vor.u32 $0xD, v19;
	v14 =	vor.u32 $0x1, v19;
	v27 =	vld.idx.msk [tilespmem:v8+s18+$0x0], $0xffff;
	v3 =	vmul.f32 v3, v1  }
0xa2: {  	v25 =	vor.u32 $0xC, v19;
	v0 =	vadd.f32 v2, v0;
	v54 =	vmul.f32 v58, v58;
	v57 =	vld.idx.msk [tilespmem:v22+s18+$0x0], $0xffff  }
0xa3: {  	v20 =	vmul.f32 v61, v61;
	v29 =	vmul.f32 v35, v35;
	v17 =	vld.idx.msk [tilespmem:v24+s18+$0x0], $0xffff;
	v3 =	vsub.f32 $1.500000000e+00, v3  }
0xa4: {  	v18 =	vmul.f32 v47, v47;
	v26 =	vmul.f32 v15, v15;
	v10 =	vor.u32 $0x6, v19;
	v13 =	vld.idx.msk [tilespmem:v41+s18+$0x0], $0xffff  }
0xa5: {  	v21 =	vor.u32 $0xA, v19;
	v2 =	vld.idx.msk [tilespmem:v11+s18+$0x0], $0xffff;
	v1 =	vmul.f32 v3, v1;
	v3 =	vmul.f32 v62, v62  }
0xa6: {  	v23 =	vmul.f32 v38, v38;
	v22 =	vmul.f32 v37, v37;
	v40 =	vld.idx.msk [tilespmem:v14+s18+$0x0], $0xffff;
	v14 =	vor.u32 $0x9, v19  }
0xa7: {  	v8 =	vmul.f32 v59, v59;
	v24 =	vmul.f32 v63, v63;
	v30 =	vadd.f32 v54, v3;
	v3 =	vld.idx.msk [tilespmem:v36+s18+$0x0], $0xffff  }
0xa8: {  	v41 =	vld.idx.msk [tilespmem:v45+s18+$0x0], $0xffff;
	v5 =	vadd.f32 v49, v46;
	v22 =	vadd.f32 v23, v22;
	v23 =	vmul.f32 v9, v9  }
0xa9: {  	v20 =	vadd.f32 v20, v8;
	v32 =	vld.idx.msk [tilespmem:v10+s18+$0x0], $0xffff;
	v10 =	vmul.f32 v39, v39;
	v28 =	vmul.f32 v16, v16  }
0xaa: {  	v6 =	vld.idx.msk [tilespmem:v21+s18+$0x0], $0xffff;
	v0 =	vadd.f32 v5, v0;
	v21 =	vmul.f32 v12, v12;
	v60 =	vmul.f32 v57, v57  }
0xab: {  	v52 =	vmovc v35;
	v19 =	vor.u32 $0xF, v19;
	v34 =	vmul.f32 v17, v17;
	v31 =	vmul.f32 v13, v13;
	v14 =	vld.idx.msk [tilespmem:v14+s18+$0x0], $0xffff  }
0xac: {  	v10 =	vadd.f32 v24, v10;
	v24 =	vmul.f32 v2, v2;
	v46 =	vmovc v3;
	v35 =	vmul.f32 v3, v3;
	v3 =	vld [tilespmem:$0x1FEE0]  }
0xad: {  	v11 =	vld.idx.msk [tilespmem:v51+s18+$0x0], $0xffff;
	v21 =	vadd.f32 v21, v31;
	v31 =	vmul.f32 v42, v42;
	v1 =	vmin.f32 v1, $1.000000000e+00  }
0xae: {  	v8 =	vld.idx.msk [tilespmem:v25+s18+$0x0], $0xffff;
	v25 =	vadd.f32 v26, v60;
	v26 =	vmul.f32 v40, v40;
	v0 =	vmul.f32 v1, v0  }
0xaf: {  	v55 =	vmovc v40;
	v40 =	vadd.f32 v28, v34;
	v28 =	vmul.f32 v41, v41;
	v23 =	vadd.f32 v24, v23  }
0xb0: {  	v36 =	vld.idx.msk [tilespmem:v19+s18+$0x0], $0xffff;
	[tilespmem:$0x1FBF0] =	vst v0;
	v0 =	vadd.f32 v10, v22;
	v49 =	vmul.f32 v14, v14  }
0xb1: {  	v10 =	vadd.f32 v23, v21;
	v60 =	vmovc v14;
	v14 =	vmul.f32 v62, v3;
	v21 =	vmul.f32 v47, v3;
	v3 =	vld [tilespmem:$0x1FEF0]  }
0xb2: {  	v19 =	vmul.f32 v11, v11;
	v24 =	vmul.f32 v27, v27;
	v18 =	vadd.f32 v26, v18  }
0xb3: {  	v34 =	vmovc v41;
	v26 =	vmul.f32 v32, v32;
	v28 =	vadd.f32 v31, v28;
	v31 =	vmul.f32 v33, v33  }
0xb4: {  	v41 =	vmovc v33;
	v33 =	vmul.f32 v7, v7;
	v19 =	vadd.f32 v19, v24;
	v24 =	vmul.f32 v6, v6  }
0xb5: {  	v44 =	vmovc v6;
	v6 =	vmul.f32 v4, v4;
	v26 =	vadd.f32 v29, v26;
	v29 =	vmul.f32 v8, v8  }
0xb6: {  	v43 =	vmovc v7;
	v1 =	vadd.f32 v40, v25;
	v7 =	vmul.f32 v36, v36;
	v22 =	vmul.f32 v58, v3;
	v3 =	vld [tilespmem:$0x1FF00]  }
0xb7: {  	v33 =	vadd.f32 v33, v24;
	v31 =	vadd.f32 v49, v31  }
0xb8: {  	v51 =	vmov v32;
	v29 =	vadd.f32 v35, v29;
	v32 =	vadd.f32 v7, v6  }
0xb9: {  	v20 =	vadd.f32 v20, v30;
	v30 =	vadd.f32 v33, v31  }
0xba: {  	v31 =	vadd.f32 v32, v29;
	v29 =	vadd.f32 v10, v1;
	v1 =	vld [tilespmem:$0x1FFD0]  }
0xbb: {  	v23 =	vmul.f32 v59, v3;
	v3 =	vld [tilespmem:$0x1FF10];
	_ =	sdelay $0x1  }
0xbc: {  	[tilespmem:$0x1FC00] =	vst v62  }
0xbd: {  	[tilespmem:$0x1FC10] =	vst v47  }
0xbe: {  	[tilespmem:$0x1FC70] =	vst v39;
	v19 =	vadd.f32 v26, v19;
	v26 =	vmul.f32 v39, v1;
	v39 =	vmov v2;
	v2 =	vld [tilespmem:$0x1FFA0]  }
0xbf: {  	[tilespmem:$0x1FC20] =	vst v58;
	v24 =	vmul.f32 v61, v3;
	v3 =	vld [tilespmem:$0x1FF20]  }
0xc0: {  	[tilespmem:$0x1FC30] =	vst v59  }
0xc1: {  	[tilespmem:$0x1FC40] =	vst v61  }
0xc2: {  	[tilespmem:$0x1FC50] =	vst v37  }
0xc3: {  	[tilespmem:$0x1FC60] =	vst v38;
	v49 =	vmov v36;
	v36 =	vmul.f32 v12, v2;
	v2 =	vld [tilespmem:$0x1FFB0]  }
0xc4: {  	[tilespmem:$0x1FC80] =	vst v63;
	v25 =	vmul.f32 v37, v3;
	v3 =	vld [tilespmem:$0x1FF30]  }
0xc5: {  	[tilespmem:$0x1FC90] =	vst v57  }
0xc6: {  	[tilespmem:$0x1FCB0] =	vst v13  }
0xc7: {  	[tilespmem:$0x1FCC0] =	vst v12  }
0xc8: {  	[tilespmem:$0x1FCD0] =	vst v9;
	v35 =	vmul.f32 v9, v2;
	v2 =	vimm.f32 $0.0e+00  }
0xc9: {  	v0 =	vadd.f32 v0, v20;
	[tilespmem:$0x1FCE0] =	vst v2;
	v2 =	vimm.f32 $0.0e+00;
	v20 =	vmul.f32 v38, v3;
	v3 =	vld [tilespmem:$0x1FF50]  }
0xca: {  	[tilespmem:$0x1FCF0] =	vst v2;
	v2 =	vimm.f32 $0.0e+00  }
0xcb: {  	[tilespmem:$0x1FD00] =	vst v2;
	v2 =	vimm.f32 $0.0e+00  }
0xcc: {  	[tilespmem:$0x1FD10] =	vst v2;
	v2 =	vimm.f32 $0.0e+00  }
0xcd: {  	[tilespmem:$0x1FD20] =	vst v2;
	v2 =	vimm.f32 $0.0e+00  }
0xce: {  	[tilespmem:$0x1FD30] =	vst v2;
	v2 =	vimm.f32 $0.0e+00;
	v10 =	vmul.f32 v57, v3;
	v3 =	vld [tilespmem:$0x1FF60]  }
0xcf: {  	[tilespmem:$0x1FD40] =	vst v2;
	v2 =	vimm.f32 $0.0e+00  }
0xd0: {  	[tilespmem:$0x1FD50] =	vst v2;
	v2 =	vimm.f32 $0.0e+00  }
0xd1: {  	[tilespmem:$0x1FD60] =	vst v2;
	v2 =	vimm.f32 $0.0e+00  }
0xd2: {  	[tilespmem:$0x1FD70] =	vst v2;
	v2 =	vimm.f32 $0.0e+00  }
0xd3: {  	v1 =	vld [tilespmem:$0x1FF40];
	v38 =	vadd.f32 v31, v30;
	[tilespmem:$0x1FD80] =	vst v2;
	v31 =	vmul.f32 v17, v3;
	v3 =	vimm.f32 $0.0e+00  }
0xd4: {  	v2 =	vimm.f32 $0.0e+00;
	[tilespmem:$0x1FCA0] =	vst v3;
	v3 =	vld [tilespmem:$0x1FF90]  }
0xd5: {  	[tilespmem:$0x1FD90] =	vst v2;
	v2 =	vimm.f32 $0.0e+00  }
0xd6: {  	[tilespmem:$0x1FDA0] =	vst v2;
	v2 =	vimm.f32 $0.0e+00  }
0xd7: {  	v45 =	vmovc v4;
	v50 =	vmovc v27;
	v53 =	vmov v11;
	v18 =	vadd.f32 v28, v18;
	[tilespmem:$0x1FDB0] =	vst v2;
	v2 =	vimm.f32 $0.0e+00  }
0xd8: {  	v54 =	vmovc v42;
	v42 =	vmovc v8;
	v33 =	vmul.f32 v16, v48;
	v1 =	vmul.f32 v63, v1;
	[tilespmem:$0x1FDC0] =	vst v2;
	v2 =	vimm.f32 $0.0e+00  }
0xd9: {  	p0 =	por p1, p1;
	s28 =	simm.s32 $0x2;
	v37 =	vadd.f32 v19, v18;
	v30 =	vmul.f32 v15, v56;
	[tilespmem:$0x1FDD0] =	vst v2;
	v32 =	vmul.f32 v13, v3  }
.LBB2_4:
0xda: {  	v13 =	vld [tilespmem:$0x1FF50]  }
0xdb: {  	v2 =	vld [tilespmem:$0x1FFC0]  }
0xdc: {  	v11 =	vld [tilespmem:$0x1FBE0]  }
0xdd: {  	v5 =	vld [tilespmem:$0x1FFD0];
	v0 =	vadd.f32 v29, v0  }
0xde: {  	v4 =	vld [tilespmem:$0x1FF10];
	v29 =	vadd.f32 v38, v37;
	v10 =	vadd.f32 v30, v10  }
0xdf: {  	v8 =	vld [tilespmem:$0x1FEF0];
	v30 =	vadd.f32 v36, v32;
	v57 =	vshra.s32 v0, $0x1;
	v58 =	vmul.f32 $5.000000000e-01, v0  }
0xe0: {  	v3 =	vld [tilespmem:$0x1FF20];
	v0 =	vshra.s32 v29, $0x1;
	v61 =	vmul.f32 $5.000000000e-01, v29;
	v57 =	vsub.s32 $0x5F3759DF, v57  }
0xe1: {  	[tilespmem:$0x1FA10] =	vst v39;
	v7 =	vld [tilespmem:$0x1FF30];
	v22 =	vadd.f32 v22, v14;
	v47 =	vmul.f32 v39, v2;
	v29 =	vmul.f32 v57, v58  }
0xe2: {  	v27 =	vld [tilespmem:$0x1FF60];
	[tilespmem:$0x1F960] =	vst v55;
	s29 =	sadd.s32 $0x1, s28;
	v39 =	vsub.s32 $0x5F3759DF, v0;
	v0 =	vadd.s32 s28, v11;
	v40 =	vmul.f32 v51, v5  }
0xe3: {  	[tilespmem:$0x1F9A0] =	vst v51;
	v51 =	vadd.s32 s29, v11;
	v11 =	vld [tilespmem:$0x1FF90];
	v62 =	vmul.f32 v39, v61;
	v29 =	vmul.f32 v57, v29  }
0xe4: {  	[tilespmem:$0x1F970] =	vst v54;
	v23 =	vadd.f32 v24, v23;
	v55 =	vmul.f32 v55, v8;
	v38 =	vmul.f32 v54, v4  }
0xe5: {  	v6 =	vld [tilespmem:$0x1FF00];
	[tilespmem:$0x1F980] =	vst v50;
	v59 =	vmul.f32 v50, v3;
	v50 =	vmul.f32 v39, v62;
	v54 =	vsub.f32 $1.500000000e+00, v29  }
0xe6: {  	[tilespmem:$0x1F990] =	vst v53;
	v25 =	vadd.f32 v20, v25;
	v63 =	vmul.f32 v53, v7;
	v53 =	vmul.f32 v41, v13  }
0xe7: {  	[tilespmem:$0x1F9C0] =	vst v41;
	v41 =	vmul.f32 v60, v56;
	v50 =	vsub.f32 $1.500000000e+00, v50;
	v62 =	vmul.f32 v57, v54  }
0xe8: {  	[tilespmem:$0x1FA00] =	vst v42;
	v1 =	vadd.f32 v1, v26;
	v56 =	vmul.f32 v44, v27;
	v42 =	vmul.f32 v42, v11;
	v11 =	vld [tilespmem:$0x1FFA0]  }
0xe9: {  	v12 =	vld [tilespmem:$0x1FF40];
	v27 =	vadd.f32 v33, v31;
	v24 =	vmul.f32 v39, v50;
	v26 =	vmul.f32 v62, v58  }
0xea: {  	v37 =	vmul.f32 v34, v6;
	v22 =	vadd.f32 v23, v22;
	v1 =	vadd.f32 v1, v25  }
0xeb: {  	v31 =	vadd.f32 v47, v35;
	v28 =	vmul.f32 v24, v61;
	v26 =	vmul.f32 v26, v62  }
0xec: {  	[tilespmem:$0x1F9D0] =	vst v60;
	v60 =	vmul.f32 v43, v48;
	v21 =	vadd.f32 v55, v21;
	v32 =	vadd.f32 v38, v37  }
0xed: {  	[tilespmem:$0x1F9F0] =	vst v43;
	v43 =	vmul.f32 v46, v11;
	v11 =	vld [tilespmem:$0x1FFB0];
	v28 =	vmul.f32 v28, v24;
	v26 =	vsub.f32 $1.500000000e+00, v26  }
0xee: {  	[tilespmem:$0x1F9B0] =	vst v52;
	v52 =	vmul.f32 v52, v12;
	v10 =	vadd.f32 v27, v10;
	v25 =	vadd.f32 v31, v30  }
0xef: {  	v1 =	vadd.f32 v1, v22;
	v28 =	vsub.f32 $1.500000000e+00, v28;
	v26 =	vmul.f32 v26, v62  }
0xf0: {  	v21 =	vadd.f32 v32, v21;
	v57 =	vmul.f32 v49, v2;
	v10 =	vadd.f32 v25, v10  }
0xf1: {  	v50 =	vadd.f32 v63, v59;
	v24 =	vmul.f32 v28, v24;
	v23 =	vmul.f32 v26, v58  }
0xf2: {  	v59 =	vadd.f32 v52, v40;
	v63 =	vadd.f32 v60, v56;
	v48 =	vmul.f32 v45, v11  }
0xf3: {  	[tilespmem:$0x1F9E0] =	vst v44;
	v44 =	vadd.f32 v43, v42;
	v27 =	vmul.f32 v24, v61;
	v23 =	vmul.f32 v23, v26  }
0xf4: {  	v62 =	vadd.f32 v41, v53;
	v33 =	vadd.f32 v57, v48  }
0xf5: {  	v28 =	vadd.f32 v59, v50;
	v27 =	vmul.f32 v27, v24;
	v22 =	vsub.f32 $1.500000000e+00, v23  }
0xf6: {  	v30 =	vadd.f32 v63, v62;
	v31 =	vadd.f32 v33, v44  }
0xf7: {  	v2 =	vld [tilespmem:$0x1FBF0];
	v1 =	vadd.f32 v10, v1;
	v25 =	vsub.f32 $1.500000000e+00, v27;
	v22 =	vmul.f32 v22, v26  }
0xf8: {  	v21 =	vadd.f32 v28, v21;
	v26 =	vadd.f32 v31, v30  }
0xf9: {  	v0 =	vshll.u32 v0, $0x4;
	v10 =	vmul.f32 v25, v24;
	v36 =	vmin.f32 v22, $1.000000000e+00  }
0xfa: {  	v27 =	vor.u32 $0x3, v0;
	v21 =	vadd.f32 v26, v21;
	v1 =	vmul.f32 v36, v1  }
0xfb: {  	v40 =	vmin.f32 v10, $1.000000000e+00  }
0xfc: {  	v24 =	vor.u32 $0x4, v0;
	v21 =	vmul.f32 v40, v21;
	v1 =	vadd.f32 v1, v2;
	_ =	sdelay $0x1  }
0xfd: {  	v9 =	vld [tilespmem:$0x1FEE0];
	v22 =	vor.u32 $0x5, v0;
	v28 =	vadd.f32 v21, v2;
	v21 =	vmul.f32 $2.000000030e-01, v1  }
0xfe: {  	v29 =	vshll.u32 v51, $0x4;
	v50 =	vld.idx.msk [tilespmem:v27+s18+$0x0], $0xffff;
	vm0 =	vge.f32 v1, $0.0e+00  }
0xff: {  	v39 =	vld.idx.msk [tilespmem:v0+s18+$0x0], $0xffff;
	v1 =	vsel vm0, v1, v21  }
0x100: {  	v47 =	vmov v45;
	v45 =	vor.u32 $0x1, v0;
	v51 =	vld.idx.msk [tilespmem:v24+s18+$0x0], $0xffff;
	v1 =	vmul.f32 $1.442695020e+00, v1;
	_ =	sdelay $0x1  }
0x101: {  	v23 =	vor.u32 $0x2, v0;
	v52 =	vld.idx.msk [tilespmem:v22+s18+$0x0], $0xffff;
	(erf) = vpow2.f32 v1  }
0x102: {  	v37 =	vld.idx.msk [tilespmem:v29+s18+$0x0], $0xffff;
	v1 =	vmul.f32 v50, v4  }
0x103: {  	v2 =	vmul.f32 v39, v9  }
0x104: {  	v41 =	vld.idx.msk [tilespmem:v45+s18+$0x0], $0xffff;
	[tilespmem:$0x1FAA0] =	vst v1;
	v1 =	vmul.f32 v51, v3  }
0x105: {  	v10 =	vor.u32 $0x6, v0;
	[tilespmem:$0x1FAC0] =	vst v2;
	v2 =	vmul.f32 v39, v39  }
0x106: {  	v26 =	vor.u32 $0x9, v0;
	v42 =	vld.idx.msk [tilespmem:v23+s18+$0x0], $0xffff;
	[tilespmem:$0x1FAB0] =	vst v1;
	v1 =	vmul.f32 v52, v7  }
0x107: {  	[tilespmem:$0x1FA30] =	vst v2;
	v2 =	vmul.f32 v37, v9  }
0x108: {  	[tilespmem:$0x1FA90] =	vst v1;
	v1 =	vld [tilespmem:$0x1FC20]  }
0x109: {  	[tilespmem:$0x1FA80] =	vst v2;
	v2 =	vmul.f32 v41, v8  }
0x10a: {  	v53 =	vld.idx.msk [tilespmem:v10+s18+$0x0], $0xffff;
	v4 =	vpop (erf)  }
0x10b: {  	v31 =	vor.u32 $0xB, v0;
	v60 =	vld.idx.msk [tilespmem:v26+s18+$0x0], $0xffff;
	[tilespmem:$0x1FAD0] =	vst v2;
	v2 =	vmul.f32 v42, v6;
	v6 =	vmul.f32 v4, v36;
	_ =	sdelay $0x1  }
0x10c: {  	[tilespmem:$0x1FA20] =	vst v46;
	v55 =	vmovc v49;
	v49 =	vor.u32 $0xE, v0;
	v46 =	vor.u32 $0xC, v0;
	v11 =	vmul.f32 v6, v1;
	v1 =	vmovc v41  }
0x10d: {  	v48 =	vor.u32 $0xD, v0;
	v45 =	vor.u32 $0xF, v0;
	v25 =	vor.u32 $0x8, v0;
	[tilespmem:$0x1FC20] =	vst v1;
	v1 =	vld [tilespmem:$0x1FC30]  }
0x10e: {  	v23 =	vor.u32 $0x7, v0;
	v27 =	vor.u32 $0xA, v0;
	v9 =	vld [tilespmem:$0x1FC00];
	v0 =	vmul.f32 v53, v5  }
0x10f: {  	v62 =	vld.idx.msk [tilespmem:v31+s18+$0x0], $0xffff;
	v61 =	vmul.f32 v60, v60  }
0x110: {  	v13 =	vmovc v42;
	v26 =	vmov v60;
	[tilespmem:$0x1FA60] =	vst v0;
	v0 =	vmul.f32 v37, v37;
	v60 =	vmul.f32 v6, v17;
	v17 =	vld [tilespmem:$0x1FCA0]  }
0x111: {  	v24 =	vmul.f32 $2.000000030e-01, v28;
	[tilespmem:$0x1FC30] =	vst v13;
	v13 =	vld [tilespmem:$0x1FC50]  }
0x112: {  	[tilespmem:$0x1FA50] =	vst v0;
	v0 =	vmul.f32 v41, v41;
	v41 =	vmul.f32 v6, v1;
	v1 =	vld [tilespmem:$0x1FC40]  }
0x113: {  	vm15 =	vge.f32 v28, $0.0e+00;
	v54 =	vld.idx.msk [tilespmem:v23+s18+$0x0], $0xffff;
	v9 =	vmul.f32 v6, v9  }
0x114: {  	v43 =	vld.idx.msk [tilespmem:v27+s18+$0x0], $0xffff;
	v10 =	vsel vm15, v28, v24  }
0x115: {  	v12 =	vmov v39;
	v10 =	vmul.f32 $1.442695020e+00, v10;
	v9 =	vadd.f32 v9, v17;
	v17 =	vld [tilespmem:$0x1FCB0]  }
0x116: {  	v31 =	vmul.f32 v50, v50;
	v22 =	vmovc v50;
	[tilespmem:$0x1FC00] =	vst v12;
	v14 =	vmov v52;
	v50 =	vmul.f32 v6, v13;
	v13 =	vld [tilespmem:$0x1FC60]  }
0x117: {  	(erf) = vpow2.f32 v10;
	[tilespmem:$0x1FC60] =	vst v14;
	v14 =	vld [tilespmem:$0x1FC70];
	v12 =	vmul.f32 v6, v1;
	v1 =	vmov v51  }
0x118: {  	v21 =	vmov v53;
	[tilespmem:$0x1FC50] =	vst v1;
	v1 =	vld [tilespmem:$0x1FC80]  }
0x119: {  	[tilespmem:$0x1FC70] =	vst v21;
	v21 =	vld [tilespmem:$0x1FC90];
	_ =	sdelay $0x1  }
0x11a: {  	v10 =	vmul.f32 v52, v52  }
0x11b: {  	v59 =	vmul.f32 v54, v54;
	v30 =	vmul.f32 v43, v43  }
0x11c: {  	v52 =	vmul.f32 v6, v14;
	v14 =	vmul.f32 v6, v1  }
0x11d: {  	v1 =	vmovc v54;
	v54 =	vmul.f32 v6, v21;
	v21 =	vmov v43;
	v43 =	vmul.f32 v6, v17;
	v17 =	vld [tilespmem:$0x1FC10];
	_ =	sdelay $0x1  }
0x11e: {  	v38 =	vpop (erf)  }
0x11f: {  	v40 =	vmul.f32 v38, v40;
	_ =	sdelay $0x1  }
0x120: {  	v27 =	vmul.f32 v40, v17;
	_ =	sdelay $0x1  }
0x121: {  	v9 =	vadd.f32 v27, v9;
	v27 =	vld [tilespmem:$0x1FCE0];
	_ =	sdelay $0x4  }
0x122: {  	v11 =	vadd.f32 v11, v27;
	v27 =	vld [tilespmem:$0x1FCF0];
	_ =	sdelay $0x3  }
0x123: {  	v44 =	vld.idx.msk [tilespmem:v46+s18+$0x0], $0xffff  }
0x124: {  	v41 =	vadd.f32 v41, v27;
	v27 =	vld [tilespmem:$0x1F970];
	_ =	sdelay $0x3  }
0x125: {  	v63 =	vmul.f32 v44, v44;
	v56 =	vld.idx.msk [tilespmem:v25+s18+$0x0], $0xffff  }
0x126: {  	v25 =	vmov v44;
	v44 =	vmul.f32 v40, v34;
	v34 =	vmul.f32 v40, v27;
	v27 =	vld [tilespmem:$0x1FD00];
	_ =	sdelay $0x3  }
0x127: {  	v46 =	vld.idx.msk [tilespmem:v48+s18+$0x0], $0xffff  }
0x128: {  	v12 =	vadd.f32 v12, v27;
	v27 =	vld [tilespmem:$0x1FD10];
	_ =	sdelay $0x2  }
0x129: {  	v48 =	vld.idx.msk [tilespmem:v49+s18+$0x0], $0xffff  }
0x12a: {  	[tilespmem:$0x1FCA0] =	vst v9;
	v9 =	vld [tilespmem:$0x1F960]  }
0x12b: {  	v35 =	vmul.f32 v46, v46;
	[tilespmem:$0x1FC40] =	vst v22;
	v22 =	vmov v46;
	v46 =	vadd.f32 v50, v27;
	v27 =	vld [tilespmem:$0x1F980];
	_ =	sdelay $0x2  }
0x12c: {  	v20 =	vor.u32 $0x5, v29  }
0x12d: {  	[tilespmem:$0x1FA40] =	vst v0;
	v0 =	vmul.f32 v62, v62;
	v36 =	vmul.f32 v48, v48  }
0x12e: {  	v23 =	vmovc v62;
	v62 =	vmov v48;
	v9 =	vmul.f32 v40, v9;
	v48 =	vmul.f32 v40, v27;
	v27 =	vld [tilespmem:$0x1FD20];
	_ =	sdelay $0x1  }
0x12f: {  	[tilespmem:$0x1FA70] =	vst v2;
	v2 =	vor.u32 $0x1, v29;
	v17 =	vmov v37;
	v9 =	vadd.f32 v9, v11  }
0x130: {  	v20 =	vld.idx.msk [tilespmem:v20+s18+$0x0], $0xffff;
	v13 =	vmul.f32 v6, v13;
	[tilespmem:$0x1FC10] =	vst v17  }
0x131: {  	v17 =	vld [tilespmem:$0x1FCC0];
	[tilespmem:$0x1FCE0] =	vst v9;
	v9 =	vadd.f32 v44, v41  }
0x132: {  	v11 =	vadd.f32 v34, v12;
	v13 =	vadd.f32 v13, v27;
	v27 =	vld [tilespmem:$0x1FD30]  }
0x133: {  	v49 =	vor.u32 $0x2, v29;
	[tilespmem:$0x1FCF0] =	vst v9;
	v9 =	vld [tilespmem:$0x1F990]  }
0x134: {  	[tilespmem:$0x1FD00] =	vst v11;
	v11 =	vadd.f32 v48, v46;
	v46 =	vld.idx.msk [tilespmem:v2+s18+$0x0], $0xffff  }
0x135: {  	v2 =	vld [tilespmem:$0x1FD40]  }
0x136: {  	[tilespmem:$0x1FD10] =	vst v11;
	v11 =	vld [tilespmem:$0x1F9A0]  }
0x137: {  	v34 =	vadd.f32 v52, v27;
	v27 =	vld [tilespmem:$0x1F9B0]  }
0x138: {  	v49 =	vld.idx.msk [tilespmem:v49+s18+$0x0], $0xffff  }
0x139: {  	v24 =	vld [tilespmem:$0x1FF80];
	v9 =	vmul.f32 v40, v9  }
0x13a: {  	v18 =	vor.u32 $0x3, v29;
	v37 =	vmul.f32 v6, v17;
	v17 =	vld [tilespmem:$0x1FCD0]  }
0x13b: {  	v2 =	vadd.f32 v14, v2;
	v14 =	vld [tilespmem:$0x1FD50];
	v9 =	vadd.f32 v9, v13;
	v11 =	vmul.f32 v40, v11  }
0x13c: {  	v41 =	vmul.f32 v40, v27;
	v27 =	vld [tilespmem:$0x1F9C0]  }
0x13d: {  	[tilespmem:$0x1FD20] =	vst v9;
	v9 =	vadd.f32 v11, v34;
	v11 =	vld [tilespmem:$0x1FD60]  }
0x13e: {  	v12 =	vld.idx.msk [tilespmem:v45+s18+$0x0], $0xffff  }
0x13f: {  	v13 =	vld [tilespmem:$0x1FD70]  }
0x140: {  	v15 =	vmul.f32 v6, v15;
	v45 =	vld.idx.msk [tilespmem:v18+s18+$0x0], $0xffff  }
0x141: {  	v18 =	vld [tilespmem:$0x1FA00];
	v14 =	vadd.f32 v54, v14;
	v2 =	vadd.f32 v41, v2;
	v52 =	vmul.f32 v40, v27  }
0x142: {  	v11 =	vadd.f32 v15, v11;
	v15 =	vld [tilespmem:$0x1FD80]  }
0x143: {  	v48 =	vld [tilespmem:$0x1FF40];
	[tilespmem:$0x1FD40] =	vst v2;
	v2 =	vadd.f32 v52, v14  }
0x144: {  	v13 =	vadd.f32 v60, v13;
	v60 =	vld [tilespmem:$0x1FDA0]  }
0x145: {  	v19 =	vor.u32 $0x4, v29;
	v16 =	vmul.f32 v6, v16;
	[tilespmem:$0x1FD50] =	vst v2;
	v2 =	vld [tilespmem:$0x1F9E0]  }
0x146: {  	v32 =	vmul.f32 v51, v51;
	v51 =	vor.u32 $0xC, v29;
	v14 =	vld [tilespmem:$0x1F9F0]  }
0x147: {  	v3 =	vor.u32 $0x6, v29;
	v15 =	vadd.f32 v16, v15;
	v16 =	vld [tilespmem:$0x1FD90]  }
0x148: {  	v34 =	vld [tilespmem:$0x1FDB0]  }
0x149: {  	v8 =	vor.u32 $0x9, v29;
	[tilespmem:$0x1FD30] =	vst v9;
	v9 =	vld [tilespmem:$0x1F9D0]  }
0x14a: {  	v41 =	vld.idx.msk [tilespmem:v19+s18+$0x0], $0xffff;
	v2 =	vmul.f32 v40, v2  }
0x14b: {  	v39 =	vor.u32 $0xA, v29;
	v5 =	vor.u32 $0x7, v29;
	v19 =	vld.idx.msk [tilespmem:v51+s18+$0x0], $0xffff  }
0x14c: {  	v14 =	vmul.f32 v40, v14;
	v16 =	vadd.f32 v43, v16;
	v43 =	vld.idx.msk [tilespmem:v3+s18+$0x0], $0xffff;
	v2 =	vadd.f32 v2, v13  }
0x14d: {  	v33 =	vmul.f32 v42, v42;
	v42 =	vor.u32 $0xB, v29;
	[tilespmem:$0x1FCB0] =	vst v25;
	v3 =	vld [tilespmem:$0x1FA10]  }
0x14e: {  	v28 =	vmov v56;
	[tilespmem:$0x1FD70] =	vst v2;
	v2 =	vadd.f32 v14, v15;
	v14 =	vld.idx.msk [tilespmem:v8+s18+$0x0], $0xffff  }
0x14f: {  	v58 =	vmul.f32 v56, v56;
	[tilespmem:$0x1FC90] =	vst v28;
	v18 =	vmul.f32 v40, v18;
	v8 =	vld [tilespmem:$0x1FDC0]  }
0x150: {  	v56 =	vor.u32 $0xE, v29;
	v7 =	vor.u32 $0x8, v29;
	[tilespmem:$0x1FC80] =	vst v1;
	v9 =	vmul.f32 v40, v9;
	v13 =	vld.idx.msk [tilespmem:v5+s18+$0x0], $0xffff  }
0x151: {  	v57 =	vmul.f32 v53, v53;
	v53 =	vor.u32 $0xD, v29;
	v15 =	vld.idx.msk [tilespmem:v39+s18+$0x0], $0xffff;
	[tilespmem:$0x1FD80] =	vst v2;
	v2 =	vadd.f32 v18, v16  }
0x152: {  	v54 =	vadd.f32 v9, v11;
	v9 =	vmul.f32 v12, v12;
	v3 =	vmul.f32 v6, v3;
	v18 =	vld.idx.msk [tilespmem:v42+s18+$0x0], $0xffff  }
0x153: {  	v0 =	vadd.f32 v0, v30;
	v29 =	vor.u32 $0xF, v29;
	v17 =	vmul.f32 v6, v17;
	[tilespmem:$0x1FD90] =	vst v2;
	v2 =	vld [tilespmem:$0x1FA20]  }
0x154: {  	[tilespmem:$0x1FCC0] =	vst v22;
	v1 =	vmul.f32 v1, v48;
	v9 =	vadd.f32 v9, v36;
	v3 =	vadd.f32 v3, v8;
	v8 =	vld [tilespmem:$0x1FDD0]  }
0x155: {  	v11 =	vld.idx.msk [tilespmem:v7+s18+$0x0], $0xffff;
	v5 =	vadd.f32 v37, v60;
	v37 =	vmul.f32 v40, v47;
	v6 =	vadd.f32 v17, v34  }
0x156: {  	v27 =	vld [tilespmem:$0x1FF60];
	v50 =	vmovc v41;
	v51 =	vmovc v43;
	v7 =	vmul.f32 v43, v43;
	v17 =	vadd.f32 v59, v57;
	v39 =	vmov v12  }
0x157: {  	v47 =	vld [tilespmem:$0x1FF50];
	v16 =	vadd.f32 v10, v32;
	v42 =	vmovc v19;
	v19 =	vmul.f32 v19, v19;
	v12 =	vmul.f32 v14, v14  }
0x158: {  	v52 =	vmovc v13;
	v60 =	vmovc v14;
	v14 =	vld [tilespmem:$0x1FA40];
	v44 =	vmov v15;
	v10 =	vmul.f32 v18, v18;
	v2 =	vmul.f32 v40, v2  }
0x159: {  	v43 =	vmovc v18;
	v18 =	vadd.f32 v61, v58;
	v61 =	vld [tilespmem:$0x1FFA0];
	v4 =	vadd.f32 v4, v8;
	v8 =	vmul.f32 v40, v55  }
0x15a: {  	v15 =	vmul.f32 v15, v15;
	v40 =	vld.idx.msk [tilespmem:v29+s18+$0x0], $0xffff;
	v2 =	vadd.f32 v2, v5;
	v5 =	vmul.f32 v41, v41  }
0x15b: {  	v41 =	vmovc v11;
	v11 =	vmul.f32 v11, v11;
	v3 =	vadd.f32 v8, v3;
	v8 =	vmul.f32 v13, v13;
	v13 =	vld [tilespmem:$0x1FA30]  }
0x15c: {  	[tilespmem:$0x1FDA0] =	vst v2;
	v2 =	vadd.f32 v37, v6;
	v37 =	vld.idx.msk [tilespmem:v53+s18+$0x0], $0xffff;
	v6 =	vmul.f32 v20, v20  }
0x15d: {  	v53 =	vmov v20;
	v20 =	vadd.f32 v35, v63;
	[tilespmem:$0x1FDC0] =	vst v3;
	v3 =	vadd.f32 v38, v4;
	v38 =	vld.idx.msk [tilespmem:v56+s18+$0x0], $0xffff  }
0x15e: {  	[tilespmem:$0x1FCD0] =	vst v62;
	v36 =	vmul.f32 v22, v61;
	v22 =	vld [tilespmem:$0x1FAD0];
	v58 =	vadd.f32 v12, v11;
	v57 =	vadd.f32 v8, v7  }
0x15f: {  	v34 =	vmovc v49;
	v63 =	vld [tilespmem:$0x1FFB0];
	v4 =	vmul.f32 v45, v45;
	v8 =	vadd.f32 v10, v15;
	v5 =	vadd.f32 v6, v5  }
0x160: {  	[tilespmem:$0x1FDD0] =	vst v3;
	v3 =	vmul.f32 v49, v49;
	v13 =	vadd.f32 v14, v13;
	v14 =	vadd.f32 v31, v33;
	v31 =	vld [tilespmem:$0x1FA50]  }
0x161: {  	v56 =	vld [tilespmem:$0x1FF70];
	v9 =	vadd.f32 v9, v20;
	v49 =	vmovc v40;
	v40 =	vmul.f32 v40, v40;
	v59 =	vadd.f32 v8, v58  }
0x162: {  	v15 =	vmovc v26;
	v26 =	vld [tilespmem:$0x1FA60];
	v29 =	vmul.f32 v37, v37;
	v3 =	vadd.f32 v4, v3;
	v30 =	vmul.f32 v38, v38  }
0x163: {  	[tilespmem:$0x1FDB0] =	vst v2;
	v2 =	vmul.f32 v46, v46;
	v12 =	vadd.f32 v14, v13;
	v14 =	vadd.f32 v0, v18;
	v0 =	vld [tilespmem:$0x1FF90]  }
0x164: {  	p1 =	slt.u32 s28, $0x30;
	v48 =	vmovc v24;
	[tilespmem:$0x1FD60] =	vst v54;
	v54 =	vmov v45;
	v20 =	vld [tilespmem:$0x1FA90];
	v11 =	vadd.f32 v29, v19;
	v4 =	vadd.f32 v40, v30  }
.Ltmp0:
0x165: {  	v10 =	vmul.f32 v28, v47;
	v13 =	vadd.f32 v17, v16;
	v16 =	vmovc v23;
	v23 =	vld [tilespmem:$0x1FA70];
	v2 =	vadd.f32 v2, v31;
	(pc) =	sbr.rel @p1 .LBB2_4-.Ltmp0, $4  }
0x166: {  	v35 =	vmul.f32 v62, v63;
	v17 =	vmovc v21;
	v21 =	vld [tilespmem:$0x1FA80];
	v33 =	vmul.f32 v16, v24;
	v4 =	vadd.f32 v4, v11  }
0x167: {  	v55 =	vmovc v46;
	v24 =	vld [tilespmem:$0x1FAA0];
	v30 =	vmul.f32 v15, v56;
	v2 =	vadd.f32 v3, v2;
	v3 =	vadd.f32 v57, v5  }
0x168: {  	v46 =	vmovc v37;
	v29 =	vadd.f32 v9, v14;
	v14 =	vld [tilespmem:$0x1FAC0];
	v32 =	vmul.f32 v25, v0;
	v0 =	vadd.f32 v13, v12  }
0x169: {  	s28 =	sadd.s32 $0x2, s28;
	v45 =	vmovc v38;
	v31 =	vmul.f32 v17, v27;
	v25 =	vld [tilespmem:$0x1FAB0];
	v38 =	vadd.f32 v4, v59;
	v37 =	vadd.f32 v3, v2  }
0x16a: {  	v0 =	vadd.f32 v29, v0  }
0x16b: {  	v29 =	vld [tilespmem:$0x1FFC0];
	v2 =	vadd.f32 v38, v37  }
0x16c: {  	v1 =	vadd.f32 v1, v26;
	v18 =	vld [tilespmem:$0x1FF30];
	v3 =	vshra.s32 v0, $0x1  }
0x16d: {  	v26 =	vld [tilespmem:$0x1FF90];
	v0 =	vmul.f32 $5.000000000e-01, v0;
	v4 =	vshra.s32 v2, $0x1;
	v2 =	vmul.f32 $5.000000000e-01, v2  }
0x16e: {  	v27 =	vld [tilespmem:$0x1FFA0];
	v3 =	vsub.s32 $0x5F3759DF, v3;
	v4 =	vsub.s32 $0x5F3759DF, v4  }
0x16f: {  	v11 =	vadd.f32 v33, v31;
	v33 =	vld [tilespmem:$0x1FF20];
	v5 =	vmul.f32 v3, v0;
	v6 =	vmul.f32 v4, v2  }
0x170: {  	v38 =	vmul.f32 v60, v56  }
0x171: {  	v13 =	vadd.f32 v36, v32;
	v5 =	vmul.f32 v3, v5;
	v6 =	vmul.f32 v4, v6  }
0x172: {  	v36 =	vld [tilespmem:$0x1FF50];
	v7 =	vadd.f32 v20, v25;
	v12 =	vmul.f32 v39, v29;
	v18 =	vmul.f32 v53, v18  }
0x173: {  	v20 =	vld [tilespmem:$0x1FEF0];
	v57 =	vmul.f32 v42, v26;
	v5 =	vsub.f32 $1.500000000e+00, v5;
	v6 =	vsub.f32 $1.500000000e+00, v6  }
0x174: {  	v9 =	vadd.f32 v30, v10;
	v30 =	vmovc v17;
	v58 =	vmul.f32 v46, v27;
	v17 =	vmul.f32 v50, v33  }
0x175: {  	v28 =	vld [tilespmem:$0x1FFB0];
	v1 =	vadd.f32 v1, v7;
	v3 =	vmul.f32 v3, v5;
	v4 =	vmul.f32 v4, v6  }
0x176: {  	v37 =	vld [tilespmem:$0x1FFD0];
	v25 =	vmul.f32 v49, v29;
	v12 =	vadd.f32 v12, v35;
	v17 =	vadd.f32 v18, v17  }
0x177: {  	v5 =	vadd.f32 v22, v14;
	v22 =	vld [tilespmem:$0x1FF00];
	v8 =	vmul.f32 v3, v0;
	v19 =	vmul.f32 v4, v2  }
0x178: {  	v18 =	vmul.f32 v41, v36;
	v14 =	vmul.f32 v55, v20;
	v6 =	vadd.f32 v24, v23;
	v23 =	vld [tilespmem:$0x1FF10]  }
0x179: {  	v62 =	vadd.f32 v58, v57;
	v8 =	vmul.f32 v8, v3;
	v10 =	vmul.f32 v19, v4;
	v19 =	vld [tilespmem:$0x1FF40]  }
0x17a: {  	v59 =	vadd.f32 v38, v18;
	v24 =	vmul.f32 v45, v28;
	v14 =	vadd.f32 v14, v21  }
0x17b: {  	v40 =	vld [tilespmem:$0x1FF60];
	v47 =	vmul.f32 v43, v48;
	v21 =	vadd.f32 v11, v9;
	v8 =	vsub.f32 $1.500000000e+00, v8  }
0x17c: {  	v35 =	vmul.f32 v51, v37;
	v63 =	vadd.f32 v25, v24;
	v5 =	vadd.f32 v6, v5  }
0x17d: {  	v32 =	vmovc v15;
	v15 =	vmul.f32 v34, v22;
	v10 =	vsub.f32 $1.500000000e+00, v10;
	v3 =	vmul.f32 v8, v3  }
0x17e: {  	v31 =	vmovc v16;
	v22 =	vadd.f32 v12, v13;
	v16 =	vmul.f32 v54, v23;
	v19 =	vmul.f32 v52, v19  }
0x17f: {  	v1 =	vadd.f32 v1, v5;
	v4 =	vmul.f32 v10, v4;
	v0 =	vmul.f32 v3, v0  }
0x180: {  	v15 =	vadd.f32 v16, v15;
	v16 =	vadd.f32 v19, v35;
	v19 =	vmul.f32 v44, v40  }
0x181: {  	v36 =	vadd.f32 v22, v21;
	v2 =	vmul.f32 v4, v2;
	v0 =	vmul.f32 v0, v3  }
0x182: {  	v23 =	vadd.f32 v15, v14;
	v61 =	vadd.f32 v47, v19  }
0x183: {  	v35 =	vadd.f32 v63, v62;
	v2 =	vmul.f32 v2, v4;
	v0 =	vsub.f32 $1.500000000e+00, v0  }
0x184: {  	v33 =	vadd.f32 v16, v17;
	v8 =	vadd.f32 v61, v59  }
0x185: {  	v1 =	vadd.f32 v36, v1;
	v47 =	vld [tilespmem:$0x1FBF0];
	v2 =	vsub.f32 $1.500000000e+00, v2;
	v0 =	vmul.f32 v0, v3  }
0x186: {  	v38 =	vadd.f32 v33, v23;
	v40 =	vadd.f32 v35, v8  }
0x187: {  	v2 =	vmul.f32 v2, v4;
	v0 =	vmin.f32 v0, $1.000000000e+00  }
0x188: {  	v1 =	vmul.f32 v0, v1;
	v3 =	vadd.f32 v40, v38  }
0x189: {  	v2 =	vmin.f32 v2, $1.000000000e+00  }
0x18a: {  	v1 =	vadd.f32 v1, v47;
	v3 =	vmul.f32 v2, v3;
	_ =	sdelay $0x1  }
0x18b: {  	v57 =	vmul.f32 $2.000000030e-01, v1;
	v3 =	vadd.f32 v3, v47  }
0x18c: {  	vm0 =	vge.f32 v1, $0.0e+00  }
0x18d: {  	v7 =	vld [tilespmem:$0x1FC00];
	v1 =	vsel vm0, v1, v57;
	v58 =	vmul.f32 $2.000000030e-01, v3  }
0x18e: {  	v9 =	vld [tilespmem:$0x1FCA0];
	vm15 =	vge.f32 v3, $0.0e+00;
	v1 =	vmul.f32 $1.442695020e+00, v1  }
0x18f: {  	v11 =	vld [tilespmem:$0x1FCE0];
	v3 =	vsel vm15, v3, v58  }
0x190: {  	v12 =	vld [tilespmem:$0x1FC30];
	(erf) = vpow2.f32 v1;
	v59 =	vmul.f32 $1.442695020e+00, v3  }
0x191: {  	v21 =	vld [tilespmem:$0x1FC50]  }
0x192: {  	v22 =	vld [tilespmem:$0x1FAE0];
	(erf) = vpow2.f32 v59  }
0x193: {  	v10 =	vld [tilespmem:$0x1FC10]  }
0x194: {  	v36 =	vld [tilespmem:$0x1FC60]  }
0x195: {  	v62 =	vld [tilespmem:$0x1FDD0]  }
0x196: {  	v14 =	vld [tilespmem:$0x1FC40]  }
0x197: {  	v15 =	vld [tilespmem:$0x1FCF0]  }
0x198: {  	v17 =	vld [tilespmem:$0x1FD00]  }
0x199: {  	v19 =	vld [tilespmem:$0x1FB80];
	v61 =	vpop (erf)  }
0x19a: {  	v33 =	vld [tilespmem:$0x1FD10];
	v3 =	vadd.f32 v61, v62  }
0x19b: {  	v8 =	vld [tilespmem:$0x1FC20];
	v63 =	vpop (erf)  }
0x19c: {  	v35 =	vld [tilespmem:$0x1FAF0];
	v3 =	vadd.f32 v63, v3  }
0x19d: {  	v38 =	vld [tilespmem:$0x1FB00];
	v0 =	vmul.f32 v61, v0  }
0x19e: {  	v47 =	vld [tilespmem:$0x1FC70];
	(erf) = vrcp.f32 v3  }
0x19f: {  	v57 =	vld [tilespmem:$0x1FD30];
	v5 =	vmul.f32 v0, v12;
	v1 =	vmul.f32 v63, v2  }
0x1a0: {  	v61 =	vld [tilespmem:$0x1FD40];
	v12 =	vmul.f32 v0, v32;
	v2 =	vmul.f32 v0, v7  }
0x1a1: {  	v62 =	vld [tilespmem:$0x1FD50];
	v32 =	vmul.f32 v0, v31;
	v4 =	vmul.f32 v1, v10  }
0x1a2: {  	v2 =	vadd.f32 v2, v9;
	v16 =	vmul.f32 v1, v34;
	v34 =	vmul.f32 v1, v50;
	v50 =	vld [tilespmem:$0x1FD20]  }
0x1a3: {  	v3 =	vmul.f32 v0, v8;
	v18 =	vmul.f32 v1, v54;
	v54 =	vld [tilespmem:$0x1FC80]  }
0x1a4: {  	v13 =	vmul.f32 v1, v55;
	v55 =	vld [tilespmem:$0x1FC90];
	v2 =	vadd.f32 v4, v2;
	v4 =	vmul.f32 v0, v14  }
0x1a5: {  	v5 =	vadd.f32 v5, v15;
	v59 =	vmul.f32 v1, v51;
	v51 =	vld [tilespmem:$0x1FDB0];
	v3 =	vadd.f32 v3, v11  }
0x1a6: {  	v58 =	vmul.f32 v1, v53;
	v63 =	vmul.f32 v1, v52;
	v53 =	vld [tilespmem:$0x1FDC0];
	v4 =	vadd.f32 v4, v17  }
0x1a7: {  	v15 =	vmul.f32 v1, v60;
	v5 =	vadd.f32 v16, v5;
	v14 =	vld [tilespmem:$0x1FD60];
	v3 =	vadd.f32 v13, v3;
	v6 =	vpop (erf)  }
0x1a8: {  	v16 =	vld [tilespmem:$0x1FB10];
	v20 =	vadd.f32 v18, v4;
	v4 =	vmul.f32 v0, v21;
	v2 =	vmul.f32 v6, v2  }
0x1a9: {  	v7 =	vmul.f32 v0, v55;
	v55 =	vld [tilespmem:$0x1FB70];
	v3 =	vmul.f32 v3, v6  }
0x1aa: {  	v52 =	vmul.f32 v1, v46;
	v18 =	vld [tilespmem:$0x1FB20];
	v4 =	vadd.f32 v4, v33;
	[tilespmem:v19+s20+$0x0] =	vst.idx.msk $0xffff, v2  }
0x1ab: {  	v21 =	vld [tilespmem:$0x1FB40];
	v7 =	vadd.f32 v7, v62;
	[tilespmem:v22+s20+$0x0] =	vst.idx.msk $0xffff, v3;
	v3 =	vmul.f32 v0, v36  }
0x1ac: {  	v40 =	vadd.f32 v34, v4;
	v4 =	vmul.f32 v0, v47;
	v2 =	vmul.f32 v20, v6;
	v20 =	vld [tilespmem:$0x1FB30]  }
0x1ad: {  	v33 =	vld [tilespmem:$0x1FB60];
	v23 =	vmul.f32 v5, v6;
	v5 =	vmul.f32 v0, v54;
	v3 =	vadd.f32 v3, v50  }
0x1ae: {  	v13 =	vmul.f32 v1, v41;
	v8 =	vadd.f32 v12, v14;
	v4 =	vadd.f32 v4, v57;
	v22 =	vld [tilespmem:$0x1FB50]  }
0x1af: {  	v34 =	vld [tilespmem:$0x1FCB0];
	v5 =	vadd.f32 v5, v61;
	[tilespmem:v35+s20+$0x0] =	vst.idx.msk $0xffff, v23;
	v3 =	vadd.f32 v58, v3  }
0x1b0: {  	v47 =	vld [tilespmem:$0x1FCD0];
	v4 =	vadd.f32 v59, v4;
	[tilespmem:v38+s20+$0x0] =	vst.idx.msk $0xffff, v2;
	v2 =	vmul.f32 v40, v6  }
0x1b1: {  	v17 =	vadd.f32 v13, v7;
	v36 =	vld [tilespmem:$0x1FD80];
	v5 =	vadd.f32 v63, v5;
	v3 =	vmul.f32 v3, v6  }
0x1b2: {  	v19 =	vadd.f32 v15, v8;
	v35 =	vld [tilespmem:$0x1FD70];
	v4 =	vmul.f32 v4, v6;
	[tilespmem:v16+s20+$0x0] =	vst.idx.msk $0xffff, v2  }
0x1b3: {  	v38 =	vmul.f32 v1, v44;
	v44 =	vld [tilespmem:$0x1FCC0];
	v5 =	vmul.f32 v5, v6;
	[tilespmem:v18+s20+$0x0] =	vst.idx.msk $0xffff, v3  }
0x1b4: {  	v41 =	vmul.f32 v1, v43;
	v40 =	vld [tilespmem:$0x1FD90];
	v2 =	vmul.f32 v17, v6;
	[tilespmem:v20+s20+$0x0] =	vst.idx.msk $0xffff, v4  }
0x1b5: {  	v23 =	vmul.f32 v0, v30;
	v50 =	vld [tilespmem:$0x1FDA0];
	v3 =	vmul.f32 v19, v6;
	[tilespmem:v21+s20+$0x0] =	vst.idx.msk $0xffff, v5  }
0x1b6: {  	v43 =	vmul.f32 v1, v42;
	v54 =	vmul.f32 v1, v45;
	v58 =	vld [tilespmem:$0x1FB90];
	[tilespmem:v22+s20+$0x0] =	vst.idx.msk $0xffff, v2  }
0x1b7: {  	v60 =	vld [tilespmem:$0x1FBA0];
	v2 =	vadd.f32 v23, v35;
	[tilespmem:v33+s20+$0x0] =	vst.idx.msk $0xffff, v3;
	v3 =	vmul.f32 v0, v34  }
0x1b8: {  	v61 =	vld [tilespmem:$0x1FBB0];
	v9 =	vmul.f32 v0, v47;
	v4 =	vadd.f32 v32, v36;
	v5 =	vmul.f32 v0, v44  }
0x1b9: {  	v62 =	vld [tilespmem:$0x1FBC0];
	v1 =	vmul.f32 v1, v49;
	v2 =	vadd.f32 v38, v2;
	v3 =	vadd.f32 v3, v40  }
0x1ba: {  	v63 =	vld [tilespmem:$0x1FBD0];
	v4 =	vadd.f32 v41, v4;
	v0 =	vmul.f32 v0, v39;
	v5 =	vadd.f32 v5, v50  }
0x1bb: {  	v7 =	vadd.f32 v9, v51;
	v2 =	vmul.f32 v2, v6;
	v3 =	vadd.f32 v43, v3  }
0x1bc: {  	v4 =	vmul.f32 v4, v6;
	v0 =	vadd.f32 v0, v53;
	v5 =	vadd.f32 v52, v5  }
0x1bd: {  	v57 =	vadd.f32 v54, v7;
	[tilespmem:v55+s20+$0x0] =	vst.idx.msk $0xffff, v2;
	v3 =	vmul.f32 v3, v6  }
.Ltmp1:
0x1be: {  	v0 =	vadd.f32 v1, v0;
	v59 =	vmul.f32 v5, v6;
	[tilespmem:v58+s20+$0x0] =	vst.idx.msk $0xffff, v4;
	(pc) =	sbr.rel @p0 .LBB2_3-.Ltmp1, $4  }
0x1bf: {  	v2 =	vmul.f32 v57, v6;
	[tilespmem:v60+s20+$0x0] =	vst.idx.msk $0xffff, v3  }
0x1c0: {  	v0 =	vmul.f32 v0, v6;
	[tilespmem:v61+s20+$0x0] =	vst.idx.msk $0xffff, v59  }
0x1c1: {  	[tilespmem:v62+s20+$0x0] =	vst.idx.msk $0xffff, v2  }
0x1c2: {  	s28 =	simm.s32 $0x10;
	p1 =	por $0x0, $0x0;
	[tilespmem:v63+s20+$0x0] =	vst.idx.msk $0xffff, v0  }
0x1c3: {  	p0 =	seq.s32 s23, $0x7  }
0x1c4: {  	s25 =	smul.u32 @!p0 $0x3200, s23;
	_ =	sdelay $0x1  }
0x1c5: {  	s25 =	sshra.s32 @!p0 s25, $0x2  }
0x1c6: {  	s26 =	simm.s32 @!p0 $0x640;
	s28 =	simm.s32 @!p0 $0x6400;
	s25 =	sadd.s32 @!p0 $0xC80, s25  }
0x1c7: {  	[tilespmem:s28], [sflag:$0x1] =	stream.indirect.gather @!p0 [hbm4b:s4+s26], $0x10, s25, s26, $0xb8;
	[tilespmem:$0x16E90] =	vst v63  }
0x1c8: {  	_ =	swait.ge [sflag:s21], $0x6400  }
0x1c9: {  	s24 =	sshll.u32 s24, $0x5;
	p1 =	por $0x1, $0x1;
	[sflag:s21] =	ssyncset.done $0x0  }
0x1ca: {  	v39 =	vmov v37;
	s25 =	simm.s32 $0x0;
	s26 =	simm.s32 $0x0;
	[sflag:s21] =	ssyncadd.s32 $0xFFFF9C00  }
.LBB2_7:
0x1cb: {  	v1 =	vld [tilespmem:$0x1FFE0];
	_ =	sdelay $0x1  }
0x1cc: {  	s28 =	sor.u32 s24, s26  }
0x1cd: {  	v0 =	vmov s28  }
0x1ce: {  	v0 =	vshll.u32 v0, $0x4  }
0x1cf: {  	v13 =	vor.u32 v1, v0  }
0x1d0: {  	v1 =	vor.u32 $0x1, v13  }
0x1d1: {  	v2 =	vor.u32 $0x2, v13  }
0x1d2: {  	v3 =	vor.u32 $0x3, v13  }
0x1d3: {  	v4 =	vor.u32 $0x4, v13  }
0x1d4: {  	v5 =	vor.u32 $0x5, v13;
	[tilespmem:$0x1F700] =	vst v13;
	v0 =	vld.idx.msk [tilespmem:v13+s15+$0x0], $0xffff  }
0x1d5: {  	v6 =	vor.u32 $0x6, v13;
	[tilespmem:$0x1F660] =	vst v1;
	v1 =	vld.idx.msk [tilespmem:v1+s15+$0x0], $0xffff  }
0x1d6: {  	v7 =	vor.u32 $0x7, v13;
	[tilespmem:$0x1F670] =	vst v2;
	v2 =	vld.idx.msk [tilespmem:v2+s15+$0x0], $0xffff  }
0x1d7: {  	v8 =	vor.u32 $0x8, v13;
	[tilespmem:$0x1F680] =	vst v3;
	v3 =	vld.idx.msk [tilespmem:v3+s15+$0x0], $0xffff  }
0x1d8: {  	v9 =	vor.u32 $0x9, v13;
	[tilespmem:$0x1F690] =	vst v4;
	v4 =	vld.idx.msk [tilespmem:v4+s15+$0x0], $0xffff  }
0x1d9: {  	v10 =	vor.u32 $0xA, v13;
	[tilespmem:$0x1F6A0] =	vst v5;
	v5 =	vld.idx.msk [tilespmem:v5+s15+$0x0], $0xffff  }
0x1da: {  	v11 =	vor.u32 $0xB, v13;
	[tilespmem:$0x1F6B0] =	vst v6;
	v6 =	vld.idx.msk [tilespmem:v6+s15+$0x0], $0xffff  }
0x1db: {  	v12 =	vor.u32 $0xC, v13;
	[tilespmem:$0x1F6C0] =	vst v7;
	v7 =	vld.idx.msk [tilespmem:v7+s15+$0x0], $0xffff  }
0x1dc: {  	v15 =	vor.u32 $0xD, v13;
	[tilespmem:$0x1F6D0] =	vst v8;
	v8 =	vld.idx.msk [tilespmem:v8+s15+$0x0], $0xffff  }
0x1dd: {  	v18 =	vor.u32 $0xE, v13;
	[tilespmem:$0x1F6E0] =	vst v9;
	v9 =	vld.idx.msk [tilespmem:v9+s15+$0x0], $0xffff  }
0x1de: {  	v21 =	vor.u32 $0xF, v13;
	[tilespmem:$0x1F6F0] =	vst v10;
	v10 =	vld.idx.msk [tilespmem:v10+s15+$0x0], $0xffff  }
0x1df: {  	[tilespmem:$0x1F710] =	vst v11;
	v11 =	vld.idx.msk [tilespmem:v11+s15+$0x0], $0xffff  }
0x1e0: {  	[tilespmem:$0x1F720] =	vst v12;
	v12 =	vld.idx.msk [tilespmem:v12+s15+$0x0], $0xffff;
	v13 =	vmul.f32 v0, v0;
	v14 =	vmul.f32 v1, v1  }
0x1e1: {  	[tilespmem:$0x1F730] =	vst v15;
	v15 =	vld.idx.msk [tilespmem:v15+s15+$0x0], $0xffff;
	v16 =	vmul.f32 v2, v2;
	v17 =	vmul.f32 v3, v3  }
0x1e2: {  	[tilespmem:$0x1F740] =	vst v18;
	v18 =	vld.idx.msk [tilespmem:v18+s15+$0x0], $0xffff;
	v19 =	vmul.f32 v4, v4;
	v20 =	vmul.f32 v5, v5  }
0x1e3: {  	[tilespmem:$0x1F750] =	vst v21;
	v21 =	vld.idx.msk [tilespmem:v21+s15+$0x0], $0xffff;
	v22 =	vmul.f32 v6, v6;
	v23 =	vmul.f32 v7, v7  }
0x1e4: {  	v24 =	vmul.f32 v8, v8;
	v25 =	vmul.f32 v9, v9  }
0x1e5: {  	v62 =	vmovc v26;
	v63 =	vmov v27;
	v26 =	vmul.f32 v10, v10;
	v27 =	vmul.f32 v11, v11  }
0x1e6: {  	v47 =	vmov v28;
	v28 =	vmul.f32 v12, v12;
	v29 =	vmul.f32 v15, v15  }
0x1e7: {  	v30 =	vmul.f32 v18, v18;
	v13 =	vadd.f32 v14, v13;
	v14 =	vadd.f32 v17, v16  }
0x1e8: {  	v16 =	vmul.f32 v21, v21;
	v17 =	vadd.f32 v20, v19;
	v19 =	vadd.f32 v23, v22  }
0x1e9: {  	v20 =	vadd.f32 v25, v24;
	v22 =	vadd.f32 v27, v26  }
0x1ea: {  	v23 =	vadd.f32 v29, v28;
	v16 =	vadd.f32 v16, v30  }
0x1eb: {  	v13 =	vadd.f32 v14, v13;
	v14 =	vadd.f32 v19, v17  }
0x1ec: {  	v17 =	vadd.f32 v22, v20;
	v16 =	vadd.f32 v16, v23;
	_ =	sdelay $0x1  }
0x1ed: {  	v26 =	vld [tilespmem:$0x1FE60];
	v13 =	vadd.f32 v14, v13;
	v14 =	vadd.f32 v16, v17  }
0x1ee: {  	v22 =	vld [tilespmem:$0x1FE00]  }
0x1ef: {  	v19 =	vmov s26;
	v13 =	vadd.f32 v14, v13;
	v14 =	vld [tilespmem:$0x1FFF0]  }
0x1f0: {  	v19 =	vmul.u32 $0x32, v19  }
0x1f1: {  	v24 =	vld [tilespmem:$0x1FE30]  }
0x1f2: {  	v16 =	vbroadcast v19, $0x0;
	v19 =	vld [tilespmem:$0x1FDE0]  }
0x1f3: {  	v2 =	vmul.f32 v2, v22;
	v22 =	vld [tilespmem:$0x1FE10]  }
0x1f4: {  	v8 =	vmul.f32 v8, v26;
	v26 =	vld [tilespmem:$0x1FE70];
	v17 =	vadd.s32 v14, v16  }
0x1f5: {  	s31 =	simm.s32 $0x1;
	v23 =	vld [tilespmem:$0x1FE20];
	v16 =	vadd.s32 s25, v17  }
0x1f6: {  	v5 =	vmul.f32 v5, v24;
	v24 =	vld [tilespmem:$0x1FE40];
	[tilespmem:$0x1F760] =	vst v17;
	v17 =	vadd.s32 s31, v17;
	v16 =	vshll.u32 v16, $0x4  }
0x1f7: {  	v0 =	vmul.f32 v0, v19;
	v19 =	vshll.u32 v17, $0x4  }
0x1f8: {  	v25 =	vld [tilespmem:$0x1FE50];
	v3 =	vmul.f32 v3, v22;
	v22 =	vor.u32 $0x2, v16  }
0x1f9: {  	v9 =	vmul.f32 v9, v26;
	v26 =	vld [tilespmem:$0x1FE80]  }
0x1fa: {  	v4 =	vmul.f32 v4, v23;
	v17 =	vld [tilespmem:$0x1FDF0];
	v23 =	vor.u32 $0x3, v16  }
0x1fb: {  	v6 =	vmul.f32 v6, v24;
	v24 =	vor.u32 $0x4, v16;
	v45 =	vld.idx.msk [tilespmem:v16+s19+$0x0], $0xffff  }
0x1fc: {  	v55 =	vld.idx.msk [tilespmem:v19+s19+$0x0], $0xffff  }
0x1fd: {  	v14 =	vshra.s32 v13, $0x1;
	v13 =	vmul.f32 $5.000000000e-01, v13;
	v59 =	vld.idx.msk [tilespmem:v22+s19+$0x0], $0xffff  }
0x1fe: {  	v7 =	vmul.f32 v7, v25;
	v14 =	vsub.s32 $0x5F3759DF, v14;
	v20 =	vor.u32 $0x1, v16;
	v22 =	vld [tilespmem:$0x1FE90]  }
0x1ff: {  	v25 =	vor.u32 $0x5, v16;
	v1 =	vmul.f32 v1, v17;
	v17 =	vmul.f32 v14, v13;
	v61 =	vld.idx.msk [tilespmem:v23+s19+$0x0], $0xffff  }
0x200: {  	v37 =	vld.idx.msk [tilespmem:v24+s19+$0x0], $0xffff  }
0x201: {  	v24 =	vld [tilespmem:$0x1FEC0];
	v17 =	vmul.f32 v14, v17  }
0x202: {  	v35 =	vadd.f32 v9, v8;
	v9 =	vor.u32 $0xE, v16;
	v23 =	vld [tilespmem:$0x1FEB0]  }
0x203: {  	v36 =	vor.u32 $0x2, v19;
	v58 =	vld.idx.msk [tilespmem:v20+s19+$0x0], $0xffff;
	v17 =	vsub.f32 $1.500000000e+00, v17  }
0x204: {  	v10 =	vmul.f32 v10, v26;
	v26 =	vor.u32 $0x9, v16;
	v38 =	vld.idx.msk [tilespmem:v25+s19+$0x0], $0xffff  }
0x205: {  	v49 =	vor.u32 $0xB, v19;
	v14 =	vmul.f32 v14, v17;
	v11 =	vmul.f32 v11, v22;
	v22 =	vld [tilespmem:$0x1FEA0]  }
0x206: {  	v33 =	vadd.f32 v7, v6;
	v20 =	vor.u32 $0x6, v16;
	v18 =	vmul.f32 v18, v24;
	v24 =	vld [tilespmem:$0x1FED0]  }
0x207: {  	v42 =	vor.u32 $0x3, v19;
	v9 =	vld.idx.msk [tilespmem:v9+s19+$0x0], $0xffff;
	v15 =	vmul.f32 v15, v23;
	v23 =	vmul.f32 v14, v13  }
0x208: {  	v2 =	vadd.f32 v3, v2;
	v54 =	vld.idx.msk [tilespmem:v36+s19+$0x0], $0xffff;
	v17 =	vor.u32 $0x7, v16;
	v8 =	vadd.f32 v11, v10  }
0x209: {  	v0 =	vadd.f32 v1, v0;
	v11 =	vld.idx.msk [tilespmem:v26+s19+$0x0], $0xffff;
	v1 =	vmul.f32 v23, v14;
	v23 =	vor.u32 $0xB, v16  }
0x20a: {  	v3 =	vadd.f32 v5, v4;
	v34 =	vor.u32 $0xD, v16;
	v6 =	vld.idx.msk [tilespmem:v49+s19+$0x0], $0xffff;
	v40 =	vadd.f32 v8, v35  }
0x20b: {  	v51 =	vld.idx.msk [tilespmem:v20+s19+$0x0], $0xffff;
	v8 =	vor.u32 $0x4, v19;
	v12 =	vmul.f32 v12, v22;
	v21 =	vmul.f32 v21, v24  }
0x20c: {  	v32 =	vor.u32 $0xC, v16;
	v35 =	vld.idx.msk [tilespmem:v42+s19+$0x0], $0xffff;
	v22 =	vor.u32 $0x8, v16;
	v1 =	vsub.f32 $1.500000000e+00, v1  }
0x20d: {  	v24 =	vor.u32 $0xA, v16;
	v44 =	vld.idx.msk [tilespmem:v17+s19+$0x0], $0xffff;
	v10 =	vadd.f32 v15, v12;
	v12 =	vadd.f32 v21, v18  }
0x20e: {  	v43 =	vor.u32 $0x5, v19;
	v60 =	vor.u32 $0x7, v19;
	v15 =	vmovc v11;
	v11 =	vor.u32 $0xF, v16;
	v16 =	vld.idx.msk [tilespmem:v23+s19+$0x0], $0xffff  }
0x20f: {  	v27 =	vor.u32 $0xD, v19;
	v1 =	vmul.f32 v1, v14;
	v41 =	vadd.f32 v12, v10;
	v12 =	vld.idx.msk [tilespmem:v34+s19+$0x0], $0xffff  }
0x210: {  	v29 =	vor.u32 $0xE, v19;
	v0 =	vadd.f32 v2, v0;
	v14 =	vor.u32 $0x1, v19;
	v50 =	vld.idx.msk [tilespmem:v8+s19+$0x0], $0xffff  }
0x211: {  	v2 =	vadd.f32 v33, v3;
	v10 =	vor.u32 $0x6, v19;
	v57 =	vld.idx.msk [tilespmem:v22+s19+$0x0], $0xffff;
	v3 =	vmul.f32 v1, v13  }
0x212: {  	v36 =	vor.u32 $0x8, v19;
	v46 =	vmul.f32 v58, v58;
	v21 =	vor.u32 $0xA, v19;
	v17 =	vld.idx.msk [tilespmem:v24+s19+$0x0], $0xffff  }
0x213: {  	v0 =	vadd.f32 v2, v0;
	v26 =	vmul.f32 v15, v15;
	v3 =	vmul.f32 v3, v1;
	v2 =	vld.idx.msk [tilespmem:v11+s19+$0x0], $0xffff  }
0x214: {  	v25 =	vor.u32 $0xC, v19;
	v23 =	vmul.f32 v38, v38;
	v22 =	vmul.f32 v37, v37;
	v11 =	vld.idx.msk [tilespmem:v43+s19+$0x0], $0xffff  }
0x215: {  	v33 =	vld.idx.msk [tilespmem:v14+s19+$0x0], $0xffff;
	v14 =	vor.u32 $0x9, v19;
	v19 =	vor.u32 $0xF, v19;
	v3 =	vsub.f32 $1.500000000e+00, v3  }
0x216: {  	v24 =	vmul.f32 v44, v44;
	v5 =	vadd.f32 v41, v40;
	v41 =	vld.idx.msk [tilespmem:v10+s19+$0x0], $0xffff;
	v10 =	vmul.f32 v51, v51  }
0x217: {  	v43 =	vld.idx.msk [tilespmem:v21+s19+$0x0], $0xffff;
	v22 =	vadd.f32 v23, v22;
	v1 =	vmul.f32 v3, v1;
	v3 =	vmul.f32 v45, v45  }
0x218: {  	v13 =	vld.idx.msk [tilespmem:v32+s19+$0x0], $0xffff;
	v23 =	vmul.f32 v9, v9;
	v10 =	vadd.f32 v24, v10;
	v24 =	vmul.f32 v2, v2  }
0x219: {  	v42 =	vld.idx.msk [tilespmem:v25+s19+$0x0], $0xffff;
	v0 =	vadd.f32 v5, v0;
	v52 =	vmul.f32 v57, v57;
	v30 =	vadd.f32 v46, v3  }
0x21a: {  	v3 =	vld.idx.msk [tilespmem:v19+s19+$0x0], $0xffff;
	v19 =	vmul.f32 v11, v11;
	v23 =	vadd.f32 v24, v23;
	v24 =	vmul.f32 v50, v50  }
0x21b: {  	v32 =	vld.idx.msk [tilespmem:v36+s19+$0x0], $0xffff;
	v28 =	vmul.f32 v16, v16;
	v53 =	vmul.f32 v17, v17;
	v25 =	vadd.f32 v26, v52  }
0x21c: {  	v52 =	vmul.f32 v6, v6;
	v14 =	vld.idx.msk [tilespmem:v14+s19+$0x0], $0xffff;
	v19 =	vadd.f32 v19, v24;
	v24 =	vmul.f32 v43, v43  }
0x21d: {  	v60 =	vld.idx.msk [tilespmem:v60+s19+$0x0], $0xffff;
	v21 =	vmul.f32 v12, v12;
	v31 =	vmul.f32 v13, v13;
	v4 =	vadd.f32 v28, v53  }
0x21e: {  	v28 =	vmul.f32 v54, v54;
	v34 =	vmovc v33;
	v26 =	vmul.f32 v33, v33;
	v33 =	vadd.f32 v52, v24;
	v52 =	vld [tilespmem:$0x1FEE0]  }
0x21f: {  	v49 =	vld.idx.msk [tilespmem:v29+s19+$0x0], $0xffff;
	v21 =	vadd.f32 v21, v31;
	v31 =	vmul.f32 v35, v35;
	v1 =	vmin.f32 v1, $1.000000000e+00  }
0x220: {  	v46 =	vld.idx.msk [tilespmem:v27+s19+$0x0], $0xffff;
	v0 =	vmul.f32 v1, v0  }
0x221: {  	[tilespmem:$0x1F780] =	vst v45;
	v28 =	vadd.f32 v31, v28;
	v31 =	vmul.f32 v32, v32;
	v36 =	vmul.f32 v14, v14  }
0x222: {  	[tilespmem:$0x1F770] =	vst v0;
	v0 =	vadd.f32 v10, v22  }
0x223: {  	v31 =	vadd.f32 v36, v31;
	v36 =	vmul.f32 v3, v3;
	v22 =	vmul.f32 v45, v52;
	v45 =	vmovc v3;
	v3 =	vld [tilespmem:$0x1FEF0];
	_ =	sdelay $0x4  }
0x224: {  	v10 =	vadd.f32 v23, v21;
	v23 =	vmov v11;
	v11 =	vmul.f32 v58, v3;
	v3 =	vld [tilespmem:$0x1FF00]  }
0x225: {  	v18 =	vmul.f32 v55, v55;
	_ =	sdelay $0x1  }
0x226: {  	[tilespmem:$0x1F790] =	vst v55;
	v18 =	vadd.f32 v26, v18  }
0x227: {  	[tilespmem:$0x1F7A0] =	vst v58  }
0x228: {  	[tilespmem:$0x1F7B0] =	vst v59;
	v18 =	vadd.f32 v28, v18;
	v28 =	vmov v14;
	v14 =	vmul.f32 v59, v3;
	v3 =	vld [tilespmem:$0x1FF10]  }
0x229: {  	[tilespmem:$0x1F7C0] =	vst v61  }
0x22a: {  	[tilespmem:$0x1F7D0] =	vst v37  }
0x22b: {  	[tilespmem:$0x1F7E0] =	vst v38  }
0x22c: {  	v29 =	vmul.f32 v60, v60;
	[tilespmem:$0x1F7F0] =	vst v51  }
0x22d: {  	[tilespmem:$0x1F800] =	vst v44;
	v26 =	vmul.f32 v41, v41;
	v24 =	vmul.f32 v61, v3;
	v3 =	vld [tilespmem:$0x1FF20]  }
0x22e: {  	[tilespmem:$0x1F810] =	vst v57  }
0x22f: {  	[tilespmem:$0x1F830] =	vst v13;
	v26 =	vadd.f32 v29, v26  }
0x230: {  	v20 =	vmul.f32 v61, v61;
	v8 =	vmul.f32 v59, v59;
	[tilespmem:$0x1F840] =	vst v12  }
0x231: {  	[tilespmem:$0x1F850] =	vst v9;
	v19 =	vadd.f32 v26, v19;
	v26 =	vmul.f32 v51, v39;
	v39 =	vmovc v2;
	v2 =	vimm.f32 $0.0e+00  }
0x232: {  	v1 =	vadd.f32 v4, v25;
	[tilespmem:$0x1F860] =	vst v2;
	v2 =	vimm.f32 $0.0e+00;
	v25 =	vmul.f32 v37, v3;
	v3 =	vld [tilespmem:$0x1FF30]  }
0x233: {  	v20 =	vadd.f32 v20, v8;
	[tilespmem:$0x1F870] =	vst v2;
	v2 =	vimm.f32 $0.0e+00  }
0x234: {  	[tilespmem:$0x1F880] =	vst v2;
	v2 =	vimm.f32 $0.0e+00  }
0x235: {  	v7 =	vmul.f32 v49, v49;
	v20 =	vadd.f32 v20, v30;
	[tilespmem:$0x1F890] =	vst v2;
	v2 =	vimm.f32 $0.0e+00  }
0x236: {  	v29 =	vmul.f32 v42, v42;
	v5 =	vmul.f32 v46, v46;
	[tilespmem:$0x1F8A0] =	vst v2;
	v2 =	vimm.f32 $0.0e+00  }
0x237: {  	v0 =	vadd.f32 v0, v20;
	[tilespmem:$0x1F8B0] =	vst v2;
	v2 =	vimm.f32 $0.0e+00;
	v20 =	vmul.f32 v38, v3;
	v3 =	vld [tilespmem:$0x1FF50]  }
0x238: {  	[tilespmem:$0x1F8C0] =	vst v2;
	v2 =	vimm.f32 $0.0e+00  }
0x239: {  	v53 =	vmovc v32;
	v29 =	vadd.f32 v5, v29;
	v32 =	vadd.f32 v36, v7;
	[tilespmem:$0x1F8D0] =	vst v2;
	v2 =	vimm.f32 $0.0e+00  }
0x23a: {  	v30 =	vadd.f32 v33, v31;
	[tilespmem:$0x1F8E0] =	vst v2;
	v2 =	vimm.f32 $0.0e+00  }
0x23b: {  	v31 =	vadd.f32 v32, v29;
	v29 =	vadd.f32 v10, v1;
	v1 =	vld [tilespmem:$0x1FF40];
	[tilespmem:$0x1F8F0] =	vst v2;
	v2 =	vimm.f32 $0.0e+00  }
0x23c: {  	[tilespmem:$0x1F900] =	vst v2;
	v2 =	vimm.f32 $0.0e+00;
	v10 =	vmul.f32 v57, v3;
	v3 =	vld [tilespmem:$0x1FF60]  }
0x23d: {  	[tilespmem:$0x1F910] =	vst v2;
	v2 =	vimm.f32 $0.0e+00  }
0x23e: {  	v40 =	vmovc v35;
	v35 =	vmul.f32 v9, v47;
	v33 =	vmul.f32 v16, v48;
	[tilespmem:$0x1F920] =	vst v2;
	v2 =	vimm.f32 $0.0e+00  }
0x23f: {  	v36 =	vmul.f32 v12, v63;
	v21 =	vmul.f32 v55, v52;
	[tilespmem:$0x1F930] =	vst v2;
	v2 =	vimm.f32 $0.0e+00  }
0x240: {  	v32 =	vmul.f32 v13, v62;
	v1 =	vmul.f32 v44, v1;
	[tilespmem:$0x1F940] =	vst v2;
	v2 =	vimm.f32 $0.0e+00  }
0x241: {  	[tilespmem:$0x1F950] =	vst v2;
	v38 =	vadd.f32 v31, v30;
	v31 =	vmul.f32 v17, v3;
	v3 =	vimm.f32 $0.0e+00  }
0x242: {  	p0 =	por p1, p1;
	s26 =	simm.s32 $0x2;
	v44 =	vmov v6;
	v37 =	vadd.f32 v19, v18;
	v30 =	vmul.f32 v15, v56;
	[tilespmem:$0x1F820] =	vst v3  }
.LBB2_8:
0x243: {  	v2 =	vld [tilespmem:$0x1FFC0]  }
0x244: {  	v9 =	vld [tilespmem:$0x1F760]  }
0x245: {  	v0 =	vadd.f32 v29, v0  }
0x246: {  	v29 =	vadd.f32 v38, v37  }
0x247: {  	v57 =	vshra.s32 v0, $0x1  }
0x248: {  	s28 =	sadd.s32 $0x1, s26;
	v58 =	vmul.f32 $5.000000000e-01, v0;
	v0 =	vshra.s32 v29, $0x1;
	v47 =	vmul.f32 v39, v2  }
0x249: {  	[tilespmem:$0x1F580] =	vst v39;
	v39 =	vsub.s32 $0x5F3759DF, v0;
	v0 =	vadd.s32 s26, v9;
	v51 =	vadd.s32 s28, v9;
	v9 =	vld [tilespmem:$0x1FF40];
	_ =	sdelay $0x4  }
0x24a: {  	v52 =	vmul.f32 v60, v9;
	v9 =	vld [tilespmem:$0x1FF50]  }
0x24b: {  	v4 =	vld [tilespmem:$0x1FF10]  }
0x24c: {  	v5 =	vld [tilespmem:$0x1FFD0]  }
0x24d: {  	v3 =	vld [tilespmem:$0x1FF20];
	_ =	sdelay $0x1  }
0x24e: {  	[tilespmem:$0x1F550] =	vst v53;
	v61 =	vmul.f32 $5.000000000e-01, v29;
	v57 =	vsub.s32 $0x5F3759DF, v57;
	v53 =	vmul.f32 v53, v9;
	v9 =	vld [tilespmem:$0x1FF60]  }
0x24f: {  	[tilespmem:$0x1F530] =	vst v41;
	v38 =	vmul.f32 v40, v4;
	v29 =	vmul.f32 v57, v58  }
0x250: {  	v6 =	vld [tilespmem:$0x1FF00];
	[tilespmem:$0x1F500] =	vst v40;
	v40 =	vmul.f32 v41, v5;
	v41 =	vmul.f32 v39, v61  }
0x251: {  	v59 =	vmul.f32 v50, v3  }
0x252: {  	[tilespmem:$0x1F510] =	vst v50;
	v7 =	vld [tilespmem:$0x1FF30];
	v29 =	vmul.f32 v57, v29;
	v50 =	vmul.f32 v39, v41  }
0x253: {  	v41 =	vmul.f32 v28, v56;
	v56 =	vmul.f32 v43, v9;
	v9 =	vld [tilespmem:$0x1FF90]  }
0x254: {  	v10 =	vadd.f32 v30, v10;
	v27 =	vadd.f32 v33, v31  }
0x255: {  	[tilespmem:$0x1F4F0] =	vst v54;
	v8 =	vld [tilespmem:$0x1FEF0];
	v37 =	vmul.f32 v54, v6;
	v54 =	vsub.f32 $1.500000000e+00, v29  }
0x256: {  	v30 =	vadd.f32 v36, v32;
	v10 =	vadd.f32 v27, v10  }
0x257: {  	v25 =	vadd.f32 v20, v25;
	v50 =	vsub.f32 $1.500000000e+00, v50;
	v62 =	vmul.f32 v57, v54  }
0x258: {  	[tilespmem:$0x1F570] =	vst v42;
	v1 =	vadd.f32 v1, v26;
	v63 =	vmul.f32 v23, v7;
	v42 =	vmul.f32 v42, v9;
	v9 =	vld [tilespmem:$0x1FFA0]  }
0x259: {  	[tilespmem:$0x1F520] =	vst v23;
	v23 =	vadd.f32 v24, v14;
	v24 =	vmul.f32 v39, v50;
	v26 =	vmul.f32 v62, v58  }
0x25a: {  	v22 =	vadd.f32 v11, v22;
	v55 =	vmul.f32 v34, v8;
	v1 =	vadd.f32 v1, v25  }
0x25b: {  	[tilespmem:$0x1F560] =	vst v28;
	v31 =	vadd.f32 v47, v35;
	v28 =	vmul.f32 v24, v61;
	v26 =	vmul.f32 v26, v62  }
0x25c: {  	v21 =	vadd.f32 v55, v21;
	v47 =	vadd.f32 v38, v37  }
0x25d: {  	v28 =	vmul.f32 v28, v24;
	v26 =	vsub.f32 $1.500000000e+00, v26;
	v54 =	vmul.f32 v46, v9;
	v9 =	vld [tilespmem:$0x1FFB0]  }
0x25e: {  	v55 =	vmul.f32 v45, v2;
	v22 =	vadd.f32 v23, v22;
	v25 =	vadd.f32 v31, v30  }
0x25f: {  	v21 =	vadd.f32 v47, v21;
	v28 =	vsub.f32 $1.500000000e+00, v28;
	v26 =	vmul.f32 v26, v62  }
0x260: {  	[tilespmem:$0x1F540] =	vst v60;
	v1 =	vadd.f32 v1, v22;
	v60 =	vmul.f32 v44, v48;
	v10 =	vadd.f32 v25, v10  }
0x261: {  	v50 =	vadd.f32 v63, v59;
	v24 =	vmul.f32 v28, v24;
	v23 =	vmul.f32 v26, v58  }
0x262: {  	v57 =	vadd.f32 v52, v40;
	v59 =	vadd.f32 v41, v53;
	v48 =	vmul.f32 v49, v9  }
0x263: {  	v62 =	vadd.f32 v60, v56;
	v27 =	vmul.f32 v24, v61;
	v23 =	vmul.f32 v23, v26  }
0x264: {  	v63 =	vadd.f32 v54, v42;
	v33 =	vadd.f32 v55, v48  }
0x265: {  	v28 =	vadd.f32 v57, v50;
	v27 =	vmul.f32 v27, v24;
	v22 =	vsub.f32 $1.500000000e+00, v23  }
0x266: {  	v30 =	vadd.f32 v62, v59;
	v31 =	vadd.f32 v33, v63  }
0x267: {  	v2 =	vld [tilespmem:$0x1F770];
	v1 =	vadd.f32 v10, v1;
	v25 =	vsub.f32 $1.500000000e+00, v27;
	v22 =	vmul.f32 v22, v26  }
0x268: {  	v0 =	vshll.u32 v0, $0x4;
	v21 =	vadd.f32 v28, v21;
	v26 =	vadd.f32 v31, v30  }
0x269: {  	v27 =	vor.u32 $0x3, v0;
	v10 =	vmul.f32 v25, v24;
	v36 =	vmin.f32 v22, $1.000000000e+00  }
0x26a: {  	v1 =	vmul.f32 v36, v1;
	v21 =	vadd.f32 v26, v21  }
0x26b: {  	v24 =	vor.u32 $0x4, v0;
	v40 =	vmin.f32 v10, $1.000000000e+00  }
0x26c: {  	v1 =	vadd.f32 v1, v2;
	v21 =	vmul.f32 v40, v21  }
0x26d: {  	v22 =	vor.u32 $0x5, v0  }
0x26e: {  	v50 =	vld.idx.msk [tilespmem:v27+s19+$0x0], $0xffff;
	v28 =	vadd.f32 v21, v2;
	v21 =	vmul.f32 $2.000000030e-01, v1  }
0x26f: {  	v29 =	vshll.u32 v51, $0x4;
	vm0 =	vge.f32 v1, $0.0e+00  }
0x270: {  	v51 =	vld.idx.msk [tilespmem:v24+s19+$0x0], $0xffff;
	v1 =	vsel vm0, v1, v21  }
0x271: {  	v47 =	vor.u32 $0x1, v0;
	v39 =	vld.idx.msk [tilespmem:v0+s19+$0x0], $0xffff;
	v1 =	vmul.f32 $1.442695020e+00, v1  }
0x272: {  	v52 =	vld.idx.msk [tilespmem:v22+s19+$0x0], $0xffff  }
0x273: {  	v23 =	vor.u32 $0x2, v0;
	v2 =	vld [tilespmem:$0x1FEE0];
	(erf) = vpow2.f32 v1;
	v1 =	vmul.f32 v50, v4  }
0x274: {  	v37 =	vld.idx.msk [tilespmem:v29+s19+$0x0], $0xffff  }
0x275: {  	[tilespmem:$0x1F650] =	vst v1;
	v1 =	vmul.f32 v51, v3  }
0x276: {  	v41 =	vld.idx.msk [tilespmem:v47+s19+$0x0], $0xffff;
	v25 =	vor.u32 $0x8, v0  }
0x277: {  	v10 =	vor.u32 $0x6, v0;
	[tilespmem:$0x1F610] =	vst v1;
	v1 =	vmul.f32 v52, v7  }
0x278: {  	v42 =	vld.idx.msk [tilespmem:v23+s19+$0x0], $0xffff;
	v23 =	vor.u32 $0x7, v0;
	v9 =	vmul.f32 v39, v2  }
0x279: {  	v26 =	vor.u32 $0x9, v0;
	[tilespmem:$0x1F600] =	vst v1;
	v1 =	vmul.f32 v37, v37  }
0x27a: {  	v27 =	vor.u32 $0xA, v0;
	v24 =	vmul.f32 $2.000000030e-01, v28;
	v2 =	vmul.f32 v37, v2;
	[tilespmem:$0x1F640] =	vst v9  }
0x27b: {  	v56 =	vld.idx.msk [tilespmem:v25+s19+$0x0], $0xffff;
	vm15 =	vge.f32 v28, $0.0e+00;
	[tilespmem:$0x1F5D0] =	vst v1;
	v1 =	vmul.f32 v41, v41  }
0x27c: {  	v53 =	vld.idx.msk [tilespmem:v10+s19+$0x0], $0xffff;
	v10 =	vsel vm15, v28, v24;
	v9 =	vmul.f32 v39, v39;
	[tilespmem:$0x1F5F0] =	vst v2  }
0x27d: {  	v59 =	vor.u32 $0xD, v0;
	v54 =	vld.idx.msk [tilespmem:v23+s19+$0x0], $0xffff;
	v10 =	vmul.f32 $1.442695020e+00, v10;
	[tilespmem:$0x1F5A0] =	vst v1;
	v1 =	vmul.f32 v42, v42  }
0x27e: {  	v60 =	vld.idx.msk [tilespmem:v26+s19+$0x0], $0xffff;
	v2 =	vmul.f32 v41, v8;
	[tilespmem:$0x1F590] =	vst v9  }
0x27f: {  	v23 =	vmov v43;
	v43 =	vld.idx.msk [tilespmem:v27+s19+$0x0], $0xffff;
	(erf) = vpow2.f32 v10;
	[tilespmem:$0x1F5B0] =	vst v1;
	v1 =	vmul.f32 v51, v51  }
0x280: {  	v48 =	vor.u32 $0xC, v0;
	[tilespmem:$0x1F620] =	vst v2;
	v9 =	vld [tilespmem:$0x1F780];
	v4 =	vpop (erf)  }
0x281: {  	v38 =	vor.u32 $0xE, v0;
	v2 =	vmul.f32 v42, v6;
	v6 =	vmul.f32 v4, v36;
	[tilespmem:$0x1F5C0] =	vst v1;
	v1 =	vld [tilespmem:$0x1F7A0]  }
0x282: {  	v31 =	vor.u32 $0xB, v0;
	v30 =	vmovc v45;
	v45 =	vor.u32 $0xF, v0;
	v0 =	vmov v46;
	v46 =	vld.idx.msk [tilespmem:v59+s19+$0x0], $0xffff  }
0x283: {  	v61 =	vmul.f32 v60, v60;
	v26 =	vmov v60;
	v60 =	vmul.f32 v6, v17;
	v17 =	vld [tilespmem:$0x1F820]  }
0x284: {  	v24 =	vld [tilespmem:$0x1F4F0]  }
0x285: {  	v10 =	vmov v44;
	v44 =	vld.idx.msk [tilespmem:v48+s19+$0x0], $0xffff  }
0x286: {  	v48 =	vld.idx.msk [tilespmem:v38+s19+$0x0], $0xffff;
	v9 =	vmul.f32 v6, v9;
	v11 =	vmul.f32 v6, v1;
	v1 =	vmov v41  }
0x287: {  	[tilespmem:$0x1F7A0] =	vst v1;
	v1 =	vld [tilespmem:$0x1F7B0]  }
0x288: {  	v13 =	vmov v42;
	v38 =	vpop (erf);
	v9 =	vadd.f32 v9, v17;
	v17 =	vld [tilespmem:$0x1F830]  }
0x289: {  	v40 =	vmul.f32 v38, v40;
	[tilespmem:$0x1F7B0] =	vst v13;
	v13 =	vld [tilespmem:$0x1F7D0]  }
0x28a: {  	v62 =	vld.idx.msk [tilespmem:v31+s19+$0x0], $0xffff;
	v63 =	vmul.f32 v44, v44  }
0x28b: {  	v25 =	vmovc v44;
	v36 =	vmul.f32 v48, v48;
	v44 =	vmul.f32 v40, v24;
	v24 =	vmov v48;
	v48 =	vld [tilespmem:$0x1F870]  }
0x28c: {  	v41 =	vmul.f32 v6, v1;
	v1 =	vld [tilespmem:$0x1F7C0]  }
0x28d: {  	v22 =	vmovc v50;
	v33 =	vmul.f32 v43, v43;
	v31 =	vmov v43;
	v43 =	vmul.f32 v6, v17;
	v17 =	vld [tilespmem:$0x1F790]  }
0x28e: {  	v47 =	vmul.f32 v50, v50;
	v14 =	vmov v52;
	v50 =	vmul.f32 v6, v13;
	v13 =	vld [tilespmem:$0x1F7E0]  }
0x28f: {  	[tilespmem:$0x1F7E0] =	vst v14;
	v14 =	vld [tilespmem:$0x1F7F0]  }
0x290: {  	v12 =	vmov v39;
	v35 =	vmul.f32 v46, v46;
	[tilespmem:$0x1F7C0] =	vst v22;
	v22 =	vmov v46;
	v46 =	vld [tilespmem:$0x1F860]  }
0x291: {  	[tilespmem:$0x1F780] =	vst v12;
	v41 =	vadd.f32 v41, v48;
	v48 =	vld [tilespmem:$0x1F880];
	v12 =	vmul.f32 v6, v1;
	v1 =	vmov v51  }
0x292: {  	v21 =	vmov v53;
	[tilespmem:$0x1F7D0] =	vst v1;
	v1 =	vld [tilespmem:$0x1F800]  }
0x293: {  	[tilespmem:$0x1F7F0] =	vst v21;
	v21 =	vld [tilespmem:$0x1F810];
	_ =	sdelay $0x1  }
0x294: {  	v55 =	vmul.f32 v52, v52  }
0x295: {  	v59 =	vmul.f32 v54, v54;
	v32 =	vmul.f32 v62, v62;
	v11 =	vadd.f32 v11, v46;
	v46 =	vld [tilespmem:$0x1F500]  }
0x296: {  	v52 =	vmul.f32 v6, v14;
	v12 =	vadd.f32 v12, v48;
	v48 =	vld [tilespmem:$0x1F890];
	v14 =	vmul.f32 v6, v1  }
0x297: {  	v1 =	vmovc v54;
	v54 =	vmul.f32 v6, v21;
	v21 =	vmov v62;
	v62 =	vmul.f32 v40, v17;
	_ =	sdelay $0x1  }
0x298: {  	v9 =	vadd.f32 v62, v9  }
0x299: {  	[tilespmem:$0x1F630] =	vst v2;
	v2 =	vmul.f32 v53, v5  }
0x29a: {  	[tilespmem:$0x1F820] =	vst v9;
	v9 =	vmul.f32 v40, v34;
	v34 =	vmul.f32 v40, v46;
	v46 =	vadd.f32 v50, v48;
	v48 =	vld [tilespmem:$0x1F510];
	_ =	sdelay $0x1  }
0x29b: {  	[tilespmem:$0x1F5E0] =	vst v2;
	v2 =	vor.u32 $0x1, v29;
	_ =	sdelay $0x2  }
0x29c: {  	v9 =	vadd.f32 v9, v11;
	v11 =	vadd.f32 v34, v12;
	v48 =	vmul.f32 v40, v48;
	_ =	sdelay $0x1  }
0x29d: {  	[tilespmem:$0x1F880] =	vst v11;
	v11 =	vadd.f32 v48, v46;
	v46 =	vld.idx.msk [tilespmem:v2+s19+$0x0], $0xffff  }
0x29e: {  	v2 =	vld [tilespmem:$0x1F8C0];
	_ =	sdelay $0x2  }
0x29f: {  	v50 =	vld [tilespmem:$0x1F8B0]  }
0x2a0: {  	[tilespmem:$0x1F860] =	vst v9;
	v9 =	vadd.f32 v44, v41  }
0x2a1: {  	v2 =	vadd.f32 v14, v2;
	v14 =	vld [tilespmem:$0x1F8D0]  }
0x2a2: {  	[tilespmem:$0x1F870] =	vst v9;
	v9 =	vld [tilespmem:$0x1F520]  }
0x2a3: {  	v48 =	vld [tilespmem:$0x1F8A0]  }
0x2a4: {  	v34 =	vadd.f32 v52, v50;
	v52 =	vld [tilespmem:$0x1F540]  }
0x2a5: {  	[tilespmem:$0x1F890] =	vst v11;
	v11 =	vld [tilespmem:$0x1F530]  }
0x2a6: {  	v13 =	vmul.f32 v6, v13;
	v14 =	vadd.f32 v54, v14;
	v54 =	vld [tilespmem:$0x1F550];
	_ =	sdelay $0x1  }
0x2a7: {  	v9 =	vmul.f32 v40, v9;
	v13 =	vadd.f32 v13, v48  }
0x2a8: {  	v41 =	vmul.f32 v40, v52  }
0x2a9: {  	v11 =	vmul.f32 v40, v11;
	v9 =	vadd.f32 v9, v13  }
0x2aa: {  	v2 =	vadd.f32 v41, v2;
	v44 =	vmul.f32 v40, v54  }
0x2ab: {  	[tilespmem:$0x1F8A0] =	vst v9;
	v9 =	vadd.f32 v11, v34;
	v11 =	vld [tilespmem:$0x1F8E0]  }
0x2ac: {  	[tilespmem:$0x1F8C0] =	vst v2;
	v2 =	vadd.f32 v44, v14;
	v14 =	vmul.f32 v40, v10;
	v10 =	vld [tilespmem:$0x1F900]  }
0x2ad: {  	v17 =	vmov v37  }
0x2ae: {  	[tilespmem:$0x1F790] =	vst v17;
	v17 =	vld [tilespmem:$0x1F840]  }
0x2af: {  	v15 =	vmul.f32 v6, v15;
	v16 =	vmul.f32 v6, v16  }
0x2b0: {  	v28 =	vmov v49;
	v49 =	vor.u32 $0x2, v29  }
0x2b1: {  	v11 =	vadd.f32 v15, v11;
	v15 =	vadd.f32 v16, v10;
	v10 =	vld [tilespmem:$0x1F910]  }
0x2b2: {  	v13 =	vld [tilespmem:$0x1F8F0]  }
0x2b3: {  	v18 =	vor.u32 $0x3, v29;
	v37 =	vmul.f32 v6, v17;
	v17 =	vld [tilespmem:$0x1F850]  }
0x2b4: {  	v3 =	vor.u32 $0x6, v29;
	v12 =	vld.idx.msk [tilespmem:v45+s19+$0x0], $0xffff  }
0x2b5: {  	v54 =	vld.idx.msk [tilespmem:v49+s19+$0x0], $0xffff  }
0x2b6: {  	v16 =	vadd.f32 v43, v10;
	v10 =	vld [tilespmem:$0x1F570]  }
0x2b7: {  	v5 =	vor.u32 $0x7, v29;
	v13 =	vadd.f32 v60, v13;
	v49 =	vld [tilespmem:$0x1F920];
	[tilespmem:$0x1F8D0] =	vst v2;
	v2 =	vmul.f32 v40, v23  }
0x2b8: {  	v8 =	vor.u32 $0x9, v29;
	v45 =	vld.idx.msk [tilespmem:v18+s19+$0x0], $0xffff  }
0x2b9: {  	v41 =	vld.idx.msk [tilespmem:v3+s19+$0x0], $0xffff;
	v2 =	vadd.f32 v2, v13  }
0x2ba: {  	v3 =	vld [tilespmem:$0x1F580]  }
0x2bb: {  	v34 =	vld [tilespmem:$0x1F930];
	[tilespmem:$0x1F8F0] =	vst v2;
	v2 =	vadd.f32 v14, v15;
	v18 =	vmul.f32 v40, v10  }
0x2bc: {  	v7 =	vor.u32 $0x8, v29;
	v60 =	vld.idx.msk [tilespmem:v5+s19+$0x0], $0xffff;
	v5 =	vadd.f32 v37, v49  }
0x2bd: {  	v37 =	vmul.f32 v40, v28;
	v28 =	vld.idx.msk [tilespmem:v8+s19+$0x0], $0xffff;
	[tilespmem:$0x1F900] =	vst v2;
	v2 =	vadd.f32 v18, v16  }
0x2be: {  	[tilespmem:$0x1F8B0] =	vst v9;
	v8 =	vld [tilespmem:$0x1F940]  }
0x2bf: {  	v17 =	vmul.f32 v6, v17;
	v9 =	vld [tilespmem:$0x1F560];
	[tilespmem:$0x1F910] =	vst v2;
	v2 =	vmul.f32 v40, v0  }
0x2c0: {  	v57 =	vmul.f32 v53, v53;
	v53 =	vor.u32 $0xD, v29  }
0x2c1: {  	v3 =	vmul.f32 v6, v3;
	v6 =	vadd.f32 v17, v34;
	v0 =	vld.idx.msk [tilespmem:v7+s19+$0x0], $0xffff;
	v2 =	vadd.f32 v2, v5  }
0x2c2: {  	v20 =	vor.u32 $0x5, v29;
	v62 =	vld [tilespmem:$0x1FF80]  }
0x2c3: {  	v3 =	vadd.f32 v3, v8;
	v8 =	vld [tilespmem:$0x1F950];
	[tilespmem:$0x1F920] =	vst v2;
	v2 =	vadd.f32 v37, v6  }
0x2c4: {  	v42 =	vor.u32 $0xB, v29;
	v9 =	vmul.f32 v40, v9;
	v10 =	vld [tilespmem:$0x1F5A0]  }
0x2c5: {  	v51 =	vor.u32 $0xC, v29;
	v34 =	vmov v46;
	[tilespmem:$0x1F930] =	vst v2;
	v2 =	vmul.f32 v46, v46;
	v46 =	vld.idx.msk [tilespmem:v53+s19+$0x0], $0xffff  }
0x2c6: {  	v44 =	vadd.f32 v9, v11;
	v11 =	vmul.f32 v0, v0;
	v53 =	vmov v0;
	v0 =	vld [tilespmem:$0x1F590]  }
0x2c7: {  	v58 =	vmul.f32 v56, v56;
	v27 =	vmov v56;
	v56 =	vor.u32 $0xE, v29;
	v23 =	vld.idx.msk [tilespmem:v20+s19+$0x0], $0xffff  }
0x2c8: {  	v19 =	vor.u32 $0x4, v29;
	v20 =	vadd.f32 v35, v63;
	v63 =	vld [tilespmem:$0x1FFB0]  }
0x2c9: {  	v39 =	vor.u32 $0xA, v29;
	[tilespmem:$0x1F8E0] =	vst v44;
	v44 =	vld.idx.msk [tilespmem:v42+s19+$0x0], $0xffff  }
0x2ca: {  	v29 =	vor.u32 $0xF, v29;
	v42 =	vld.idx.msk [tilespmem:v51+s19+$0x0], $0xffff  }
0x2cb: {  	v4 =	vadd.f32 v4, v8;
	v8 =	vmul.f32 v40, v30;
	v13 =	vadd.f32 v10, v0;
	v0 =	vld [tilespmem:$0x1F5B0]  }
0x2cc: {  	v49 =	vld.idx.msk [tilespmem:v56+s19+$0x0], $0xffff  }
0x2cd: {  	v50 =	vld.idx.msk [tilespmem:v19+s19+$0x0], $0xffff;
	v3 =	vadd.f32 v8, v3  }
0x2ce: {  	v9 =	vmul.f32 v12, v12;
	v43 =	vld.idx.msk [tilespmem:v39+s19+$0x0], $0xffff  }
0x2cf: {  	[tilespmem:$0x1F940] =	vst v3;
	v3 =	vadd.f32 v38, v4;
	v4 =	vmul.f32 v45, v45;
	v40 =	vmov v45;
	v45 =	vld.idx.msk [tilespmem:v29+s19+$0x0], $0xffff  }
0x2d0: {  	v35 =	vmul.f32 v24, v63;
	v19 =	vmul.f32 v42, v42;
	v14 =	vadd.f32 v47, v0;
	v0 =	vld [tilespmem:$0x1F5C0]  }
0x2d1: {  	v52 =	vld [tilespmem:$0x1FF60];
	v9 =	vadd.f32 v9, v36;
	v39 =	vmovc v12;
	v12 =	vmul.f32 v28, v28;
	v30 =	vmul.f32 v49, v49  }
0x2d2: {  	v48 =	vld [tilespmem:$0x1FF40];
	v17 =	vadd.f32 v59, v57;
	v8 =	vmul.f32 v60, v60;
	v38 =	vmul.f32 v41, v41  }
0x2d3: {  	v56 =	vld [tilespmem:$0x1FF70];
	v9 =	vadd.f32 v9, v20;
	v15 =	vmul.f32 v43, v43;
	[tilespmem:$0x1F950] =	vst v3;
	v3 =	vmul.f32 v54, v54  }
0x2d4: {  	v20 =	vld [tilespmem:$0x1F600];
	v18 =	vadd.f32 v61, v58;
	v58 =	vadd.f32 v8, v38;
	v57 =	vmul.f32 v45, v45  }
0x2d5: {  	[tilespmem:$0x1F850] =	vst v24;
	v24 =	vld [tilespmem:$0x1F650];
	v3 =	vadd.f32 v4, v3;
	v10 =	vmul.f32 v44, v44;
	v16 =	vadd.f32 v55, v0  }
0x2d6: {  	v59 =	vadd.f32 v12, v11;
	v4 =	vadd.f32 v57, v30;
	v29 =	vmul.f32 v46, v46;
	v55 =	vld [tilespmem:$0x1F5D0]  }
0x2d7: {  	v5 =	vmul.f32 v50, v50;
	v37 =	vld [tilespmem:$0x1FF50];
	v8 =	vadd.f32 v10, v15;
	v0 =	vadd.f32 v32, v33  }
0x2d8: {  	v6 =	vmul.f32 v23, v23;
	v15 =	vmovc v26;
	v26 =	vld [tilespmem:$0x1F5E0];
	v11 =	vadd.f32 v29, v19;
	v12 =	vadd.f32 v14, v13  }
0x2d9: {  	[tilespmem:$0x1F800] =	vst v1;
	v13 =	vadd.f32 v17, v16;
	v14 =	vadd.f32 v0, v18;
	v0 =	vld [tilespmem:$0x1FF90];
	v16 =	vmov v21  }
0x2da: {  	p1 =	slt.u32 s26, $0x30;
	v1 =	vmul.f32 v1, v48;
	v48 =	vmovc v62;
	v5 =	vadd.f32 v6, v5;
	v33 =	vmul.f32 v16, v62;
	v62 =	vld [tilespmem:$0x1FFA0]  }
.Ltmp2:
0x2db: {  	v4 =	vadd.f32 v4, v11;
	v11 =	vld [tilespmem:$0x1F620];
	v2 =	vadd.f32 v2, v55;
	(pc) =	sbr.rel @p1 .LBB2_8-.Ltmp2, $4  }
0x2dc: {  	[tilespmem:$0x1F830] =	vst v25;
	v10 =	vmul.f32 v27, v37;
	v61 =	vadd.f32 v8, v59;
	v21 =	vld [tilespmem:$0x1F5F0];
	v29 =	vadd.f32 v9, v14  }
0x2dd: {  	[tilespmem:$0x1F810] =	vst v27;
	v30 =	vmul.f32 v15, v56;
	v14 =	vld [tilespmem:$0x1F630];
	v2 =	vadd.f32 v3, v2;
	v3 =	vadd.f32 v58, v5  }
0x2de: {  	v38 =	vadd.f32 v4, v61;
	v17 =	vmovc v31;
	v31 =	vmul.f32 v31, v52;
	v32 =	vmul.f32 v25, v0;
	v25 =	vld [tilespmem:$0x1F610]  }
0x2df: {  	s26 =	sadd.s32 $0x2, s26;
	[tilespmem:$0x1F840] =	vst v22;
	v0 =	vadd.f32 v13, v12;
	v37 =	vadd.f32 v3, v2;
	v36 =	vmul.f32 v22, v62;
	v22 =	vld [tilespmem:$0x1F640]  }
0x2e0: {  	_ = 	snop  }
0x2e1: {  	v0 =	vadd.f32 v29, v0  }
0x2e2: {  	v18 =	vld [tilespmem:$0x1FF30]  }
0x2e3: {  	v19 =	vld [tilespmem:$0x1FF40];
	v2 =	vadd.f32 v38, v37;
	v3 =	vshra.s32 v0, $0x1;
	v0 =	vmul.f32 $5.000000000e-01, v0  }
0x2e4: {  	v1 =	vadd.f32 v1, v26;
	v9 =	vadd.f32 v30, v10;
	v29 =	vld [tilespmem:$0x1FFC0];
	v3 =	vsub.s32 $0x5F3759DF, v3  }
0x2e5: {  	v37 =	vld [tilespmem:$0x1FF20];
	v4 =	vshra.s32 v2, $0x1;
	v2 =	vmul.f32 $5.000000000e-01, v2;
	v5 =	vmul.f32 v3, v0  }
0x2e6: {  	v51 =	vmul.f32 v28, v56;
	v55 =	vmul.f32 v44, v48;
	v4 =	vsub.s32 $0x5F3759DF, v4  }
0x2e7: {  	v47 =	vld [tilespmem:$0x1FF50];
	v13 =	vadd.f32 v36, v32;
	v6 =	vmul.f32 v4, v2;
	v5 =	vmul.f32 v3, v5  }
0x2e8: {  	v27 =	vmovc v28;
	v28 =	vld [tilespmem:$0x1FFB0];
	v7 =	vadd.f32 v20, v25;
	v18 =	vmul.f32 v23, v18;
	v19 =	vmul.f32 v60, v19  }
0x2e9: {  	v36 =	vld [tilespmem:$0x1FF10];
	v12 =	vmul.f32 v39, v29;
	v6 =	vmul.f32 v4, v6;
	v5 =	vsub.f32 $1.500000000e+00, v5  }
0x2ea: {  	v30 =	vmovc v17;
	v1 =	vadd.f32 v1, v7;
	v17 =	vmul.f32 v50, v37;
	v37 =	vld [tilespmem:$0x1FFD0];
	v25 =	vmul.f32 v45, v29  }
0x2eb: {  	v12 =	vadd.f32 v12, v35;
	v35 =	vld [tilespmem:$0x1FF00];
	v6 =	vsub.f32 $1.500000000e+00, v6;
	v3 =	vmul.f32 v3, v5  }
0x2ec: {  	v17 =	vadd.f32 v18, v17;
	v18 =	vmul.f32 v53, v47;
	v5 =	vadd.f32 v11, v22  }
0x2ed: {  	v26 =	vld [tilespmem:$0x1FF90];
	v4 =	vmul.f32 v4, v6;
	v6 =	vadd.f32 v24, v14;
	v8 =	vmul.f32 v3, v0  }
0x2ee: {  	v52 =	vld [tilespmem:$0x1FF60];
	v11 =	vadd.f32 v33, v31;
	v31 =	vmovc v16;
	v16 =	vmul.f32 v40, v36;
	v24 =	vmul.f32 v49, v28  }
0x2ef: {  	v59 =	vadd.f32 v51, v18;
	v33 =	vld [tilespmem:$0x1FEF0];
	v22 =	vmul.f32 v4, v2;
	v8 =	vmul.f32 v8, v3  }
0x2f0: {  	v32 =	vmovc v15;
	v38 =	vmul.f32 v41, v37;
	v15 =	vmul.f32 v54, v35;
	v63 =	vadd.f32 v25, v24  }
0x2f1: {  	v35 =	vld [tilespmem:$0x1FFA0];
	v5 =	vadd.f32 v6, v5;
	v10 =	vmul.f32 v22, v4;
	v8 =	vsub.f32 $1.500000000e+00, v8  }
0x2f2: {  	v57 =	vmul.f32 v42, v26;
	v15 =	vadd.f32 v16, v15;
	v16 =	vadd.f32 v19, v38  }
0x2f3: {  	v19 =	vmul.f32 v43, v52;
	v10 =	vsub.f32 $1.500000000e+00, v10;
	v3 =	vmul.f32 v8, v3  }
0x2f4: {  	v22 =	vadd.f32 v12, v13;
	v1 =	vadd.f32 v1, v5;
	v14 =	vmul.f32 v34, v33  }
0x2f5: {  	v61 =	vadd.f32 v55, v19;
	v4 =	vmul.f32 v10, v4;
	v0 =	vmul.f32 v3, v0  }
0x2f6: {  	v36 =	vadd.f32 v16, v17;
	v14 =	vadd.f32 v14, v21;
	v58 =	vmul.f32 v46, v35  }
0x2f7: {  	v21 =	vadd.f32 v11, v9;
	v2 =	vmul.f32 v4, v2;
	v0 =	vmul.f32 v0, v3  }
0x2f8: {  	v8 =	vadd.f32 v61, v59;
	v62 =	vadd.f32 v58, v57  }
0x2f9: {  	v33 =	vmovc v23;
	v23 =	vadd.f32 v15, v14;
	v2 =	vmul.f32 v2, v4;
	v0 =	vsub.f32 $1.500000000e+00, v0  }
0x2fa: {  	v47 =	vadd.f32 v22, v21;
	v38 =	vadd.f32 v63, v62  }
0x2fb: {  	v55 =	vld [tilespmem:$0x1F770];
	v51 =	vadd.f32 v36, v23;
	v2 =	vsub.f32 $1.500000000e+00, v2;
	v0 =	vmul.f32 v0, v3  }
0x2fc: {  	v1 =	vadd.f32 v47, v1;
	v52 =	vadd.f32 v38, v8  }
0x2fd: {  	v2 =	vmul.f32 v2, v4;
	v0 =	vmin.f32 v0, $1.000000000e+00  }
0x2fe: {  	v3 =	vadd.f32 v52, v51;
	v1 =	vmul.f32 v0, v1  }
0x2ff: {  	v2 =	vmin.f32 v2, $1.000000000e+00  }
0x300: {  	v3 =	vmul.f32 v2, v3;
	v1 =	vadd.f32 v1, v55;
	_ =	sdelay $0x1  }
0x301: {  	v3 =	vadd.f32 v3, v55;
	v57 =	vmul.f32 $2.000000030e-01, v1  }
0x302: {  	vm0 =	vge.f32 v1, $0.0e+00  }
0x303: {  	v20 =	vld [tilespmem:$0x1F7D0];
	v58 =	vmul.f32 $2.000000030e-01, v3;
	v1 =	vsel vm0, v1, v57  }
0x304: {  	v7 =	vld [tilespmem:$0x1F7A0];
	vm15 =	vge.f32 v3, $0.0e+00;
	v1 =	vmul.f32 $1.442695020e+00, v1  }
0x305: {  	v18 =	vld [tilespmem:$0x1F700];
	v3 =	vsel vm15, v3, v58  }
0x306: {  	v6 =	vld [tilespmem:$0x1F780];
	v59 =	vmul.f32 $1.442695020e+00, v3;
	(erf) = vpow2.f32 v1  }
0x307: {  	v13 =	vld [tilespmem:$0x1F7C0]  }
0x308: {  	v16 =	vld [tilespmem:$0x1F880];
	(erf) = vpow2.f32 v59  }
0x309: {  	v9 =	vld [tilespmem:$0x1F790]  }
0x30a: {  	v11 =	vld [tilespmem:$0x1F7B0]  }
0x30b: {  	v62 =	vld [tilespmem:$0x1F950]  }
0x30c: {  	v10 =	vld [tilespmem:$0x1F860]  }
0x30d: {  	v14 =	vld [tilespmem:$0x1F870]  }
0x30e: {  	v21 =	vld [tilespmem:$0x1F660]  }
0x30f: {  	v23 =	vld [tilespmem:$0x1F890];
	v61 =	vpop (erf)  }
0x310: {  	v36 =	vld [tilespmem:$0x1F670];
	v3 =	vadd.f32 v61, v62  }
0x311: {  	v8 =	vld [tilespmem:$0x1F820];
	v63 =	vpop (erf)  }
0x312: {  	v38 =	vld [tilespmem:$0x1F7E0];
	v3 =	vadd.f32 v63, v3  }
0x313: {  	v51 =	vld [tilespmem:$0x1F8A0]  }
0x314: {  	v52 =	vld [tilespmem:$0x1F800];
	v0 =	vmul.f32 v61, v0;
	(erf) = vrcp.f32 v3  }
0x315: {  	v55 =	vld [tilespmem:$0x1F8B0];
	v1 =	vmul.f32 v63, v2  }
0x316: {  	v59 =	vld [tilespmem:$0x1F8C0];
	v2 =	vmul.f32 v0, v6;
	v5 =	vmul.f32 v0, v11  }
0x317: {  	v61 =	vld [tilespmem:$0x1F8D0];
	v63 =	vmul.f32 v0, v32;
	v4 =	vmul.f32 v1, v9  }
0x318: {  	v32 =	vld [tilespmem:$0x1F6E0];
	v12 =	vmul.f32 v1, v34;
	v15 =	vmul.f32 v1, v54;
	v2 =	vadd.f32 v2, v8  }
0x319: {  	v17 =	vmul.f32 v1, v40;
	v40 =	vld [tilespmem:$0x1F680];
	v3 =	vmul.f32 v0, v7  }
0x31a: {  	v34 =	vmul.f32 v1, v50;
	v54 =	vld [tilespmem:$0x1F810];
	v2 =	vadd.f32 v4, v2;
	v4 =	vmul.f32 v0, v13  }
0x31b: {  	v50 =	vld [tilespmem:$0x1F7F0];
	v57 =	vmul.f32 v1, v33;
	v58 =	vmul.f32 v1, v41;
	v3 =	vadd.f32 v3, v10  }
0x31c: {  	v62 =	vmul.f32 v1, v60;
	v33 =	vld [tilespmem:$0x1F830];
	v41 =	vmul.f32 v1, v44;
	v4 =	vadd.f32 v4, v16  }
0x31d: {  	v44 =	vld [tilespmem:$0x1F840];
	v5 =	vadd.f32 v5, v14;
	v14 =	vmul.f32 v1, v27;
	v3 =	vadd.f32 v12, v3;
	v6 =	vpop (erf)  }
0x31e: {  	v60 =	vld [tilespmem:$0x1F720];
	v19 =	vadd.f32 v17, v4;
	v4 =	vmul.f32 v0, v20;
	v2 =	vmul.f32 v6, v2  }
0x31f: {  	v5 =	vadd.f32 v15, v5;
	v13 =	vld [tilespmem:$0x1F8E0];
	v7 =	vmul.f32 v0, v54;
	v3 =	vmul.f32 v3, v6  }
0x320: {  	v15 =	vld [tilespmem:$0x1F690];
	v12 =	vmul.f32 v1, v53;
	v4 =	vadd.f32 v4, v23;
	[tilespmem:v18+s20+$0x0] =	vst.idx.msk $0xffff, v2  }
0x321: {  	v7 =	vadd.f32 v7, v61;
	v17 =	vld [tilespmem:$0x1F6A0];
	[tilespmem:v21+s20+$0x0] =	vst.idx.msk $0xffff, v3;
	v3 =	vmul.f32 v0, v38  }
0x322: {  	v47 =	vadd.f32 v34, v4;
	v4 =	vmul.f32 v0, v50;
	v2 =	vmul.f32 v19, v6;
	v19 =	vld [tilespmem:$0x1F6B0]  }
0x323: {  	v20 =	vld [tilespmem:$0x1F6C0];
	v22 =	vmul.f32 v5, v6;
	v5 =	vmul.f32 v0, v52;
	v3 =	vadd.f32 v3, v51  }
0x324: {  	v54 =	vmul.f32 v1, v49;
	v8 =	vadd.f32 v63, v13;
	v4 =	vadd.f32 v4, v55;
	v21 =	vld [tilespmem:$0x1F6D0]  }
0x325: {  	v34 =	vld [tilespmem:$0x1F8F0];
	v5 =	vadd.f32 v5, v59;
	[tilespmem:v36+s20+$0x0] =	vst.idx.msk $0xffff, v22;
	v3 =	vadd.f32 v57, v3  }
0x326: {  	v50 =	vld [tilespmem:$0x1F920];
	v4 =	vadd.f32 v58, v4;
	[tilespmem:v40+s20+$0x0] =	vst.idx.msk $0xffff, v2;
	v2 =	vmul.f32 v47, v6  }
0x327: {  	v16 =	vadd.f32 v12, v7;
	v55 =	vld [tilespmem:$0x1F6F0];
	v5 =	vadd.f32 v62, v5;
	v3 =	vmul.f32 v3, v6  }
0x328: {  	v23 =	vmul.f32 v0, v31;
	v36 =	vld [tilespmem:$0x1F900];
	v4 =	vmul.f32 v4, v6;
	[tilespmem:v15+s20+$0x0] =	vst.idx.msk $0xffff, v2  }
0x329: {  	v18 =	vadd.f32 v14, v8;
	v40 =	vld [tilespmem:$0x1F910];
	v5 =	vmul.f32 v5, v6;
	[tilespmem:v17+s20+$0x0] =	vst.idx.msk $0xffff, v3  }
0x32a: {  	v52 =	vmul.f32 v1, v46;
	v47 =	vld [tilespmem:$0x1F850];
	v2 =	vmul.f32 v16, v6;
	[tilespmem:v19+s20+$0x0] =	vst.idx.msk $0xffff, v4  }
0x32b: {  	v22 =	vmul.f32 v0, v30;
	v58 =	vld [tilespmem:$0x1F710];
	v3 =	vmul.f32 v18, v6;
	[tilespmem:v20+s20+$0x0] =	vst.idx.msk $0xffff, v5  }
0x32c: {  	v38 =	vmul.f32 v1, v43;
	v43 =	vmul.f32 v1, v42;
	v51 =	vld [tilespmem:$0x1F930];
	[tilespmem:v21+s20+$0x0] =	vst.idx.msk $0xffff, v2  }
0x32d: {  	v53 =	vld [tilespmem:$0x1F940];
	v2 =	vadd.f32 v22, v34;
	[tilespmem:v32+s20+$0x0] =	vst.idx.msk $0xffff, v3;
	v3 =	vmul.f32 v0, v33  }
0x32e: {  	v61 =	vld [tilespmem:$0x1F730];
	v1 =	vmul.f32 v1, v45;
	v4 =	vadd.f32 v23, v36;
	v5 =	vmul.f32 v0, v44  }
0x32f: {  	v62 =	vld [tilespmem:$0x1F740];
	v9 =	vmul.f32 v0, v47;
	v2 =	vadd.f32 v38, v2;
	v3 =	vadd.f32 v3, v40  }
0x330: {  	v63 =	vld [tilespmem:$0x1F750];
	v4 =	vadd.f32 v41, v4;
	v0 =	vmul.f32 v0, v39;
	v5 =	vadd.f32 v5, v50  }
0x331: {  	v7 =	vadd.f32 v9, v51;
	v2 =	vmul.f32 v2, v6;
	v3 =	vadd.f32 v43, v3  }
0x332: {  	v4 =	vmul.f32 v4, v6;
	v0 =	vadd.f32 v0, v53;
	v5 =	vadd.f32 v52, v5  }
0x333: {  	v57 =	vadd.f32 v54, v7;
	[tilespmem:v55+s20+$0x0] =	vst.idx.msk $0xffff, v2;
	v3 =	vmul.f32 v3, v6  }
.Ltmp3:
0x334: {  	v0 =	vadd.f32 v1, v0;
	v59 =	vmul.f32 v5, v6;
	[tilespmem:v58+s20+$0x0] =	vst.idx.msk $0xffff, v4;
	(pc) =	sbr.rel @p0 .LBB2_7-.Ltmp3, $4  }
0x335: {  	v2 =	vmul.f32 v57, v6;
	[tilespmem:v60+s20+$0x0] =	vst.idx.msk $0xffff, v3  }
0x336: {  	v0 =	vmul.f32 v0, v6;
	[tilespmem:v61+s20+$0x0] =	vst.idx.msk $0xffff, v59  }
0x337: {  	[tilespmem:v62+s20+$0x0] =	vst.idx.msk $0xffff, v2  }
0x338: {  	s26 =	simm.s32 $0x10;
	p1 =	por $0x0, $0x0;
	v27 =	vmov v35;
	v39 =	vmov v37;
	[tilespmem:v63+s20+$0x0] =	vst.idx.msk $0xffff, v0  }
0x339: {  	s23 =	sadd.s32 $0x1, s23  }
0x33a: {  	p0 =	sne.s32 s23, $0x8  }
.Ltmp4:
0x33b: {  	_ = 	snop;
	(pc) =	sbr.rel @p0 .LBB2_2-.Ltmp4, $1  }
0x33c: {  	_ =	sdelay $0x3  }
0x33d: {  	s22 =	sadd.s32 $0x1, s22  }
0x33e: {  	p0 =	sne.s32 s22, s9  }
.Ltmp5:
0x33f: {  	_ = 	snop;
	(pc) =	sbr.rel @p0 .LBB2_1-.Ltmp5, $4  }
0x340: {  	[hbm4b:s8+s3] =	stream.linear.scatter [tilespmem:s20], [sflag:$0x3], $0x2000, $0x38;
	[tilespmem:$0x16E90] =	vst v63  }
0x341: {  	_ =	swait.ge [sflag:s11], $0x2000  }
0x342: {  	[sflag:s11] =	ssyncset.done $0x0  }
0x343: {  	[sflag:s11] =	ssyncadd.s32 $0xFFFFE000  }
0x344: {  	_ =	sfence.sel $0x180000  }
0x345: {  	[bflag:$0x0] =	sbarrier.arrive $0xFFFF  }
0x346: {  	p0 =	sne.s32 s0, $0x0;
	_ =	strace $0x90000047  }
0x347: {  	s0 =	sadd.s32 @!p0 $0x100000, s1;
	[bflag:$0x2] =	sbarrier.arrive $0xFFFF  }
0x348: {  	[sflag:s0] =	ssyncadd.tile.s32 @!p0 $0x1;
	_ =	shalt  }
.Lfunc_end2:
_tile_overlayer_lowered:
.L_overlay_start_2:
0x349: {  	(tag) =	ssettag $0x2  }
0x34a: {  	s0 =	rddreg [dreg:$0x0];
	s2 =	stileid.u32  }
0x34b: {  	s1 =	rddreg [dreg:$0x1];
	p0 =	sne.s32 s2, $0x0  }
0x34c: {  	s3 =	rddreg [dreg:$0x2];
	[bflag:$0x3] =	sbarrier.arrive $0xFFFF;
	s2 =	simm.s32 @!p0 $0x1C03  }
0x34d: {  	[timem:s3], [sflag:s2] =	dma.local @!p0 [hbm:s0], s1  }
0x34e: {  	s0 =	simm.s32 @!p0 $0x3  }
0x34f: {  	_ =	swait.ge @!p0 [sflag:s0], s1  }
0x350: {  	s1 =	ssub.s32 @!p0 $0x0, s1;
	[sflag:s0] =	ssyncset.done @!p0 $0x0  }
0x351: {  	[sflag:s0] =	ssyncadd.s32 @!p0 s1  }
0x352: {  	[bflag:$0x3] =	sbarrier.arrive $0xFFFF  }
0x353: {  	_ =	shalt  }

// kernel: kernel.9.cloned.1.call-start
scs
__scs_entry_jumppad:
0x0: {  	(pc) =	sbr.rel $0x88, $3  }
0x1: {  	(tag) =	ssettag $0x0;
	lr =	simm.s32 $0x1  }
0x2: {  	[smem:$0x3F9A] =	sst lr;
	_ =	strace $0xD0000000  }
0x3: {  	_ = 	snop  }
0x4: {  	_ = 	snop  }
0x5: {  	_ = 	snop  }
0x6: {  	_ = 	snop  }
0x7: {  	_ = 	snop  }
__scs_overlays_trampoline_lowered:
0x8: {  	[smem:$0x3FA9] =	sst s0  }
0x9: {  	[smem:$0x3FAA] =	sst s1  }
0xa: {  	[smem:$0x3FAB] =	sst s2  }
0xb: {  	[smem:$0x3FAC] =	sst s3  }
0xc: {  	[smem:$0x3FAD] =	sst s4  }
0xd: {  	[smem:$0x3FAE] =	sst s5  }
0xe: {  	[smem:$0x3FAF] =	sst s6  }
0xf: {  	[smem:$0x3FB0] =	sst s7  }
0x10: {  	[smem:$0x3FB1] =	sst s8  }
0x11: {  	[smem:$0x3FB2] =	sst s9;
	s0 =	simm.s32 @!p0 $0x0  }
0x12: {  	s1 =	sld [smem:$0x3F98];
	s0 =	simm.s32 @p0 $0x1  }
0x13: {  	[smem:$0x3FB3] =	sst s0;
	s0 =	simm.s32 @!p1 $0x0  }
0x14: {  	s2 =	sld [smem:$0x3F97];
	s0 =	simm.s32 @p1 $0x1  }
0x15: {  	[smem:$0x3FB4] =	sst s0;
	s0 =	simm.s32 @!p2 $0x0  }
0x16: {  	s3 =	sld [smem:$0x3FDB];
	s0 =	simm.s32 @p2 $0x1  }
0x17: {  	s4 =	simm.s32 $0x1BF5;
	[smem:$0x3FB6] =	sst s0  }
0x18: {  	s0 =	sld [smem:$0x3F99];
	_ =	swait.ge [sflag:s4], $0x0  }
0x19: {  	s7 =	sld [smem:$0x3F9A]  }
0x1a: {  	s8 =	sadd.s32 $0xFFFFE003, lr  }
0x1b: {  	s9 =	sadd.s32 $0xFFFFFEF7, lr;
	s5 =	simm.s32 $0xFFFFFFFF;
	p2 =	slt.u32 s8, $0xFFFFF086  }
0x1c: {  	p1 =	slt.u32 s9, $0xF7A;
	s5 =	simm.s32 @!p2 $0x0  }
0x1d: {  	s5 =	simm.s32 @p1 $0x1;
	p0 =	seq.s32 s7, s2  }
0x1e: {  	s7 =	smul.u32 @!p0 $0xF7A, s2;
	p2 =	seq.s32 @!p0 s5, $0x0  }
0x1f: {  	s9 =	smul.u32 $0xF7A, s1;
	s8 =	simm.s32 @!p0 $0x1BF5;
	p2 =	por !p2, p0  }
0x20: {  	[sflag:s8] =	ssyncset.s32 @!p0 $0xFFFFF086;
	s6 =	sadd.s32 @!p0 s3, s7;
	s7 =	simm.s32 @!p0 $0x108  }
0x21: {  	s3 =	sadd.s32 s3, s9;
	s6 =	sadd.s32 @!p0 $0x88, s6;
	s7 =	simm.s32 @p2 $0x1082  }
0x22: {  	[simem:s7], [sflag:s8] =	dma.local @!p0 [hbm:s6], $0xF7A  }
0x23: {  	s9 =	sor.u32 $0xD0000000, s2;
	s6 =	simm.s32 $0x108;
	_ =	swait.ge @!p0 [sflag:s8], $0x0  }
0x24: {  	s3 =	sadd.s32 $0x88, s3;
	s6 =	simm.s32 @!p1 $0x1082;
	[sflag:s4] =	ssyncset.s32 $0xFFFFF086  }
0x25: {  	[simem:s6], [sflag:s4] =	dma.local [hbm:s3], $0xF7A  }
0x26: {  	[smem:$0x3F9A] =	sst s1;
	(tag) =	ssettag s2;
	_ =	strace s9  }
0x27: {  	s1 =	sld [smem:$0x3FAA]  }
0x28: {  	s2 =	sld [smem:$0x3FAB]  }
0x29: {  	s4 =	sld [smem:$0x3FAD]  }
0x2a: {  	p0 =	seq.s32 s5, $0x0;
	s5 =	sld [smem:$0x3FAE]  }
0x2b: {  	s6 =	sld [smem:$0x3FAF]  }
0x2c: {  	s7 =	sld [smem:$0x3FB0]  }
0x2d: {  	s3 =	simm.s32 $0x108;
	s8 =	sld [smem:$0x3FB1]  }
0x2e: {  	s3 =	simm.s32 @!p0 $0x1082;
	s9 =	sld [smem:$0x3FB2]  }
0x2f: {  	lr =	sadd.s32 s0, s3;
	s0 =	sld [smem:$0x3FA9]  }
0x30: {  	s3 =	sld [smem:$0x3FAC]  }
0x31: {  	[smem:$0x3FB5] =	sst s10  }
0x32: {  	s10 =	sld [smem:$0x3FB3];
	_ =	sdelay $0x3  }
0x33: {  	p0 =	seq.s32 s10, $0x1;
	s10 =	sld [smem:$0x3FB5];
	_ =	sdelay $0x3  }
0x34: {  	[smem:$0x3FB5] =	sst s10  }
0x35: {  	s10 =	sld [smem:$0x3FB4];
	_ =	sdelay $0x3  }
0x36: {  	p1 =	seq.s32 s10, $0x1;
	s10 =	sld [smem:$0x3FB5];
	_ =	sdelay $0x3  }
0x37: {  	[smem:$0x3FB5] =	sst s10  }
0x38: {  	s10 =	sld [smem:$0x3FB6]  }
0x39: {  	_ = 	snop;
	(pc) =	sbr.ind lr, $3  }
0x3a: {  	_ = 	snop  }
0x3b: {  	_ = 	snop  }
0x3c: {  	p2 =	seq.s32 s10, $0x1;
	s10 =	sld [smem:$0x3FB5]  }
0x3d: {  	_ =	shalt  }
0x3e: {  	_ =	shalt  }
0x3f: {  	_ =	shalt  }
0x40: {  	_ =	shalt  }
0x41: {  	_ =	shalt  }
0x42: {  	_ =	shalt  }
0x43: {  	_ =	shalt  }
0x44: {  	_ =	shalt  }
0x45: {  	_ =	shalt  }
0x46: {  	_ =	shalt  }
0x47: {  	_ =	shalt  }
0x48: {  	_ =	shalt  }
0x49: {  	_ =	shalt  }
0x4a: {  	_ =	shalt  }
0x4b: {  	_ =	shalt  }
0x4c: {  	_ =	shalt  }
0x4d: {  	_ =	shalt  }
0x4e: {  	_ =	shalt  }
0x4f: {  	_ =	shalt  }
0x50: {  	_ =	shalt  }
0x51: {  	_ =	shalt  }
0x52: {  	_ =	shalt  }
0x53: {  	_ =	shalt  }
0x54: {  	_ =	shalt  }
0x55: {  	_ =	shalt  }
0x56: {  	_ =	shalt  }
0x57: {  	_ =	shalt  }
0x58: {  	_ =	shalt  }
0x59: {  	_ =	shalt  }
0x5a: {  	_ =	shalt  }
0x5b: {  	_ =	shalt  }
0x5c: {  	_ =	shalt  }
0x5d: {  	_ =	shalt  }
0x5e: {  	_ =	shalt  }
0x5f: {  	_ =	shalt  }
0x60: {  	_ =	shalt  }
0x61: {  	_ =	shalt  }
0x62: {  	_ =	shalt  }
0x63: {  	_ =	shalt  }
0x64: {  	_ =	shalt  }
0x65: {  	_ =	shalt  }
0x66: {  	_ =	shalt  }
0x67: {  	_ =	shalt  }
0x68: {  	_ =	shalt  }
0x69: {  	_ =	shalt  }
0x6a: {  	_ =	shalt  }
0x6b: {  	_ =	shalt  }
0x6c: {  	_ =	shalt  }
0x6d: {  	_ =	shalt  }
0x6e: {  	_ =	shalt  }
0x6f: {  	_ =	shalt  }
0x70: {  	_ =	shalt  }
0x71: {  	_ =	shalt  }
0x72: {  	_ =	shalt  }
0x73: {  	_ =	shalt  }
0x74: {  	_ =	shalt  }
0x75: {  	_ =	shalt  }
0x76: {  	_ =	shalt  }
0x77: {  	_ =	shalt  }
0x78: {  	_ =	shalt  }
0x79: {  	_ =	shalt  }
0x7a: {  	_ =	shalt  }
0x7b: {  	_ =	shalt  }
0x7c: {  	_ =	shalt  }
0x7d: {  	_ =	shalt  }
0x7e: {  	_ =	shalt  }
0x7f: {  	_ =	shalt  }
0x80: {  	_ =	shalt  }
0x81: {  	_ =	shalt  }
0x82: {  	_ =	shalt  }
0x83: {  	_ =	shalt  }
0x84: {  	_ =	shalt  }
0x85: {  	_ =	shalt  }
0x86: {  	_ =	shalt  }
0x87: {  	_ =	shalt  }
.Lfunc_end0:
.L_simem_size_0:
called_computation.1_lowered:
.L_overlay_start_0:
0x88: {  	s2 =	sld [smem:$0x3FD9]  }
0x89: {  	s3 =	sld [smem:$0x3FFE];
	_ =	sdelay $0x1  }
0x8a: {  	s1 =	srdreg.scid  }
0x8b: {  	s0 =	sand.u32 $0x1, s1  }
0x8c: {  	s17 =	sshll.u32 s0, $0xA;
	s2 =	sadd.s32 s3, s2  }
0x8d: {  	s2 =	sadd.s32 s2, s17  }
0x8e: {  	[smem:$0x3FC1] =	sst s2  }
0x8f: {  	_ = 	snop  }
0x90: {  	s2 =	sld [smem:$0x3FC3]  }
0x91: {  	s18 =	sld [smem:$0x3FD0];
	(tm) =	ssettm $0x1  }
0x92: {  	s4 =	sld [smem:$0x3FFB];
	_ =	sdelay $0x3  }
0x93: {  	_ =	strace s4  }
0x94: {  	s4 =	sld [smem:$0x3FFC];
	_ =	sdelay $0x3  }
0x95: {  	_ =	strace s4  }
0x96: {  	s4 =	sld [smem:$0x3FFD];
	_ =	sdelay $0x3  }
0x97: {  	_ =	strace s4  }
0x98: {  	_ =	strace $0x8FFFFFFF  }
0x99: {  	s19 =	sld [smem:$0x3FDB];
	_ =	sdelay $0x1  }
0x9a: {  	s5 =	simm.s32 $_scs_section_size  }
0x9b: {  	s6 =	simm.s32 $_size__tile_overlayer_lowered;
	s7 =	simm.s32 $_tile_overlayer_lowered  }
0x9c: {  	s22 =	simm.s32 $0x1BFF;
	s21 =	sshll.u32 s7, $0x1;
	s4 =	sadd.s32 s5, s19  }
0x9d: {  	s8 =	simm.s32 $0x0;
	s20 =	sshll.u32 s6, $0x1;
	s6 =	sadd.s32 s21, s4  }
0x9e: {  	[timem:s8], [sflag:s22] =	dma.local [hbm:s6], s20  }
0x9f: {  	_ =	swait.ge [sflag:s22], s20  }
0xa0: {  	s5 =	ssub.s32 $0x0, s20;
	[sflag:s22] =	ssyncset.done $0x0  }
0xa1: {  	[sflag:s22] =	ssyncadd.s32 s5;
	_ =	sdelay $0x1  }
0xa2: {  	s23 =	simm.s32 $0x1B8B  }
0xa3: {  	_ =	swait.ge [sflag:s23], $0x1  }
0xa4: {  	[sflag:s23] =	ssyncset.done $0x0  }
0xa5: {  	s25 =	simm.s32 $0x1B8E;
	s24 =	sld [smem:$0x3FFE];
	[sflag:s23] =	ssyncadd.s32 $0xFFFFFFFF  }
0xa6: {  	s26 =	simm.s32 $execute0_lowered;
	[smem:$0x3FD2] =	sst s25  }
0xa7: {  	s6 =	sshll.u32 s26, $0x1;
	_ =	strace $0x80000049;
	[dreg:$0x1] =	wrdreg $0xFFFFFFFF  }
0xa8: {  	s28 =	simm.s32 $_size_execute0_lowered;
	s4 =	sadd.s32 s4, s6;
	[dreg:$0x0] =	wrdreg $0x0  }
0xa9: {  	s6 =	sshll.u32 s28, $0x1;
	[dreg:$0x2] =	wrdreg s4  }
0xaa: {  	[dreg:$0x3] =	wrdreg s6  }
0xab: {  	[dreg:$0x4] =	wrdreg $0xC0  }
0xac: {  	_ =	task [dreg:s8], $0x5FFFF  }
0xad: {  	[dreg:$0x1] =	wrdreg $0xFFFFFFFF  }
0xae: {  	[dreg:$0x0] =	wrdreg $0x60  }
0xaf: {  	[dreg:$0x2] =	wrdreg s24  }
0xb0: {  	[dreg:$0x3] =	wrdreg s2  }
0xb1: {  	[dreg:$0x4] =	wrdreg s18  }
0xb2: {  	[dreg:$0x5] =	wrdreg $0x9  }
0xb3: {  	_ =	task.clear_ibuf [dreg:s8], $0x6FFFF;
	_ =	strace $0x90000049  }
0xb4: {  	s29 =	simm.s32 $0x9;
	_ =	strace $0x8000004B  }
0xb5: {  	_ =	swait.ge [sflag:s29], $0x1  }
0xb6: {  	[sflag:s29] =	ssyncadd.s32 $0xFFFFFFFF  }
0xb7: {  	_ =	strace $0x9000004B  }
0xb8: {  	_ =	sfence  }
0xb9: {  	s30 =	sld [smem:$0x0];
	_ =	sdelay $0x2  }
0xba: {  	s31 =	sshll.u32 s1, $0xD;
	s1 =	sshrl.u32 s1, $0x2  }
0xbb: {  	s3 =	sand.u32 $0x4000, s31;
	s1 =	sadd.s32 s1, s30  }
0xbc: {  	s0 =	sor.u32 s3, s0;
	s1 =	sshll.u32 s1, $0x11  }
0xbd: {  	s0 =	sor.u32 s1, s0  }
0xbe: {  	s0 =	sadd.s32 $0x8F2B, s0  }
0xbf: {  	[sflag:s0] =	ssyncadd.remote.s32 $0x1  }
0xc0: {  	_ =	sfence.sel $0xFFFF  }
0xc1: {  	[dreg:$0x0] =	wrdreg $0xFFFFFFFF;
	(pc) =	sbr.abs _section_cstart, $3  }
0xc2: {  	[dreg:$0x1] =	wrdreg $0xFFFFFFFF  }
0xc3: {  	_ =	task.clear_ibuf [dreg:s8], $0x2FFFF;
	_ =	strace $0x9FFFFFFF  }
0xc4: {  	(tm) =	ssettm $0x7FFFFFFF  }
0xc5: {  	_ =	shalt  }
tec
execute0_lowered:
.L_overlay_start_1:
0x0: {  	(tag) =	ssettag $0x1  }
0x1: {  	s5 =	rddreg [dreg:$0x0]  }
0x2: {  	s1 =	rddreg [dreg:$0x1]  }
0x3: {  	s8 =	rddreg [dreg:$0x2]  }
0x4: {  	s0 =	rddreg [dreg:$0x3]  }
0x5: {  	s4 =	srdreg.scid;
	s3 =	simm.s32 $0x0;
	s2 =	stileid.u32  }
0x6: {  	s12 =	simm.s32 $0x4280;
	s13 =	simm.s32 $0x2200;
	s14 =	simm.s32 $0x200  }
0x7: {  	s15 =	simm.s32 $0x1;
	s16 =	simm.s32 $0x4290;
	s17 =	simm.s32 $0x0  }
0x8: {  	s4 =	sand.u32 $0x1, s4;
	[smem:$0x7FF] =	sst s3;
	s6 =	sshll.u32 s2, $0xA  }
0x9: {  	s7 =	sshll.u32 s4, $0x9;
	_ =	strace $0x8000004A;
	s31 =	ssub.s32 $0x2, s4  }
0xa: {  	s4 =	sadd.s32 $0x20E000, s5;
	s6 =	sor.u32 s7, s6;
	s11 =	sshrl.u32 s31, $0x1  }
0xb: {  	s7 =	sshll.u32 s6, $0x1;
	s9 =	sshrl.u32 s6, $0x3;
	s11 =	ssub.s32 s31, s11  }
0xc: {  	s7 =	sadd.s32 s7, s5;
	s10 =	sadd.s32 s9, s5;
	s5 =	sadd.s32 $0x205E00, s5  }
0xd: {  	v0 =	vlaneseq.u32;
	s8 =	sadd.s32 s8, s9;
	s9 =	smax.u32 s11, $0x1;
	s11 =	simm.s32 $0x2  }
0xe: {  	v54 =	vmul.u32 $0x10, v0;
	s6 =	sadd.s32 $0x3FA000, s10;
	s7 =	sadd.s32 $0x206000, s7;
	s10 =	simm.s32 $0x4200  }
.LBB2_1:
0xf: {  	[tilespmem:s10], [sflag:$0x2] =	stream.linear.gather [hbm4b:s5+s3], $0x80, $0x38;
	[tilespmem:$0x4490] =	vst v63  }
0x10: {  	_ =	swait.ge [sflag:s11], $0x80  }
0x11: {  	[sflag:s11] =	ssyncset.done $0x0  }
0x12: {  	[sflag:s11] =	ssyncadd.s32 $0xFFFFFF80  }
0x13: {  	[tilespmem:s12], [sflag:$0x2] =	stream.linear.gather [hbm4b:s1+s3], $0x10, $0x38;
	[tilespmem:$0x4490] =	vst v63  }
0x14: {  	_ =	swait.ge [sflag:s11], $0x10  }
0x15: {  	[sflag:s11] =	ssyncset.done $0x0  }
0x16: {  	[sflag:s11] =	ssyncadd.s32 $0xFFFFFFF0  }
0x17: {  	v26 =	vld [tilespmem:$0x4200]  }
0x18: {  	v27 =	vld [tilespmem:$0x4210]  }
0x19: {  	v25 =	vld [tilespmem:$0x4220]  }
0x1a: {  	v22 =	vld [tilespmem:$0x4230]  }
0x1b: {  	v18 =	vld [tilespmem:$0x4240]  }
0x1c: {  	v4 =	vld [tilespmem:$0x4250]  }
0x1d: {  	v52 =	vld [tilespmem:$0x4260]  }
0x1e: {  	v53 =	vld [tilespmem:$0x4270];
	[tilespmem:s3], [sflag:$0x2] =	stream.linear.gather [hbm4b:s6+s3], $0x200, $0x38  }
0x1f: {  	_ =	swait.ge [sflag:s11], $0x200  }
0x20: {  	v0 =	vmov s3;
	[sflag:s11] =	ssyncset.done $0x0  }
0x21: {  	v0 =	vshll.u32 v0, $0x4;
	[sflag:s11] =	ssyncadd.s32 $0xFFFFFE00  }
0x22: {  	v24 =	vor.u32 v54, v0;
	[tilespmem:s13], [sflag:$0x2] =	stream.linear.gather [hbm4b:s7+s3], $0x2000, $0x38;
	[tilespmem:$0x4490] =	vst v63  }
0x23: {  	v0 =	vor.u32 $0xF, v24;
	_ =	swait.ge [sflag:s11], $0x2000  }
0x24: {  	v3 =	vor.u32 $0x7, v24;
	[sflag:s11] =	ssyncset.done $0x0;
	[tilespmem:$0x1F710] =	vst v0  }
0x25: {  	[tilespmem:$0x1F670] =	vst v3;
	[sflag:s11] =	ssyncadd.s32 $0xFFFFE000  }
0x26: {  	[tilespmem:s14], [sflag:$0x1] =	stream.indirect.gather [hbm4b:s4+s14], $0x10, s3, s14, $0xb8;
	[tilespmem:$0x4490] =	vst v63  }
0x27: {  	v1 =	vor.u32 $0xE, v24;
	_ =	swait.ge [sflag:s15], $0x2000  }
0x28: {  	v5 =	vor.u32 $0x6, v24;
	v51 =	vbroadcast v26, $0x0;
	v59 =	vbroadcast v27, $0x0;
	[sflag:s15] =	ssyncset.done $0x0  }
0x29: {  	v2 =	vor.u32 $0xD, v24;
	v55 =	vbroadcast v26, $0x1;
	v15 =	vbroadcast v27, $0x1;
	[sflag:s15] =	ssyncadd.s32 $0xFFFFE000  }
0x2a: {  	v16 =	vor.u32 $0x5, v24;
	v50 =	vbroadcast v26, $0x2;
	v14 =	vbroadcast v27, $0x2;
	v9 =	vld.idx.msk [tilespmem:v0+s14+$0x0], $0xffff  }
0x2b: {  	v17 =	vor.u32 $0x4, v24;
	v56 =	vbroadcast v26, $0x3;
	v13 =	vbroadcast v27, $0x3;
	v10 =	vld.idx.msk [tilespmem:v3+s14+$0x0], $0xffff  }
0x2c: {  	v19 =	vor.u32 $0x3, v24;
	v57 =	vbroadcast v26, $0x4;
	v12 =	vbroadcast v27, $0x4;
	v21 =	vld.idx.msk [tilespmem:v1+s14+$0x0], $0xffff  }
0x2d: {  	v48 =	vbroadcast v26, $0x5;
	v11 =	vbroadcast v27, $0x5;
	v0 =	vor.u32 $0xC, v24;
	v23 =	vld.idx.msk [tilespmem:v5+s14+$0x0], $0xffff  }
0x2e: {  	v49 =	vbroadcast v26, $0x6;
	v7 =	vbroadcast v27, $0x6;
	[tilespmem:$0x1F700] =	vst v1;
	v1 =	vor.u32 $0xB, v24;
	v28 =	vld.idx.msk [tilespmem:v2+s14+$0x0], $0xffff  }
0x2f: {  	v47 =	vbroadcast v26, $0x7;
	v6 =	vbroadcast v27, $0x7;
	[tilespmem:$0x1F6F0] =	vst v2;
	v2 =	vor.u32 $0xA, v24;
	v29 =	vld.idx.msk [tilespmem:v16+s14+$0x0], $0xffff  }
0x30: {  	v44 =	vbroadcast v26, $0x8;
	v45 =	vbroadcast v26, $0x9;
	v3 =	vor.u32 $0x9, v24;
	v31 =	vld.idx.msk [tilespmem:v17+s14+$0x0], $0xffff  }
0x31: {  	v42 =	vbroadcast v26, $0xA;
	v43 =	vbroadcast v26, $0xB;
	v41 =	vld.idx.msk [tilespmem:v19+s14+$0x0], $0xffff  }
0x32: {  	v20 =	vor.u32 $0x2, v24;
	v46 =	vbroadcast v26, $0xC;
	v58 =	vbroadcast v27, $0xE;
	[tilespmem:$0x1F660] =	vst v5;
	v30 =	vld.idx.msk [tilespmem:v0+s14+$0x0], $0xffff  }
0x33: {  	v5 =	vbroadcast v26, $0xD;
	[tilespmem:$0x1F6D0] =	vst v0;
	v0 =	vor.u32 $0x8, v24;
	v32 =	vld.idx.msk [tilespmem:v1+s14+$0x0], $0xffff;
	v8 =	vadd.f32 v9, v10  }
0x34: {  	v33 =	vld.idx.msk [tilespmem:v2+s14+$0x0], $0xffff;
	v34 =	vmul.f32 v10, v10;
	v35 =	vmul.f32 v9, v9;
	v9 =	vadd.f32 v21, v23  }
0x35: {  	v36 =	vld.idx.msk [tilespmem:v3+s14+$0x0], $0xffff;
	v37 =	vmul.f32 v21, v21;
	v38 =	vmul.f32 v23, v23;
	v21 =	vor.u32 $0x1, v24  }
0x36: {  	[tilespmem:$0x1F6C0] =	vst v1;
	v10 =	vadd.f32 v28, v29;
	v28 =	vmul.f32 v28, v28;
	v29 =	vmul.f32 v29, v29  }
0x37: {  	[tilespmem:$0x1F6B0] =	vst v2;
	v1 =	vbroadcast v26, $0xF;
	v2 =	vbroadcast v27, $0x8  }
0x38: {  	[tilespmem:$0x1F6A0] =	vst v3;
	v3 =	vbroadcast v27, $0x9;
	v35 =	vadd.f32 v35, v37;
	v39 =	vld.idx.msk [tilespmem:v0+s14+$0x0], $0xffff;
	v40 =	vmul.f32 v30, v30  }
0x39: {  	v23 =	vadd.f32 v30, v31;
	v30 =	vmul.f32 v31, v31;
	v31 =	vld.idx.msk [tilespmem:v20+s14+$0x0], $0xffff;
	v60 =	vmul.f32 v32, v32  }
0x3a: {  	v34 =	vadd.f32 v34, v38;
	v61 =	vmul.f32 v33, v33;
	v62 =	vmul.f32 v36, v36;
	v37 =	vld.idx.msk [tilespmem:v21+s14+$0x0], $0xffff  }
0x3b: {  	[tilespmem:$0x1F680] =	vst v0;
	v38 =	vld.idx.msk [tilespmem:v24+s14+$0x0], $0xffff;
	v0 =	vbroadcast v26, $0xE;
	v26 =	vadd.f32 v32, v41;
	v32 =	vmul.f32 v41, v41  }
0x3c: {  	v41 =	vbroadcast v27, $0xB;
	v28 =	vadd.f32 v28, v40;
	v29 =	vadd.f32 v29, v30  }
0x3d: {  	v30 =	vadd.f32 v60, v61;
	v61 =	vbroadcast v27, $0xD;
	v60 =	vbroadcast v27, $0xF  }
0x3e: {  	v28 =	vadd.f32 v35, v28;
	v29 =	vadd.f32 v34, v29;
	v63 =	vmul.f32 v39, v39  }
0x3f: {  	v33 =	vadd.f32 v33, v31;
	v31 =	vmul.f32 v31, v31;
	v34 =	vadd.f32 v36, v37  }
0x40: {  	v36 =	vadd.f32 v39, v38;
	v35 =	vadd.f32 v62, v63;
	v62 =	vbroadcast v27, $0xA  }
0x41: {  	v63 =	vbroadcast v27, $0xC;
	v31 =	vadd.f32 v32, v31;
	v32 =	vmul.f32 v38, v38  }
0x42: {  	[tilespmem:$0x1FBE0] =	vst v56;
	v40 =	vmul.f32 v34, v58;
	v38 =	vmul.f32 v36, v1  }
0x43: {  	[tilespmem:$0x1FB60] =	vst v46;
	v39 =	vmul.f32 v36, v46;
	v46 =	vmul.f32 v36, v5  }
0x44: {  	[tilespmem:$0x1FB20] =	vst v1;
	v56 =	vmul.f32 v36, v56;
	v1 =	vbroadcast v25, $0xD;
	v30 =	vadd.f32 v30, v35  }
0x45: {  	[tilespmem:$0x1FB30] =	vst v5;
	v5 =	vbroadcast v25, $0xC;
	v35 =	vmul.f32 v37, v37  }
0x46: {  	v37 =	vmul.f32 v34, v61;
	v27 =	vadd.f32 v28, v30;
	v28 =	vmul.f32 v34, v60  }
0x47: {  	[tilespmem:$0x1FBA0] =	vst v44;
	v30 =	vmul.f32 v36, v0;
	v32 =	vadd.f32 v35, v32;
	v35 =	vmul.f32 v34, v63  }
0x48: {  	[tilespmem:$0x1FB50] =	vst v43;
	v37 =	vadd.f32 v37, v46;
	v46 =	vmul.f32 v36, v43;
	v43 =	vmul.f32 v36, v44  }
0x49: {  	[tilespmem:$0x1FB70] =	vst v45;
	v44 =	vmul.f32 v36, v45;
	v45 =	vmul.f32 v34, v12  }
0x4a: {  	[tilespmem:$0x1FB40] =	vst v0;
	v0 =	vbroadcast v25, $0x9;
	v28 =	vadd.f32 v28, v38;
	v38 =	vmul.f32 v34, v62  }
0x4b: {  	[tilespmem:$0x1FA20] =	vst v41;
	v35 =	vadd.f32 v35, v39;
	v39 =	vmul.f32 v34, v41;
	v41 =	vmul.f32 v36, v42  }
0x4c: {  	[tilespmem:$0x1FB80] =	vst v42;
	v30 =	vadd.f32 v40, v30;
	v40 =	vmul.f32 v34, v2;
	v42 =	vmul.f32 v34, v7  }
0x4d: {  	[tilespmem:$0x1FA30] =	vst v2;
	v31 =	vadd.f32 v31, v32;
	v32 =	vmul.f32 v34, v14;
	v2 =	vbroadcast v25, $0xF  }
0x4e: {  	v38 =	vadd.f32 v38, v41;
	v41 =	vmul.f32 v34, v3;
	v39 =	vadd.f32 v39, v46  }
0x4f: {  	[tilespmem:$0x1FBC0] =	vst v48;
	v40 =	vadd.f32 v40, v43;
	v43 =	vmul.f32 v34, v6;
	v46 =	vmul.f32 v36, v47  }
0x50: {  	[tilespmem:$0x1FB90] =	vst v47;
	v47 =	vmul.f32 v36, v48;
	v41 =	vadd.f32 v41, v44;
	v44 =	vmul.f32 v34, v11  }
0x51: {  	[tilespmem:$0x1FA50] =	vst v3;
	v48 =	vmul.f32 v36, v49;
	v3 =	vbroadcast v25, $0xE;
	v43 =	vadd.f32 v43, v46  }
0x52: {  	[tilespmem:$0x1FC10] =	vst v51;
	v46 =	vmul.f32 v34, v13;
	v44 =	vadd.f32 v44, v47;
	v47 =	vmul.f32 v34, v59  }
0x53: {  	[tilespmem:$0x1FAE0] =	vst v59;
	v34 =	vmul.f32 v34, v15;
	v59 =	vmul.f32 v36, v57  }
0x54: {  	[tilespmem:$0x1FBD0] =	vst v57;
	v46 =	vadd.f32 v46, v56;
	v56 =	vmul.f32 v36, v50;
	v57 =	vmul.f32 v36, v55  }
0x55: {  	[tilespmem:$0x1FC00] =	vst v55;
	v29 =	vadd.f32 v29, v31;
	v36 =	vmul.f32 v36, v51;
	v55 =	vmul.f32 v33, v1  }
0x56: {  	[tilespmem:$0x1FF70] =	vst v1;
	v1 =	vbroadcast v25, $0xA;
	v51 =	vbroadcast v25, $0x5;
	v45 =	vadd.f32 v45, v59  }
0x57: {  	v34 =	vadd.f32 v34, v57;
	v32 =	vadd.f32 v32, v56;
	v59 =	vmul.f32 v33, v2  }
0x58: {  	[tilespmem:$0x1FF60] =	vst v2;
	v36 =	vadd.f32 v47, v36;
	v2 =	vbroadcast v25, $0xB;
	v56 =	vmul.f32 v33, v3  }
0x59: {  	[tilespmem:$0x1FFC0] =	vst v0;
	v37 =	vadd.f32 v55, v37;
	v55 =	vmul.f32 v33, v0;
	v0 =	vbroadcast v25, $0x8  }
0x5a: {  	[tilespmem:$0x1FF90] =	vst v3;
	v3 =	vbroadcast v18, $0xC;
	v47 =	vbroadcast v18, $0x5;
	v28 =	vadd.f32 v59, v28  }
0x5b: {  	[tilespmem:$0x1FBF0] =	vst v50;
	v57 =	vmul.f32 v33, v2;
	v30 =	vadd.f32 v56, v30;
	v59 =	vmul.f32 v33, v5  }
0x5c: {  	[tilespmem:$0x1FFA0] =	vst v2;
	v56 =	vmul.f32 v33, v1;
	v41 =	vadd.f32 v55, v41;
	v55 =	vmul.f32 v33, v0  }
0x5d: {  	[tilespmem:$0x1FFF0] =	vst v0;
	v0 =	vbroadcast v22, $0xE;
	v2 =	vbroadcast v4, $0x0;
	v39 =	vadd.f32 v57, v39  }
0x5e: {  	[tilespmem:$0x1FFE0] =	vst v1;
	v35 =	vadd.f32 v59, v35;
	v57 =	vbroadcast v25, $0x6;
	v59 =	vbroadcast v25, $0x7  }
0x5f: {  	[tilespmem:$0x1F490] =	vst v51;
	v1 =	vbroadcast v22, $0xF;
	v38 =	vadd.f32 v56, v38;
	v56 =	vbroadcast v25, $0x4  }
0x60: {  	v42 =	vadd.f32 v42, v48;
	[tilespmem:$0x1F460] =	vst v57;
	v31 =	vmul.f32 v33, v57;
	v57 =	vmul.f32 v33, v59  }
0x61: {  	v40 =	vadd.f32 v55, v40;
	[tilespmem:$0x1F470] =	vst v59;
	v59 =	vbroadcast v25, $0x2;
	v55 =	vmul.f32 v33, v56  }
0x62: {  	[tilespmem:$0x1F480] =	vst v56;
	v56 =	vbroadcast v25, $0x0;
	v43 =	vadd.f32 v57, v43;
	v57 =	vmul.f32 v33, v51  }
0x63: {  	v31 =	vadd.f32 v31, v42;
	v51 =	vbroadcast v25, $0x3;
	[tilespmem:$0x1F4A0] =	vst v59;
	v59 =	vmul.f32 v33, v59  }
0x64: {  	v42 =	vadd.f32 v55, v45;
	v55 =	vbroadcast v22, $0x0;
	[tilespmem:$0x1F4B0] =	vst v56;
	v56 =	vmul.f32 v33, v56  }
0x65: {  	[tilespmem:$0x1FBB0] =	vst v49;
	v45 =	vbroadcast v18, $0x1;
	v44 =	vadd.f32 v57, v44;
	v57 =	vbroadcast v25, $0x1  }
0x66: {  	[tilespmem:$0x1FEF0] =	vst v0;
	v32 =	vadd.f32 v59, v32;
	v25 =	vmul.f32 v33, v51;
	v59 =	vbroadcast v18, $0x0  }
0x67: {  	[tilespmem:$0x1F4D0] =	vst v55;
	v50 =	vmul.f32 v26, v55;
	v55 =	vmul.f32 v26, v0  }
0x68: {  	[tilespmem:$0x1FE30] =	vst v2;
	v36 =	vadd.f32 v56, v36;
	v56 =	vmul.f32 v10, v2;
	v0 =	vbroadcast v22, $0xC  }
0x69: {  	[tilespmem:$0x1FF00] =	vst v1;
	v2 =	vbroadcast v53, $0x0;
	v33 =	vmul.f32 v33, v57  }
0x6a: {  	[tilespmem:$0x1F4C0] =	vst v51;
	v36 =	vadd.f32 v50, v36;
	v51 =	vmul.f32 v23, v59;
	v50 =	vbroadcast v52, $0x0  }
0x6b: {  	v27 =	vadd.f32 v27, v29;
	[tilespmem:$0x1F4E0] =	vst v57;
	v57 =	vmul.f32 v26, v1;
	v1 =	vbroadcast v22, $0xD  }
0x6c: {  	v25 =	vadd.f32 v25, v46;
	[tilespmem:$0x1FF10] =	vst v0;
	v48 =	vmul.f32 v26, v0;
	v0 =	vbroadcast v22, $0xA  }
0x6d: {  	v30 =	vadd.f32 v55, v30;
	[tilespmem:$0x1FDA0] =	vst v2;
	v49 =	vmul.f32 v8, v2;
	v2 =	vbroadcast v22, $0xB  }
0x6e: {  	v55 =	vbroadcast v22, $0x8;
	v46 =	vbroadcast v22, $0x7;
	v33 =	vadd.f32 v33, v34  }
0x6f: {  	[tilespmem:$0x1F4F0] =	vst v59;
	v36 =	vadd.f32 v51, v36;
	v59 =	vmul.f32 v9, v50;
	v28 =	vadd.f32 v57, v28  }
0x70: {  	v34 =	vadd.f32 v48, v35;
	v51 =	vmul.f32 v26, v1;
	v57 =	vmul.f32 v26, v2  }
0x71: {  	[tilespmem:$0x1FF20] =	vst v1;
	v48 =	vbroadcast v22, $0x4;
	v1 =	vbroadcast v18, $0xD;
	v36 =	vadd.f32 v56, v36  }
0x72: {  	v24 =	vld.idx.msk [tilespmem:v24+s13+$0x0], $0xffff;
	[tilespmem:$0x1FF30] =	vst v0;
	v56 =	vmul.f32 v26, v0;
	v35 =	vadd.f32 v51, v37;
	v0 =	vbroadcast v22, $0x9  }
0x73: {  	[tilespmem:$0x1FF40] =	vst v2;
	v2 =	vbroadcast v18, $0xE;
	v37 =	vadd.f32 v57, v39;
	v36 =	vadd.f32 v59, v36  }
0x74: {  	v38 =	vadd.f32 v56, v38;
	v59 =	vmul.f32 v26, v0;
	v56 =	vbroadcast v22, $0x5  }
0x75: {  	v57 =	vbroadcast v22, $0x6;
	[tilespmem:$0x1FF50] =	vst v0;
	v0 =	vbroadcast v18, $0xF;
	v36 =	vadd.f32 v49, v36  }
0x76: {  	v39 =	vadd.f32 v59, v41;
	v59 =	vbroadcast v22, $0x3;
	v29 =	vmul.f32 v26, v56  }
0x77: {  	[tilespmem:$0x1F5B0] =	vst v47;
	v49 =	vbroadcast v22, $0x1;
	v36 =	vmul.f32 v36, v24  }
0x78: {  	[tilespmem:$0x1F500] =	vst v55;
	v24 =	vmul.f32 v26, v55;
	v55 =	vbroadcast v22, $0x2  }
0x79: {  	v29 =	vadd.f32 v29, v44;
	[tilespmem:$0x1F540] =	vst v59;
	v22 =	vmul.f32 v26, v59;
	v59 =	vbroadcast v18, $0x4  }
0x7a: {  	[tilespmem:$0x1F5D0] =	vst v45;
	v40 =	vadd.f32 v24, v40;
	v24 =	vmul.f32 v26, v46;
	v51 =	vmul.f32 v26, v55  }
0x7b: {  	[tilespmem:$0x1F570] =	vst v49;
	v44 =	vadd.f32 v22, v25;
	v22 =	vmul.f32 v26, v49;
	v25 =	vmul.f32 v23, v2  }
0x7c: {  	[tilespmem:$0x1F560] =	vst v55;
	v55 =	vbroadcast v18, $0x7;
	v49 =	vbroadcast v18, $0x3  }
0x7d: {  	[tilespmem:$0x1FE60] =	vst v2;
	v2 =	vbroadcast v53, $0x2;
	v41 =	vadd.f32 v24, v43;
	v24 =	vmul.f32 v26, v57  }
0x7e: {  	[tilespmem:$0x1FE70] =	vst v0;
	v33 =	vadd.f32 v22, v33;
	v22 =	vmul.f32 v23, v0;
	v0 =	vbroadcast v18, $0xB  }
0x7f: {  	[tilespmem:$0x1F530] =	vst v57;
	v57 =	vbroadcast v18, $0x6;
	v43 =	vbroadcast v52, $0x2;
	v31 =	vadd.f32 v24, v31  }
0x80: {  	[tilespmem:$0x1F550] =	vst v48;
	v24 =	vmul.f32 v26, v48;
	v22 =	vadd.f32 v22, v28;
	v26 =	vmul.f32 v23, v0  }
0x81: {  	[tilespmem:$0x1FEC0] =	vst v0;
	v28 =	vadd.f32 v25, v30;
	v0 =	vbroadcast v18, $0xA;
	v25 =	vmul.f32 v23, v3  }
0x82: {  	[tilespmem:$0x1F590] =	vst v57;
	v48 =	vmul.f32 v23, v57;
	v57 =	vmul.f32 v23, v45  }
0x83: {  	[tilespmem:$0x1FEA0] =	vst v1;
	v45 =	vbroadcast v4, $0x2;
	v42 =	vadd.f32 v24, v42;
	v24 =	vmul.f32 v23, v1  }
0x84: {  	[tilespmem:$0x1F520] =	vst v56;
	v1 =	vbroadcast v18, $0x9;
	v56 =	vmul.f32 v23, v0  }
0x85: {  	[tilespmem:$0x1FEB0] =	vst v0;
	v31 =	vadd.f32 v48, v31;
	v0 =	vbroadcast v4, $0xE;
	v48 =	vmul.f32 v10, v45  }
0x86: {  	v25 =	vadd.f32 v25, v34;
	[tilespmem:$0x1FEE0] =	vst v1;
	v30 =	vmul.f32 v23, v1;
	v1 =	vbroadcast v18, $0x8  }
0x87: {  	[tilespmem:$0x1F580] =	vst v55;
	v24 =	vadd.f32 v24, v35;
	v35 =	vmul.f32 v23, v55;
	v55 =	vbroadcast v18, $0x2  }
0x88: {  	[tilespmem:$0x1F5C0] =	vst v49;
	v34 =	vadd.f32 v56, v38;
	v18 =	vmul.f32 v23, v47;
	v56 =	vmul.f32 v23, v49  }
0x89: {  	v32 =	vadd.f32 v51, v32;
	[tilespmem:$0x1F600] =	vst v45;
	v47 =	vbroadcast v52, $0x1;
	v49 =	vbroadcast v4, $0x3  }
0x8a: {  	v51 =	vadd.f32 v26, v37;
	[tilespmem:$0x1FDC0] =	vst v0;
	v45 =	vmul.f32 v10, v0;
	v0 =	vbroadcast v4, $0xA  }
0x8b: {  	[tilespmem:$0x1F510] =	vst v46;
	v30 =	vadd.f32 v30, v39;
	v46 =	vmul.f32 v23, v1;
	v39 =	vmul.f32 v23, v59  }
0x8c: {  	[tilespmem:$0x1F5A0] =	vst v59;
	v29 =	vadd.f32 v18, v29;
	v18 =	vmul.f32 v23, v55;
	v59 =	vbroadcast v4, $0x1  }
0x8d: {  	[tilespmem:$0x1FED0] =	vst v1;
	v23 =	vadd.f32 v57, v33;
	v33 =	vadd.f32 v56, v44;
	v1 =	vbroadcast v53, $0x1  }
0x8e: {  	v56 =	vadd.f32 v45, v28;
	v37 =	vadd.f32 v46, v40;
	v46 =	vmul.f32 v10, v59  }
0x8f: {  	v28 =	vmul.f32 v10, v49;
	v44 =	vbroadcast v52, $0x3;
	v18 =	vadd.f32 v18, v32  }
0x90: {  	v21 =	vld.idx.msk [tilespmem:v21+s13+$0x0], $0xffff;
	v57 =	vmul.f32 v9, v43;
	v23 =	vadd.f32 v46, v23;
	v46 =	vmul.f32 v9, v47  }
0x91: {  	[tilespmem:$0x1FE10] =	vst v0;
	v38 =	vadd.f32 v39, v42;
	v39 =	vadd.f32 v48, v18;
	v48 =	vmul.f32 v10, v0  }
0x92: {  	[tilespmem:$0x1F610] =	vst v49;
	v28 =	vadd.f32 v28, v33;
	v49 =	vmul.f32 v8, v1;
	v23 =	vadd.f32 v46, v23  }
0x93: {  	v20 =	vld.idx.msk [tilespmem:v20+s13+$0x0], $0xffff;
	[tilespmem:$0x1F5F0] =	vst v59;
	v59 =	vmul.f32 v9, v44;
	v0 =	vbroadcast v53, $0x3;
	v18 =	vadd.f32 v48, v34  }
0x94: {  	v34 =	vadd.f32 v57, v39;
	v23 =	vadd.f32 v49, v23;
	v49 =	vmul.f32 v8, v2  }
0x95: {  	v19 =	vld.idx.msk [tilespmem:v19+s13+$0x0], $0xffff;
	v42 =	vadd.f32 $0.0e+00, v36;
	v28 =	vadd.f32 v59, v28  }
0x96: {  	v59 =	vmul.f32 v8, v0;
	v33 =	vadd.f32 v49, v34;
	v21 =	vmul.f32 v23, v21;
	_ =	sdelay $0x1  }
0x97: {  	v28 =	vadd.f32 v59, v28;
	v20 =	vmul.f32 v33, v20;
	v21 =	vadd.f32 v42, v21;
	_ =	sdelay $0x1  }
0x98: {  	[tilespmem:$0x1FD20] =	vst v0;
	v0 =	vbroadcast v4, $0x8;
	v19 =	vmul.f32 v19, v28;
	v20 =	vadd.f32 v21, v20;
	_ =	sdelay $0x1  }
0x99: {  	[tilespmem:$0x1FE50] =	vst v0;
	v19 =	vadd.f32 v20, v19;
	v20 =	vmul.f32 v10, v0;
	v0 =	vld [tilespmem:$0x1F660];
	_ =	sdelay $0x7  }
0x9a: {  	[tilespmem:$0x1FAB0] =	vst v14;
	v14 =	vld.idx.msk [tilespmem:v0+s13+$0x0], $0xffff  }
0x9b: {  	v0 =	vld [tilespmem:$0x1F670];
	_ =	sdelay $0x7  }
0x9c: {  	[tilespmem:$0x1FA90] =	vst v12;
	v12 =	vld.idx.msk [tilespmem:v0+s13+$0x0], $0xffff  }
0x9d: {  	v0 =	vld [tilespmem:$0x1F680];
	_ =	sdelay $0x2  }
0x9e: {  	[tilespmem:$0x1F5E0] =	vst v55;
	v55 =	vbroadcast v4, $0x4;
	_ =	sdelay $0x1  }
0x9f: {  	v45 =	vbroadcast v52, $0x4;
	v48 =	vmul.f32 v10, v55  }
0xa0: {  	v26 =	vbroadcast v53, $0xB;
	[tilespmem:$0x1FD60] =	vst v1;
	v1 =	vbroadcast v53, $0x4  }
0xa1: {  	v17 =	vld.idx.msk [tilespmem:v17+s13+$0x0], $0xffff;
	[tilespmem:$0x1F620] =	vst v55;
	v46 =	vbroadcast v4, $0x5;
	v55 =	vmul.f32 v9, v45;
	v38 =	vadd.f32 v48, v38  }
0xa2: {  	[tilespmem:$0x1FAF0] =	vst v15;
	v36 =	vbroadcast v52, $0x8;
	v32 =	vbroadcast v53, $0xA;
	v15 =	vld.idx.msk [tilespmem:v0+s13+$0x0], $0xffff  }
0xa3: {  	v57 =	vmul.f32 v10, v46;
	v23 =	vadd.f32 v55, v38;
	v38 =	vbroadcast v52, $0x5;
	v0 =	vld [tilespmem:$0x1F6A0]  }
0xa4: {  	v35 =	vadd.f32 v35, v41;
	v41 =	vmul.f32 v8, v1;
	[tilespmem:$0x1F630] =	vst v46;
	v46 =	vbroadcast v4, $0x6  }
0xa5: {  	[tilespmem:$0x1FD40] =	vst v1;
	v1 =	vbroadcast v53, $0x5;
	v29 =	vadd.f32 v57, v29;
	v28 =	vmul.f32 v9, v38  }
0xa6: {  	v39 =	vbroadcast v52, $0x6;
	v48 =	vmul.f32 v10, v46;
	v23 =	vadd.f32 v41, v23  }
0xa7: {  	[tilespmem:$0x1FD80] =	vst v2;
	v2 =	vbroadcast v53, $0x6;
	v49 =	vbroadcast v4, $0x7;
	v28 =	vadd.f32 v28, v29  }
0xa8: {  	v17 =	vmul.f32 v17, v23;
	v23 =	vadd.f32 v48, v31;
	v29 =	vmul.f32 v9, v39  }
0xa9: {  	v16 =	vld.idx.msk [tilespmem:v16+s13+$0x0], $0xffff;
	v55 =	vbroadcast v52, $0x7;
	v21 =	vmul.f32 v10, v49  }
0xaa: {  	[tilespmem:$0x1FAD0] =	vst v13;
	v59 =	vbroadcast v53, $0x7;
	v23 =	vadd.f32 v29, v23;
	v29 =	vmul.f32 v8, v1  }
0xab: {  	[tilespmem:$0x1F640] =	vst v46;
	v46 =	vbroadcast v4, $0xD;
	v31 =	vmul.f32 v9, v55;
	v21 =	vadd.f32 v21, v35;
	v13 =	vld.idx.msk [tilespmem:v0+s13+$0x0], $0xffff  }
0xac: {  	[tilespmem:$0x1FCE0] =	vst v1;
	v1 =	vbroadcast v4, $0x9;
	v28 =	vadd.f32 v29, v28;
	v29 =	vmul.f32 v8, v2;
	v0 =	vld [tilespmem:$0x1F6B0]  }
0xad: {  	v21 =	vadd.f32 v31, v21;
	v20 =	vadd.f32 v20, v37;
	v31 =	vmul.f32 v9, v36  }
0xae: {  	v17 =	vadd.f32 v19, v17;
	v16 =	vmul.f32 v16, v28;
	v19 =	vadd.f32 v29, v23  }
0xaf: {  	v20 =	vadd.f32 v31, v20;
	v23 =	vmul.f32 v10, v1;
	v31 =	vbroadcast v52, $0x9  }
0xb0: {  	v42 =	vbroadcast v53, $0x9;
	v28 =	vshra.s32 v27, $0x1;
	v27 =	vmul.f32 $5.000000000e-01, v27  }
0xb1: {  	v23 =	vadd.f32 v23, v30;
	v16 =	vadd.f32 v17, v16;
	v17 =	vmul.f32 v9, v31  }
0xb2: {  	[tilespmem:$0x1F650] =	vst v49;
	v49 =	vbroadcast v53, $0x8;
	v28 =	vsub.s32 $0x5F3759DF, v28;
	v14 =	vmul.f32 v14, v19  }
0xb3: {  	v29 =	vmul.f32 v8, v59;
	v30 =	vmul.f32 v28, v27;
	v17 =	vadd.f32 v17, v23  }
0xb4: {  	[tilespmem:$0x1FAA0] =	vst v11;
	v23 =	vbroadcast v4, $0xB;
	v14 =	vadd.f32 v16, v14;
	v16 =	vmul.f32 v8, v49;
	v11 =	vld.idx.msk [tilespmem:v0+s13+$0x0], $0xffff  }
0xb5: {  	v19 =	vadd.f32 v29, v21;
	v21 =	vmul.f32 v28, v30;
	v29 =	vbroadcast v52, $0xA;
	v0 =	vld [tilespmem:$0x1F6C0]  }
0xb6: {  	v48 =	vbroadcast v4, $0xC;
	[tilespmem:$0x1FE00] =	vst v1;
	v1 =	vld [tilespmem:$0x1F6D0];
	v16 =	vadd.f32 v16, v20;
	v20 =	vmul.f32 v10, v23  }
0xb7: {  	v12 =	vmul.f32 v12, v19;
	v19 =	vsub.f32 $1.500000000e+00, v21;
	v21 =	vmul.f32 v9, v29  }
0xb8: {  	[tilespmem:$0x1F690] =	vst v23;
	v30 =	vbroadcast v52, $0xB;
	v23 =	vmul.f32 v8, v42  }
0xb9: {  	v20 =	vadd.f32 v20, v51;
	v21 =	vadd.f32 v21, v18;
	v18 =	vbroadcast v53, $0xC  }
0xba: {  	v12 =	vadd.f32 v14, v12;
	v14 =	vmul.f32 v15, v16;
	v15 =	vmul.f32 v9, v30  }
0xbb: {  	v41 =	vbroadcast v52, $0xC;
	v16 =	vadd.f32 v23, v17;
	v17 =	vmul.f32 v10, v48  }
0xbc: {  	[tilespmem:$0x1FA60] =	vst v7;
	v7 =	vmul.f32 v8, v18;
	v15 =	vadd.f32 v15, v20;
	v20 =	vmul.f32 v8, v32  }
0xbd: {  	v17 =	vadd.f32 v17, v25;
	v12 =	vadd.f32 v12, v14;
	v14 =	vmul.f32 v9, v41;
	v0 =	vld.idx.msk [tilespmem:v0+s13+$0x0], $0xffff  }
0xbe: {  	v1 =	vld.idx.msk [tilespmem:v1+s13+$0x0], $0xffff;
	v13 =	vmul.f32 v13, v16;
	v16 =	vadd.f32 v20, v21;
	v20 =	vmul.f32 v8, v26  }
0xbf: {  	v23 =	vmul.f32 v10, v46;
	v25 =	vbroadcast v52, $0xD;
	v14 =	vadd.f32 v14, v17  }
0xc0: {  	v12 =	vadd.f32 v12, v13;
	v15 =	vadd.f32 v20, v15;
	v11 =	vmul.f32 v11, v16  }
0xc1: {  	v17 =	vadd.f32 v23, v24;
	v7 =	vadd.f32 v7, v14  }
0xc2: {  	[tilespmem:$0x1FD00] =	vst v2;
	v2 =	vld [tilespmem:$0x1F6F0];
	v13 =	vmul.f32 v9, v25;
	v11 =	vadd.f32 v12, v11;
	v0 =	vmul.f32 v0, v15  }
0xc3: {  	v19 =	vmul.f32 v28, v19;
	v1 =	vmul.f32 v1, v7  }
0xc4: {  	v13 =	vadd.f32 v13, v17;
	v17 =	vbroadcast v4, $0xF;
	v4 =	vld [tilespmem:$0x1F700];
	v0 =	vadd.f32 v11, v0;
	_ =	sdelay $0x1  }
0xc5: {  	v21 =	vmul.f32 v19, v27;
	v0 =	vadd.f32 v0, v1;
	v1 =	vld [tilespmem:$0x1F710]  }
0xc6: {  	v20 =	vbroadcast v52, $0xE  }
0xc7: {  	v10 =	vmul.f32 v10, v17;
	v16 =	vmul.f32 v21, v19  }
0xc8: {  	[tilespmem:$0x1F6E0] =	vst v17;
	v17 =	vbroadcast v53, $0xD;
	v15 =	vmul.f32 v9, v20  }
0xc9: {  	[tilespmem:$0x1FE90] =	vst v3;
	v2 =	vld.idx.msk [tilespmem:v2+s13+$0x0], $0xffff;
	v3 =	vadd.f32 v10, v22;
	v12 =	vsub.f32 $1.500000000e+00, v16;
	v16 =	vbroadcast v53, $0xE  }
0xca: {  	v10 =	vmul.f32 v8, v17;
	v14 =	vadd.f32 v15, v56;
	v15 =	vbroadcast v52, $0xF  }
0xcb: {  	[tilespmem:$0x1FA80] =	vst v6;
	v12 =	vmul.f32 v12, v19;
	v6 =	vld.idx.msk [tilespmem:v4+s13+$0x0], $0xffff;
	v4 =	vmul.f32 v8, v16  }
0xcc: {  	v7 =	vmul.f32 v9, v15;
	v9 =	vadd.f32 v10, v13;
	v10 =	vbroadcast v53, $0xF  }
0xcd: {  	[tilespmem:$0x1FFB0] =	vst v5;
	v5 =	vmul.f32 v12, v27;
	v4 =	vadd.f32 v4, v14;
	v1 =	vld.idx.msk [tilespmem:v1+s13+$0x0], $0xffff  }
0xce: {  	v3 =	vadd.f32 v7, v3;
	v2 =	vmul.f32 v2, v9;
	v7 =	vmul.f32 v8, v10  }
0xcf: {  	v5 =	vmul.f32 v5, v12  }
0xd0: {  	v0 =	vadd.f32 v0, v2;
	v2 =	vmul.f32 v6, v4;
	v3 =	vadd.f32 v7, v3  }
0xd1: {  	v4 =	vsub.f32 $1.500000000e+00, v5  }
0xd2: {  	v0 =	vadd.f32 v0, v2;
	v1 =	vmul.f32 v1, v3  }
0xd3: {  	v2 =	vmul.f32 v4, v12  }
0xd4: {  	v0 =	vadd.f32 v0, v1  }
0xd5: {  	v1 =	vmin.f32 v2, $1.000000000e+00  }
0xd6: {  	v0 =	vmul.f32 v1, v0;
	_ =	sdelay $0x1  }
0xd7: {  	v0 =	vsub.f32 $0.0e+00, v0;
	_ =	sdelay $0x1  }
0xd8: {  	v0 =	vmul.f32 $1.442695020e+00, v0;
	_ =	sdelay $0x1  }
0xd9: {  	(erf) = vpow2.f32 v0;
	_ =	sdelay $0x8  }
0xda: {  	v0 =	vpop (erf)  }
0xdb: {  	v0 =	vadd.f32 $1.000000000e+00, v0;
	_ =	sdelay $0x1  }
0xdc: {  	(erf) = vrcp.f32 v0;
	_ =	sdelay $0x1  }
0xdd: {  	s18 =	simm.s32 $0x10  }
0xde: {  	v0 =	vmov s18  }
0xdf: {  	v0 =	vshll.u32 v0, $0x4  }
0xe0: {  	v28 =	vor.u32 v54, v0  }
0xe1: {  	v1 =	vor.u32 $0xE, v28  }
0xe2: {  	v2 =	vor.u32 $0x6, v28;
	_ =	sdelay $0x1  }
0xe3: {  	v0 =	vpop (erf)  }
0xe4: {  	[tilespmem:s16+$0x0] =	vst v0  }
0xe5: {  	v0 =	vld.idx.msk [tilespmem:v1+s14+$0x0], $0xffff  }
0xe6: {  	[tilespmem:$0x1F730] =	vst v1;
	v1 =	vld.idx.msk [tilespmem:v2+s14+$0x0], $0xffff;
	_ =	sdelay $0x4  }
0xe7: {  	[tilespmem:$0x1F740] =	vst v2;
	v2 =	vadd.f32 v0, v1  }
0xe8: {  	v4 =	vor.u32 $0x9, v28  }
0xe9: {  	v3 =	vmul.f32 v2, v25;
	_ =	sdelay $0x1  }
0xea: {  	[tilespmem:$0x1F780] =	vst v3;
	v3 =	vmul.f32 v2, v20  }
0xeb: {  	v5 =	vor.u32 $0x1, v28;
	[tilespmem:$0x1F7B0] =	vst v4  }
0xec: {  	[tilespmem:$0x1F7A0] =	vst v3;
	v3 =	vld.idx.msk [tilespmem:v4+s14+$0x0], $0xffff;
	v4 =	vmul.f32 v2, v30;
	_ =	sdelay $0x1  }
0xed: {  	[tilespmem:$0x1F7D0] =	vst v4;
	v4 =	vmul.f32 v2, v41  }
0xee: {  	[tilespmem:$0x1F800] =	vst v5  }
0xef: {  	[tilespmem:$0x1F7F0] =	vst v4;
	v4 =	vld.idx.msk [tilespmem:v5+s14+$0x0], $0xffff;
	v5 =	vmul.f32 v2, v31;
	_ =	sdelay $0x1  }
0xf0: {  	[tilespmem:$0x1F820] =	vst v5;
	v5 =	vmul.f32 v2, v29;
	_ =	sdelay $0x1  }
0xf1: {  	[tilespmem:$0x1F840] =	vst v5;
	v5 =	vmul.f32 v2, v55;
	_ =	sdelay $0x1  }
0xf2: {  	[tilespmem:$0x1F860] =	vst v5;
	v5 =	vmul.f32 v2, v36;
	_ =	sdelay $0x1  }
0xf3: {  	[tilespmem:$0x1F880] =	vst v5;
	v5 =	vmul.f32 v2, v38  }
0xf4: {  	v51 =	vmul.f32 v1, v1;
	v1 =	vmul.f32 v2, v15  }
0xf5: {  	[tilespmem:$0x1F8A0] =	vst v5;
	v5 =	vmul.f32 v2, v39  }
0xf6: {  	[tilespmem:$0x1F760] =	vst v1;
	v1 =	vor.u32 $0xF, v28  }
0xf7: {  	[tilespmem:$0x1F8C0] =	vst v5;
	v5 =	vmul.f32 v2, v44;
	_ =	sdelay $0x1  }
0xf8: {  	[tilespmem:$0x1F8E0] =	vst v5;
	v5 =	vmul.f32 v2, v45  }
0xf9: {  	[tilespmem:$0x1F910] =	vst v1  }
0xfa: {  	[tilespmem:$0x1F900] =	vst v5;
	v5 =	vld.idx.msk [tilespmem:v1+s14+$0x0], $0xffff;
	v1 =	vmul.f32 v2, v47  }
0xfb: {  	v14 =	vld [tilespmem:$0x1FA20]  }
0xfc: {  	[tilespmem:$0x1F930] =	vst v1;
	v1 =	vmul.f32 v2, v43;
	_ =	sdelay $0x1  }
0xfd: {  	v6 =	vadd.f32 v3, v4;
	[tilespmem:$0x1F950] =	vst v1;
	v1 =	vmul.f32 v2, v50;
	_ =	sdelay $0x1  }
0xfe: {  	v27 =	vmul.f32 v6, v14;
	v14 =	vld [tilespmem:$0x1FA30];
	[tilespmem:$0x1F970] =	vst v1;
	v1 =	vor.u32 $0xB, v28;
	_ =	sdelay $0x4  }
0xff: {  	v33 =	vmul.f32 v6, v14;
	v14 =	vld.idx.msk [tilespmem:v1+s14+$0x0], $0xffff  }
0x100: {  	[tilespmem:$0x1FA40] =	vst v1;
	v1 =	vld [tilespmem:$0x1FA50];
	_ =	sdelay $0x4  }
0x101: {  	[tilespmem:$0x1F830] =	vst v29;
	v29 =	vmul.f32 v6, v1;
	v1 =	vld [tilespmem:$0x1FA60];
	_ =	sdelay $0x4  }
0x102: {  	v1 =	vmul.f32 v6, v1;
	_ =	sdelay $0x1  }
0x103: {  	[tilespmem:$0x1FF80] =	vst v1;
	v1 =	vld [tilespmem:$0x1FA80];
	_ =	sdelay $0x4  }
0x104: {  	[tilespmem:$0x1F850] =	vst v55;
	v55 =	vmul.f32 v6, v1;
	v1 =	vld [tilespmem:$0x1FA90];
	_ =	sdelay $0x4  }
0x105: {  	v1 =	vmul.f32 v6, v1;
	_ =	sdelay $0x1  }
0x106: {  	[tilespmem:$0x1FFD0] =	vst v1;
	v1 =	vld [tilespmem:$0x1FAA0];
	_ =	sdelay $0x4  }
0x107: {  	v34 =	vmul.f32 v6, v1;
	v1 =	vld [tilespmem:$0x1FAB0];
	_ =	sdelay $0x1  }
0x108: {  	v7 =	vor.u32 $0xD, v28  }
0x109: {  	v9 =	vor.u32 $0x5, v28  }
0x10a: {  	v19 =	vor.u32 $0x8, v28  }
0x10b: {  	[tilespmem:$0x1F960] =	vst v50;
	v50 =	vmul.f32 v6, v1;
	v1 =	vld [tilespmem:$0x1FAD0];
	_ =	sdelay $0x1  }
0x10c: {  	[tilespmem:$0x1F990] =	vst v7;
	v7 =	vld.idx.msk [tilespmem:v7+s14+$0x0], $0xffff  }
0x10d: {  	[tilespmem:$0x1F9B0] =	vst v9;
	v9 =	vld.idx.msk [tilespmem:v9+s14+$0x0], $0xffff  }
0x10e: {  	[tilespmem:$0x1FA70] =	vst v19;
	v19 =	vld.idx.msk [tilespmem:v19+s14+$0x0], $0xffff  }
0x10f: {  	v57 =	vmul.f32 v6, v1;
	v1 =	vld [tilespmem:$0x1FAE0]  }
0x110: {  	[tilespmem:$0x1F790] =	vst v20;
	v20 =	vld.idx.msk [tilespmem:v28+s14+$0x0], $0xffff  }
0x111: {  	v23 =	vor.u32 $0x2, v28  }
0x112: {  	v56 =	vmul.f32 v4, v4;
	v4 =	vor.u32 $0xA, v28  }
0x113: {  	v8 =	vor.u32 $0x7, v28;
	v37 =	vmul.f32 v9, v9  }
0x114: {  	[tilespmem:$0x1F9D0] =	vst v63;
	v40 =	vmul.f32 v19, v19;
	v53 =	vmul.f32 v6, v1;
	v1 =	vld [tilespmem:$0x1FAF0]  }
0x115: {  	[tilespmem:$0x1F7E0] =	vst v41;
	v41 =	vmul.f32 v20, v20;
	v19 =	vadd.f32 v19, v20;
	v20 =	vadd.f32 v7, v9;
	v9 =	vld [tilespmem:$0x1FB90]  }
0x116: {  	[tilespmem:$0x1F870] =	vst v36;
	v36 =	vld.idx.msk [tilespmem:v23+s14+$0x0], $0xffff  }
0x117: {  	[tilespmem:$0x1F7C0] =	vst v30;
	v11 =	vor.u32 $0xC, v28;
	v30 =	vld.idx.msk [tilespmem:v4+s14+$0x0], $0xffff  }
0x118: {  	[tilespmem:$0x1FA00] =	vst v62;
	v2 =	vmul.f32 v3, v3;
	v3 =	vld.idx.msk [tilespmem:v8+s14+$0x0], $0xffff  }
0x119: {  	[tilespmem:$0x1F8F0] =	vst v45;
	v21 =	vmul.f32 v6, v1;
	v1 =	vld [tilespmem:$0x1FB20]  }
0x11a: {  	[tilespmem:$0x1F720] =	vst v10;
	v35 =	vmul.f32 v7, v7;
	v10 =	vmul.f32 v6, v60  }
0x11b: {  	[tilespmem:$0x1F750] =	vst v15;
	v63 =	vmul.f32 v6, v63;
	v15 =	vmul.f32 v6, v61  }
0x11c: {  	[tilespmem:$0x1F9E0] =	vst v11;
	v12 =	vld.idx.msk [tilespmem:v11+s14+$0x0], $0xffff;
	v11 =	vor.u32 $0x3, v28;
	v62 =	vmul.f32 v6, v62;
	v45 =	vmul.f32 v30, v30  }
0x11d: {  	[tilespmem:$0x1F980] =	vst v8;
	v7 =	vadd.f32 v30, v36;
	v30 =	vmul.f32 v19, v9;
	v9 =	vld [tilespmem:$0x1FBA0];
	v8 =	vmul.f32 v6, v58  }
0x11e: {  	[tilespmem:$0x1F810] =	vst v31;
	v31 =	vmul.f32 v5, v5;
	v6 =	vadd.f32 v5, v3;
	v5 =	vmul.f32 v19, v1;
	v1 =	vld [tilespmem:$0x1FB30];
	_ =	sdelay $0x2  }
0x11f: {  	v13 =	vor.u32 $0x4, v28;
	v22 =	vld.idx.msk [tilespmem:v11+s14+$0x0], $0xffff  }
0x120: {  	[tilespmem:$0x1FAC0] =	vst v11;
	v11 =	vmul.f32 v19, v9;
	v9 =	vld [tilespmem:$0x1FBB0]  }
0x121: {  	[tilespmem:$0x1F920] =	vst v47;
	v47 =	vmul.f32 v19, v1;
	v1 =	vld [tilespmem:$0x1FB40];
	_ =	sdelay $0x1  }
0x122: {  	v0 =	vmul.f32 v0, v0  }
0x123: {  	[tilespmem:$0x1FA10] =	vst v13;
	v13 =	vld.idx.msk [tilespmem:v13+s14+$0x0], $0xffff  }
0x124: {  	v0 =	vadd.f32 v31, v0;
	v31 =	vmul.f32 v19, v9;
	v9 =	vld [tilespmem:$0x1FBC0]  }
0x125: {  	v52 =	vmul.f32 v19, v1;
	v1 =	vld [tilespmem:$0x1FB50];
	_ =	sdelay $0x2  }
0x126: {  	[tilespmem:$0x1F9A0] =	vst v58  }
0x127: {  	[tilespmem:$0x1FB10] =	vst v23;
	v23 =	vmul.f32 v19, v9;
	v9 =	vld [tilespmem:$0x1FBD0]  }
0x128: {  	[tilespmem:$0x1F890] =	vst v38;
	v38 =	vmul.f32 v12, v12;
	v58 =	vadd.f32 v12, v13;
	v12 =	vmul.f32 v19, v1;
	v1 =	vld [tilespmem:$0x1FB60];
	_ =	sdelay $0x3  }
0x129: {  	[tilespmem:$0x1F8B0] =	vst v39;
	v39 =	vmul.f32 v13, v13;
	v13 =	vadd.f32 v35, v38;
	v35 =	vmul.f32 v19, v9;
	v9 =	vld [tilespmem:$0x1FBE0]  }
0x12a: {  	[tilespmem:$0x1F9F0] =	vst v61;
	v61 =	vmul.f32 v19, v1;
	v1 =	vld [tilespmem:$0x1FB70]  }
0x12b: {  	[tilespmem:$0x1F9C0] =	vst v60  }
0x12c: {  	[tilespmem:$0x1F940] =	vst v43;
	v0 =	vadd.f32 v0, v13;
	v13 =	vld [tilespmem:$0x1FC10]  }
0x12d: {  	[tilespmem:$0x1F8D0] =	vst v44;
	v43 =	vmul.f32 v22, v22;
	v60 =	vadd.f32 v14, v22;
	v22 =	vld [tilespmem:$0x1FC00]  }
0x12e: {  	[tilespmem:$0x1F770] =	vst v25;
	v24 =	vmul.f32 v3, v3;
	v25 =	vmul.f32 v19, v9;
	v9 =	vld [tilespmem:$0x1FBF0]  }
0x12f: {  	[tilespmem:$0x1FB00] =	vst v4;
	v44 =	vmul.f32 v14, v14;
	v4 =	vmul.f32 v19, v1;
	v1 =	vld [tilespmem:$0x1FB80]  }
0x130: {  	v2 =	vadd.f32 v2, v40  }
0x131: {  	v14 =	vadd.f32 v24, v51;
	v24 =	vadd.f32 v44, v45;
	_ =	sdelay $0x1  }
0x132: {  	v13 =	vmul.f32 v19, v13;
	v2 =	vadd.f32 v24, v2;
	v38 =	vmul.f32 v19, v22  }
0x133: {  	v9 =	vmul.f32 v19, v9;
	v1 =	vmul.f32 v19, v1;
	v19 =	vadd.f32 v37, v39;
	_ =	sdelay $0x1  }
0x134: {  	v22 =	vadd.f32 v14, v19;
	v19 =	vadd.f32 v0, v2;
	v0 =	vld [tilespmem:$0x1FD80];
	_ =	sdelay $0x4  }
0x135: {  	v0 =	vmul.f32 v6, v0;
	_ =	sdelay $0x1  }
0x136: {  	[tilespmem:$0x1FD90] =	vst v0;
	v0 =	vld [tilespmem:$0x1FDA0]  }
0x137: {  	v14 =	vld [tilespmem:$0x1FCE0];
	_ =	sdelay $0x3  }
0x138: {  	v0 =	vmul.f32 v6, v0  }
0x139: {  	v14 =	vmul.f32 v6, v14  }
0x13a: {  	[tilespmem:$0x1FDB0] =	vst v0;
	v0 =	vld [tilespmem:$0x1FDC0]  }
0x13b: {  	[tilespmem:$0x1FCF0] =	vst v14;
	v14 =	vld [tilespmem:$0x1FD00];
	_ =	sdelay $0x3  }
0x13c: {  	v0 =	vmul.f32 v20, v0  }
0x13d: {  	v14 =	vmul.f32 v6, v14  }
0x13e: {  	[tilespmem:$0x1FDD0] =	vst v0;
	v0 =	vld [tilespmem:$0x1FE00]  }
0x13f: {  	[tilespmem:$0x1FD10] =	vst v14;
	v14 =	vld [tilespmem:$0x1FD20];
	_ =	sdelay $0x1  }
0x140: {  	v2 =	vld [tilespmem:$0x1FEE0];
	_ =	sdelay $0x1  }
0x141: {  	v3 =	vmul.f32 v36, v36;
	v36 =	vadd.f32 v8, v52;
	v52 =	vmul.f32 v20, v0;
	v0 =	vld [tilespmem:$0x1FE10]  }
0x142: {  	v14 =	vmul.f32 v6, v14;
	_ =	sdelay $0x1  }
0x143: {  	[tilespmem:$0x1FD30] =	vst v14;
	v14 =	vadd.f32 v10, v5;
	v5 =	vmul.f32 v58, v2;
	v2 =	vld [tilespmem:$0x1FEF0];
	_ =	sdelay $0x1  }
0x144: {  	v0 =	vmul.f32 v20, v0;
	_ =	sdelay $0x1  }
0x145: {  	[tilespmem:$0x1FE20] =	vst v0;
	v0 =	vld [tilespmem:$0x1FE30]  }
0x146: {  	v8 =	vmul.f32 v60, v2;
	v2 =	vld [tilespmem:$0x1FF00];
	_ =	sdelay $0x3  }
0x147: {  	v0 =	vmul.f32 v20, v0  }
0x148: {  	v10 =	vmul.f32 v60, v2;
	v2 =	vld [tilespmem:$0x1FF10]  }
0x149: {  	[tilespmem:$0x1FE40] =	vst v0;
	v0 =	vld [tilespmem:$0x1FE50];
	_ =	sdelay $0x3  }
0x14a: {  	v40 =	vadd.f32 v33, v11;
	v11 =	vmul.f32 v60, v2;
	v2 =	vld [tilespmem:$0x1FF20]  }
0x14b: {  	v41 =	vadd.f32 v56, v41;
	v56 =	vmul.f32 v20, v0;
	v0 =	vld [tilespmem:$0x1FE60];
	_ =	sdelay $0x2  }
0x14c: {  	[tilespmem:$0x1FC40] =	vst v16;
	v51 =	vmul.f32 v6, v16;
	v16 =	vmul.f32 v6, v26  }
0x14d: {  	v24 =	vadd.f32 v43, v3;
	v43 =	vadd.f32 v15, v47;
	v15 =	vmul.f32 v60, v2;
	v2 =	vld [tilespmem:$0x1FF30]  }
0x14e: {  	v37 =	vadd.f32 v63, v61;
	v61 =	vmul.f32 v58, v0;
	v0 =	vld [tilespmem:$0x1FE70]  }
0x14f: {  	[tilespmem:$0x1FC60] =	vst v16;
	v16 =	vmul.f32 v6, v18  }
0x150: {  	v3 =	vld [tilespmem:$0x1FD40]  }
0x151: {  	[tilespmem:$0x1FC80] =	vst v16;
	v16 =	vmul.f32 v6, v42;
	_ =	sdelay $0x1  }
0x152: {  	[tilespmem:$0x1FCA0] =	vst v16;
	v16 =	vmul.f32 v60, v2;
	v2 =	vld [tilespmem:$0x1FF40];
	v0 =	vmul.f32 v58, v0  }
0x153: {  	v44 =	vadd.f32 v57, v25;
	v25 =	vld [tilespmem:$0x1FFB0]  }
0x154: {  	v3 =	vmul.f32 v6, v3;
	[tilespmem:$0x1FE80] =	vst v0;
	v0 =	vld [tilespmem:$0x1FE90]  }
0x155: {  	v57 =	vld [tilespmem:$0x1FFF0]  }
0x156: {  	[tilespmem:$0x1FD50] =	vst v3;
	v3 =	vld [tilespmem:$0x1FD60]  }
0x157: {  	[tilespmem:$0x1FC70] =	vst v18;
	v18 =	vmul.f32 v60, v2;
	v2 =	vld [tilespmem:$0x1FF50]  }
0x158: {  	[tilespmem:$0x1FC50] =	vst v26;
	v26 =	vld [tilespmem:$0x1FF90]  }
0x159: {  	[tilespmem:$0x1FC20] =	vst v17;
	v17 =	vmul.f32 v6, v17;
	v63 =	vmul.f32 v58, v0;
	v0 =	vld [tilespmem:$0x1FEA0]  }
0x15a: {  	v24 =	vadd.f32 v24, v41;
	v41 =	vadd.f32 v34, v23;
	v23 =	vld [tilespmem:$0x1FF70]  }
0x15b: {  	[tilespmem:$0x1FC30] =	vst v17;
	v17 =	vadd.f32 v55, v30;
	v55 =	vld [tilespmem:$0x1FFE0]  }
0x15c: {  	v3 =	vmul.f32 v6, v3;
	v45 =	vadd.f32 v27, v12;
	v12 =	vmul.f32 v60, v2;
	v2 =	vld [tilespmem:$0x1FF80]  }
0x15d: {  	v39 =	vadd.f32 v62, v1;
	v1 =	vld [tilespmem:$0x1FEC0]  }
0x15e: {  	[tilespmem:$0x1FD70] =	vst v3;
	v3 =	vmul.f32 v58, v0;
	v0 =	vld [tilespmem:$0x1FEB0]  }
0x15f: {  	v30 =	vmul.f32 v7, v26;
	v26 =	vld [tilespmem:$0x1FFA0]  }
0x160: {  	v47 =	vadd.f32 v29, v4;
	v4 =	vld [tilespmem:$0x1FF60]  }
0x161: {  	[tilespmem:$0x1FDF0] =	vst v46;
	v27 =	vadd.f32 v2, v31;
	v31 =	vmul.f32 v7, v25;
	v25 =	vld [tilespmem:$0x1FFC0]  }
0x162: {  	[tilespmem:$0x1FDE0] =	vst v48;
	v48 =	vmul.f32 v20, v48;
	v46 =	vmul.f32 v20, v46;
	v2 =	vld [tilespmem:$0x1FFD0]  }
0x163: {  	[tilespmem:$0x1FCC0] =	vst v59;
	v62 =	vmul.f32 v58, v0;
	v0 =	vmul.f32 v58, v1;
	v1 =	vld [tilespmem:$0x1FED0]  }
0x164: {  	[tilespmem:$0x1FC90] =	vst v42;
	v33 =	vmul.f32 v7, v57;
	v59 =	vmul.f32 v6, v59  }
0x165: {  	[tilespmem:$0x1FCD0] =	vst v49;
	v49 =	vmul.f32 v6, v49;
	v42 =	vmul.f32 v6, v32  }
0x166: {  	v23 =	vmul.f32 v7, v23;
	v26 =	vmul.f32 v7, v26  }
0x167: {  	v4 =	vmul.f32 v7, v4;
	v29 =	vmul.f32 v7, v25  }
0x168: {  	s19 =	simm.s32 $0x20;
	[tilespmem:$0x1FCB0] =	vst v32;
	s18 =	simm.s32 $0x4290;
	v25 =	vadd.f32 v2, v35;
	v35 =	vmul.f32 v7, v55;
	v1 =	vmul.f32 v58, v1  }
.LBB2_2:
0x169: {  	v32 =	vld [tilespmem:$0x1F470]  }
0x16a: {  	v57 =	vld [tilespmem:$0x1F460]  }
0x16b: {  	v30 =	vadd.f32 v30, v36;
	v36 =	vld [tilespmem:$0x1F480]  }
0x16c: {  	v22 =	vadd.f32 v22, v24;
	v24 =	vld [tilespmem:$0x1F4A0]  }
0x16d: {  	v55 =	vld [tilespmem:$0x1F4E0]  }
0x16e: {  	v21 =	vadd.f32 v21, v38;
	v4 =	vadd.f32 v4, v14;
	v14 =	vld [tilespmem:$0x1F490];
	v38 =	vmul.f32 v7, v32  }
0x16f: {  	v26 =	vadd.f32 v26, v45;
	v45 =	vld [tilespmem:$0x1F4C0]  }
0x170: {  	v17 =	vadd.f32 v38, v17;
	v38 =	vld [tilespmem:$0x1F4B0];
	_ =	sdelay $0x1  }
0x171: {  	v9 =	vadd.f32 v50, v9;
	v50 =	vmul.f32 v7, v57  }
0x172: {  	v23 =	vadd.f32 v23, v43;
	v43 =	vmul.f32 v7, v36;
	v24 =	vmul.f32 v7, v24  }
0x173: {  	v57 =	vmul.f32 v7, v55;
	v14 =	vmul.f32 v7, v14  }
0x174: {  	v13 =	vadd.f32 v53, v13;
	v53 =	vmul.f32 v7, v45;
	v7 =	vmul.f32 v7, v38;
	_ =	sdelay $0x1  }
0x175: {  	v7 =	vadd.f32 v7, v13;
	v13 =	vadd.f32 v57, v21;
	v21 =	vld [tilespmem:$0x1F510];
	_ =	sdelay $0x4  }
0x176: {  	v21 =	vmul.f32 v60, v21;
	_ =	sdelay $0x1  }
0x177: {  	v17 =	vadd.f32 v21, v17;
	v21 =	vld [tilespmem:$0x1F570];
	_ =	sdelay $0x1  }
0x178: {  	v2 =	vld [tilespmem:$0x1FE80]  }
0x179: {  	v19 =	vadd.f32 v19, v22;
	v22 =	vld [tilespmem:$0x1F560]  }
0x17a: {  	v35 =	vadd.f32 v35, v39;
	v4 =	vadd.f32 v10, v4;
	v10 =	vld [tilespmem:$0x1F520]  }
0x17b: {  	v25 =	vadd.f32 v43, v25;
	v43 =	vld [tilespmem:$0x1F530];
	v21 =	vmul.f32 v60, v21  }
0x17c: {  	v16 =	vadd.f32 v16, v35;
	v15 =	vadd.f32 v15, v23;
	v23 =	vld [tilespmem:$0x1F550]  }
0x17d: {  	v2 =	vadd.f32 v2, v4;
	v13 =	vadd.f32 v21, v13;
	v21 =	vld [tilespmem:$0x1F580]  }
0x17e: {  	v3 =	vadd.f32 v3, v15;
	v27 =	vadd.f32 v50, v27  }
0x17f: {  	v4 =	vld [tilespmem:$0x1F5B0];
	v9 =	vadd.f32 v24, v9;
	v22 =	vmul.f32 v60, v22;
	v14 =	vadd.f32 v14, v41  }
0x180: {  	v15 =	vld [tilespmem:$0x1F5A0];
	v24 =	vadd.f32 v53, v44;
	v10 =	vmul.f32 v60, v10;
	v44 =	vmul.f32 v60, v43  }
0x181: {  	v18 =	vadd.f32 v18, v26;
	v23 =	vmul.f32 v60, v23;
	v9 =	vadd.f32 v22, v9;
	v22 =	vld [tilespmem:$0x1F590]  }
0x182: {  	v10 =	vadd.f32 v10, v14;
	v14 =	vadd.f32 v44, v27;
	v27 =	vld [tilespmem:$0x1F4D0];
	v21 =	vmul.f32 v58, v21  }
0x183: {  	v18 =	vadd.f32 v0, v18;
	v23 =	vadd.f32 v23, v25;
	v25 =	vld [tilespmem:$0x1F4F0]  }
0x184: {  	v0 =	vadd.f32 v62, v16;
	v16 =	vadd.f32 v21, v17;
	v17 =	vld [tilespmem:$0x1F5D0]  }
0x185: {  	v15 =	vmul.f32 v58, v15  }
0x186: {  	v4 =	vmul.f32 v58, v4  }
0x187: {  	v15 =	vadd.f32 v15, v23;
	v23 =	vld [tilespmem:$0x1FDD0];
	v27 =	vmul.f32 v60, v27  }
0x188: {  	v8 =	vadd.f32 v8, v30;
	v4 =	vadd.f32 v4, v10;
	v10 =	vld [tilespmem:$0x1FE40];
	v22 =	vmul.f32 v58, v22  }
0x189: {  	v25 =	vmul.f32 v58, v25;
	v7 =	vadd.f32 v27, v7;
	v21 =	vld [tilespmem:$0x1F5E0];
	v17 =	vmul.f32 v58, v17  }
0x18a: {  	v8 =	vadd.f32 v61, v8;
	v14 =	vadd.f32 v22, v14;
	v22 =	vld [tilespmem:$0x1F970]  }
0x18b: {  	v7 =	vadd.f32 v25, v7;
	v13 =	vadd.f32 v17, v13;
	v17 =	vld [tilespmem:$0x1F5F0]  }
0x18c: {  	v8 =	vadd.f32 v23, v8;
	v23 =	vld [tilespmem:$0x1FDB0]  }
0x18d: {  	v7 =	vadd.f32 v10, v7  }
0x18e: {  	v10 =	vld.idx.msk [tilespmem:v28+s13+$0x0], $0xffff;
	v21 =	vmul.f32 v58, v21  }
0x18f: {  	v7 =	vadd.f32 v22, v7  }
0x190: {  	v9 =	vadd.f32 v21, v9;
	v21 =	vld [tilespmem:$0x1F600];
	v17 =	vmul.f32 v20, v17  }
0x191: {  	v7 =	vadd.f32 v23, v7;
	v23 =	vld [tilespmem:$0x1F930]  }
0x192: {  	v29 =	vadd.f32 v29, v47;
	v13 =	vadd.f32 v17, v13;
	v17 =	vld [tilespmem:$0x1F800]  }
0x193: {  	v7 =	vmul.f32 v7, v10;
	v10 =	vld [tilespmem:$0x1FD70]  }
0x194: {  	v12 =	vadd.f32 v12, v29  }
0x195: {  	v26 =	vld [tilespmem:$0x1F540];
	v21 =	vmul.f32 v20, v21  }
0x196: {  	v5 =	vadd.f32 v5, v12;
	v12 =	vld [tilespmem:$0x1F5C0];
	v13 =	vadd.f32 v23, v13  }
0x197: {  	v9 =	vadd.f32 v21, v9;
	v21 =	vld [tilespmem:$0x1F610]  }
0x198: {  	v10 =	vadd.f32 v10, v13;
	v13 =	vld [tilespmem:$0x1F950]  }
0x199: {  	v23 =	vld [tilespmem:$0x1FB10]  }
0x19a: {  	v17 =	vld.idx.msk [tilespmem:v17+s13+$0x0], $0xffff  }
0x19b: {  	v26 =	vmul.f32 v60, v26;
	v25 =	vld [tilespmem:$0x1FE20];
	_ =	sdelay $0x1  }
0x19c: {  	v24 =	vadd.f32 v26, v24;
	v12 =	vmul.f32 v58, v12;
	v9 =	vadd.f32 v13, v9;
	v13 =	vld [tilespmem:$0x1FAC0];
	_ =	sdelay $0x1  }
0x19d: {  	v12 =	vadd.f32 v12, v24;
	v21 =	vmul.f32 v20, v21;
	v10 =	vmul.f32 v10, v17;
	v17 =	vld [tilespmem:$0x1FD90]  }
0x19e: {  	v0 =	vadd.f32 v25, v0;
	v25 =	vld [tilespmem:$0x1F8E0]  }
0x19f: {  	v7 =	vadd.f32 $0.0e+00, v7;
	v12 =	vadd.f32 v21, v12;
	v21 =	vld [tilespmem:$0x1F620]  }
0x1a0: {  	v23 =	vld.idx.msk [tilespmem:v23+s13+$0x0], $0xffff  }
0x1a1: {  	v7 =	vadd.f32 v7, v10;
	v10 =	vld [tilespmem:$0x1FD30]  }
0x1a2: {  	v9 =	vadd.f32 v17, v9;
	v17 =	vld [tilespmem:$0x1FA10]  }
0x1a3: {  	v13 =	vld.idx.msk [tilespmem:v13+s13+$0x0], $0xffff  }
0x1a4: {  	v12 =	vadd.f32 v25, v12;
	v21 =	vmul.f32 v20, v21  }
0x1a5: {  	v26 =	vld [tilespmem:$0x1F900]  }
0x1a6: {  	v15 =	vadd.f32 v21, v15;
	v21 =	vld [tilespmem:$0x1F630];
	v9 =	vmul.f32 v9, v23;
	v10 =	vadd.f32 v10, v12;
	_ =	sdelay $0x1  }
0x1a7: {  	v7 =	vadd.f32 v7, v9;
	v9 =	vmul.f32 v13, v10;
	v10 =	vld [tilespmem:$0x1FD50];
	_ =	sdelay $0x1  }
0x1a8: {  	v17 =	vld.idx.msk [tilespmem:v17+s13+$0x0], $0xffff  }
0x1a9: {  	v15 =	vadd.f32 v26, v15;
	v21 =	vmul.f32 v20, v21  }
0x1aa: {  	v24 =	vld [tilespmem:$0x1F640]  }
0x1ab: {  	v4 =	vadd.f32 v21, v4;
	v21 =	vld [tilespmem:$0x1F8A0];
	v10 =	vadd.f32 v10, v15  }
0x1ac: {  	v12 =	vld [tilespmem:$0x1F9B0]  }
0x1ad: {  	v7 =	vadd.f32 v7, v9;
	v9 =	vmul.f32 v17, v10;
	v10 =	vld [tilespmem:$0x1FCF0];
	_ =	sdelay $0x1  }
0x1ae: {  	v13 =	vld [tilespmem:$0x1F740]  }
0x1af: {  	v4 =	vadd.f32 v21, v4;
	v21 =	vld [tilespmem:$0x1F8C0]  }
0x1b0: {  	v24 =	vmul.f32 v20, v24;
	v22 =	vld [tilespmem:$0x1F650]  }
0x1b1: {  	v4 =	vadd.f32 v10, v4;
	v10 =	vld [tilespmem:$0x1F980]  }
0x1b2: {  	v14 =	vadd.f32 v24, v14  }
0x1b3: {  	v12 =	vld.idx.msk [tilespmem:v12+s13+$0x0], $0xffff  }
0x1b4: {  	v14 =	vadd.f32 v21, v14;
	v21 =	vld [tilespmem:$0x1F860]  }
0x1b5: {  	v7 =	vadd.f32 v7, v9;
	v9 =	vld [tilespmem:$0x1FD10]  }
0x1b6: {  	v33 =	vadd.f32 v33, v40;
	v40 =	vld [tilespmem:$0x1F500];
	v22 =	vmul.f32 v20, v22  }
0x1b7: {  	v13 =	vld.idx.msk [tilespmem:v13+s13+$0x0], $0xffff  }
0x1b8: {  	v16 =	vadd.f32 v22, v16;
	v25 =	vshra.s32 v19, $0x1  }
0x1b9: {  	v19 =	vmul.f32 $5.000000000e-01, v19;
	v15 =	vsub.s32 $0x5F3759DF, v25;
	v10 =	vld.idx.msk [tilespmem:v10+s13+$0x0], $0xffff  }
0x1ba: {  	v16 =	vadd.f32 v21, v16;
	v4 =	vmul.f32 v12, v4;
	v9 =	vadd.f32 v9, v14;
	v12 =	vld [tilespmem:$0x1FA70]  }
0x1bb: {  	v41 =	vmul.f32 v60, v40;
	v17 =	vmul.f32 v15, v19  }
0x1bc: {  	v4 =	vadd.f32 v7, v4;
	v7 =	vmul.f32 v13, v9;
	v9 =	vadd.f32 v59, v16;
	v13 =	vld [tilespmem:$0x1F7B0]  }
0x1bd: {  	v30 =	vadd.f32 v41, v33;
	v14 =	vmul.f32 v15, v17;
	v17 =	vld [tilespmem:$0x1F880]  }
0x1be: {  	v16 =	vld [tilespmem:$0x1F820];
	v4 =	vadd.f32 v4, v7;
	v7 =	vmul.f32 v10, v9  }
0x1bf: {  	v1 =	vadd.f32 v1, v30  }
0x1c0: {  	v4 =	vadd.f32 v4, v7;
	v7 =	vld [tilespmem:$0x1FCA0]  }
0x1c1: {  	v5 =	vadd.f32 v52, v5;
	v1 =	vadd.f32 v56, v1;
	v9 =	vld [tilespmem:$0x1FB00]  }
0x1c2: {  	v12 =	vld.idx.msk [tilespmem:v12+s13+$0x0], $0xffff  }
0x1c3: {  	v1 =	vadd.f32 v17, v1;
	v5 =	vadd.f32 v16, v5;
	v16 =	vld [tilespmem:$0x1F690]  }
0x1c4: {  	v14 =	vsub.f32 $1.500000000e+00, v14;
	v13 =	vld.idx.msk [tilespmem:v13+s13+$0x0], $0xffff  }
0x1c5: {  	v1 =	vadd.f32 v49, v1;
	v5 =	vadd.f32 v7, v5;
	v7 =	vld [tilespmem:$0x1FA40];
	_ =	sdelay $0x1  }
0x1c6: {  	v10 =	vmul.f32 v15, v14;
	v14 =	vld [tilespmem:$0x1F840];
	v1 =	vmul.f32 v12, v1  }
0x1c7: {  	v15 =	vld [tilespmem:$0x1F7D0]  }
0x1c8: {  	v31 =	vadd.f32 v31, v37;
	v1 =	vadd.f32 v4, v1;
	v9 =	vld.idx.msk [tilespmem:v9+s13+$0x0], $0xffff;
	v4 =	vmul.f32 v13, v5  }
0x1c9: {  	v16 =	vmul.f32 v20, v16;
	v5 =	vld [tilespmem:$0x1F9E0]  }
0x1ca: {  	v11 =	vadd.f32 v11, v31;
	v1 =	vadd.f32 v1, v4;
	v4 =	vld [tilespmem:$0x1FC60]  }
0x1cb: {  	v0 =	vadd.f32 v14, v0;
	v14 =	vadd.f32 v16, v18;
	v13 =	vld [tilespmem:$0x1F7F0]  }
0x1cc: {  	v11 =	vadd.f32 v63, v11;
	v7 =	vld.idx.msk [tilespmem:v7+s13+$0x0], $0xffff  }
0x1cd: {  	v14 =	vadd.f32 v15, v14;
	v0 =	vadd.f32 v42, v0  }
0x1ce: {  	v11 =	vadd.f32 v48, v11  }
0x1cf: {  	v0 =	vmul.f32 v9, v0;
	v4 =	vadd.f32 v4, v14  }
0x1d0: {  	v11 =	vadd.f32 v13, v11;
	v13 =	vld [tilespmem:$0x1F780]  }
0x1d1: {  	v0 =	vadd.f32 v1, v0;
	v1 =	vmul.f32 v7, v4;
	v4 =	vld [tilespmem:$0x1FC80];
	_ =	sdelay $0x1  }
0x1d2: {  	v5 =	vld.idx.msk [tilespmem:v5+s13+$0x0], $0xffff  }
0x1d3: {  	v3 =	vadd.f32 v46, v3  }
0x1d4: {  	v9 =	vld [tilespmem:$0x1F990]  }
0x1d5: {  	v3 =	vadd.f32 v13, v3;
	v13 =	vld [tilespmem:$0x1F6E0];
	v4 =	vadd.f32 v4, v11  }
0x1d6: {  	v11 =	vld [tilespmem:$0x1F7A0]  }
0x1d7: {  	v0 =	vadd.f32 v0, v1;
	v1 =	vmul.f32 v5, v4;
	v4 =	vld [tilespmem:$0x1FC30];
	_ =	sdelay $0x2  }
0x1d8: {  	v7 =	vld [tilespmem:$0x1F730]  }
0x1d9: {  	v8 =	vadd.f32 v11, v8;
	v11 =	vld [tilespmem:$0x1F760]  }
0x1da: {  	v12 =	vmul.f32 v10, v19;
	v13 =	vmul.f32 v20, v13;
	v3 =	vadd.f32 v4, v3;
	v4 =	vld [tilespmem:$0x1F910];
	_ =	sdelay $0x1  }
0x1db: {  	v12 =	vmul.f32 v12, v10;
	v2 =	vadd.f32 v13, v2  }
0x1dc: {  	v9 =	vld.idx.msk [tilespmem:v9+s13+$0x0], $0xffff  }
0x1dd: {  	v12 =	vsub.f32 $1.500000000e+00, v12;
	v2 =	vadd.f32 v11, v2;
	v11 =	vld [tilespmem:$0x1F720];
	_ =	sdelay $0x1  }
0x1de: {  	v10 =	vmul.f32 v12, v10;
	v7 =	vld.idx.msk [tilespmem:v7+s13+$0x0], $0xffff;
	_ =	sdelay $0x1  }
0x1df: {  	v5 =	vmul.f32 v10, v19;
	v0 =	vadd.f32 v0, v1;
	v4 =	vld.idx.msk [tilespmem:v4+s13+$0x0], $0xffff  }
0x1e0: {  	v1 =	vmul.f32 v9, v3;
	v3 =	vadd.f32 v51, v8;
	v6 =	vmul.f32 v6, v11  }
0x1e1: {  	v5 =	vmul.f32 v5, v10  }
0x1e2: {  	v0 =	vadd.f32 v0, v1;
	v1 =	vmul.f32 v7, v3;
	v2 =	vadd.f32 v6, v2  }
0x1e3: {  	v3 =	vsub.f32 $1.500000000e+00, v5  }
0x1e4: {  	v0 =	vadd.f32 v0, v1;
	v1 =	vmul.f32 v4, v2  }
0x1e5: {  	v2 =	vmul.f32 v3, v10  }
0x1e6: {  	v0 =	vadd.f32 v0, v1  }
0x1e7: {  	v1 =	vmin.f32 v2, $1.000000000e+00  }
0x1e8: {  	v0 =	vmul.f32 v1, v0;
	_ =	sdelay $0x1  }
0x1e9: {  	v0 =	vsub.f32 $0.0e+00, v0;
	_ =	sdelay $0x1  }
0x1ea: {  	v0 =	vmul.f32 $1.442695020e+00, v0;
	_ =	sdelay $0x1  }
0x1eb: {  	(erf) = vpow2.f32 v0;
	_ =	sdelay $0x8  }
0x1ec: {  	v0 =	vpop (erf)  }
0x1ed: {  	v0 =	vadd.f32 $1.000000000e+00, v0;
	_ =	sdelay $0x1  }
0x1ee: {  	(erf) = vrcp.f32 v0;
	_ =	sdelay $0x2  }
0x1ef: {  	v0 =	vmov s19  }
0x1f0: {  	v0 =	vshll.u32 v0, $0x4  }
0x1f1: {  	v28 =	vor.u32 v54, v0  }
0x1f2: {  	v1 =	vor.u32 $0xF, v28  }
0x1f3: {  	v2 =	vor.u32 $0x7, v28;
	_ =	sdelay $0x1  }
0x1f4: {  	s18 =	sadd.s32 $0x10, s18;
	v0 =	vpop (erf)  }
0x1f5: {  	[tilespmem:s18+$0x0] =	vst v0  }
0x1f6: {  	v0 =	vld.idx.msk [tilespmem:v1+s14+$0x0], $0xffff  }
0x1f7: {  	[tilespmem:$0x1F910] =	vst v1;
	v1 =	vld.idx.msk [tilespmem:v2+s14+$0x0], $0xffff;
	_ =	sdelay $0x4  }
0x1f8: {  	v6 =	vadd.f32 v0, v1;
	v19 =	vmul.f32 v1, v1;
	v1 =	vld [tilespmem:$0x1FC20];
	_ =	sdelay $0x4  }
0x1f9: {  	v1 =	vmul.f32 v6, v1;
	_ =	sdelay $0x1  }
0x1fa: {  	[tilespmem:$0x1FC30] =	vst v1;
	v1 =	vld [tilespmem:$0x1FC40];
	_ =	sdelay $0x4  }
0x1fb: {  	v1 =	vmul.f32 v6, v1;
	_ =	sdelay $0x1  }
0x1fc: {  	[tilespmem:$0x1F3F0] =	vst v1;
	v1 =	vld [tilespmem:$0x1FC50];
	_ =	sdelay $0x4  }
0x1fd: {  	v1 =	vmul.f32 v6, v1;
	_ =	sdelay $0x1  }
0x1fe: {  	[tilespmem:$0x1FC60] =	vst v1;
	v1 =	vld [tilespmem:$0x1FC70];
	_ =	sdelay $0x4  }
0x1ff: {  	v1 =	vmul.f32 v6, v1;
	_ =	sdelay $0x1  }
0x200: {  	[tilespmem:$0x1FC80] =	vst v1;
	v1 =	vld [tilespmem:$0x1FC90];
	_ =	sdelay $0x4  }
0x201: {  	v1 =	vmul.f32 v6, v1;
	_ =	sdelay $0x1  }
0x202: {  	[tilespmem:$0x1FCA0] =	vst v1;
	v1 =	vld [tilespmem:$0x1FCB0];
	_ =	sdelay $0x4  }
0x203: {  	v1 =	vmul.f32 v6, v1;
	_ =	sdelay $0x1  }
0x204: {  	[tilespmem:$0x1F430] =	vst v1;
	v1 =	vld [tilespmem:$0x1FCC0];
	_ =	sdelay $0x4  }
0x205: {  	v1 =	vmul.f32 v6, v1;
	_ =	sdelay $0x1  }
0x206: {  	[tilespmem:$0x1F410] =	vst v1;
	v1 =	vld [tilespmem:$0x1FCD0];
	_ =	sdelay $0x4  }
0x207: {  	v1 =	vmul.f32 v6, v1;
	_ =	sdelay $0x1  }
0x208: {  	[tilespmem:$0x1F420] =	vst v1;
	v1 =	vld [tilespmem:$0x1FCE0];
	_ =	sdelay $0x4  }
0x209: {  	v3 =	vor.u32 $0x6, v28;
	v1 =	vmul.f32 v6, v1;
	_ =	sdelay $0x1  }
0x20a: {  	[tilespmem:$0x1FCF0] =	vst v1;
	v1 =	vld [tilespmem:$0x1FD00];
	_ =	sdelay $0x2  }
0x20b: {  	v21 =	vmul.f32 v0, v0;
	v0 =	vld.idx.msk [tilespmem:v3+s14+$0x0], $0xffff  }
0x20c: {  	[tilespmem:$0x1F740] =	vst v3;
	v3 =	vld [tilespmem:$0x1FD60]  }
0x20d: {  	v1 =	vmul.f32 v6, v1;
	_ =	sdelay $0x1  }
0x20e: {  	[tilespmem:$0x1FD10] =	vst v1;
	v1 =	vld [tilespmem:$0x1FD20];
	_ =	sdelay $0x1  }
0x20f: {  	v3 =	vmul.f32 v6, v3  }
0x210: {  	[tilespmem:$0x1F980] =	vst v2  }
0x211: {  	v2 =	vor.u32 $0xE, v28;
	[tilespmem:$0x1FD70] =	vst v3;
	v3 =	vld [tilespmem:$0x1FD80]  }
0x212: {  	v1 =	vmul.f32 v6, v1;
	_ =	sdelay $0x1  }
0x213: {  	[tilespmem:$0x1FD30] =	vst v1;
	v1 =	vld [tilespmem:$0x1FD40];
	_ =	sdelay $0x1  }
0x214: {  	[tilespmem:$0x1F730] =	vst v2;
	v2 =	vld.idx.msk [tilespmem:v2+s14+$0x0], $0xffff;
	v3 =	vmul.f32 v6, v3;
	_ =	sdelay $0x1  }
0x215: {  	[tilespmem:$0x1FD90] =	vst v3;
	v3 =	vld [tilespmem:$0x1F770]  }
0x216: {  	v1 =	vmul.f32 v6, v1;
	_ =	sdelay $0x1  }
0x217: {  	[tilespmem:$0x1FD50] =	vst v1;
	v1 =	vadd.f32 v2, v0;
	_ =	sdelay $0x1  }
0x218: {  	v3 =	vmul.f32 v1, v3;
	_ =	sdelay $0x1  }
0x219: {  	[tilespmem:$0x1F780] =	vst v3;
	v3 =	vld [tilespmem:$0x1F790];
	_ =	sdelay $0x4  }
0x21a: {  	v3 =	vmul.f32 v1, v3;
	_ =	sdelay $0x1  }
0x21b: {  	[tilespmem:$0x1F7A0] =	vst v3;
	v3 =	vld [tilespmem:$0x1F7C0];
	_ =	sdelay $0x4  }
0x21c: {  	v3 =	vmul.f32 v1, v3;
	_ =	sdelay $0x1  }
0x21d: {  	[tilespmem:$0x1F7D0] =	vst v3;
	v3 =	vld [tilespmem:$0x1F7E0];
	_ =	sdelay $0x4  }
0x21e: {  	v3 =	vmul.f32 v1, v3;
	_ =	sdelay $0x1  }
0x21f: {  	[tilespmem:$0x1F7F0] =	vst v3;
	v3 =	vld [tilespmem:$0x1F810];
	_ =	sdelay $0x4  }
0x220: {  	v3 =	vmul.f32 v1, v3;
	_ =	sdelay $0x1  }
0x221: {  	[tilespmem:$0x1F820] =	vst v3;
	v3 =	vld [tilespmem:$0x1F830];
	_ =	sdelay $0x4  }
0x222: {  	v3 =	vmul.f32 v1, v3;
	_ =	sdelay $0x1  }
0x223: {  	[tilespmem:$0x1F840] =	vst v3;
	v3 =	vld [tilespmem:$0x1F850];
	_ =	sdelay $0x3  }
0x224: {  	v9 =	vmul.f32 v2, v2;
	v2 =	vld [tilespmem:$0x1FDA0]  }
0x225: {  	v3 =	vmul.f32 v1, v3  }
0x226: {  	v4 =	vor.u32 $0xD, v28  }
0x227: {  	[tilespmem:$0x1F860] =	vst v3;
	v3 =	vld [tilespmem:$0x1F870];
	_ =	sdelay $0x1  }
0x228: {  	v5 =	vor.u32 $0xC, v28;
	v2 =	vmul.f32 v6, v2;
	_ =	sdelay $0x1  }
0x229: {  	[tilespmem:$0x1FDB0] =	vst v2;
	v2 =	vld.idx.msk [tilespmem:v4+s14+$0x0], $0xffff  }
0x22a: {  	[tilespmem:$0x1F990] =	vst v4;
	v4 =	vld [tilespmem:$0x1F890];
	v3 =	vmul.f32 v1, v3  }
0x22b: {  	v13 =	vmul.f32 v0, v0;
	v0 =	vld [tilespmem:$0x1F750]  }
0x22c: {  	[tilespmem:$0x1F880] =	vst v3;
	v3 =	vld.idx.msk [tilespmem:v5+s14+$0x0], $0xffff  }
0x22d: {  	v7 =	vor.u32 $0x5, v28;
	[tilespmem:$0x1F9E0] =	vst v5;
	v5 =	vld [tilespmem:$0x1F8D0];
	_ =	sdelay $0x1  }
0x22e: {  	v4 =	vmul.f32 v1, v4  }
0x22f: {  	[tilespmem:$0x1F9B0] =	vst v7;
	v0 =	vmul.f32 v1, v0  }
0x230: {  	[tilespmem:$0x1F8A0] =	vst v4;
	v4 =	vld [tilespmem:$0x1F8B0]  }
0x231: {  	[tilespmem:$0x1F760] =	vst v0;
	v0 =	vld.idx.msk [tilespmem:v7+s14+$0x0], $0xffff;
	v7 =	vor.u32 $0xB, v28;
	v5 =	vmul.f32 v1, v5  }
0x232: {  	v8 =	vor.u32 $0x4, v28  }
0x233: {  	v10 =	vor.u32 $0x3, v28;
	[tilespmem:$0x1F8E0] =	vst v5;
	v5 =	vld [tilespmem:$0x1F8F0];
	_ =	sdelay $0x1  }
0x234: {  	v4 =	vmul.f32 v1, v4  }
0x235: {  	[tilespmem:$0x1FA40] =	vst v7;
	v7 =	vld.idx.msk [tilespmem:v7+s14+$0x0], $0xffff  }
0x236: {  	[tilespmem:$0x1F8C0] =	vst v4;
	v4 =	vld.idx.msk [tilespmem:v8+s14+$0x0], $0xffff  }
0x237: {  	[tilespmem:$0x1FA10] =	vst v8;
	v8 =	vld.idx.msk [tilespmem:v10+s14+$0x0], $0xffff;
	v5 =	vmul.f32 v1, v5;
	_ =	sdelay $0x1  }
0x238: {  	[tilespmem:$0x1F900] =	vst v5;
	v5 =	vld [tilespmem:$0x1F920];
	_ =	sdelay $0x2  }
0x239: {  	v27 =	vmul.f32 v7, v7;
	v60 =	vadd.f32 v7, v8;
	v7 =	vld [tilespmem:$0x1FEF0];
	_ =	sdelay $0x1  }
0x23a: {  	v5 =	vmul.f32 v1, v5  }
0x23b: {  	v20 =	vadd.f32 v2, v0;
	v14 =	vmul.f32 v2, v2;
	v2 =	vld [tilespmem:$0x1F960]  }
0x23c: {  	[tilespmem:$0x1F930] =	vst v5;
	v5 =	vld [tilespmem:$0x1F940]  }
0x23d: {  	v25 =	vmul.f32 v8, v8;
	v8 =	vmul.f32 v60, v7;
	v7 =	vld [tilespmem:$0x1FF00]  }
0x23e: {  	v11 =	vor.u32 $0x9, v28  }
0x23f: {  	v12 =	vor.u32 $0x1, v28;
	_ =	sdelay $0x1  }
0x240: {  	v5 =	vmul.f32 v1, v5;
	v1 =	vmul.f32 v1, v2  }
0x241: {  	[tilespmem:$0x1FAC0] =	vst v10;
	v10 =	vmul.f32 v60, v7;
	v7 =	vld [tilespmem:$0x1FF10]  }
0x242: {  	v45 =	vld.idx.msk [tilespmem:v11+s14+$0x0], $0xffff;
	[tilespmem:$0x1F970] =	vst v1;
	v1 =	vor.u32 $0xA, v28  }
0x243: {  	v46 =	vld.idx.msk [tilespmem:v12+s14+$0x0], $0xffff;
	[tilespmem:$0x1F950] =	vst v5;
	v5 =	vor.u32 $0x2, v28  }
0x244: {  	v9 =	vadd.f32 v21, v9;
	v21 =	vld [tilespmem:$0x1F9A0]  }
0x245: {  	v17 =	vmul.f32 v0, v0;
	v0 =	vld [tilespmem:$0x1FDC0]  }
0x246: {  	[tilespmem:$0x1F7B0] =	vst v11;
	v11 =	vmul.f32 v60, v7;
	v7 =	vld [tilespmem:$0x1FF20]  }
0x247: {  	v22 =	vmul.f32 v4, v4;
	v58 =	vadd.f32 v3, v4;
	v4 =	vld.idx.msk [tilespmem:v1+s14+$0x0], $0xffff  }
0x248: {  	v41 =	vadd.f32 v45, v46;
	v23 =	vld.idx.msk [tilespmem:v5+s14+$0x0], $0xffff  }
0x249: {  	v47 =	vld [tilespmem:$0x1FFE0];
	v40 =	vmul.f32 v45, v45  }
0x24a: {  	v45 =	vmul.f32 v41, v21;
	v21 =	vld [tilespmem:$0x1F9C0];
	v0 =	vmul.f32 v20, v0;
	_ =	sdelay $0x1  }
0x24b: {  	[tilespmem:$0x1FDD0] =	vst v0;
	v0 =	vld [tilespmem:$0x1FDE0]  }
0x24c: {  	v15 =	vmul.f32 v60, v7;
	v7 =	vadd.f32 v4, v23;
	_ =	sdelay $0x1  }
0x24d: {  	v35 =	vmul.f32 v7, v47;
	v47 =	vmul.f32 v41, v21;
	v21 =	vld [tilespmem:$0x1F9D0];
	_ =	sdelay $0x1  }
0x24e: {  	v0 =	vmul.f32 v20, v0  }
0x24f: {  	v48 =	vld [tilespmem:$0x1FFF0];
	v24 =	vmul.f32 v3, v3  }
0x250: {  	[tilespmem:$0x1F450] =	vst v0;
	v0 =	vld [tilespmem:$0x1FDF0]  }
0x251: {  	v14 =	vadd.f32 v14, v24;
	v24 =	vmul.f32 v41, v21;
	v21 =	vld [tilespmem:$0x1F9F0];
	_ =	sdelay $0x2  }
0x252: {  	v26 =	vor.u32 $0x8, v28  }
0x253: {  	v13 =	vadd.f32 v19, v13;
	v19 =	vld [tilespmem:$0x1FA00];
	v0 =	vmul.f32 v20, v0  }
0x254: {  	v33 =	vmul.f32 v7, v48;
	v48 =	vmul.f32 v41, v21;
	v21 =	vld [tilespmem:$0x1FA90]  }
0x255: {  	[tilespmem:$0x1F400] =	vst v0;
	v0 =	vld [tilespmem:$0x1FE00]  }
0x256: {  	v9 =	vadd.f32 v9, v14;
	v14 =	vld [tilespmem:$0x1FA30]  }
0x257: {  	v37 =	vld.idx.msk [tilespmem:v26+s14+$0x0], $0xffff  }
0x258: {  	v51 =	vmul.f32 v41, v19;
	v19 =	vld [tilespmem:$0x1FA20]  }
0x259: {  	v55 =	vmul.f32 v41, v21;
	v21 =	vld [tilespmem:$0x1FAA0]  }
0x25a: {  	v2 =	vmul.f32 v20, v0;
	v0 =	vld [tilespmem:$0x1FE10]  }
0x25b: {  	v59 =	vmov v54;
	v54 =	vmul.f32 v41, v14;
	v14 =	vld [tilespmem:$0x1FA50]  }
0x25c: {  	v38 =	vmul.f32 v4, v4  }
0x25d: {  	v43 =	vmul.f32 v37, v37  }
0x25e: {  	v52 =	vmul.f32 v41, v19;
	v19 =	vadd.f32 v27, v38;
	v27 =	vmul.f32 v41, v21;
	v21 =	vld [tilespmem:$0x1FAB0]  }
0x25f: {  	v0 =	vmul.f32 v20, v0  }
0x260: {  	v44 =	vld.idx.msk [tilespmem:v28+s14+$0x0], $0xffff;
	v49 =	vadd.f32 v40, v43;
	v32 =	vmul.f32 v41, v14;
	v14 =	vadd.f32 v17, v22  }
0x261: {  	[tilespmem:$0x1FE20] =	vst v0;
	v0 =	vld [tilespmem:$0x1FE30]  }
0x262: {  	v22 =	vadd.f32 v13, v14;
	v14 =	vadd.f32 v19, v49;
	v19 =	vld [tilespmem:$0x1FB30]  }
0x263: {  	v50 =	vmul.f32 v41, v21;
	v21 =	vld [tilespmem:$0x1FAD0];
	_ =	sdelay $0x1  }
0x264: {  	v42 =	vadd.f32 v37, v44  }
0x265: {  	v17 =	vld [tilespmem:$0x1FA60]  }
0x266: {  	v40 =	vmul.f32 v42, v19;
	v19 =	vld [tilespmem:$0x1FB40]  }
0x267: {  	v0 =	vmul.f32 v20, v0;
	v56 =	vmul.f32 v41, v21;
	v21 =	vld [tilespmem:$0x1FAE0];
	_ =	sdelay $0x1  }
0x268: {  	[tilespmem:$0x1FE40] =	vst v0;
	v0 =	vld [tilespmem:$0x1FE50]  }
0x269: {  	v34 =	vmul.f32 v41, v17;
	v17 =	vld [tilespmem:$0x1FA80]  }
0x26a: {  	v37 =	vmul.f32 v42, v19;
	v19 =	vld [tilespmem:$0x1FB50]  }
0x26b: {  	v53 =	vmul.f32 v41, v21;
	v21 =	vld [tilespmem:$0x1FAF0];
	_ =	sdelay $0x1  }
0x26c: {  	v0 =	vmul.f32 v20, v0;
	_ =	sdelay $0x1  }
0x26d: {  	v17 =	vmul.f32 v41, v17;
	[tilespmem:$0x1F440] =	vst v0;
	v0 =	vld [tilespmem:$0x1FE60]  }
0x26e: {  	v21 =	vmul.f32 v41, v21;
	v41 =	vmul.f32 v42, v19;
	v19 =	vld [tilespmem:$0x1FB60];
	_ =	sdelay $0x2  }
0x26f: {  	[tilespmem:$0x1F800] =	vst v12;
	v12 =	vld [tilespmem:$0x1FF30];
	v39 =	vmul.f32 v23, v23  }
0x270: {  	v61 =	vmul.f32 v58, v0;
	v0 =	vld [tilespmem:$0x1FE70]  }
0x271: {  	v25 =	vadd.f32 v25, v39;
	v39 =	vmul.f32 v42, v19;
	v19 =	vadd.f32 v9, v14;
	v14 =	vld [tilespmem:$0x1FB80]  }
0x272: {  	v29 =	vld [tilespmem:$0x1FFB0]  }
0x273: {  	[tilespmem:$0x1FA70] =	vst v26;
	v26 =	vld [tilespmem:$0x1FF90]  }
0x274: {  	v16 =	vmul.f32 v60, v12;
	v12 =	vld [tilespmem:$0x1FF40]  }
0x275: {  	v57 =	vmul.f32 v44, v44;
	v13 =	vld [tilespmem:$0x1FB20]  }
0x276: {  	v0 =	vmul.f32 v58, v0;
	v44 =	vmul.f32 v42, v14;
	v14 =	vld [tilespmem:$0x1FB90]  }
0x277: {  	[tilespmem:$0x1FB00] =	vst v1;
	v1 =	vld [tilespmem:$0x1FEC0]  }
0x278: {  	[tilespmem:$0x1FE80] =	vst v0;
	v0 =	vld [tilespmem:$0x1FE90]  }
0x279: {  	v36 =	vmul.f32 v46, v46;
	[tilespmem:$0x1FB10] =	vst v5;
	v5 =	vld [tilespmem:$0x1FEE0]  }
0x27a: {  	v4 =	vld [tilespmem:$0x1FF50]  }
0x27b: {  	v38 =	vadd.f32 v36, v57;
	v57 =	vmul.f32 v42, v14;
	v14 =	vld [tilespmem:$0x1FBA0]  }
0x27c: {  	v23 =	vld [tilespmem:$0x1FF70]  }
0x27d: {  	v63 =	vmul.f32 v58, v0;
	v0 =	vld [tilespmem:$0x1FEA0]  }
0x27e: {  	v36 =	vadd.f32 v45, v37;
	v37 =	vadd.f32 v24, v39;
	v24 =	vld [tilespmem:$0x1FBD0]  }
0x27f: {  	v30 =	vmul.f32 v7, v26;
	v26 =	vld [tilespmem:$0x1FFA0]  }
0x280: {  	v46 =	vmul.f32 v42, v14;
	v14 =	vld [tilespmem:$0x1FBB0]  }
0x281: {  	v31 =	vmul.f32 v7, v29;
	v29 =	vld [tilespmem:$0x1FFC0]  }
0x282: {  	v3 =	vmul.f32 v58, v0;
	v0 =	vld [tilespmem:$0x1FEB0]  }
0x283: {  	v13 =	vmul.f32 v42, v13;
	v43 =	vadd.f32 v48, v40;
	v48 =	vmul.f32 v42, v24;
	v24 =	vld [tilespmem:$0x1FBE0]  }
0x284: {  	v9 =	vld [tilespmem:$0x1FB70]  }
0x285: {  	v49 =	vmul.f32 v42, v14;
	v14 =	vadd.f32 v47, v13;
	v13 =	vld [tilespmem:$0x1FBC0]  }
0x286: {  	v18 =	vmul.f32 v60, v12;
	v12 =	vmul.f32 v60, v4;
	v4 =	vld [tilespmem:$0x1FF60]  }
0x287: {  	v62 =	vmul.f32 v58, v0;
	v0 =	vmul.f32 v58, v1;
	v1 =	vld [tilespmem:$0x1FED0]  }
0x288: {  	v39 =	vadd.f32 v51, v44;
	v51 =	vld [tilespmem:$0x1F3F0];
	v44 =	vmul.f32 v42, v24  }
0x289: {  	v9 =	vmul.f32 v42, v9;
	v24 =	vadd.f32 v25, v38;
	v25 =	vld [tilespmem:$0x1FC00]  }
0x28a: {  	v44 =	vadd.f32 v56, v44;
	v56 =	vld [tilespmem:$0x1F440];
	v13 =	vmul.f32 v42, v13  }
0x28b: {  	v47 =	vadd.f32 v32, v9;
	v9 =	vld [tilespmem:$0x1FBF0]  }
0x28c: {  	p0 =	sne.s32 s19, $0x1F0;
	v45 =	vadd.f32 v52, v41;
	v41 =	vadd.f32 v27, v13;
	v13 =	vld [tilespmem:$0x1FC10]  }
.Ltmp0:
0x28d: {  	v5 =	vmul.f32 v58, v5;
	v40 =	vadd.f32 v54, v46;
	v46 =	vld [tilespmem:$0x1F400];
	(pc) =	sbr.rel @p0 .LBB2_2-.Ltmp0, $4  }
0x28e: {  	v23 =	vmul.f32 v7, v23;
	v26 =	vmul.f32 v7, v26;
	v54 =	vmov v59;
	v59 =	vld [tilespmem:$0x1F410]  }
0x28f: {  	v29 =	vmul.f32 v7, v29;
	v38 =	vmul.f32 v42, v25;
	v25 =	vadd.f32 v55, v48;
	v48 =	vld [tilespmem:$0x1F450]  }
0x290: {  	v4 =	vmul.f32 v7, v4;
	v1 =	vmul.f32 v58, v1;
	v27 =	vadd.f32 v34, v49;
	v49 =	vld [tilespmem:$0x1F420]  }
0x291: {  	s19 =	sadd.s32 $0x10, s19;
	v52 =	vmovc v2;
	v17 =	vadd.f32 v17, v57;
	v9 =	vmul.f32 v42, v9;
	v13 =	vmul.f32 v42, v13;
	v42 =	vld [tilespmem:$0x1F430]  }
0x292: {  	v26 =	vadd.f32 v26, v45;
	v45 =	vld [tilespmem:$0x1F460]  }
0x293: {  	v29 =	vadd.f32 v29, v47;
	v47 =	vld [tilespmem:$0x1F470]  }
0x294: {  	v34 =	vld [tilespmem:$0x1F490]  }
0x295: {  	v55 =	vld [tilespmem:$0x1F4A0]  }
0x296: {  	v57 =	vld [tilespmem:$0x1F4E0]  }
0x297: {  	v4 =	vadd.f32 v4, v14;
	v14 =	vadd.f32 v23, v43;
	v2 =	vld [tilespmem:$0x1F4B0]  }
0x298: {  	v23 =	vadd.f32 v30, v36;
	v30 =	vadd.f32 v31, v37;
	v37 =	vld [tilespmem:$0x1F540]  }
0x299: {  	v21 =	vadd.f32 v21, v38;
	v38 =	vld [tilespmem:$0x1F560]  }
0x29a: {  	v31 =	vadd.f32 v35, v39;
	v39 =	vld [tilespmem:$0x1F570]  }
0x29b: {  	v9 =	vadd.f32 v50, v9;
	v50 =	vld [tilespmem:$0x1F480]  }
0x29c: {  	v13 =	vadd.f32 v53, v13;
	v53 =	vld [tilespmem:$0x1F4C0]  }
0x29d: {  	v12 =	vadd.f32 v12, v29;
	v29 =	vld [tilespmem:$0x1FDB0]  }
0x29e: {  	v36 =	vmul.f32 v7, v57;
	v57 =	vadd.f32 v16, v31;
	v31 =	vld [tilespmem:$0x1F510]  }
0x29f: {  	v32 =	vadd.f32 v33, v40;
	v5 =	vadd.f32 v5, v12;
	v40 =	vmul.f32 v7, v2;
	v2 =	vld [tilespmem:$0x1FE80]  }
0x2a0: {  	v8 =	vadd.f32 v8, v23;
	v33 =	vmul.f32 v7, v47;
	v23 =	vmul.f32 v60, v37;
	v37 =	vld [tilespmem:$0x1FAC0]  }
0x2a1: {  	v34 =	vmul.f32 v7, v34;
	v5 =	vadd.f32 v52, v5;
	v52 =	vld [tilespmem:$0x1F720]  }
0x2a2: {  	v17 =	vadd.f32 v33, v17;
	v33 =	vmul.f32 v7, v55;
	v55 =	vld [tilespmem:$0x1F500]  }
0x2a3: {  	v22 =	vadd.f32 v22, v24;
	v24 =	vmul.f32 v7, v45;
	v43 =	vadd.f32 v34, v41;
	v34 =	vld [tilespmem:$0x1F520]  }
0x2a4: {  	v35 =	vmul.f32 v7, v53;
	v47 =	vadd.f32 v36, v21;
	v36 =	vld [tilespmem:$0x1F550]  }
0x2a5: {  	v24 =	vadd.f32 v24, v27;
	v27 =	vmul.f32 v7, v50;
	v7 =	vadd.f32 v40, v13;
	v40 =	vld [tilespmem:$0x1F4D0]  }
0x2a6: {  	v53 =	vadd.f32 v15, v14;
	v41 =	vadd.f32 v61, v8;
	v61 =	vld [tilespmem:$0x1FE40]  }
0x2a7: {  	v50 =	vadd.f32 v11, v30;
	v30 =	vadd.f32 v18, v26;
	v26 =	vmul.f32 v60, v39;
	v39 =	vld [tilespmem:$0x1FD90]  }
0x2a8: {  	v45 =	vadd.f32 v35, v44;
	v35 =	vld [tilespmem:$0x1F530]  }
0x2a9: {  	v3 =	vadd.f32 v3, v53;
	v53 =	vld [tilespmem:$0x1F5A0]  }
0x2aa: {  	v44 =	vadd.f32 v62, v57;
	v57 =	vld [tilespmem:$0x1F5D0]  }
0x2ab: {  	v62 =	vld [tilespmem:$0x1F5F0]  }
0x2ac: {  	v13 =	vadd.f32 v26, v47;
	v47 =	vld [tilespmem:$0x1F590]  }
0x2ad: {  	v4 =	vadd.f32 v10, v4;
	v10 =	vadd.f32 v63, v50;
	v50 =	vld [tilespmem:$0x1F5B0]  }
0x2ae: {  	v63 =	vld.idx.msk [tilespmem:v28+s13+$0x0], $0xffff  }
0x2af: {  	v26 =	vld [tilespmem:$0x1FDD0]  }
0x2b0: {  	v28 =	vld [tilespmem:$0x1F610]  }
0x2b1: {  	v8 =	vadd.f32 v0, v30;
	v30 =	vld [tilespmem:$0x1F930]  }
0x2b2: {  	v9 =	vadd.f32 v33, v9;
	v33 =	vld [tilespmem:$0x1F620]  }
0x2b3: {  	v23 =	vadd.f32 v23, v45;
	v45 =	vld [tilespmem:$0x1F4F0]  }
0x2b4: {  	v18 =	vmul.f32 v60, v31;
	v31 =	vld [tilespmem:$0x1FE20]  }
0x2b5: {  	v3 =	vadd.f32 v46, v3;
	v46 =	vld [tilespmem:$0x1F7A0]  }
0x2b6: {  	v14 =	vmul.f32 v60, v55;
	v55 =	vld [tilespmem:$0x1F5C0]  }
0x2b7: {  	v21 =	vmul.f32 v60, v34;
	v34 =	vld [tilespmem:$0x1FD70]  }
0x2b8: {  	v19 =	vadd.f32 v19, v22;
	v22 =	vmul.f32 v60, v36;
	v36 =	vld [tilespmem:$0x1F8E0]  }
0x2b9: {  	v25 =	vadd.f32 v27, v25;
	v27 =	vmul.f32 v60, v40;
	v40 =	vld [tilespmem:$0x1F900]  }
0x2ba: {  	v17 =	vadd.f32 v18, v17;
	v18 =	vmul.f32 v60, v35;
	v35 =	vld [tilespmem:$0x1F950]  }
0x2bb: {  	v15 =	vmul.f32 v58, v53;
	v53 =	vld [tilespmem:$0x1FD50]  }
0x2bc: {  	v21 =	vadd.f32 v21, v43;
	v43 =	vld [tilespmem:$0x1F580]  }
0x2bd: {  	v22 =	vadd.f32 v22, v25;
	v25 =	vld [tilespmem:$0x1F970]  }
0x2be: {  	v7 =	vadd.f32 v27, v7;
	v27 =	vld [tilespmem:$0x1F800]  }
0x2bf: {  	v14 =	vadd.f32 v14, v32;
	v32 =	vld [tilespmem:$0x1FB10]  }
0x2c0: {  	v2 =	vadd.f32 v2, v4;
	v4 =	vadd.f32 v26, v41;
	v41 =	vld [tilespmem:$0x1F640]  }
0x2c1: {  	v18 =	vadd.f32 v18, v24;
	v24 =	vmul.f32 v60, v38;
	v60 =	vld [tilespmem:$0x1F5E0]  }
0x2c2: {  	v38 =	vld [tilespmem:$0x1F630]  }
0x2c3: {  	v0 =	vadd.f32 v31, v44;
	v44 =	vld [tilespmem:$0x1FA10]  }
0x2c4: {  	v12 =	vmul.f32 v58, v45;
	v45 =	vld [tilespmem:$0x1F8A0]  }
0x2c5: {  	v31 =	vld [tilespmem:$0x1FB00]  }
0x2c6: {  	v1 =	vadd.f32 v1, v14;
	v14 =	vmul.f32 v58, v47;
	v47 =	vld [tilespmem:$0x1F650]  }
0x2c7: {  	v15 =	vadd.f32 v15, v22;
	v22 =	vmul.f32 v20, v33;
	v33 =	vld [tilespmem:$0x1F7D0]  }
0x2c8: {  	v9 =	vadd.f32 v24, v9;
	v24 =	vld [tilespmem:$0x1F600]  }
0x2c9: {  	v7 =	vadd.f32 v12, v7;
	v16 =	vmul.f32 v58, v55;
	v55 =	vld [tilespmem:$0x1F9B0]  }
0x2ca: {  	v11 =	vmul.f32 v58, v43;
	v43 =	vld [tilespmem:$0x1FD30]  }
0x2cb: {  	v12 =	vmul.f32 v58, v50;
	v15 =	vadd.f32 v22, v15;
	v7 =	vadd.f32 v61, v7;
	v61 =	vld [tilespmem:$0x1F740]  }
0x2cc: {  	v14 =	vadd.f32 v14, v18;
	v16 =	vadd.f32 v16, v23;
	v23 =	vld [tilespmem:$0x1F880]  }
0x2cd: {  	v12 =	vadd.f32 v12, v21;
	v18 =	vmul.f32 v58, v60;
	v15 =	vadd.f32 v40, v15;
	v40 =	vld [tilespmem:$0x1F780]  }
0x2ce: {  	v22 =	vmul.f32 v20, v38;
	v11 =	vadd.f32 v11, v17;
	v17 =	vmul.f32 v58, v57;
	v57 =	vld [tilespmem:$0x1F8C0]  }
0x2cf: {  	v9 =	vadd.f32 v18, v9;
	v18 =	vld.idx.msk [tilespmem:v37+s13+$0x0], $0xffff  }
0x2d0: {  	v12 =	vadd.f32 v22, v12;
	v22 =	vld [tilespmem:$0x1FD10]  }
0x2d1: {  	v21 =	vmul.f32 v20, v24;
	v24 =	vld [tilespmem:$0x1FA70]  }
0x2d2: {  	v7 =	vadd.f32 v25, v7;
	v37 =	vld [tilespmem:$0x1F9E0]  }
0x2d3: {  	v13 =	vadd.f32 v17, v13;
	v17 =	vmul.f32 v20, v62;
	v62 =	vld [tilespmem:$0x1FCF0]  }
0x2d4: {  	v7 =	vadd.f32 v29, v7;
	v29 =	vld [tilespmem:$0x1F690]  }
0x2d5: {  	v9 =	vadd.f32 v21, v9;
	v21 =	vmul.f32 v20, v28;
	v28 =	vld [tilespmem:$0x1F7B0]  }
0x2d6: {  	v13 =	vadd.f32 v17, v13;
	v17 =	vld.idx.msk [tilespmem:v27+s13+$0x0], $0xffff  }
0x2d7: {  	v16 =	vadd.f32 v21, v16;
	v21 =	vld.idx.msk [tilespmem:v32+s13+$0x0], $0xffff  }
0x2d8: {  	v7 =	vmul.f32 v7, v63;
	v63 =	vld [tilespmem:$0x1F860];
	v9 =	vadd.f32 v35, v9;
	v13 =	vadd.f32 v30, v13  }
0x2d9: {  	v27 =	vld [tilespmem:$0x1F820]  }
0x2da: {  	v32 =	vld [tilespmem:$0x1FCA0];
	v9 =	vadd.f32 v39, v9;
	v13 =	vadd.f32 v34, v13  }
0x2db: {  	v7 =	vadd.f32 $0.0e+00, v7;
	v30 =	vld [tilespmem:$0x1F840]  }
0x2dc: {  	v16 =	vadd.f32 v36, v16;
	v13 =	vmul.f32 v13, v17;
	v9 =	vmul.f32 v9, v21;
	v21 =	vld [tilespmem:$0x1F980]  }
0x2dd: {  	v1 =	vadd.f32 v56, v1;
	v12 =	vadd.f32 v45, v12;
	v36 =	vld [tilespmem:$0x1F7F0];
	v17 =	vmul.f32 v20, v41  }
0x2de: {  	v7 =	vadd.f32 v7, v13;
	v13 =	vadd.f32 v43, v16;
	v16 =	vld.idx.msk [tilespmem:v44+s13+$0x0], $0xffff  }
0x2df: {  	v1 =	vadd.f32 v23, v1;
	v39 =	vld [tilespmem:$0x1FC60];
	v14 =	vadd.f32 v17, v14  }
0x2e0: {  	v17 =	vmul.f32 v20, v47;
	v50 =	vmul.f32 v18, v13;
	v13 =	vadd.f32 v53, v15;
	v15 =	vld.idx.msk [tilespmem:v55+s13+$0x0], $0xffff  }
0x2e1: {  	v60 =	vmul.f32 $5.000000000e-01, v19;
	v12 =	vadd.f32 v62, v12;
	v34 =	vld [tilespmem:$0x1FA40];
	v7 =	vadd.f32 v7, v9  }
0x2e2: {  	v58 =	vshra.s32 v19, $0x1;
	v14 =	vadd.f32 v57, v14;
	v11 =	vadd.f32 v17, v11;
	v18 =	vld.idx.msk [tilespmem:v61+s13+$0x0], $0xffff  }
0x2e3: {  	v41 =	vld [tilespmem:$0x1F6E0];
	v9 =	vsub.s32 $0x5F3759DF, v58;
	v7 =	vadd.f32 v7, v50;
	v13 =	vmul.f32 v16, v13  }
0x2e4: {  	v0 =	vadd.f32 v30, v0;
	v19 =	vmul.f32 v9, v60;
	v11 =	vadd.f32 v63, v11;
	v16 =	vld.idx.msk [tilespmem:v21+s13+$0x0], $0xffff  }
0x2e5: {  	v44 =	vld [tilespmem:$0x1FC80];
	v7 =	vadd.f32 v7, v13;
	v12 =	vmul.f32 v15, v12;
	v13 =	vadd.f32 v22, v14  }
0x2e6: {  	v1 =	vadd.f32 v49, v1;
	v0 =	vadd.f32 v42, v0;
	v25 =	vmul.f32 v9, v19;
	v14 =	vld.idx.msk [tilespmem:v24+s13+$0x0], $0xffff  }
0x2e7: {  	v42 =	vld [tilespmem:$0x1F990];
	v11 =	vadd.f32 v59, v11;
	v7 =	vadd.f32 v7, v12;
	v26 =	vmul.f32 v18, v13  }
0x2e8: {  	v5 =	vadd.f32 v27, v5;
	v15 =	vsub.f32 $1.500000000e+00, v25;
	v13 =	vld.idx.msk [tilespmem:v28+s13+$0x0], $0xffff  }
0x2e9: {  	v47 =	vld [tilespmem:$0x1F730];
	v18 =	vmul.f32 v20, v29;
	v7 =	vadd.f32 v7, v26;
	v11 =	vmul.f32 v16, v11  }
0x2ea: {  	v5 =	vadd.f32 v32, v5;
	v9 =	vmul.f32 v9, v15;
	v12 =	vld.idx.msk [tilespmem:v31+s13+$0x0], $0xffff  }
0x2eb: {  	v53 =	vld [tilespmem:$0x1F910];
	v8 =	vadd.f32 v18, v8;
	v1 =	vmul.f32 v14, v1;
	v7 =	vadd.f32 v7, v11  }
0x2ec: {  	v10 =	vadd.f32 v48, v10;
	v35 =	vmul.f32 v9, v60;
	v11 =	vld.idx.msk [tilespmem:v34+s13+$0x0], $0xffff  }
0x2ed: {  	v49 =	vld [tilespmem:$0x1FC30];
	v8 =	vadd.f32 v33, v8;
	v5 =	vmul.f32 v13, v5;
	v1 =	vadd.f32 v7, v1  }
0x2ee: {  	v38 =	vmul.f32 v35, v9;
	v7 =	vadd.f32 v36, v10;
	v10 =	vld.idx.msk [tilespmem:v37+s13+$0x0], $0xffff  }
0x2ef: {  	v50 =	vld [tilespmem:$0x1F760];
	v0 =	vmul.f32 v12, v0;
	v1 =	vadd.f32 v1, v5;
	v5 =	vadd.f32 v39, v8  }
0x2f0: {  	v3 =	vadd.f32 v40, v3;
	v12 =	vld.idx.msk [tilespmem:v42+s13+$0x0], $0xffff;
	v13 =	vsub.f32 $1.500000000e+00, v38;
	v8 =	vmul.f32 v20, v41  }
0x2f1: {  	v0 =	vadd.f32 v1, v0;
	v43 =	vmul.f32 v11, v5;
	v5 =	vadd.f32 v44, v7  }
0x2f2: {  	v4 =	vadd.f32 v46, v4;
	v45 =	vmul.f32 v13, v9;
	v2 =	vadd.f32 v8, v2;
	v8 =	vld.idx.msk [tilespmem:v47+s13+$0x0], $0xffff  }
0x2f3: {  	v3 =	vadd.f32 v49, v3;
	v0 =	vadd.f32 v0, v43;
	v48 =	vmul.f32 v10, v5  }
0x2f4: {  	v57 =	vadd.f32 v51, v4;
	v55 =	vmul.f32 v45, v60;
	v5 =	vmul.f32 v6, v52;
	v6 =	vld.idx.msk [tilespmem:v53+s13+$0x0], $0xffff  }
0x2f5: {  	v56 =	vmul.f32 v12, v3;
	v2 =	vadd.f32 v50, v2;
	v0 =	vadd.f32 v0, v48  }
0x2f6: {  	v58 =	vmul.f32 v55, v45  }
0x2f7: {  	v2 =	vadd.f32 v5, v2;
	v59 =	vmul.f32 v8, v57;
	v0 =	vadd.f32 v0, v56  }
0x2f8: {  	v60 =	vsub.f32 $1.500000000e+00, v58  }
0x2f9: {  	v61 =	vmul.f32 v6, v2;
	v0 =	vadd.f32 v0, v59  }
0x2fa: {  	v62 =	vmul.f32 v60, v45  }
0x2fb: {  	v0 =	vadd.f32 v0, v61  }
0x2fc: {  	v63 =	vmin.f32 v62, $1.000000000e+00  }
0x2fd: {  	v0 =	vmul.f32 v63, v0;
	_ =	sdelay $0x1  }
0x2fe: {  	v0 =	vsub.f32 $0.0e+00, v0;
	_ =	sdelay $0x1  }
0x2ff: {  	v0 =	vmul.f32 $1.442695020e+00, v0;
	_ =	sdelay $0x1  }
0x300: {  	(erf) = vpow2.f32 v0;
	_ =	sdelay $0x8  }
0x301: {  	v0 =	vpop (erf)  }
0x302: {  	v0 =	vadd.f32 $1.000000000e+00, v0;
	_ =	sdelay $0x1  }
0x303: {  	(erf) = vrcp.f32 v0;
	_ =	sdelay $0x7  }
0x304: {  	s17 =	sadd.s32 $0x1, s17  }
0x305: {  	s18 =	sadd.s32 $0x10, s18;
	p0 =	sne.s32 s17, s9;
	v0 =	vpop (erf)  }
.Ltmp1:
0x306: {  	[tilespmem:s18+$0x0] =	vst v0;
	(pc) =	sbr.rel @p0 .LBB2_1-.Ltmp1, $4  }
0x307: {  	[hbm4b:s8+s3] =	stream.linear.scatter [tilespmem:s16], [sflag:$0x2], $0x200, $0x38;
	[tilespmem:$0x4490] =	vst v63  }
0x308: {  	_ =	swait.ge [sflag:s11], $0x200  }
0x309: {  	[sflag:s11] =	ssyncset.done $0x0  }
0x30a: {  	[sflag:s11] =	ssyncadd.s32 $0xFFFFFE00  }
0x30b: {  	_ =	sfence.sel $0x180000  }
0x30c: {  	[bflag:$0x0] =	sbarrier.arrive $0xFFFF  }
0x30d: {  	p0 =	sne.s32 s2, $0x0;
	_ =	strace $0x9000004A  }
0x30e: {  	s0 =	sadd.s32 @!p0 $0x100000, s0;
	[bflag:$0x2] =	sbarrier.arrive $0xFFFF  }
0x30f: {  	[sflag:s0] =	ssyncadd.tile.s32 @!p0 $0x1;
	_ =	shalt  }
.Lfunc_end2:
_tile_overlayer_lowered:
.L_overlay_start_2:
0x310: {  	(tag) =	ssettag $0x2  }
0x311: {  	s0 =	rddreg [dreg:$0x0];
	s2 =	stileid.u32  }
0x312: {  	s1 =	rddreg [dreg:$0x1];
	p0 =	sne.s32 s2, $0x0  }
0x313: {  	s3 =	rddreg [dreg:$0x2];
	[bflag:$0x3] =	sbarrier.arrive $0xFFFF;
	s2 =	simm.s32 @!p0 $0x1C02  }
0x314: {  	[timem:s3], [sflag:s2] =	dma.local @!p0 [hbm:s0], s1  }
0x315: {  	s0 =	simm.s32 @!p0 $0x2  }
0x316: {  	_ =	swait.ge @!p0 [sflag:s0], s1  }
0x317: {  	s1 =	ssub.s32 @!p0 $0x0, s1;
	[sflag:s0] =	ssyncset.done @!p0 $0x0  }
0x318: {  	[sflag:s0] =	ssyncadd.s32 @!p0 s1  }
0x319: {  	[bflag:$0x3] =	sbarrier.arrive $0xFFFF  }
0x31a: {  	_ =	shalt  }

</sc_bundles>
